<compile_context>
chip_gen: v7x
topology: tpu7x:2x2x1
jax: 0.10.2.dev20260603
libtpu: 0.0.44.dev20260713+nightly
codegen_flags: <defaults>
</compile_context>

<pallas_src>
import functools

import jax
import jax.numpy as jnp
from jax import lax
from jax.experimental import pallas as pl
from jax.experimental.pallas import tpu as pltpu
from jax.experimental.pallas import tpu_sc as plsc

L = 16
NSUB = 16
NCORE = 2
CH = 88
NBUF = 4


def _sc_mesh():
    return plsc.VectorSubcoreMesh(
        core_axis_name="c", subcore_axis_name="s",
        num_cores=NCORE, num_subcores=NSUB,
    )


CL = 128


def _make_degree_kernel(Epad, NP):
    cpt = Epad // (NSUB * CH)
    assert cpt % 2 == 0

    @functools.partial(
        pl.kernel,
        out_type=jax.ShapeDtypeStruct((2 * NP, CL), jnp.float32),
        mesh=_sc_mesh(),
        scratch_types=[
            pltpu.VMEM((CH,), jnp.int32),
            pltpu.VMEM((CH,), jnp.int32),
            pltpu.VMEM((CH, CL), jnp.float32),
            pltpu.VMEM((CH, CL), jnp.float32),
            pltpu.VMEM_SHARED((NP, CL), jnp.float32),
            pltpu.SemaphoreType.DMA,
            pltpu.SemaphoreType.DMA,
        ],
    )
    def deg_kernel(edges_hbm, out_hbm, idx0, idx1, ones_v, zero_v, bins_sh,
                   is0, is1):
        cid = lax.axis_index("c")
        sid = lax.axis_index("s")
        rows_per_tile = NP // NSUB
        idx = (idx0, idx1)
        isem = (is0, is1)

        def fill(i, _):
            for j in range(CL // L):
                ones_v[i, pl.ds(j * L, L)] = jnp.full((L,), 1.0, jnp.float32)
                zero_v[i, pl.ds(j * L, L)] = jnp.zeros((L,), jnp.float32)
            return 0

        lax.fori_loop(0, CH, fill, 0)
        for k in range(0, rows_per_tile, CH):
            n = min(CH, rows_per_tile - k)
            pltpu.sync_copy(zero_v.at[pl.ds(0, n)],
                            bins_sh.at[pl.ds(sid * rows_per_tile + k, n)])
        plsc.subcore_barrier()

        ebase = cid * Epad + sid * (cpt * CH)

        def idx_copy(i, b):
            pltpu.async_copy(edges_hbm.at[pl.ds(ebase + i * CH, CH)], idx[b], isem[b])

        def idx_wait(i, b):
            pltpu.make_async_copy(edges_hbm.at[pl.ds(ebase + i * CH, CH)], idx[b], isem[b]).wait()

        idx_copy(0, 0)
        idx_copy(1, 1)

        def body(i2, _):
            for b in range(2):
                i = i2 * 2 + b
                idx_wait(i, b)
                pltpu.sync_copy(ones_v, bins_sh.at[idx[b]], add=True)

                @pl.when(i + 2 < cpt)
                def _():
                    idx_copy(i + 2, b)

            return 0

        lax.fori_loop(0, cpt // 2, body, 0)
        plsc.subcore_barrier()
        pltpu.sync_copy(
            bins_sh.at[pl.ds(sid * rows_per_tile, rows_per_tile)],
            out_hbm.at[pl.ds(cid * NP + sid * rows_per_tile, rows_per_tile)],
        )

    return deg_kernel


def _make_agg_kernel(Epad, NP, D):
    cpt = Epad // (NSUB * CH)
    assert cpt % NBUF == 0

    ept = cpt * CH

    @functools.partial(
        pl.kernel,
        out_type=jax.ShapeDtypeStruct((2 * NP, D), jnp.float32),
        mesh=_sc_mesh(),
        scratch_types=(
            [pltpu.VMEM((CH,), jnp.int32) for _ in range(NBUF)]
            + [pltpu.VMEM((CH,), jnp.int32) for _ in range(NBUF)]
            + [pltpu.VMEM((CH, D), jnp.float32) for _ in range(NBUF)]
            + [pltpu.VMEM_SHARED((NP, D), jnp.float32)]
            + [pltpu.SemaphoreType.DMA for _ in range(3 * NBUF)]
        ),
    )
    def agg_kernel(h_hbm, srcadj_hbm, dst_hbm, out_hbm, *refs):
        sidx = refs[0:NBUF]
        didx = refs[NBUF:2 * NBUF]
        rows = refs[2 * NBUF:3 * NBUF]
        acc_sh = refs[3 * NBUF]
        gsem = refs[3 * NBUF + 1:3 * NBUF + 1 + NBUF]
        esem = refs[3 * NBUF + 1 + NBUF:3 * NBUF + 1 + 2 * NBUF]
        dsem = refs[3 * NBUF + 1 + 2 * NBUF:3 * NBUF + 1 + 3 * NBUF]
        cid = lax.axis_index("c")
        sid = lax.axis_index("s")
        rows_per_tile = NP // NSUB
        sbase = cid * Epad + sid * ept
        dbase = sid * ept

        def zfill(i, _):
            for j in range(D // L):
                rows[0][i, pl.ds(j * L, L)] = jnp.zeros((L,), jnp.float32)
            return 0

        lax.fori_loop(0, CH, zfill, 0)
        for k in range(0, rows_per_tile, CH):
            n = min(CH, rows_per_tile - k)
            pltpu.sync_copy(rows[0].at[pl.ds(0, n)],
                            acc_sh.at[pl.ds(sid * rows_per_tile + k, n)])
        plsc.subcore_barrier()

        def sidx_copy(i, b):
            pltpu.async_copy(srcadj_hbm.at[pl.ds(sbase + i * CH, CH)], sidx[b], esem[b])

        def sidx_wait(i, b):
            pltpu.make_async_copy(srcadj_hbm.at[pl.ds(sbase + i * CH, CH)], sidx[b], esem[b]).wait()

        def didx_copy(i, b):
            pltpu.async_copy(dst_hbm.at[pl.ds(dbase + i * CH, CH)], didx[b], dsem[b])

        def didx_wait(i, b):
            pltpu.make_async_copy(dst_hbm.at[pl.ds(dbase + i * CH, CH)], didx[b], dsem[b]).wait()

        def gather(b):
            pltpu.async_copy(h_hbm.at[sidx[b]], rows[b], gsem[b])

        def gather_wait(b):
            pltpu.make_async_copy(h_hbm.at[sidx[b]], rows[b], gsem[b]).wait()

        for b in range(NBUF):
            sidx_copy(b, b)
            didx_copy(b, b)
        for b in range(NBUF):
            sidx_wait(b, b)
            gather(b)

        def body(ig, _):
            for b in range(NBUF):
                i = ig * NBUF + b
                gather_wait(b)
                nxt = i + NBUF

                @pl.when(nxt < cpt)
                def _():
                    sidx_copy(nxt, b)

                didx_wait(i, b)
                pltpu.sync_copy(rows[b], acc_sh.at[didx[b]], add=True)

                @pl.when(nxt < cpt)
                def _():
                    didx_copy(nxt, b)
                    sidx_wait(nxt, b)
                    gather(b)

            return 0

        lax.fori_loop(0, cpt // NBUF, body, 0)
        plsc.subcore_barrier()
        pltpu.sync_copy(
            acc_sh.at[pl.ds(sid * rows_per_tile, rows_per_tile)],
            out_hbm.at[pl.ds(cid * NP + sid * rows_per_tile, rows_per_tile)],
        )

    return agg_kernel


def _norms(cnt_blk):
    ns = lax.rsqrt(1.0 + cnt_blk[0, :, 0:1])
    nd = lax.rsqrt(1.0 + cnt_blk[1, :, 0:1])
    return ns, nd


def _layer0_body(x_ref, cnt_ref, w_ref, o_ref):
    ns, _ = _norms(cnt_ref[...])
    h = jnp.dot(x_ref[...] * ns, w_ref[...], preferred_element_type=jnp.float32)
    o_ref[0] = h[:, :128]
    o_ref[1] = h[:, 128:]


def _layer1_body(agg_ref, h_ref, cnt_ref, w_ref, b_ref, o_ref):
    ns, nd = _norms(cnt_ref[...])
    a = agg_ref[...] + h_ref[...]
    emb = jnp.concatenate([a[0], a[1]], axis=1) * nd + b_ref[...]
    emb = jnp.where(emb > 0, emb, emb * 0.01)
    h1 = jnp.dot(emb * ns, w_ref[...], preferred_element_type=jnp.float32)
    o_ref[0] = h1[:, :128]
    o_ref[1] = h1[:, 128:]


def _head_body(agg_ref, h_ref, cnt_ref, wp_ref, b1_ref, bp_ref, o_ref):
    _, nd = _norms(cnt_ref[...])
    a = agg_ref[...] + h_ref[...]
    emb = jnp.concatenate([a[0], a[1]], axis=1) * nd + b1_ref[...]
    o_ref[...] = jnp.dot(emb, wp_ref[...], preferred_element_type=jnp.float32) + bp_ref[...]


def _tc_call(body, grid, in_specs, out_specs, out_shape):
    return pl.pallas_call(
        body,
        grid=grid,
        in_specs=in_specs,
        out_specs=out_specs,
        out_shape=out_shape,
    )


def kernel(features, edge_index, W0, b0, W1, b1, Wp, bp):
    N, D_IN = features.shape
    E = edge_index.shape[1]
    D_LAT = W0.shape[1]
    D = D_LAT // 2

    NP = ((N + 1 + 2047) // 2048) * 2048
    EG = NSUB * CH * NBUF
    Epad = ((E + EG - 1) // EG) * EG

    ei = edge_index.astype(jnp.int32)
    padi = jnp.full((Epad - E,), N, jnp.int32)
    src_p = jnp.concatenate([ei[0], padi])
    dst_p = jnp.concatenate([ei[1], padi])
    edge_flat = jnp.concatenate([src_p, dst_p])
    src_adj = jnp.concatenate([src_p, src_p + NP])

    x_p = jnp.pad(features, ((0, NP - N), (0, 0)))

    deg_k = _make_degree_kernel(Epad, NP)
    agg_k = _make_agg_kernel(Epad, NP, D)

    cnt = deg_k(edge_flat).reshape(2, NP, CL)

    B = 1024
    nblk = NP // B
    row3_spec = pl.BlockSpec((2, B, 128), lambda i: (0, i, 0))
    cnt_spec = pl.BlockSpec((2, B, CL), lambda i: (0, i, 0))

    h0 = _tc_call(
        _layer0_body,
        grid=(nblk,),
        in_specs=[
            pl.BlockSpec((B, D_IN), lambda i: (i, 0)),
            cnt_spec,
            pl.BlockSpec((D_IN, D_LAT), lambda i: (0, 0)),
        ],
        out_specs=row3_spec,
        out_shape=jax.ShapeDtypeStruct((2, NP, 128), jnp.float32),
    )(x_p, cnt, W0)

    agg0 = agg_k(h0.reshape(2 * NP, 128), src_adj, dst_p).reshape(2, NP, 128)

    h1 = _tc_call(
        _layer1_body,
        grid=(nblk,),
        in_specs=[
            row3_spec,
            row3_spec,
            cnt_spec,
            pl.BlockSpec((D_LAT, D_LAT), lambda i: (0, 0)),
            pl.BlockSpec((1, D_LAT), lambda i: (0, 0)),
        ],
        out_specs=row3_spec,
        out_shape=jax.ShapeDtypeStruct((2, NP, 128), jnp.float32),
    )(agg0, h0, cnt, W1, b0.reshape(1, D_LAT))

    agg1 = agg_k(h1.reshape(2 * NP, 128), src_adj, dst_p).reshape(2, NP, 128)

    logits = _tc_call(
        _head_body,
        grid=(nblk,),
        in_specs=[
            row3_spec,
            row3_spec,
            cnt_spec,
            pl.BlockSpec((D_LAT, 1), lambda i: (0, 0)),
            pl.BlockSpec((1, D_LAT), lambda i: (0, 0)),
            pl.BlockSpec((1, 1), lambda i: (0, 0)),
        ],
        out_specs=pl.BlockSpec((B, 1), lambda i: (i, 0)),
        out_shape=jax.ShapeDtypeStruct((NP, 1), jnp.float32),
    )(agg1, h1, cnt, Wp, b1.reshape(1, D_LAT), bp.reshape(1, 1))

    return logits[:N]

# --- scband reference (transcript-rebuilt; emitter-appended) ---
"""Pipeline reference for scband-gcnmodel-18906446037093 (READ-ONLY COPY).

The authoritative reference and input builder live on the scoring server;
editing this copy changes nothing except your own understanding.
"""

import jax, jax.numpy as jnp
import numpy as np

N = 10000
E = 320000
D_IN = 128
D_LAT = 256


def setup_inputs(seed: int = 0) -> dict:
    key = jax.random.key(seed)
    ks = jax.random.split(key, 8)
    features = jax.random.normal(ks[0], (N, D_IN), dtype=jnp.float32)
    edge_index = jax.random.randint(ks[1], (2, E), 0, N)
    # learned params (GraphConv weight/bias x2, predict Linear)
    W0 = jax.random.normal(ks[2], (D_IN, D_LAT), dtype=jnp.float32) * (1.0 / np.sqrt(D_IN))
    b0 = jnp.zeros((D_LAT,), dtype=jnp.float32)
    W1 = jax.random.normal(ks[3], (D_LAT, D_LAT), dtype=jnp.float32) * (1.0 / np.sqrt(D_LAT))
    b1 = jnp.zeros((D_LAT,), dtype=jnp.float32)
    Wp = jax.random.normal(ks[4], (D_LAT, 1), dtype=jnp.float32) * (1.0 / np.sqrt(D_LAT))
    bp = jnp.zeros((1,), dtype=jnp.float32)
    return {"features": features, "edge_index": edge_index,
            "W0": W0, "b0": b0, "W1": W1, "b1": b1, "Wp": Wp, "bp": bp}


def _graph_conv(x, src, dst, norm_src, norm_dst, W, b):
    # DGL GraphConv, norm='both': D_out^{-1/2} A D_in^{-1/2} X W + b
    h = x @ W
    msg = h[src] * norm_src[src][:, None]
    agg = jax.ops.segment_sum(msg, dst, num_segments=N)
    return agg * norm_dst[:, None] + b


def reference(features, edge_index, W0, b0, W1, b1, Wp, bp):
    # dgl.add_self_loop(graph)
    loop = jnp.arange(N, dtype=edge_index.dtype)
    src = jnp.concatenate([edge_index[0], loop])
    dst = jnp.concatenate([edge_index[1], loop])
    ones = jnp.ones(src.shape[0], dtype=jnp.float32)
    deg_out = jnp.clip(jax.ops.segment_sum(ones, src, num_segments=N), 1.0)
    deg_in = jnp.clip(jax.ops.segment_sum(ones, dst, num_segments=N), 1.0)
    norm_src = deg_out ** -0.5
    norm_dst = deg_in ** -0.5
    emb = _graph_conv(features, src, dst, norm_src, norm_dst, W0, b0)
    emb = jax.nn.leaky_relu(emb, negative_slope=0.01)
    emb = _graph_conv(emb, src, dst, norm_src, norm_dst, W1, b1)
    logits = emb @ Wp + bp
    return logits

if __name__ == "__main__":
    import jax
    _d = setup_inputs()
    print(jax.jit(kernel)(*tuple(_d.values())))

</pallas_src>

<mosaic_0001>
#map = affine_map<(d0, d1) -> (0, 0)>
#map1 = affine_map<(d0, d1) -> (0)>
module attributes {stable_mosaic.version = 14 : i64} {
  func.func @agg_kernel(%arg0: i32, %arg1: i32, %arg2: memref<20480x128xf32, #tpu.memory_space<hbm>>, %arg3: memref<642048xi32, #tpu.memory_space<hbm>>, %arg4: memref<321024xi32, #tpu.memory_space<hbm>>, %arg5: memref<20480x128xf32, #tpu.memory_space<hbm>>, %arg6: memref<88xi32, #tpu.memory_space<vmem>>, %arg7: memref<88xi32, #tpu.memory_space<vmem>>, %arg8: memref<88xi32, #tpu.memory_space<vmem>>, %arg9: memref<88xi32, #tpu.memory_space<vmem>>, %arg10: memref<88xi32, #tpu.memory_space<vmem>>, %arg11: memref<88xi32, #tpu.memory_space<vmem>>, %arg12: memref<88xi32, #tpu.memory_space<vmem>>, %arg13: memref<88xi32, #tpu.memory_space<vmem>>, %arg14: memref<88x128xf32, #tpu.memory_space<vmem>>, %arg15: memref<88x128xf32, #tpu.memory_space<vmem>>, %arg16: memref<88x128xf32, #tpu.memory_space<vmem>>, %arg17: memref<88x128xf32, #tpu.memory_space<vmem>>, %arg18: memref<10240x128xf32, #tpu.memory_space<vmem_shared>>, %arg19: memref<!tpu.dma_semaphore, #tpu.memory_space<semaphore_mem>>, %arg20: memref<!tpu.dma_semaphore, #tpu.memory_space<semaphore_mem>>, %arg21: memref<!tpu.dma_semaphore, #tpu.memory_space<semaphore_mem>>, %arg22: memref<!tpu.dma_semaphore, #tpu.memory_space<semaphore_mem>>, %arg23: memref<!tpu.dma_semaphore, #tpu.memory_space<semaphore_mem>>, %arg24: memref<!tpu.dma_semaphore, #tpu.memory_space<semaphore_mem>>, %arg25: memref<!tpu.dma_semaphore, #tpu.memory_space<semaphore_mem>>, %arg26: memref<!tpu.dma_semaphore, #tpu.memory_space<semaphore_mem>>, %arg27: memref<!tpu.dma_semaphore, #tpu.memory_space<semaphore_mem>>, %arg28: memref<!tpu.dma_semaphore, #tpu.memory_space<semaphore_mem>>, %arg29: memref<!tpu.dma_semaphore, #tpu.memory_space<semaphore_mem>>, %arg30: memref<!tpu.dma_semaphore, #tpu.memory_space<semaphore_mem>>) attributes {dimension_semantics = [#tpu.dimension_semantics<core_parallel>, #tpu.dimension_semantics<subcore_parallel>], iteration_bounds = array<i64: 2, 16>, scalar_prefetch = 0 : i64, scratch_operands = 25 : i64, tpu.core_type = #tpu.core_type<sc_vector_subcore>, window_params = [{transform_indices = #map}, {transform_indices = #map1}, {transform_indices = #map1}, {transform_indices = #map}]} {
    %mul3A = arith.constant 321024 : i32
    %mul3A_0 = arith.muli %arg0, %mul3A : i32
    %mul3A_1 = arith.constant 20064 : i32
    %mul3A_2 = arith.muli %arg1, %mul3A_1 : i32
    %add3A = arith.addi %mul3A_0, %mul3A_2 : i32
    %mul3A_3 = arith.constant 20064 : i32
    %mul3A_4 = arith.muli %arg1, %mul3A_3 : i32
    %scan3A = arith.constant 0 : i32
    %scan3A_5 = arith.constant 0 : i32
    %scan3A_6 = arith.constant 88 : i32
    %scan3A_7 = arith.addi %scan3A_5, %scan3A_6 : i32
    %scan3A_8 = arith.constant 1 : i32
    %scan3A_9 = scf.for %scan3A_116 = %scan3A_5 to %scan3A_7 step %scan3A_8 iter_args(%scan3A_117 = %scan3A) -> (i32)  : i32 {
      %broadcast_in_dim3A = arith.constant 0.000000e+00 : f32
      %broadcast_in_dim3A_118 = vector.broadcast %broadcast_in_dim3A : f32 to vector<16xf32>
      %swap3A = arith.index_cast %scan3A_116 : i32 to index
      %swap3A_119 = arith.constant 0 : index
      %swap3A_120 = tpu.vector_load %arg14[%swap3A, %swap3A_119] {strides = array<i32>} : memref<88x128xf32, #tpu.memory_space<vmem>>, vector<1x16xf32>,
      %swap3A_121 = vector.shape_cast %swap3A_120 : vector<1x16xf32> to vector<16xf32>
      %swap3A_122 = vector.shape_cast %broadcast_in_dim3A_118 : vector<16xf32> to vector<1x16xf32>
      tpu.vector_store %arg14[%swap3A, %swap3A_119], %swap3A_122 {strides = array<i32>} : memref<88x128xf32, #tpu.memory_space<vmem>>, vector<1x16xf32>,
      %broadcast_in_dim3A_123 = arith.constant 0.000000e+00 : f32
      %broadcast_in_dim3A_124 = vector.broadcast %broadcast_in_dim3A_123 : f32 to vector<16xf32>
      %swap3A_125 = arith.index_cast %scan3A_116 : i32 to index
      %swap3A_126 = arith.constant 16 : index
      %swap3A_127 = tpu.vector_load %arg14[%swap3A_125, %swap3A_126] {strides = array<i32>} : memref<88x128xf32, #tpu.memory_space<vmem>>, vector<1x16xf32>,
      %swap3A_128 = vector.shape_cast %swap3A_127 : vector<1x16xf32> to vector<16xf32>
      %swap3A_129 = vector.shape_cast %broadcast_in_dim3A_124 : vector<16xf32> to vector<1x16xf32>
      tpu.vector_store %arg14[%swap3A_125, %swap3A_126], %swap3A_129 {strides = array<i32>} : memref<88x128xf32, #tpu.memory_space<vmem>>, vector<1x16xf32>,
      %broadcast_in_dim3A_130 = arith.constant 0.000000e+00 : f32
      %broadcast_in_dim3A_131 = vector.broadcast %broadcast_in_dim3A_130 : f32 to vector<16xf32>
      %swap3A_132 = arith.index_cast %scan3A_116 : i32 to index
      %swap3A_133 = arith.constant 32 : index
      %swap3A_134 = tpu.vector_load %arg14[%swap3A_132, %swap3A_133] {strides = array<i32>} : memref<88x128xf32, #tpu.memory_space<vmem>>, vector<1x16xf32>,
      %swap3A_135 = vector.shape_cast %swap3A_134 : vector<1x16xf32> to vector<16xf32>
      %swap3A_136 = vector.shape_cast %broadcast_in_dim3A_131 : vector<16xf32> to vector<1x16xf32>
      tpu.vector_store %arg14[%swap3A_132, %swap3A_133], %swap3A_136 {strides = array<i32>} : memref<88x128xf32, #tpu.memory_space<vmem>>, vector<1x16xf32>,
      %broadcast_in_dim3A_137 = arith.constant 0.000000e+00 : f32
      %broadcast_in_dim3A_138 = vector.broadcast %broadcast_in_dim3A_137 : f32 to vector<16xf32>
      %swap3A_139 = arith.index_cast %scan3A_116 : i32 to index
      %swap3A_140 = arith.constant 48 : index
      %swap3A_141 = tpu.vector_load %arg14[%swap3A_139, %swap3A_140] {strides = array<i32>} : memref<88x128xf32, #tpu.memory_space<vmem>>, vector<1x16xf32>,
      %swap3A_142 = vector.shape_cast %swap3A_141 : vector<1x16xf32> to vector<16xf32>
      %swap3A_143 = vector.shape_cast %broadcast_in_dim3A_138 : vector<16xf32> to vector<1x16xf32>
      tpu.vector_store %arg14[%swap3A_139, %swap3A_140], %swap3A_143 {strides = array<i32>} : memref<88x128xf32, #tpu.memory_space<vmem>>, vector<1x16xf32>,
      %broadcast_in_dim3A_144 = arith.constant 0.000000e+00 : f32
      %broadcast_in_dim3A_145 = vector.broadcast %broadcast_in_dim3A_144 : f32 to vector<16xf32>
      %swap3A_146 = arith.index_cast %scan3A_116 : i32 to index
      %swap3A_147 = arith.constant 64 : index
      %swap3A_148 = tpu.vector_load %arg14[%swap3A_146, %swap3A_147] {strides = array<i32>} : memref<88x128xf32, #tpu.memory_space<vmem>>, vector<1x16xf32>,
      %swap3A_149 = vector.shape_cast %swap3A_148 : vector<1x16xf32> to vector<16xf32>
      %swap3A_150 = vector.shape_cast %broadcast_in_dim3A_145 : vector<16xf32> to vector<1x16xf32>
      tpu.vector_store %arg14[%swap3A_146, %swap3A_147], %swap3A_150 {strides = array<i32>} : memref<88x128xf32, #tpu.memory_space<vmem>>, vector<1x16xf32>,
      %broadcast_in_dim3A_151 = arith.constant 0.000000e+00 : f32
      %broadcast_in_dim3A_152 = vector.broadcast %broadcast_in_dim3A_151 : f32 to vector<16xf32>
      %swap3A_153 = arith.index_cast %scan3A_116 : i32 to index
      %swap3A_154 = arith.constant 80 : index
      %swap3A_155 = tpu.vector_load %arg14[%swap3A_153, %swap3A_154] {strides = array<i32>} : memref<88x128xf32, #tpu.memory_space<vmem>>, vector<1x16xf32>,
      %swap3A_156 = vector.shape_cast %swap3A_155 : vector<1x16xf32> to vector<16xf32>
      %swap3A_157 = vector.shape_cast %broadcast_in_dim3A_152 : vector<16xf32> to vector<1x16xf32>
      tpu.vector_store %arg14[%swap3A_153, %swap3A_154], %swap3A_157 {strides = array<i32>} : memref<88x128xf32, #tpu.memory_space<vmem>>, vector<1x16xf32>,
      %broadcast_in_dim3A_158 = arith.constant 0.000000e+00 : f32
      %broadcast_in_dim3A_159 = vector.broadcast %broadcast_in_dim3A_158 : f32 to vector<16xf32>
      %swap3A_160 = arith.index_cast %scan3A_116 : i32 to index
      %swap3A_161 = arith.constant 96 : index
      %swap3A_162 = tpu.vector_load %arg14[%swap3A_160, %swap3A_161] {strides = array<i32>} : memref<88x128xf32, #tpu.memory_space<vmem>>, vector<1x16xf32>,
      %swap3A_163 = vector.shape_cast %swap3A_162 : vector<1x16xf32> to vector<16xf32>
      %swap3A_164 = vector.shape_cast %broadcast_in_dim3A_159 : vector<16xf32> to vector<1x16xf32>
      tpu.vector_store %arg14[%swap3A_160, %swap3A_161], %swap3A_164 {strides = array<i32>} : memref<88x128xf32, #tpu.memory_space<vmem>>, vector<1x16xf32>,
      %broadcast_in_dim3A_165 = arith.constant 0.000000e+00 : f32
      %broadcast_in_dim3A_166 = vector.broadcast %broadcast_in_dim3A_165 : f32 to vector<16xf32>
      %swap3A_167 = arith.index_cast %scan3A_116 : i32 to index
      %swap3A_168 = arith.constant 112 : index
      %swap3A_169 = tpu.vector_load %arg14[%swap3A_167, %swap3A_168] {strides = array<i32>} : memref<88x128xf32, #tpu.memory_space<vmem>>, vector<1x16xf32>,
      %swap3A_170 = vector.shape_cast %swap3A_169 : vector<1x16xf32> to vector<16xf32>
      %swap3A_171 = vector.shape_cast %broadcast_in_dim3A_166 : vector<16xf32> to vector<1x16xf32>
      tpu.vector_store %arg14[%swap3A_167, %swap3A_168], %swap3A_171 {strides = array<i32>} : memref<88x128xf32, #tpu.memory_space<vmem>>, vector<1x16xf32>,
      %scan3A_172 = arith.constant 0 : i32
      scf.yield %scan3A_172 : i32
    }
    %scan3A_10 = arith.constant 88 : i32
    %mul3A_11 = arith.constant 640 : i32
    %mul3A_12 = arith.muli %arg1, %mul3A_11 : i32
    %add3A_13 = arith.constant 0 : i32
    %add3A_14 = arith.addi %mul3A_12, %add3A_13 : i32
    "tpu.region"() ({
      %run_scoped3A = tpu.sem_alloc : memref<!tpu.dma_semaphore, #tpu.memory_space<semaphore_mem>>
      %dma_start3A_116 = arith.constant 0 : i32
      %dma_start3A_117 = arith.constant 0 : i32
      %dma_start3A_118 = tpu.memref_slice %arg14[%dma_start3A_116, %dma_start3A_117] : memref<88x128xf32, #tpu.memory_space<vmem>> -> memref<88x128xf32, #tpu.memory_space<vmem>>
      %dma_start3A_119 = arith.constant 0 : i32
      %dma_start3A_120 = tpu.memref_slice %arg18[%add3A_14, %dma_start3A_119] : memref<10240x128xf32, #tpu.memory_space<vmem_shared>> -> memref<88x128xf32, #tpu.memory_space<vmem_shared>>
      %dma_start3A_121 = arith.constant 0 : i32
      %dma_start3A_122 = tpu.memref_slice %arg18[%add3A_14, %dma_start3A_121] : memref<10240x128xf32, #tpu.memory_space<vmem_shared>> -> memref<88x128xf32, #tpu.memory_space<vmem_shared>>
      %dma_start3A_123 = arith.constant 0 : i32
      %dma_start3A_124 = arith.constant 0 : i32
      %dma_start3A_125 = tpu.memref_slice %arg14[%dma_start3A_123, %dma_start3A_124] : memref<88x128xf32, #tpu.memory_space<vmem>> -> memref<88x128xf32, #tpu.memory_space<vmem>>
      tpu.enqueue_dma source(%dma_start3A_125 : memref<88x128xf32, #tpu.memory_space<vmem>>) target(%dma_start3A_122 : memref<88x128xf32, #tpu.memory_space<vmem_shared>>) target_semaphore(%run_scoped3A : memref<!tpu.dma_semaphore, #tpu.memory_space<semaphore_mem>>)
      %dma_wait3A_126 = arith.constant 0 : i32
      %dma_wait3A_127 = arith.constant 0 : i32
      %dma_wait3A_128 = tpu.memref_slice %arg14[%dma_wait3A_126, %dma_wait3A_127] : memref<88x128xf32, #tpu.memory_space<vmem>> -> memref<88x128xf32, #tpu.memory_space<vmem>>
      %dma_wait3A_129 = arith.constant 0 : i32
      %dma_wait3A_130 = tpu.memref_slice %arg18[%add3A_14, %dma_wait3A_129] : memref<10240x128xf32, #tpu.memory_space<vmem_shared>> -> memref<88x128xf32, #tpu.memory_space<vmem_shared>>
      %dma_wait3A_131 = arith.constant 0 : i32
      %dma_wait3A_132 = tpu.memref_slice %arg18[%add3A_14, %dma_wait3A_131] : memref<10240x128xf32, #tpu.memory_space<vmem_shared>> -> memref<88x128xf32, #tpu.memory_space<vmem_shared>>
      %dma_wait3A_133 = arith.constant 0 : i32
      %dma_wait3A_134 = arith.constant 0 : i32
      %dma_wait3A_135 = tpu.memref_slice %arg14[%dma_wait3A_133, %dma_wait3A_134] : memref<88x128xf32, #tpu.memory_space<vmem>> -> memref<88x128xf32, #tpu.memory_space<vmem>>
      tpu.wait_dma2 semaphore(%run_scoped3A : memref<!tpu.dma_semaphore, #tpu.memory_space<semaphore_mem>>) src(%dma_wait3A_135 : memref<88x128xf32, #tpu.memory_space<vmem>>) dst(%dma_wait3A_132 : memref<88x128xf32, #tpu.memory_space<vmem_shared>>)
      tpu.yield
    }) : () -> ()
    %mul3A_15 = arith.constant 640 : i32
    %mul3A_16 = arith.muli %arg1, %mul3A_15 : i32
    %add3A_17 = arith.constant 88 : i32
    %add3A_18 = arith.addi %mul3A_16, %add3A_17 : i32
    "tpu.region"() ({
      %run_scoped3A = tpu.sem_alloc : memref<!tpu.dma_semaphore, #tpu.memory_space<semaphore_mem>>
      %dma_start3A_116 = arith.constant 0 : i32
      %dma_start3A_117 = arith.constant 0 : i32
      %dma_start3A_118 = tpu.memref_slice %arg14[%dma_start3A_116, %dma_start3A_117] : memref<88x128xf32, #tpu.memory_space<vmem>> -> memref<88x128xf32, #tpu.memory_space<vmem>>
      %dma_start3A_119 = arith.constant 0 : i32
      %dma_start3A_120 = tpu.memref_slice %arg18[%add3A_18, %dma_start3A_119] : memref<10240x128xf32, #tpu.memory_space<vmem_shared>> -> memref<88x128xf32, #tpu.memory_space<vmem_shared>>
      %dma_start3A_121 = arith.constant 0 : i32
      %dma_start3A_122 = tpu.memref_slice %arg18[%add3A_18, %dma_start3A_121] : memref<10240x128xf32, #tpu.memory_space<vmem_shared>> -> memref<88x128xf32, #tpu.memory_space<vmem_shared>>
      %dma_start3A_123 = arith.constant 0 : i32
      %dma_start3A_124 = arith.constant 0 : i32
      %dma_start3A_125 = tpu.memref_slice %arg14[%dma_start3A_123, %dma_start3A_124] : memref<88x128xf32, #tpu.memory_space<vmem>> -> memref<88x128xf32, #tpu.memory_space<vmem>>
      tpu.enqueue_dma source(%dma_start3A_125 : memref<88x128xf32, #tpu.memory_space<vmem>>) target(%dma_start3A_122 : memref<88x128xf32, #tpu.memory_space<vmem_shared>>) target_semaphore(%run_scoped3A : memref<!tpu.dma_semaphore, #tpu.memory_space<semaphore_mem>>)
      %dma_wait3A_126 = arith.constant 0 : i32
      %dma_wait3A_127 = arith.constant 0 : i32
      %dma_wait3A_128 = tpu.memref_slice %arg14[%dma_wait3A_126, %dma_wait3A_127] : memref<88x128xf32, #tpu.memory_space<vmem>> -> memref<88x128xf32, #tpu.memory_space<vmem>>
      %dma_wait3A_129 = arith.constant 0 : i32
      %dma_wait3A_130 = tpu.memref_slice %arg18[%add3A_18, %dma_wait3A_129] : memref<10240x128xf32, #tpu.memory_space<vmem_shared>> -> memref<88x128xf32, #tpu.memory_space<vmem_shared>>
      %dma_wait3A_131 = arith.constant 0 : i32
      %dma_wait3A_132 = tpu.memref_slice %arg18[%add3A_18, %dma_wait3A_131] : memref<10240x128xf32, #tpu.memory_space<vmem_shared>> -> memref<88x128xf32, #tpu.memory_space<vmem_shared>>
      %dma_wait3A_133 = arith.constant 0 : i32
      %dma_wait3A_134 = arith.constant 0 : i32
      %dma_wait3A_135 = tpu.memref_slice %arg14[%dma_wait3A_133, %dma_wait3A_134] : memref<88x128xf32, #tpu.memory_space<vmem>> -> memref<88x128xf32, #tpu.memory_space<vmem>>
      tpu.wait_dma2 semaphore(%run_scoped3A : memref<!tpu.dma_semaphore, #tpu.memory_space<semaphore_mem>>) src(%dma_wait3A_135 : memref<88x128xf32, #tpu.memory_space<vmem>>) dst(%dma_wait3A_132 : memref<88x128xf32, #tpu.memory_space<vmem_shared>>)
      tpu.yield
    }) : () -> ()
    %mul3A_19 = arith.constant 640 : i32
    %mul3A_20 = arith.muli %arg1, %mul3A_19 : i32
    %add3A_21 = arith.constant 176 : i32
    %add3A_22 = arith.addi %mul3A_20, %add3A_21 : i32
    "tpu.region"() ({
      %run_scoped3A = tpu.sem_alloc : memref<!tpu.dma_semaphore, #tpu.memory_space<semaphore_mem>>
      %dma_start3A_116 = arith.constant 0 : i32
      %dma_start3A_117 = arith.constant 0 : i32
      %dma_start3A_118 = tpu.memref_slice %arg14[%dma_start3A_116, %dma_start3A_117] : memref<88x128xf32, #tpu.memory_space<vmem>> -> memref<88x128xf32, #tpu.memory_space<vmem>>
      %dma_start3A_119 = arith.constant 0 : i32
      %dma_start3A_120 = tpu.memref_slice %arg18[%add3A_22, %dma_start3A_119] : memref<10240x128xf32, #tpu.memory_space<vmem_shared>> -> memref<88x128xf32, #tpu.memory_space<vmem_shared>>
      %dma_start3A_121 = arith.constant 0 : i32
      %dma_start3A_122 = tpu.memref_slice %arg18[%add3A_22, %dma_start3A_121] : memref<10240x128xf32, #tpu.memory_space<vmem_shared>> -> memref<88x128xf32, #tpu.memory_space<vmem_shared>>
      %dma_start3A_123 = arith.constant 0 : i32
      %dma_start3A_124 = arith.constant 0 : i32
      %dma_start3A_125 = tpu.memref_slice %arg14[%dma_start3A_123, %dma_start3A_124] : memref<88x128xf32, #tpu.memory_space<vmem>> -> memref<88x128xf32, #tpu.memory_space<vmem>>
      tpu.enqueue_dma source(%dma_start3A_125 : memref<88x128xf32, #tpu.memory_space<vmem>>) target(%dma_start3A_122 : memref<88x128xf32, #tpu.memory_space<vmem_shared>>) target_semaphore(%run_scoped3A : memref<!tpu.dma_semaphore, #tpu.memory_space<semaphore_mem>>)
      %dma_wait3A_126 = arith.constant 0 : i32
      %dma_wait3A_127 = arith.constant 0 : i32
      %dma_wait3A_128 = tpu.memref_slice %arg14[%dma_wait3A_126, %dma_wait3A_127] : memref<88x128xf32, #tpu.memory_space<vmem>> -> memref<88x128xf32, #tpu.memory_space<vmem>>
      %dma_wait3A_129 = arith.constant 0 : i32
      %dma_wait3A_130 = tpu.memref_slice %arg18[%add3A_22, %dma_wait3A_129] : memref<10240x128xf32, #tpu.memory_space<vmem_shared>> -> memref<88x128xf32, #tpu.memory_space<vmem_shared>>
      %dma_wait3A_131 = arith.constant 0 : i32
      %dma_wait3A_132 = tpu.memref_slice %arg18[%add3A_22, %dma_wait3A_131] : memref<10240x128xf32, #tpu.memory_space<vmem_shared>> -> memref<88x128xf32, #tpu.memory_space<vmem_shared>>
      %dma_wait3A_133 = arith.constant 0 : i32
      %dma_wait3A_134 = arith.constant 0 : i32
      %dma_wait3A_135 = tpu.memref_slice %arg14[%dma_wait3A_133, %dma_wait3A_134] : memref<88x128xf32, #tpu.memory_space<vmem>> -> memref<88x128xf32, #tpu.memory_space<vmem>>
      tpu.wait_dma2 semaphore(%run_scoped3A : memref<!tpu.dma_semaphore, #tpu.memory_space<semaphore_mem>>) src(%dma_wait3A_135 : memref<88x128xf32, #tpu.memory_space<vmem>>) dst(%dma_wait3A_132 : memref<88x128xf32, #tpu.memory_space<vmem_shared>>)
      tpu.yield
    }) : () -> ()
    %mul3A_23 = arith.constant 640 : i32
    %mul3A_24 = arith.muli %arg1, %mul3A_23 : i32
    %add3A_25 = arith.constant 264 : i32
    %add3A_26 = arith.addi %mul3A_24, %add3A_25 : i32
    "tpu.region"() ({
      %run_scoped3A = tpu.sem_alloc : memref<!tpu.dma_semaphore, #tpu.memory_space<semaphore_mem>>
      %dma_start3A_116 = arith.constant 0 : i32
      %dma_start3A_117 = arith.constant 0 : i32
      %dma_start3A_118 = tpu.memref_slice %arg14[%dma_start3A_116, %dma_start3A_117] : memref<88x128xf32, #tpu.memory_space<vmem>> -> memref<88x128xf32, #tpu.memory_space<vmem>>
      %dma_start3A_119 = arith.constant 0 : i32
      %dma_start3A_120 = tpu.memref_slice %arg18[%add3A_26, %dma_start3A_119] : memref<10240x128xf32, #tpu.memory_space<vmem_shared>> -> memref<88x128xf32, #tpu.memory_space<vmem_shared>>
      %dma_start3A_121 = arith.constant 0 : i32
      %dma_start3A_122 = tpu.memref_slice %arg18[%add3A_26, %dma_start3A_121] : memref<10240x128xf32, #tpu.memory_space<vmem_shared>> -> memref<88x128xf32, #tpu.memory_space<vmem_shared>>
      %dma_start3A_123 = arith.constant 0 : i32
      %dma_start3A_124 = arith.constant 0 : i32
      %dma_start3A_125 = tpu.memref_slice %arg14[%dma_start3A_123, %dma_start3A_124] : memref<88x128xf32, #tpu.memory_space<vmem>> -> memref<88x128xf32, #tpu.memory_space<vmem>>
      tpu.enqueue_dma source(%dma_start3A_125 : memref<88x128xf32, #tpu.memory_space<vmem>>) target(%dma_start3A_122 : memref<88x128xf32, #tpu.memory_space<vmem_shared>>) target_semaphore(%run_scoped3A : memref<!tpu.dma_semaphore, #tpu.memory_space<semaphore_mem>>)
      %dma_wait3A_126 = arith.constant 0 : i32
      %dma_wait3A_127 = arith.constant 0 : i32
      %dma_wait3A_128 = tpu.memref_slice %arg14[%dma_wait3A_126, %dma_wait3A_127] : memref<88x128xf32, #tpu.memory_space<vmem>> -> memref<88x128xf32, #tpu.memory_space<vmem>>
      %dma_wait3A_129 = arith.constant 0 : i32
      %dma_wait3A_130 = tpu.memref_slice %arg18[%add3A_26, %dma_wait3A_129] : memref<10240x128xf32, #tpu.memory_space<vmem_shared>> -> memref<88x128xf32, #tpu.memory_space<vmem_shared>>
      %dma_wait3A_131 = arith.constant 0 : i32
      %dma_wait3A_132 = tpu.memref_slice %arg18[%add3A_26, %dma_wait3A_131] : memref<10240x128xf32, #tpu.memory_space<vmem_shared>> -> memref<88x128xf32, #tpu.memory_space<vmem_shared>>
      %dma_wait3A_133 = arith.constant 0 : i32
      %dma_wait3A_134 = arith.constant 0 : i32
      %dma_wait3A_135 = tpu.memref_slice %arg14[%dma_wait3A_133, %dma_wait3A_134] : memref<88x128xf32, #tpu.memory_space<vmem>> -> memref<88x128xf32, #tpu.memory_space<vmem>>
      tpu.wait_dma2 semaphore(%run_scoped3A : memref<!tpu.dma_semaphore, #tpu.memory_space<semaphore_mem>>) src(%dma_wait3A_135 : memref<88x128xf32, #tpu.memory_space<vmem>>) dst(%dma_wait3A_132 : memref<88x128xf32, #tpu.memory_space<vmem_shared>>)
      tpu.yield
    }) : () -> ()
    %mul3A_27 = arith.constant 640 : i32
    %mul3A_28 = arith.muli %arg1, %mul3A_27 : i32
    %add3A_29 = arith.constant 352 : i32
    %add3A_30 = arith.addi %mul3A_28, %add3A_29 : i32
    "tpu.region"() ({
      %run_scoped3A = tpu.sem_alloc : memref<!tpu.dma_semaphore, #tpu.memory_space<semaphore_mem>>
      %dma_start3A_116 = arith.constant 0 : i32
      %dma_start3A_117 = arith.constant 0 : i32
      %dma_start3A_118 = tpu.memref_slice %arg14[%dma_start3A_116, %dma_start3A_117] : memref<88x128xf32, #tpu.memory_space<vmem>> -> memref<88x128xf32, #tpu.memory_space<vmem>>
      %dma_start3A_119 = arith.constant 0 : i32
      %dma_start3A_120 = tpu.memref_slice %arg18[%add3A_30, %dma_start3A_119] : memref<10240x128xf32, #tpu.memory_space<vmem_shared>> -> memref<88x128xf32, #tpu.memory_space<vmem_shared>>
      %dma_start3A_121 = arith.constant 0 : i32
      %dma_start3A_122 = tpu.memref_slice %arg18[%add3A_30, %dma_start3A_121] : memref<10240x128xf32, #tpu.memory_space<vmem_shared>> -> memref<88x128xf32, #tpu.memory_space<vmem_shared>>
      %dma_start3A_123 = arith.constant 0 : i32
      %dma_start3A_124 = arith.constant 0 : i32
      %dma_start3A_125 = tpu.memref_slice %arg14[%dma_start3A_123, %dma_start3A_124] : memref<88x128xf32, #tpu.memory_space<vmem>> -> memref<88x128xf32, #tpu.memory_space<vmem>>
      tpu.enqueue_dma source(%dma_start3A_125 : memref<88x128xf32, #tpu.memory_space<vmem>>) target(%dma_start3A_122 : memref<88x128xf32, #tpu.memory_space<vmem_shared>>) target_semaphore(%run_scoped3A : memref<!tpu.dma_semaphore, #tpu.memory_space<semaphore_mem>>)
      %dma_wait3A_126 = arith.constant 0 : i32
      %dma_wait3A_127 = arith.constant 0 : i32
      %dma_wait3A_128 = tpu.memref_slice %arg14[%dma_wait3A_126, %dma_wait3A_127] : memref<88x128xf32, #tpu.memory_space<vmem>> -> memref<88x128xf32, #tpu.memory_space<vmem>>
      %dma_wait3A_129 = arith.constant 0 : i32
      %dma_wait3A_130 = tpu.memref_slice %arg18[%add3A_30, %dma_wait3A_129] : memref<10240x128xf32, #tpu.memory_space<vmem_shared>> -> memref<88x128xf32, #tpu.memory_space<vmem_shared>>
      %dma_wait3A_131 = arith.constant 0 : i32
      %dma_wait3A_132 = tpu.memref_slice %arg18[%add3A_30, %dma_wait3A_131] : memref<10240x128xf32, #tpu.memory_space<vmem_shared>> -> memref<88x128xf32, #tpu.memory_space<vmem_shared>>
      %dma_wait3A_133 = arith.constant 0 : i32
      %dma_wait3A_134 = arith.constant 0 : i32
      %dma_wait3A_135 = tpu.memref_slice %arg14[%dma_wait3A_133, %dma_wait3A_134] : memref<88x128xf32, #tpu.memory_space<vmem>> -> memref<88x128xf32, #tpu.memory_space<vmem>>
      tpu.wait_dma2 semaphore(%run_scoped3A : memref<!tpu.dma_semaphore, #tpu.memory_space<semaphore_mem>>) src(%dma_wait3A_135 : memref<88x128xf32, #tpu.memory_space<vmem>>) dst(%dma_wait3A_132 : memref<88x128xf32, #tpu.memory_space<vmem_shared>>)
      tpu.yield
    }) : () -> ()
    %mul3A_31 = arith.constant 640 : i32
    %mul3A_32 = arith.muli %arg1, %mul3A_31 : i32
    %add3A_33 = arith.constant 440 : i32
    %add3A_34 = arith.addi %mul3A_32, %add3A_33 : i32
    "tpu.region"() ({
      %run_scoped3A = tpu.sem_alloc : memref<!tpu.dma_semaphore, #tpu.memory_space<semaphore_mem>>
      %dma_start3A_116 = arith.constant 0 : i32
      %dma_start3A_117 = arith.constant 0 : i32
      %dma_start3A_118 = tpu.memref_slice %arg14[%dma_start3A_116, %dma_start3A_117] : memref<88x128xf32, #tpu.memory_space<vmem>> -> memref<88x128xf32, #tpu.memory_space<vmem>>
      %dma_start3A_119 = arith.constant 0 : i32
      %dma_start3A_120 = tpu.memref_slice %arg18[%add3A_34, %dma_start3A_119] : memref<10240x128xf32, #tpu.memory_space<vmem_shared>> -> memref<88x128xf32, #tpu.memory_space<vmem_shared>>
      %dma_start3A_121 = arith.constant 0 : i32
      %dma_start3A_122 = tpu.memref_slice %arg18[%add3A_34, %dma_start3A_121] : memref<10240x128xf32, #tpu.memory_space<vmem_shared>> -> memref<88x128xf32, #tpu.memory_space<vmem_shared>>
      %dma_start3A_123 = arith.constant 0 : i32
      %dma_start3A_124 = arith.constant 0 : i32
      %dma_start3A_125 = tpu.memref_slice %arg14[%dma_start3A_123, %dma_start3A_124] : memref<88x128xf32, #tpu.memory_space<vmem>> -> memref<88x128xf32, #tpu.memory_space<vmem>>
      tpu.enqueue_dma source(%dma_start3A_125 : memref<88x128xf32, #tpu.memory_space<vmem>>) target(%dma_start3A_122 : memref<88x128xf32, #tpu.memory_space<vmem_shared>>) target_semaphore(%run_scoped3A : memref<!tpu.dma_semaphore, #tpu.memory_space<semaphore_mem>>)
      %dma_wait3A_126 = arith.constant 0 : i32
      %dma_wait3A_127 = arith.constant 0 : i32
      %dma_wait3A_128 = tpu.memref_slice %arg14[%dma_wait3A_126, %dma_wait3A_127] : memref<88x128xf32, #tpu.memory_space<vmem>> -> memref<88x128xf32, #tpu.memory_space<vmem>>
      %dma_wait3A_129 = arith.constant 0 : i32
      %dma_wait3A_130 = tpu.memref_slice %arg18[%add3A_34, %dma_wait3A_129] : memref<10240x128xf32, #tpu.memory_space<vmem_shared>> -> memref<88x128xf32, #tpu.memory_space<vmem_shared>>
      %dma_wait3A_131 = arith.constant 0 : i32
      %dma_wait3A_132 = tpu.memref_slice %arg18[%add3A_34, %dma_wait3A_131] : memref<10240x128xf32, #tpu.memory_space<vmem_shared>> -> memref<88x128xf32, #tpu.memory_space<vmem_shared>>
      %dma_wait3A_133 = arith.constant 0 : i32
      %dma_wait3A_134 = arith.constant 0 : i32
      %dma_wait3A_135 = tpu.memref_slice %arg14[%dma_wait3A_133, %dma_wait3A_134] : memref<88x128xf32, #tpu.memory_space<vmem>> -> memref<88x128xf32, #tpu.memory_space<vmem>>
      tpu.wait_dma2 semaphore(%run_scoped3A : memref<!tpu.dma_semaphore, #tpu.memory_space<semaphore_mem>>) src(%dma_wait3A_135 : memref<88x128xf32, #tpu.memory_space<vmem>>) dst(%dma_wait3A_132 : memref<88x128xf32, #tpu.memory_space<vmem_shared>>)
      tpu.yield
    }) : () -> ()
    %mul3A_35 = arith.constant 640 : i32
    %mul3A_36 = arith.muli %arg1, %mul3A_35 : i32
    %add3A_37 = arith.constant 528 : i32
    %add3A_38 = arith.addi %mul3A_36, %add3A_37 : i32
    "tpu.region"() ({
      %run_scoped3A = tpu.sem_alloc : memref<!tpu.dma_semaphore, #tpu.memory_space<semaphore_mem>>
      %dma_start3A_116 = arith.constant 0 : i32
      %dma_start3A_117 = arith.constant 0 : i32
      %dma_start3A_118 = tpu.memref_slice %arg14[%dma_start3A_116, %dma_start3A_117] : memref<88x128xf32, #tpu.memory_space<vmem>> -> memref<88x128xf32, #tpu.memory_space<vmem>>
      %dma_start3A_119 = arith.constant 0 : i32
      %dma_start3A_120 = tpu.memref_slice %arg18[%add3A_38, %dma_start3A_119] : memref<10240x128xf32, #tpu.memory_space<vmem_shared>> -> memref<88x128xf32, #tpu.memory_space<vmem_shared>>
      %dma_start3A_121 = arith.constant 0 : i32
      %dma_start3A_122 = tpu.memref_slice %arg18[%add3A_38, %dma_start3A_121] : memref<10240x128xf32, #tpu.memory_space<vmem_shared>> -> memref<88x128xf32, #tpu.memory_space<vmem_shared>>
      %dma_start3A_123 = arith.constant 0 : i32
      %dma_start3A_124 = arith.constant 0 : i32
      %dma_start3A_125 = tpu.memref_slice %arg14[%dma_start3A_123, %dma_start3A_124] : memref<88x128xf32, #tpu.memory_space<vmem>> -> memref<88x128xf32, #tpu.memory_space<vmem>>
      tpu.enqueue_dma source(%dma_start3A_125 : memref<88x128xf32, #tpu.memory_space<vmem>>) target(%dma_start3A_122 : memref<88x128xf32, #tpu.memory_space<vmem_shared>>) target_semaphore(%run_scoped3A : memref<!tpu.dma_semaphore, #tpu.memory_space<semaphore_mem>>)
      %dma_wait3A_126 = arith.constant 0 : i32
      %dma_wait3A_127 = arith.constant 0 : i32
      %dma_wait3A_128 = tpu.memref_slice %arg14[%dma_wait3A_126, %dma_wait3A_127] : memref<88x128xf32, #tpu.memory_space<vmem>> -> memref<88x128xf32, #tpu.memory_space<vmem>>
      %dma_wait3A_129 = arith.constant 0 : i32
      %dma_wait3A_130 = tpu.memref_slice %arg18[%add3A_38, %dma_wait3A_129] : memref<10240x128xf32, #tpu.memory_space<vmem_shared>> -> memref<88x128xf32, #tpu.memory_space<vmem_shared>>
      %dma_wait3A_131 = arith.constant 0 : i32
      %dma_wait3A_132 = tpu.memref_slice %arg18[%add3A_38, %dma_wait3A_131] : memref<10240x128xf32, #tpu.memory_space<vmem_shared>> -> memref<88x128xf32, #tpu.memory_space<vmem_shared>>
      %dma_wait3A_133 = arith.constant 0 : i32
      %dma_wait3A_134 = arith.constant 0 : i32
      %dma_wait3A_135 = tpu.memref_slice %arg14[%dma_wait3A_133, %dma_wait3A_134] : memref<88x128xf32, #tpu.memory_space<vmem>> -> memref<88x128xf32, #tpu.memory_space<vmem>>
      tpu.wait_dma2 semaphore(%run_scoped3A : memref<!tpu.dma_semaphore, #tpu.memory_space<semaphore_mem>>) src(%dma_wait3A_135 : memref<88x128xf32, #tpu.memory_space<vmem>>) dst(%dma_wait3A_132 : memref<88x128xf32, #tpu.memory_space<vmem_shared>>)
      tpu.yield
    }) : () -> ()
    %mul3A_39 = arith.constant 640 : i32
    %mul3A_40 = arith.muli %arg1, %mul3A_39 : i32
    %add3A_41 = arith.constant 616 : i32
    %add3A_42 = arith.addi %mul3A_40, %add3A_41 : i32
    "tpu.region"() ({
      %run_scoped3A = tpu.sem_alloc : memref<!tpu.dma_semaphore, #tpu.memory_space<semaphore_mem>>
      %dma_start3A_116 = arith.constant 0 : i32
      %dma_start3A_117 = arith.constant 0 : i32
      %dma_start3A_118 = tpu.memref_slice %arg14[%dma_start3A_116, %dma_start3A_117] : memref<88x128xf32, #tpu.memory_space<vmem>> -> memref<24x128xf32, #tpu.memory_space<vmem>>
      %dma_start3A_119 = arith.constant 0 : i32
      %dma_start3A_120 = tpu.memref_slice %arg18[%add3A_42, %dma_start3A_119] : memref<10240x128xf32, #tpu.memory_space<vmem_shared>> -> memref<24x128xf32, #tpu.memory_space<vmem_shared>>
      %dma_start3A_121 = arith.constant 0 : i32
      %dma_start3A_122 = tpu.memref_slice %arg18[%add3A_42, %dma_start3A_121] : memref<10240x128xf32, #tpu.memory_space<vmem_shared>> -> memref<24x128xf32, #tpu.memory_space<vmem_shared>>
      %dma_start3A_123 = arith.constant 0 : i32
      %dma_start3A_124 = arith.constant 0 : i32
      %dma_start3A_125 = tpu.memref_slice %arg14[%dma_start3A_123, %dma_start3A_124] : memref<88x128xf32, #tpu.memory_space<vmem>> -> memref<24x128xf32, #tpu.memory_space<vmem>>
      tpu.enqueue_dma source(%dma_start3A_125 : memref<24x128xf32, #tpu.memory_space<vmem>>) target(%dma_start3A_122 : memref<24x128xf32, #tpu.memory_space<vmem_shared>>) target_semaphore(%run_scoped3A : memref<!tpu.dma_semaphore, #tpu.memory_space<semaphore_mem>>)
      %dma_wait3A_126 = arith.constant 0 : i32
      %dma_wait3A_127 = arith.constant 0 : i32
      %dma_wait3A_128 = tpu.memref_slice %arg14[%dma_wait3A_126, %dma_wait3A_127] : memref<88x128xf32, #tpu.memory_space<vmem>> -> memref<24x128xf32, #tpu.memory_space<vmem>>
      %dma_wait3A_129 = arith.constant 0 : i32
      %dma_wait3A_130 = tpu.memref_slice %arg18[%add3A_42, %dma_wait3A_129] : memref<10240x128xf32, #tpu.memory_space<vmem_shared>> -> memref<24x128xf32, #tpu.memory_space<vmem_shared>>
      %dma_wait3A_131 = arith.constant 0 : i32
      %dma_wait3A_132 = tpu.memref_slice %arg18[%add3A_42, %dma_wait3A_131] : memref<10240x128xf32, #tpu.memory_space<vmem_shared>> -> memref<24x128xf32, #tpu.memory_space<vmem_shared>>
      %dma_wait3A_133 = arith.constant 0 : i32
      %dma_wait3A_134 = arith.constant 0 : i32
      %dma_wait3A_135 = tpu.memref_slice %arg14[%dma_wait3A_133, %dma_wait3A_134] : memref<88x128xf32, #tpu.memory_space<vmem>> -> memref<24x128xf32, #tpu.memory_space<vmem>>
      tpu.wait_dma2 semaphore(%run_scoped3A : memref<!tpu.dma_semaphore, #tpu.memory_space<semaphore_mem>>) src(%dma_wait3A_135 : memref<24x128xf32, #tpu.memory_space<vmem>>) dst(%dma_wait3A_132 : memref<24x128xf32, #tpu.memory_space<vmem_shared>>)
      tpu.yield
    }) : () -> ()
    %barrier3A = arith.constant 0 : index
    tpu.barrier barrier_id(%barrier3A)
    %add3A_43 = arith.constant 0 : i32
    %add3A_44 = arith.addi %add3A, %add3A_43 : i32
    %dma_start3A = tpu.memref_slice %arg3[%add3A_44] : memref<642048xi32, #tpu.memory_space<hbm>> -> memref<88xi32, #tpu.memory_space<hbm>>
    %dma_start3A_45 = tpu.memref_slice %arg3[%add3A_44] : memref<642048xi32, #tpu.memory_space<hbm>> -> memref<88xi32, #tpu.memory_space<hbm>>
    tpu.enqueue_dma source(%dma_start3A_45 : memref<88xi32, #tpu.memory_space<hbm>>) target(%arg6 : memref<88xi32, #tpu.memory_space<vmem>>) target_semaphore(%arg23 : memref<!tpu.dma_semaphore, #tpu.memory_space<semaphore_mem>>)
    %add3A_46 = arith.constant 0 : i32
    %add3A_47 = arith.addi %mul3A_4, %add3A_46 : i32
    %dma_start3A_48 = tpu.memref_slice %arg4[%add3A_47] : memref<321024xi32, #tpu.memory_space<hbm>> -> memref<88xi32, #tpu.memory_space<hbm>>
    %dma_start3A_49 = tpu.memref_slice %arg4[%add3A_47] : memref<321024xi32, #tpu.memory_space<hbm>> -> memref<88xi32, #tpu.memory_space<hbm>>
    tpu.enqueue_dma source(%dma_start3A_49 : memref<88xi32, #tpu.memory_space<hbm>>) target(%arg10 : memref<88xi32, #tpu.memory_space<vmem>>) target_semaphore(%arg27 : memref<!tpu.dma_semaphore, #tpu.memory_space<semaphore_mem>>)
    %add3A_50 = arith.constant 88 : i32
    %add3A_51 = arith.addi %add3A, %add3A_50 : i32
    %dma_start3A_52 = tpu.memref_slice %arg3[%add3A_51] : memref<642048xi32, #tpu.memory_space<hbm>> -> memref<88xi32, #tpu.memory_space<hbm>>
    %dma_start3A_53 = tpu.memref_slice %arg3[%add3A_51] : memref<642048xi32, #tpu.memory_space<hbm>> -> memref<88xi32, #tpu.memory_space<hbm>>
    tpu.enqueue_dma source(%dma_start3A_53 : memref<88xi32, #tpu.memory_space<hbm>>) target(%arg7 : memref<88xi32, #tpu.memory_space<vmem>>) target_semaphore(%arg24 : memref<!tpu.dma_semaphore, #tpu.memory_space<semaphore_mem>>)
    %add3A_54 = arith.constant 88 : i32
    %add3A_55 = arith.addi %mul3A_4, %add3A_54 : i32
    %dma_start3A_56 = tpu.memref_slice %arg4[%add3A_55] : memref<321024xi32, #tpu.memory_space<hbm>> -> memref<88xi32, #tpu.memory_space<hbm>>
    %dma_start3A_57 = tpu.memref_slice %arg4[%add3A_55] : memref<321024xi32, #tpu.memory_space<hbm>> -> memref<88xi32, #tpu.memory_space<hbm>>
    tpu.enqueue_dma source(%dma_start3A_57 : memref<88xi32, #tpu.memory_space<hbm>>) target(%arg11 : memref<88xi32, #tpu.memory_space<vmem>>) target_semaphore(%arg28 : memref<!tpu.dma_semaphore, #tpu.memory_space<semaphore_mem>>)
    %add3A_58 = arith.constant 176 : i32
    %add3A_59 = arith.addi %add3A, %add3A_58 : i32
    %dma_start3A_60 = tpu.memref_slice %arg3[%add3A_59] : memref<642048xi32, #tpu.memory_space<hbm>> -> memref<88xi32, #tpu.memory_space<hbm>>
    %dma_start3A_61 = tpu.memref_slice %arg3[%add3A_59] : memref<642048xi32, #tpu.memory_space<hbm>> -> memref<88xi32, #tpu.memory_space<hbm>>
    tpu.enqueue_dma source(%dma_start3A_61 : memref<88xi32, #tpu.memory_space<hbm>>) target(%arg8 : memref<88xi32, #tpu.memory_space<vmem>>) target_semaphore(%arg25 : memref<!tpu.dma_semaphore, #tpu.memory_space<semaphore_mem>>)
    %add3A_62 = arith.constant 176 : i32
    %add3A_63 = arith.addi %mul3A_4, %add3A_62 : i32
    %dma_start3A_64 = tpu.memref_slice %arg4[%add3A_63] : memref<321024xi32, #tpu.memory_space<hbm>> -> memref<88xi32, #tpu.memory_space<hbm>>
    %dma_start3A_65 = tpu.memref_slice %arg4[%add3A_63] : memref<321024xi32, #tpu.memory_space<hbm>> -> memref<88xi32, #tpu.memory_space<hbm>>
    tpu.enqueue_dma source(%dma_start3A_65 : memref<88xi32, #tpu.memory_space<hbm>>) target(%arg12 : memref<88xi32, #tpu.memory_space<vmem>>) target_semaphore(%arg29 : memref<!tpu.dma_semaphore, #tpu.memory_space<semaphore_mem>>)
    %add3A_66 = arith.constant 264 : i32
    %add3A_67 = arith.addi %add3A, %add3A_66 : i32
    %dma_start3A_68 = tpu.memref_slice %arg3[%add3A_67] : memref<642048xi32, #tpu.memory_space<hbm>> -> memref<88xi32, #tpu.memory_space<hbm>>
    %dma_start3A_69 = tpu.memref_slice %arg3[%add3A_67] : memref<642048xi32, #tpu.memory_space<hbm>> -> memref<88xi32, #tpu.memory_space<hbm>>
    tpu.enqueue_dma source(%dma_start3A_69 : memref<88xi32, #tpu.memory_space<hbm>>) target(%arg9 : memref<88xi32, #tpu.memory_space<vmem>>) target_semaphore(%arg26 : memref<!tpu.dma_semaphore, #tpu.memory_space<semaphore_mem>>)
    %add3A_70 = arith.constant 264 : i32
    %add3A_71 = arith.addi %mul3A_4, %add3A_70 : i32
    %dma_start3A_72 = tpu.memref_slice %arg4[%add3A_71] : memref<321024xi32, #tpu.memory_space<hbm>> -> memref<88xi32, #tpu.memory_space<hbm>>
    %dma_start3A_73 = tpu.memref_slice %arg4[%add3A_71] : memref<321024xi32, #tpu.memory_space<hbm>> -> memref<88xi32, #tpu.memory_space<hbm>>
    tpu.enqueue_dma source(%dma_start3A_73 : memref<88xi32, #tpu.memory_space<hbm>>) target(%arg13 : memref<88xi32, #tpu.memory_space<vmem>>) target_semaphore(%arg30 : memref<!tpu.dma_semaphore, #tpu.memory_space<semaphore_mem>>)
    %add3A_74 = arith.constant 0 : i32
    %add3A_75 = arith.addi %add3A, %add3A_74 : i32
    %dma_wait3A = tpu.memref_slice %arg3[%add3A_75] : memref<642048xi32, #tpu.memory_space<hbm>> -> memref<88xi32, #tpu.memory_space<hbm>>
    %dma_wait3A_76 = tpu.memref_slice %arg3[%add3A_75] : memref<642048xi32, #tpu.memory_space<hbm>> -> memref<88xi32, #tpu.memory_space<hbm>>
    tpu.wait_dma2 semaphore(%arg23 : memref<!tpu.dma_semaphore, #tpu.memory_space<semaphore_mem>>) src(%dma_wait3A_76 : memref<88xi32, #tpu.memory_space<hbm>>) dst(%arg6 : memref<88xi32, #tpu.memory_space<vmem>>)
    %dma_start3A_77 = arith.constant 0 : i32
    %dma_start3A_78 = arith.constant 0 : i32
    %dma_start3A_79 = tpu.memref_slice %arg2[%dma_start3A_77, %dma_start3A_78] : memref<20480x128xf32, #tpu.memory_space<hbm>> -> memref<20480x128xf32, #tpu.memory_space<hbm>>
    tpu.enqueue_indirect_dma source(%dma_start3A_79 : memref<20480x128xf32, #tpu.memory_space<hbm>>) target(%arg14 : memref<88x128xf32, #tpu.memory_space<vmem>>) offsets(%arg6 : memref<88xi32, #tpu.memory_space<vmem>>) semaphore(%arg19 : memref<!tpu.dma_semaphore, #tpu.memory_space<semaphore_mem>>)
    %add3A_80 = arith.constant 88 : i32
    %add3A_81 = arith.addi %add3A, %add3A_80 : i32
    %dma_wait3A_82 = tpu.memref_slice %arg3[%add3A_81] : memref<642048xi32, #tpu.memory_space<hbm>> -> memref<88xi32, #tpu.memory_space<hbm>>
    %dma_wait3A_83 = tpu.memref_slice %arg3[%add3A_81] : memref<642048xi32, #tpu.memory_space<hbm>> -> memref<88xi32, #tpu.memory_space<hbm>>
    tpu.wait_dma2 semaphore(%arg24 : memref<!tpu.dma_semaphore, #tpu.memory_space<semaphore_mem>>) src(%dma_wait3A_83 : memref<88xi32, #tpu.memory_space<hbm>>) dst(%arg7 : memref<88xi32, #tpu.memory_space<vmem>>)
    %dma_start3A_84 = arith.constant 0 : i32
    %dma_start3A_85 = arith.constant 0 : i32
    %dma_start3A_86 = tpu.memref_slice %arg2[%dma_start3A_84, %dma_start3A_85] : memref<20480x128xf32, #tpu.memory_space<hbm>> -> memref<20480x128xf32, #tpu.memory_space<hbm>>
    tpu.enqueue_indirect_dma source(%dma_start3A_86 : memref<20480x128xf32, #tpu.memory_space<hbm>>) target(%arg15 : memref<88x128xf32, #tpu.memory_space<vmem>>) offsets(%arg7 : memref<88xi32, #tpu.memory_space<vmem>>) semaphore(%arg20 : memref<!tpu.dma_semaphore, #tpu.memory_space<semaphore_mem>>)
    %add3A_87 = arith.constant 176 : i32
    %add3A_88 = arith.addi %add3A, %add3A_87 : i32
    %dma_wait3A_89 = tpu.memref_slice %arg3[%add3A_88] : memref<642048xi32, #tpu.memory_space<hbm>> -> memref<88xi32, #tpu.memory_space<hbm>>
    %dma_wait3A_90 = tpu.memref_slice %arg3[%add3A_88] : memref<642048xi32, #tpu.memory_space<hbm>> -> memref<88xi32, #tpu.memory_space<hbm>>
    tpu.wait_dma2 semaphore(%arg25 : memref<!tpu.dma_semaphore, #tpu.memory_space<semaphore_mem>>) src(%dma_wait3A_90 : memref<88xi32, #tpu.memory_space<hbm>>) dst(%arg8 : memref<88xi32, #tpu.memory_space<vmem>>)
    %dma_start3A_91 = arith.constant 0 : i32
    %dma_start3A_92 = arith.constant 0 : i32
    %dma_start3A_93 = tpu.memref_slice %arg2[%dma_start3A_91, %dma_start3A_92] : memref<20480x128xf32, #tpu.memory_space<hbm>> -> memref<20480x128xf32, #tpu.memory_space<hbm>>
    tpu.enqueue_indirect_dma source(%dma_start3A_93 : memref<20480x128xf32, #tpu.memory_space<hbm>>) target(%arg16 : memref<88x128xf32, #tpu.memory_space<vmem>>) offsets(%arg8 : memref<88xi32, #tpu.memory_space<vmem>>) semaphore(%arg21 : memref<!tpu.dma_semaphore, #tpu.memory_space<semaphore_mem>>)
    %add3A_94 = arith.constant 264 : i32
    %add3A_95 = arith.addi %add3A, %add3A_94 : i32
    %dma_wait3A_96 = tpu.memref_slice %arg3[%add3A_95] : memref<642048xi32, #tpu.memory_space<hbm>> -> memref<88xi32, #tpu.memory_space<hbm>>
    %dma_wait3A_97 = tpu.memref_slice %arg3[%add3A_95] : memref<642048xi32, #tpu.memory_space<hbm>> -> memref<88xi32, #tpu.memory_space<hbm>>
    tpu.wait_dma2 semaphore(%arg26 : memref<!tpu.dma_semaphore, #tpu.memory_space<semaphore_mem>>) src(%dma_wait3A_97 : memref<88xi32, #tpu.memory_space<hbm>>) dst(%arg9 : memref<88xi32, #tpu.memory_space<vmem>>)
    %dma_start3A_98 = arith.constant 0 : i32
    %dma_start3A_99 = arith.constant 0 : i32
    %dma_start3A_100 = tpu.memref_slice %arg2[%dma_start3A_98, %dma_start3A_99] : memref<20480x128xf32, #tpu.memory_space<hbm>> -> memref<20480x128xf32, #tpu.memory_space<hbm>>
    tpu.enqueue_indirect_dma source(%dma_start3A_100 : memref<20480x128xf32, #tpu.memory_space<hbm>>) target(%arg17 : memref<88x128xf32, #tpu.memory_space<vmem>>) offsets(%arg9 : memref<88xi32, #tpu.memory_space<vmem>>) semaphore(%arg22 : memref<!tpu.dma_semaphore, #tpu.memory_space<semaphore_mem>>)
    %scan3A_101 = arith.constant 0 : i32
    %scan3A_102 = arith.constant 0 : i32
    %scan3A_103 = arith.constant 57 : i32
    %scan3A_104 = arith.addi %scan3A_102, %scan3A_103 : i32
    %scan3A_105 = arith.constant 1 : i32
    %scan3A_106 = scf.for %scan3A_116 = %scan3A_102 to %scan3A_104 step %scan3A_105 iter_args(%scan3A_117 = %scan3A_101) -> (i32)  : i32 {
      %mul3A_118 = arith.constant 4 : i32
      %mul3A_119 = arith.muli %scan3A_116, %mul3A_118 : i32
      %add3A_120 = arith.constant 0 : i32
      %add3A_121 = arith.addi %mul3A_119, %add3A_120 : i32
      %dma_wait3A_122 = arith.constant 0 : i32
      %dma_wait3A_123 = arith.constant 0 : i32
      %dma_wait3A_124 = tpu.memref_slice %arg2[%dma_wait3A_122, %dma_wait3A_123] : memref<20480x128xf32, #tpu.memory_space<hbm>> -> memref<20480x128xf32, #tpu.memory_space<hbm>>
      tpu.wait_indirect_dma semaphore(%arg19 : memref<!tpu.dma_semaphore, #tpu.memory_space<semaphore_mem>>) src(%dma_wait3A_124 : memref<20480x128xf32, #tpu.memory_space<hbm>>) dst(%arg14 : memref<88x128xf32, #tpu.memory_space<vmem>>)
      %add3A_125 = arith.constant 4 : i32
      %add3A_126 = arith.addi %add3A_121, %add3A_125 : i32
      %lt3A = arith.constant 228 : i32
      %lt3A_127 = arith.cmpi slt, %add3A_126, %lt3A : i32
      %convert_element_type3A = arith.extui %lt3A_127 : i1 to i32
      %cond3A = arith.constant 0 : i32
      %cond3A_128 = arith.cmpi ne, %convert_element_type3A, %cond3A : i32
      scf.if %cond3A_128 {
        %mul3A_212 = arith.constant 88 : i32
        %mul3A_213 = arith.muli %add3A_126, %mul3A_212 : i32
        %add3A_214 = arith.addi %add3A, %mul3A_213 : i32
        %dma_start3A_215 = tpu.memref_slice %arg3[%add3A_214] : memref<642048xi32, #tpu.memory_space<hbm>> -> memref<88xi32, #tpu.memory_space<hbm>>
        %dma_start3A_216 = tpu.memref_slice %arg3[%add3A_214] : memref<642048xi32, #tpu.memory_space<hbm>> -> memref<88xi32, #tpu.memory_space<hbm>>
        tpu.enqueue_dma source(%dma_start3A_216 : memref<88xi32, #tpu.memory_space<hbm>>) target(%arg6 : memref<88xi32, #tpu.memory_space<vmem>>) target_semaphore(%arg23 : memref<!tpu.dma_semaphore, #tpu.memory_space<semaphore_mem>>)
      } else {
      }
      %mul3A_129 = arith.constant 88 : i32
      %mul3A_130 = arith.muli %add3A_121, %mul3A_129 : i32
      %add3A_131 = arith.addi %mul3A_4, %mul3A_130 : i32
      %dma_wait3A_132 = tpu.memref_slice %arg4[%add3A_131] : memref<321024xi32, #tpu.memory_space<hbm>> -> memref<88xi32, #tpu.memory_space<hbm>>
      %dma_wait3A_133 = tpu.memref_slice %arg4[%add3A_131] : memref<321024xi32, #tpu.memory_space<hbm>> -> memref<88xi32, #tpu.memory_space<hbm>>
      tpu.wait_dma2 semaphore(%arg27 : memref<!tpu.dma_semaphore, #tpu.memory_space<semaphore_mem>>) src(%dma_wait3A_133 : memref<88xi32, #tpu.memory_space<hbm>>) dst(%arg10 : memref<88xi32, #tpu.memory_space<vmem>>)
      "tpu.region"() ({
        %run_scoped3A = tpu.sem_alloc : memref<!tpu.dma_semaphore, #tpu.memory_space<semaphore_mem>>
        %dma_start3A_212 = arith.constant 0 : i32
        %dma_start3A_213 = arith.constant 0 : i32
        %dma_start3A_214 = tpu.memref_slice %arg18[%dma_start3A_212, %dma_start3A_213] : memref<10240x128xf32, #tpu.memory_space<vmem_shared>> -> memref<10240x128xf32, #tpu.memory_space<vmem_shared>>
        tpu.enqueue_indirect_dma source(%arg14 : memref<88x128xf32, #tpu.memory_space<vmem>>) target(%dma_start3A_214 : memref<10240x128xf32, #tpu.memory_space<vmem_shared>>) offsets(%arg10 : memref<88xi32, #tpu.memory_space<vmem>>) semaphore(%run_scoped3A : memref<!tpu.dma_semaphore, #tpu.memory_space<semaphore_mem>>) {add = true}
        %dma_wait3A_215 = arith.constant 0 : i32
        %dma_wait3A_216 = arith.constant 0 : i32
        %dma_wait3A_217 = tpu.memref_slice %arg18[%dma_wait3A_215, %dma_wait3A_216] : memref<10240x128xf32, #tpu.memory_space<vmem_shared>> -> memref<10240x128xf32, #tpu.memory_space<vmem_shared>>
        tpu.wait_indirect_dma semaphore(%run_scoped3A : memref<!tpu.dma_semaphore, #tpu.memory_space<semaphore_mem>>) src(%arg14 : memref<88x128xf32, #tpu.memory_space<vmem>>) dst(%dma_wait3A_217 : memref<10240x128xf32, #tpu.memory_space<vmem_shared>>)
        tpu.yield
      }) : () -> ()
      %lt3A_134 = arith.constant 228 : i32
      %lt3A_135 = arith.cmpi slt, %add3A_126, %lt3A_134 : i32
      %convert_element_type3A_136 = arith.extui %lt3A_135 : i1 to i32
      %cond3A_137 = arith.constant 0 : i32
      %cond3A_138 = arith.cmpi ne, %convert_element_type3A_136, %cond3A_137 : i32
      scf.if %cond3A_138 {
        %mul3A_212 = arith.constant 88 : i32
        %mul3A_213 = arith.muli %add3A_126, %mul3A_212 : i32
        %add3A_214 = arith.addi %mul3A_4, %mul3A_213 : i32
        %dma_start3A_215 = tpu.memref_slice %arg4[%add3A_214] : memref<321024xi32, #tpu.memory_space<hbm>> -> memref<88xi32, #tpu.memory_space<hbm>>
        %dma_start3A_216 = tpu.memref_slice %arg4[%add3A_214] : memref<321024xi32, #tpu.memory_space<hbm>> -> memref<88xi32, #tpu.memory_space<hbm>>
        tpu.enqueue_dma source(%dma_start3A_216 : memref<88xi32, #tpu.memory_space<hbm>>) target(%arg10 : memref<88xi32, #tpu.memory_space<vmem>>) target_semaphore(%arg27 : memref<!tpu.dma_semaphore, #tpu.memory_space<semaphore_mem>>)
        %mul3A_217 = arith.constant 88 : i32
        %mul3A_218 = arith.muli %add3A_126, %mul3A_217 : i32
        %add3A_219 = arith.addi %add3A, %mul3A_218 : i32
        %dma_wait3A_220 = tpu.memref_slice %arg3[%add3A_219] : memref<642048xi32, #tpu.memory_space<hbm>> -> memref<88xi32, #tpu.memory_space<hbm>>
        %dma_wait3A_221 = tpu.memref_slice %arg3[%add3A_219] : memref<642048xi32, #tpu.memory_space<hbm>> -> memref<88xi32, #tpu.memory_space<hbm>>
        tpu.wait_dma2 semaphore(%arg23 : memref<!tpu.dma_semaphore, #tpu.memory_space<semaphore_mem>>) src(%dma_wait3A_221 : memref<88xi32, #tpu.memory_space<hbm>>) dst(%arg6 : memref<88xi32, #tpu.memory_space<vmem>>)
        %dma_start3A_222 = arith.constant 0 : i32
        %dma_start3A_223 = arith.constant 0 : i32
        %dma_start3A_224 = tpu.memref_slice %arg2[%dma_start3A_222, %dma_start3A_223] : memref<20480x128xf32, #tpu.memory_space<hbm>> -> memref<20480x128xf32, #tpu.memory_space<hbm>>
        tpu.enqueue_indirect_dma source(%dma_start3A_224 : memref<20480x128xf32, #tpu.memory_space<hbm>>) target(%arg14 : memref<88x128xf32, #tpu.memory_space<vmem>>) offsets(%arg6 : memref<88xi32, #tpu.memory_space<vmem>>) semaphore(%arg19 : memref<!tpu.dma_semaphore, #tpu.memory_space<semaphore_mem>>)
      } else {
      }
      %mul3A_139 = arith.constant 4 : i32
      %mul3A_140 = arith.muli %scan3A_116, %mul3A_139 : i32
      %add3A_141 = arith.constant 1 : i32
      %add3A_142 = arith.addi %mul3A_140, %add3A_141 : i32
      %dma_wait3A_143 = arith.constant 0 : i32
      %dma_wait3A_144 = arith.constant 0 : i32
      %dma_wait3A_145 = tpu.memref_slice %arg2[%dma_wait3A_143, %dma_wait3A_144] : memref<20480x128xf32, #tpu.memory_space<hbm>> -> memref<20480x128xf32, #tpu.memory_space<hbm>>
      tpu.wait_indirect_dma semaphore(%arg20 : memref<!tpu.dma_semaphore, #tpu.memory_space<semaphore_mem>>) src(%dma_wait3A_145 : memref<20480x128xf32, #tpu.memory_space<hbm>>) dst(%arg15 : memref<88x128xf32, #tpu.memory_space<vmem>>)
      %add3A_146 = arith.constant 4 : i32
      %add3A_147 = arith.addi %add3A_142, %add3A_146 : i32
      %lt3A_148 = arith.constant 228 : i32
      %lt3A_149 = arith.cmpi slt, %add3A_147, %lt3A_148 : i32
      %convert_element_type3A_150 = arith.extui %lt3A_149 : i1 to i32
      %cond3A_151 = arith.constant 0 : i32
      %cond3A_152 = arith.cmpi ne, %convert_element_type3A_150, %cond3A_151 : i32
      scf.if %cond3A_152 {
        %mul3A_212 = arith.constant 88 : i32
        %mul3A_213 = arith.muli %add3A_147, %mul3A_212 : i32
        %add3A_214 = arith.addi %add3A, %mul3A_213 : i32
        %dma_start3A_215 = tpu.memref_slice %arg3[%add3A_214] : memref<642048xi32, #tpu.memory_space<hbm>> -> memref<88xi32, #tpu.memory_space<hbm>>
        %dma_start3A_216 = tpu.memref_slice %arg3[%add3A_214] : memref<642048xi32, #tpu.memory_space<hbm>> -> memref<88xi32, #tpu.memory_space<hbm>>
        tpu.enqueue_dma source(%dma_start3A_216 : memref<88xi32, #tpu.memory_space<hbm>>) target(%arg7 : memref<88xi32, #tpu.memory_space<vmem>>) target_semaphore(%arg24 : memref<!tpu.dma_semaphore, #tpu.memory_space<semaphore_mem>>)
      } else {
      }
      %mul3A_153 = arith.constant 88 : i32
      %mul3A_154 = arith.muli %add3A_142, %mul3A_153 : i32
      %add3A_155 = arith.addi %mul3A_4, %mul3A_154 : i32
      %dma_wait3A_156 = tpu.memref_slice %arg4[%add3A_155] : memref<321024xi32, #tpu.memory_space<hbm>> -> memref<88xi32, #tpu.memory_space<hbm>>
      %dma_wait3A_157 = tpu.memref_slice %arg4[%add3A_155] : memref<321024xi32, #tpu.memory_space<hbm>> -> memref<88xi32, #tpu.memory_space<hbm>>
      tpu.wait_dma2 semaphore(%arg28 : memref<!tpu.dma_semaphore, #tpu.memory_space<semaphore_mem>>) src(%dma_wait3A_157 : memref<88xi32, #tpu.memory_space<hbm>>) dst(%arg11 : memref<88xi32, #tpu.memory_space<vmem>>)
      "tpu.region"() ({
        %run_scoped3A = tpu.sem_alloc : memref<!tpu.dma_semaphore, #tpu.memory_space<semaphore_mem>>
        %dma_start3A_212 = arith.constant 0 : i32
        %dma_start3A_213 = arith.constant 0 : i32
        %dma_start3A_214 = tpu.memref_slice %arg18[%dma_start3A_212, %dma_start3A_213] : memref<10240x128xf32, #tpu.memory_space<vmem_shared>> -> memref<10240x128xf32, #tpu.memory_space<vmem_shared>>
        tpu.enqueue_indirect_dma source(%arg15 : memref<88x128xf32, #tpu.memory_space<vmem>>) target(%dma_start3A_214 : memref<10240x128xf32, #tpu.memory_space<vmem_shared>>) offsets(%arg11 : memref<88xi32, #tpu.memory_space<vmem>>) semaphore(%run_scoped3A : memref<!tpu.dma_semaphore, #tpu.memory_space<semaphore_mem>>) {add = true}
        %dma_wait3A_215 = arith.constant 0 : i32
        %dma_wait3A_216 = arith.constant 0 : i32
        %dma_wait3A_217 = tpu.memref_slice %arg18[%dma_wait3A_215, %dma_wait3A_216] : memref<10240x128xf32, #tpu.memory_space<vmem_shared>> -> memref<10240x128xf32, #tpu.memory_space<vmem_shared>>
        tpu.wait_indirect_dma semaphore(%run_scoped3A : memref<!tpu.dma_semaphore, #tpu.memory_space<semaphore_mem>>) src(%arg15 : memref<88x128xf32, #tpu.memory_space<vmem>>) dst(%dma_wait3A_217 : memref<10240x128xf32, #tpu.memory_space<vmem_shared>>)
        tpu.yield
      }) : () -> ()
      %lt3A_158 = arith.constant 228 : i32
      %lt3A_159 = arith.cmpi slt, %add3A_147, %lt3A_158 : i32
      %convert_element_type3A_160 = arith.extui %lt3A_159 : i1 to i32
      %cond3A_161 = arith.constant 0 : i32
      %cond3A_162 = arith.cmpi ne, %convert_element_type3A_160, %cond3A_161 : i32
      scf.if %cond3A_162 {
        %mul3A_212 = arith.constant 88 : i32
        %mul3A_213 = arith.muli %add3A_147, %mul3A_212 : i32
        %add3A_214 = arith.addi %mul3A_4, %mul3A_213 : i32
        %dma_start3A_215 = tpu.memref_slice %arg4[%add3A_214] : memref<321024xi32, #tpu.memory_space<hbm>> -> memref<88xi32, #tpu.memory_space<hbm>>
        %dma_start3A_216 = tpu.memref_slice %arg4[%add3A_214] : memref<321024xi32, #tpu.memory_space<hbm>> -> memref<88xi32, #tpu.memory_space<hbm>>
        tpu.enqueue_dma source(%dma_start3A_216 : memref<88xi32, #tpu.memory_space<hbm>>) target(%arg11 : memref<88xi32, #tpu.memory_space<vmem>>) target_semaphore(%arg28 : memref<!tpu.dma_semaphore, #tpu.memory_space<semaphore_mem>>)
        %mul3A_217 = arith.constant 88 : i32
        %mul3A_218 = arith.muli %add3A_147, %mul3A_217 : i32
        %add3A_219 = arith.addi %add3A, %mul3A_218 : i32
        %dma_wait3A_220 = tpu.memref_slice %arg3[%add3A_219] : memref<642048xi32, #tpu.memory_space<hbm>> -> memref<88xi32, #tpu.memory_space<hbm>>
        %dma_wait3A_221 = tpu.memref_slice %arg3[%add3A_219] : memref<642048xi32, #tpu.memory_space<hbm>> -> memref<88xi32, #tpu.memory_space<hbm>>
        tpu.wait_dma2 semaphore(%arg24 : memref<!tpu.dma_semaphore, #tpu.memory_space<semaphore_mem>>) src(%dma_wait3A_221 : memref<88xi32, #tpu.memory_space<hbm>>) dst(%arg7 : memref<88xi32, #tpu.memory_space<vmem>>)
        %dma_start3A_222 = arith.constant 0 : i32
        %dma_start3A_223 = arith.constant 0 : i32
        %dma_start3A_224 = tpu.memref_slice %arg2[%dma_start3A_222, %dma_start3A_223] : memref<20480x128xf32, #tpu.memory_space<hbm>> -> memref<20480x128xf32, #tpu.memory_space<hbm>>
        tpu.enqueue_indirect_dma source(%dma_start3A_224 : memref<20480x128xf32, #tpu.memory_space<hbm>>) target(%arg15 : memref<88x128xf32, #tpu.memory_space<vmem>>) offsets(%arg7 : memref<88xi32, #tpu.memory_space<vmem>>) semaphore(%arg20 : memref<!tpu.dma_semaphore, #tpu.memory_space<semaphore_mem>>)
      } else {
      }
      %mul3A_163 = arith.constant 4 : i32
      %mul3A_164 = arith.muli %scan3A_116, %mul3A_163 : i32
      %add3A_165 = arith.constant 2 : i32
      %add3A_166 = arith.addi %mul3A_164, %add3A_165 : i32
      %dma_wait3A_167 = arith.constant 0 : i32
      %dma_wait3A_168 = arith.constant 0 : i32
      %dma_wait3A_169 = tpu.memref_slice %arg2[%dma_wait3A_167, %dma_wait3A_168] : memref<20480x128xf32, #tpu.memory_space<hbm>> -> memref<20480x128xf32, #tpu.memory_space<hbm>>
      tpu.wait_indirect_dma semaphore(%arg21 : memref<!tpu.dma_semaphore, #tpu.memory_space<semaphore_mem>>) src(%dma_wait3A_169 : memref<20480x128xf32, #tpu.memory_space<hbm>>) dst(%arg16 : memref<88x128xf32, #tpu.memory_space<vmem>>)
      %add3A_170 = arith.constant 4 : i32
      %add3A_171 = arith.addi %add3A_166, %add3A_170 : i32
      %lt3A_172 = arith.constant 228 : i32
      %lt3A_173 = arith.cmpi slt, %add3A_171, %lt3A_172 : i32
      %convert_element_type3A_174 = arith.extui %lt3A_173 : i1 to i32
      %cond3A_175 = arith.constant 0 : i32
      %cond3A_176 = arith.cmpi ne, %convert_element_type3A_174, %cond3A_175 : i32
      scf.if %cond3A_176 {
        %mul3A_212 = arith.constant 88 : i32
        %mul3A_213 = arith.muli %add3A_171, %mul3A_212 : i32
        %add3A_214 = arith.addi %add3A, %mul3A_213 : i32
        %dma_start3A_215 = tpu.memref_slice %arg3[%add3A_214] : memref<642048xi32, #tpu.memory_space<hbm>> -> memref<88xi32, #tpu.memory_space<hbm>>
        %dma_start3A_216 = tpu.memref_slice %arg3[%add3A_214] : memref<642048xi32, #tpu.memory_space<hbm>> -> memref<88xi32, #tpu.memory_space<hbm>>
        tpu.enqueue_dma source(%dma_start3A_216 : memref<88xi32, #tpu.memory_space<hbm>>) target(%arg8 : memref<88xi32, #tpu.memory_space<vmem>>) target_semaphore(%arg25 : memref<!tpu.dma_semaphore, #tpu.memory_space<semaphore_mem>>)
      } else {
      }
      %mul3A_177 = arith.constant 88 : i32
      %mul3A_178 = arith.muli %add3A_166, %mul3A_177 : i32
      %add3A_179 = arith.addi %mul3A_4, %mul3A_178 : i32
      %dma_wait3A_180 = tpu.memref_slice %arg4[%add3A_179] : memref<321024xi32, #tpu.memory_space<hbm>> -> memref<88xi32, #tpu.memory_space<hbm>>
      %dma_wait3A_181 = tpu.memref_slice %arg4[%add3A_179] : memref<321024xi32, #tpu.memory_space<hbm>> -> memref<88xi32, #tpu.memory_space<hbm>>
      tpu.wait_dma2 semaphore(%arg29 : memref<!tpu.dma_semaphore, #tpu.memory_space<semaphore_mem>>) src(%dma_wait3A_181 : memref<88xi32, #tpu.memory_space<hbm>>) dst(%arg12 : memref<88xi32, #tpu.memory_space<vmem>>)
      "tpu.region"() ({
        %run_scoped3A = tpu.sem_alloc : memref<!tpu.dma_semaphore, #tpu.memory_space<semaphore_mem>>
        %dma_start3A_212 = arith.constant 0 : i32
        %dma_start3A_213 = arith.constant 0 : i32
        %dma_start3A_214 = tpu.memref_slice %arg18[%dma_start3A_212, %dma_start3A_213] : memref<10240x128xf32, #tpu.memory_space<vmem_shared>> -> memref<10240x128xf32, #tpu.memory_space<vmem_shared>>
        tpu.enqueue_indirect_dma source(%arg16 : memref<88x128xf32, #tpu.memory_space<vmem>>) target(%dma_start3A_214 : memref<10240x128xf32, #tpu.memory_space<vmem_shared>>) offsets(%arg12 : memref<88xi32, #tpu.memory_space<vmem>>) semaphore(%run_scoped3A : memref<!tpu.dma_semaphore, #tpu.memory_space<semaphore_mem>>) {add = true}
        %dma_wait3A_215 = arith.constant 0 : i32
        %dma_wait3A_216 = arith.constant 0 : i32
        %dma_wait3A_217 = tpu.memref_slice %arg18[%dma_wait3A_215, %dma_wait3A_216] : memref<10240x128xf32, #tpu.memory_space<vmem_shared>> -> memref<10240x128xf32, #tpu.memory_space<vmem_shared>>
        tpu.wait_indirect_dma semaphore(%run_scoped3A : memref<!tpu.dma_semaphore, #tpu.memory_space<semaphore_mem>>) src(%arg16 : memref<88x128xf32, #tpu.memory_space<vmem>>) dst(%dma_wait3A_217 : memref<10240x128xf32, #tpu.memory_space<vmem_shared>>)
        tpu.yield
      }) : () -> ()
      %lt3A_182 = arith.constant 228 : i32
      %lt3A_183 = arith.cmpi slt, %add3A_171, %lt3A_182 : i32
      %convert_element_type3A_184 = arith.extui %lt3A_183 : i1 to i32
      %cond3A_185 = arith.constant 0 : i32
      %cond3A_186 = arith.cmpi ne, %convert_element_type3A_184, %cond3A_185 : i32
      scf.if %cond3A_186 {
        %mul3A_212 = arith.constant 88 : i32
        %mul3A_213 = arith.muli %add3A_171, %mul3A_212 : i32
        %add3A_214 = arith.addi %mul3A_4, %mul3A_213 : i32
        %dma_start3A_215 = tpu.memref_slice %arg4[%add3A_214] : memref<321024xi32, #tpu.memory_space<hbm>> -> memref<88xi32, #tpu.memory_space<hbm>>
        %dma_start3A_216 = tpu.memref_slice %arg4[%add3A_214] : memref<321024xi32, #tpu.memory_space<hbm>> -> memref<88xi32, #tpu.memory_space<hbm>>
        tpu.enqueue_dma source(%dma_start3A_216 : memref<88xi32, #tpu.memory_space<hbm>>) target(%arg12 : memref<88xi32, #tpu.memory_space<vmem>>) target_semaphore(%arg29 : memref<!tpu.dma_semaphore, #tpu.memory_space<semaphore_mem>>)
        %mul3A_217 = arith.constant 88 : i32
        %mul3A_218 = arith.muli %add3A_171, %mul3A_217 : i32
        %add3A_219 = arith.addi %add3A, %mul3A_218 : i32
        %dma_wait3A_220 = tpu.memref_slice %arg3[%add3A_219] : memref<642048xi32, #tpu.memory_space<hbm>> -> memref<88xi32, #tpu.memory_space<hbm>>
        %dma_wait3A_221 = tpu.memref_slice %arg3[%add3A_219] : memref<642048xi32, #tpu.memory_space<hbm>> -> memref<88xi32, #tpu.memory_space<hbm>>
        tpu.wait_dma2 semaphore(%arg25 : memref<!tpu.dma_semaphore, #tpu.memory_space<semaphore_mem>>) src(%dma_wait3A_221 : memref<88xi32, #tpu.memory_space<hbm>>) dst(%arg8 : memref<88xi32, #tpu.memory_space<vmem>>)
        %dma_start3A_222 = arith.constant 0 : i32
        %dma_start3A_223 = arith.constant 0 : i32
        %dma_start3A_224 = tpu.memref_slice %arg2[%dma_start3A_222, %dma_start3A_223] : memref<20480x128xf32, #tpu.memory_space<hbm>> -> memref<20480x128xf32, #tpu.memory_space<hbm>>
        tpu.enqueue_indirect_dma source(%dma_start3A_224 : memref<20480x128xf32, #tpu.memory_space<hbm>>) target(%arg16 : memref<88x128xf32, #tpu.memory_space<vmem>>) offsets(%arg8 : memref<88xi32, #tpu.memory_space<vmem>>) semaphore(%arg21 : memref<!tpu.dma_semaphore, #tpu.memory_space<semaphore_mem>>)
      } else {
      }
      %mul3A_187 = arith.constant 4 : i32
      %mul3A_188 = arith.muli %scan3A_116, %mul3A_187 : i32
      %add3A_189 = arith.constant 3 : i32
      %add3A_190 = arith.addi %mul3A_188, %add3A_189 : i32
      %dma_wait3A_191 = arith.constant 0 : i32
      %dma_wait3A_192 = arith.constant 0 : i32
      %dma_wait3A_193 = tpu.memref_slice %arg2[%dma_wait3A_191, %dma_wait3A_192] : memref<20480x128xf32, #tpu.memory_space<hbm>> -> memref<20480x128xf32, #tpu.memory_space<hbm>>
      tpu.wait_indirect_dma semaphore(%arg22 : memref<!tpu.dma_semaphore, #tpu.memory_space<semaphore_mem>>) src(%dma_wait3A_193 : memref<20480x128xf32, #tpu.memory_space<hbm>>) dst(%arg17 : memref<88x128xf32, #tpu.memory_space<vmem>>)
      %add3A_194 = arith.constant 4 : i32
      %add3A_195 = arith.addi %add3A_190, %add3A_194 : i32
      %lt3A_196 = arith.constant 228 : i32
      %lt3A_197 = arith.cmpi slt, %add3A_195, %lt3A_196 : i32
      %convert_element_type3A_198 = arith.extui %lt3A_197 : i1 to i32
      %cond3A_199 = arith.constant 0 : i32
      %cond3A_200 = arith.cmpi ne, %convert_element_type3A_198, %cond3A_199 : i32
      scf.if %cond3A_200 {
        %mul3A_212 = arith.constant 88 : i32
        %mul3A_213 = arith.muli %add3A_195, %mul3A_212 : i32
        %add3A_214 = arith.addi %add3A, %mul3A_213 : i32
        %dma_start3A_215 = tpu.memref_slice %arg3[%add3A_214] : memref<642048xi32, #tpu.memory_space<hbm>> -> memref<88xi32, #tpu.memory_space<hbm>>
        %dma_start3A_216 = tpu.memref_slice %arg3[%add3A_214] : memref<642048xi32, #tpu.memory_space<hbm>> -> memref<88xi32, #tpu.memory_space<hbm>>
        tpu.enqueue_dma source(%dma_start3A_216 : memref<88xi32, #tpu.memory_space<hbm>>) target(%arg9 : memref<88xi32, #tpu.memory_space<vmem>>) target_semaphore(%arg26 : memref<!tpu.dma_semaphore, #tpu.memory_space<semaphore_mem>>)
      } else {
      }
      %mul3A_201 = arith.constant 88 : i32
      %mul3A_202 = arith.muli %add3A_190, %mul3A_201 : i32
      %add3A_203 = arith.addi %mul3A_4, %mul3A_202 : i32
      %dma_wait3A_204 = tpu.memref_slice %arg4[%add3A_203] : memref<321024xi32, #tpu.memory_space<hbm>> -> memref<88xi32, #tpu.memory_space<hbm>>
      %dma_wait3A_205 = tpu.memref_slice %arg4[%add3A_203] : memref<321024xi32, #tpu.memory_space<hbm>> -> memref<88xi32, #tpu.memory_space<hbm>>
      tpu.wait_dma2 semaphore(%arg30 : memref<!tpu.dma_semaphore, #tpu.memory_space<semaphore_mem>>) src(%dma_wait3A_205 : memref<88xi32, #tpu.memory_space<hbm>>) dst(%arg13 : memref<88xi32, #tpu.memory_space<vmem>>)
      "tpu.region"() ({
        %run_scoped3A = tpu.sem_alloc : memref<!tpu.dma_semaphore, #tpu.memory_space<semaphore_mem>>
        %dma_start3A_212 = arith.constant 0 : i32
        %dma_start3A_213 = arith.constant 0 : i32
        %dma_start3A_214 = tpu.memref_slice %arg18[%dma_start3A_212, %dma_start3A_213] : memref<10240x128xf32, #tpu.memory_space<vmem_shared>> -> memref<10240x128xf32, #tpu.memory_space<vmem_shared>>
        tpu.enqueue_indirect_dma source(%arg17 : memref<88x128xf32, #tpu.memory_space<vmem>>) target(%dma_start3A_214 : memref<10240x128xf32, #tpu.memory_space<vmem_shared>>) offsets(%arg13 : memref<88xi32, #tpu.memory_space<vmem>>) semaphore(%run_scoped3A : memref<!tpu.dma_semaphore, #tpu.memory_space<semaphore_mem>>) {add = true}
        %dma_wait3A_215 = arith.constant 0 : i32
        %dma_wait3A_216 = arith.constant 0 : i32
        %dma_wait3A_217 = tpu.memref_slice %arg18[%dma_wait3A_215, %dma_wait3A_216] : memref<10240x128xf32, #tpu.memory_space<vmem_shared>> -> memref<10240x128xf32, #tpu.memory_space<vmem_shared>>
        tpu.wait_indirect_dma semaphore(%run_scoped3A : memref<!tpu.dma_semaphore, #tpu.memory_space<semaphore_mem>>) src(%arg17 : memref<88x128xf32, #tpu.memory_space<vmem>>) dst(%dma_wait3A_217 : memref<10240x128xf32, #tpu.memory_space<vmem_shared>>)
        tpu.yield
      }) : () -> ()
      %lt3A_206 = arith.constant 228 : i32
      %lt3A_207 = arith.cmpi slt, %add3A_195, %lt3A_206 : i32
      %convert_element_type3A_208 = arith.extui %lt3A_207 : i1 to i32
      %cond3A_209 = arith.constant 0 : i32
      %cond3A_210 = arith.cmpi ne, %convert_element_type3A_208, %cond3A_209 : i32
      scf.if %cond3A_210 {
        %mul3A_212 = arith.constant 88 : i32
        %mul3A_213 = arith.muli %add3A_195, %mul3A_212 : i32
        %add3A_214 = arith.addi %mul3A_4, %mul3A_213 : i32
        %dma_start3A_215 = tpu.memref_slice %arg4[%add3A_214] : memref<321024xi32, #tpu.memory_space<hbm>> -> memref<88xi32, #tpu.memory_space<hbm>>
        %dma_start3A_216 = tpu.memref_slice %arg4[%add3A_214] : memref<321024xi32, #tpu.memory_space<hbm>> -> memref<88xi32, #tpu.memory_space<hbm>>
        tpu.enqueue_dma source(%dma_start3A_216 : memref<88xi32, #tpu.memory_space<hbm>>) target(%arg13 : memref<88xi32, #tpu.memory_space<vmem>>) target_semaphore(%arg30 : memref<!tpu.dma_semaphore, #tpu.memory_space<semaphore_mem>>)
        %mul3A_217 = arith.constant 88 : i32
        %mul3A_218 = arith.muli %add3A_195, %mul3A_217 : i32
        %add3A_219 = arith.addi %add3A, %mul3A_218 : i32
        %dma_wait3A_220 = tpu.memref_slice %arg3[%add3A_219] : memref<642048xi32, #tpu.memory_space<hbm>> -> memref<88xi32, #tpu.memory_space<hbm>>
        %dma_wait3A_221 = tpu.memref_slice %arg3[%add3A_219] : memref<642048xi32, #tpu.memory_space<hbm>> -> memref<88xi32, #tpu.memory_space<hbm>>
        tpu.wait_dma2 semaphore(%arg26 : memref<!tpu.dma_semaphore, #tpu.memory_space<semaphore_mem>>) src(%dma_wait3A_221 : memref<88xi32, #tpu.memory_space<hbm>>) dst(%arg9 : memref<88xi32, #tpu.memory_space<vmem>>)
        %dma_start3A_222 = arith.constant 0 : i32
        %dma_start3A_223 = arith.constant 0 : i32
        %dma_start3A_224 = tpu.memref_slice %arg2[%dma_start3A_222, %dma_start3A_223] : memref<20480x128xf32, #tpu.memory_space<hbm>> -> memref<20480x128xf32, #tpu.memory_space<hbm>>
        tpu.enqueue_indirect_dma source(%dma_start3A_224 : memref<20480x128xf32, #tpu.memory_space<hbm>>) target(%arg17 : memref<88x128xf32, #tpu.memory_space<vmem>>) offsets(%arg9 : memref<88xi32, #tpu.memory_space<vmem>>) semaphore(%arg22 : memref<!tpu.dma_semaphore, #tpu.memory_space<semaphore_mem>>)
      } else {
      }
      %scan3A_211 = arith.constant 0 : i32
      scf.yield %scan3A_211 : i32
    }
    %scan3A_107 = arith.constant 57 : i32
    %barrier3A_108 = arith.constant 0 : index
    tpu.barrier barrier_id(%barrier3A_108)
    %mul3A_109 = arith.constant 640 : i32
    %mul3A_110 = arith.muli %arg1, %mul3A_109 : i32
    %mul3A_111 = arith.constant 10240 : i32
    %mul3A_112 = arith.muli %arg0, %mul3A_111 : i32
    %mul3A_113 = arith.constant 640 : i32
    %mul3A_114 = arith.muli %arg1, %mul3A_113 : i32
    %add3A_115 = arith.addi %mul3A_112, %mul3A_114 : i32
    "tpu.region"() ({
      %run_scoped3A = tpu.sem_alloc : memref<!tpu.dma_semaphore, #tpu.memory_space<semaphore_mem>>
      %dma_start3A_116 = arith.constant 0 : i32
      %dma_start3A_117 = tpu.memref_slice %arg5[%add3A_115, %dma_start3A_116] : memref<20480x128xf32, #tpu.memory_space<hbm>> -> memref<640x128xf32, #tpu.memory_space<hbm>>
      %dma_start3A_118 = arith.constant 0 : i32
      %dma_start3A_119 = tpu.memref_slice %arg18[%mul3A_110, %dma_start3A_118] : memref<10240x128xf32, #tpu.memory_space<vmem_shared>> -> memref<640x128xf32, #tpu.memory_space<vmem_shared>>
      tpu.enqueue_dma source(%dma_start3A_119 : memref<640x128xf32, #tpu.memory_space<vmem_shared>>) target(%dma_start3A_117 : memref<640x128xf32, #tpu.memory_space<hbm>>) target_semaphore(%run_scoped3A : memref<!tpu.dma_semaphore, #tpu.memory_space<semaphore_mem>>)
      %dma_wait3A_120 = arith.constant 0 : i32
      %dma_wait3A_121 = tpu.memref_slice %arg5[%add3A_115, %dma_wait3A_120] : memref<20480x128xf32, #tpu.memory_space<hbm>> -> memref<640x128xf32, #tpu.memory_space<hbm>>
      %dma_wait3A_122 = arith.constant 0 : i32
      %dma_wait3A_123 = tpu.memref_slice %arg18[%mul3A_110, %dma_wait3A_122] : memref<10240x128xf32, #tpu.memory_space<vmem_shared>> -> memref<640x128xf32, #tpu.memory_space<vmem_shared>>
      tpu.wait_dma2 semaphore(%run_scoped3A : memref<!tpu.dma_semaphore, #tpu.memory_space<semaphore_mem>>) src(%dma_wait3A_123 : memref<640x128xf32, #tpu.memory_space<vmem_shared>>) dst(%dma_wait3A_121 : memref<640x128xf32, #tpu.memory_space<hbm>>)
      tpu.yield
    }) : () -> ()
    return
  }
}

#map = affine_map<(d0, d1) -> (0)>
#map1 = affine_map<(d0, d1) -> (0, 0)>
module attributes {stable_mosaic.version = 14 : i64} {
  func.func @deg_kernel(%arg0: i32, %arg1: i32, %arg2: memref<642048xi32, #tpu.memory_space<hbm>>, %arg3: memref<20480x128xf32, #tpu.memory_space<hbm>>, %arg4: memref<88xi32, #tpu.memory_space<vmem>>, %arg5: memref<88xi32, #tpu.memory_space<vmem>>, %arg6: memref<88x128xf32, #tpu.memory_space<vmem>>, %arg7: memref<88x128xf32, #tpu.memory_space<vmem>>, %arg8: memref<10240x128xf32, #tpu.memory_space<vmem_shared>>, %arg9: memref<!tpu.dma_semaphore, #tpu.memory_space<semaphore_mem>>, %arg10: memref<!tpu.dma_semaphore, #tpu.memory_space<semaphore_mem>>) attributes {dimension_semantics = [#tpu.dimension_semantics<core_parallel>, #tpu.dimension_semantics<subcore_parallel>], iteration_bounds = array<i64: 2, 16>, scalar_prefetch = 0 : i64, scratch_operands = 7 : i64, tpu.core_type = #tpu.core_type<sc_vector_subcore>, window_params = [{transform_indices = #map}, {transform_indices = #map1}]} {
    %scan3A = arith.constant 0 : i32
    %scan3A_0 = arith.constant 0 : i32
    %scan3A_1 = arith.constant 88 : i32
    %scan3A_2 = arith.addi %scan3A_0, %scan3A_1 : i32
    %scan3A_3 = arith.constant 1 : i32
    %scan3A_4 = scf.for %scan3A_63 = %scan3A_0 to %scan3A_2 step %scan3A_3 iter_args(%scan3A_64 = %scan3A) -> (i32)  : i32 {
      %broadcast_in_dim3A = arith.constant 1.000000e+00 : f32
      %broadcast_in_dim3A_65 = vector.broadcast %broadcast_in_dim3A : f32 to vector<16xf32>
      %swap3A = arith.index_cast %scan3A_63 : i32 to index
      %swap3A_66 = arith.constant 0 : index
      %swap3A_67 = tpu.vector_load %arg6[%swap3A, %swap3A_66] {strides = array<i32>} : memref<88x128xf32, #tpu.memory_space<vmem>>, vector<1x16xf32>,
      %swap3A_68 = vector.shape_cast %swap3A_67 : vector<1x16xf32> to vector<16xf32>
      %swap3A_69 = vector.shape_cast %broadcast_in_dim3A_65 : vector<16xf32> to vector<1x16xf32>
      tpu.vector_store %arg6[%swap3A, %swap3A_66], %swap3A_69 {strides = array<i32>} : memref<88x128xf32, #tpu.memory_space<vmem>>, vector<1x16xf32>,
      %broadcast_in_dim3A_70 = arith.constant 0.000000e+00 : f32
      %broadcast_in_dim3A_71 = vector.broadcast %broadcast_in_dim3A_70 : f32 to vector<16xf32>
      %swap3A_72 = arith.index_cast %scan3A_63 : i32 to index
      %swap3A_73 = arith.constant 0 : index
      %swap3A_74 = tpu.vector_load %arg7[%swap3A_72, %swap3A_73] {strides = array<i32>} : memref<88x128xf32, #tpu.memory_space<vmem>>, vector<1x16xf32>,
      %swap3A_75 = vector.shape_cast %swap3A_74 : vector<1x16xf32> to vector<16xf32>
      %swap3A_76 = vector.shape_cast %broadcast_in_dim3A_71 : vector<16xf32> to vector<1x16xf32>
      tpu.vector_store %arg7[%swap3A_72, %swap3A_73], %swap3A_76 {strides = array<i32>} : memref<88x128xf32, #tpu.memory_space<vmem>>, vector<1x16xf32>,
      %broadcast_in_dim3A_77 = arith.constant 1.000000e+00 : f32
      %broadcast_in_dim3A_78 = vector.broadcast %broadcast_in_dim3A_77 : f32 to vector<16xf32>
      %swap3A_79 = arith.index_cast %scan3A_63 : i32 to index
      %swap3A_80 = arith.constant 16 : index
      %swap3A_81 = tpu.vector_load %arg6[%swap3A_79, %swap3A_80] {strides = array<i32>} : memref<88x128xf32, #tpu.memory_space<vmem>>, vector<1x16xf32>,
      %swap3A_82 = vector.shape_cast %swap3A_81 : vector<1x16xf32> to vector<16xf32>
      %swap3A_83 = vector.shape_cast %broadcast_in_dim3A_78 : vector<16xf32> to vector<1x16xf32>
      tpu.vector_store %arg6[%swap3A_79, %swap3A_80], %swap3A_83 {strides = array<i32>} : memref<88x128xf32, #tpu.memory_space<vmem>>, vector<1x16xf32>,
      %broadcast_in_dim3A_84 = arith.constant 0.000000e+00 : f32
      %broadcast_in_dim3A_85 = vector.broadcast %broadcast_in_dim3A_84 : f32 to vector<16xf32>
      %swap3A_86 = arith.index_cast %scan3A_63 : i32 to index
      %swap3A_87 = arith.constant 16 : index
      %swap3A_88 = tpu.vector_load %arg7[%swap3A_86, %swap3A_87] {strides = array<i32>} : memref<88x128xf32, #tpu.memory_space<vmem>>, vector<1x16xf32>,
      %swap3A_89 = vector.shape_cast %swap3A_88 : vector<1x16xf32> to vector<16xf32>
      %swap3A_90 = vector.shape_cast %broadcast_in_dim3A_85 : vector<16xf32> to vector<1x16xf32>
      tpu.vector_store %arg7[%swap3A_86, %swap3A_87], %swap3A_90 {strides = array<i32>} : memref<88x128xf32, #tpu.memory_space<vmem>>, vector<1x16xf32>,
      %broadcast_in_dim3A_91 = arith.constant 1.000000e+00 : f32
      %broadcast_in_dim3A_92 = vector.broadcast %broadcast_in_dim3A_91 : f32 to vector<16xf32>
      %swap3A_93 = arith.index_cast %scan3A_63 : i32 to index
      %swap3A_94 = arith.constant 32 : index
      %swap3A_95 = tpu.vector_load %arg6[%swap3A_93, %swap3A_94] {strides = array<i32>} : memref<88x128xf32, #tpu.memory_space<vmem>>, vector<1x16xf32>,
      %swap3A_96 = vector.shape_cast %swap3A_95 : vector<1x16xf32> to vector<16xf32>
      %swap3A_97 = vector.shape_cast %broadcast_in_dim3A_92 : vector<16xf32> to vector<1x16xf32>
      tpu.vector_store %arg6[%swap3A_93, %swap3A_94], %swap3A_97 {strides = array<i32>} : memref<88x128xf32, #tpu.memory_space<vmem>>, vector<1x16xf32>,
      %broadcast_in_dim3A_98 = arith.constant 0.000000e+00 : f32
      %broadcast_in_dim3A_99 = vector.broadcast %broadcast_in_dim3A_98 : f32 to vector<16xf32>
      %swap3A_100 = arith.index_cast %scan3A_63 : i32 to index
      %swap3A_101 = arith.constant 32 : index
      %swap3A_102 = tpu.vector_load %arg7[%swap3A_100, %swap3A_101] {strides = array<i32>} : memref<88x128xf32, #tpu.memory_space<vmem>>, vector<1x16xf32>,
      %swap3A_103 = vector.shape_cast %swap3A_102 : vector<1x16xf32> to vector<16xf32>
      %swap3A_104 = vector.shape_cast %broadcast_in_dim3A_99 : vector<16xf32> to vector<1x16xf32>
      tpu.vector_store %arg7[%swap3A_100, %swap3A_101], %swap3A_104 {strides = array<i32>} : memref<88x128xf32, #tpu.memory_space<vmem>>, vector<1x16xf32>,
      %broadcast_in_dim3A_105 = arith.constant 1.000000e+00 : f32
      %broadcast_in_dim3A_106 = vector.broadcast %broadcast_in_dim3A_105 : f32 to vector<16xf32>
      %swap3A_107 = arith.index_cast %scan3A_63 : i32 to index
      %swap3A_108 = arith.constant 48 : index
      %swap3A_109 = tpu.vector_load %arg6[%swap3A_107, %swap3A_108] {strides = array<i32>} : memref<88x128xf32, #tpu.memory_space<vmem>>, vector<1x16xf32>,
      %swap3A_110 = vector.shape_cast %swap3A_109 : vector<1x16xf32> to vector<16xf32>
      %swap3A_111 = vector.shape_cast %broadcast_in_dim3A_106 : vector<16xf32> to vector<1x16xf32>
      tpu.vector_store %arg6[%swap3A_107, %swap3A_108], %swap3A_111 {strides = array<i32>} : memref<88x128xf32, #tpu.memory_space<vmem>>, vector<1x16xf32>,
      %broadcast_in_dim3A_112 = arith.constant 0.000000e+00 : f32
      %broadcast_in_dim3A_113 = vector.broadcast %broadcast_in_dim3A_112 : f32 to vector<16xf32>
      %swap3A_114 = arith.index_cast %scan3A_63 : i32 to index
      %swap3A_115 = arith.constant 48 : index
      %swap3A_116 = tpu.vector_load %arg7[%swap3A_114, %swap3A_115] {strides = array<i32>} : memref<88x128xf32, #tpu.memory_space<vmem>>, vector<1x16xf32>,
      %swap3A_117 = vector.shape_cast %swap3A_116 : vector<1x16xf32> to vector<16xf32>
      %swap3A_118 = vector.shape_cast %broadcast_in_dim3A_113 : vector<16xf32> to vector<1x16xf32>
      tpu.vector_store %arg7[%swap3A_114, %swap3A_115], %swap3A_118 {strides = array<i32>} : memref<88x128xf32, #tpu.memory_space<vmem>>, vector<1x16xf32>,
      %broadcast_in_dim3A_119 = arith.constant 1.000000e+00 : f32
      %broadcast_in_dim3A_120 = vector.broadcast %broadcast_in_dim3A_119 : f32 to vector<16xf32>
      %swap3A_121 = arith.index_cast %scan3A_63 : i32 to index
      %swap3A_122 = arith.constant 64 : index
      %swap3A_123 = tpu.vector_load %arg6[%swap3A_121, %swap3A_122] {strides = array<i32>} : memref<88x128xf32, #tpu.memory_space<vmem>>, vector<1x16xf32>,
      %swap3A_124 = vector.shape_cast %swap3A_123 : vector<1x16xf32> to vector<16xf32>
      %swap3A_125 = vector.shape_cast %broadcast_in_dim3A_120 : vector<16xf32> to vector<1x16xf32>
      tpu.vector_store %arg6[%swap3A_121, %swap3A_122], %swap3A_125 {strides = array<i32>} : memref<88x128xf32, #tpu.memory_space<vmem>>, vector<1x16xf32>,
      %broadcast_in_dim3A_126 = arith.constant 0.000000e+00 : f32
      %broadcast_in_dim3A_127 = vector.broadcast %broadcast_in_dim3A_126 : f32 to vector<16xf32>
      %swap3A_128 = arith.index_cast %scan3A_63 : i32 to index
      %swap3A_129 = arith.constant 64 : index
      %swap3A_130 = tpu.vector_load %arg7[%swap3A_128, %swap3A_129] {strides = array<i32>} : memref<88x128xf32, #tpu.memory_space<vmem>>, vector<1x16xf32>,
      %swap3A_131 = vector.shape_cast %swap3A_130 : vector<1x16xf32> to vector<16xf32>
      %swap3A_132 = vector.shape_cast %broadcast_in_dim3A_127 : vector<16xf32> to vector<1x16xf32>
      tpu.vector_store %arg7[%swap3A_128, %swap3A_129], %swap3A_132 {strides = array<i32>} : memref<88x128xf32, #tpu.memory_space<vmem>>, vector<1x16xf32>,
      %broadcast_in_dim3A_133 = arith.constant 1.000000e+00 : f32
      %broadcast_in_dim3A_134 = vector.broadcast %broadcast_in_dim3A_133 : f32 to vector<16xf32>
      %swap3A_135 = arith.index_cast %scan3A_63 : i32 to index
      %swap3A_136 = arith.constant 80 : index
      %swap3A_137 = tpu.vector_load %arg6[%swap3A_135, %swap3A_136] {strides = array<i32>} : memref<88x128xf32, #tpu.memory_space<vmem>>, vector<1x16xf32>,
      %swap3A_138 = vector.shape_cast %swap3A_137 : vector<1x16xf32> to vector<16xf32>
      %swap3A_139 = vector.shape_cast %broadcast_in_dim3A_134 : vector<16xf32> to vector<1x16xf32>
      tpu.vector_store %arg6[%swap3A_135, %swap3A_136], %swap3A_139 {strides = array<i32>} : memref<88x128xf32, #tpu.memory_space<vmem>>, vector<1x16xf32>,
      %broadcast_in_dim3A_140 = arith.constant 0.000000e+00 : f32
      %broadcast_in_dim3A_141 = vector.broadcast %broadcast_in_dim3A_140 : f32 to vector<16xf32>
      %swap3A_142 = arith.index_cast %scan3A_63 : i32 to index
      %swap3A_143 = arith.constant 80 : index
      %swap3A_144 = tpu.vector_load %arg7[%swap3A_142, %swap3A_143] {strides = array<i32>} : memref<88x128xf32, #tpu.memory_space<vmem>>, vector<1x16xf32>,
      %swap3A_145 = vector.shape_cast %swap3A_144 : vector<1x16xf32> to vector<16xf32>
      %swap3A_146 = vector.shape_cast %broadcast_in_dim3A_141 : vector<16xf32> to vector<1x16xf32>
      tpu.vector_store %arg7[%swap3A_142, %swap3A_143], %swap3A_146 {strides = array<i32>} : memref<88x128xf32, #tpu.memory_space<vmem>>, vector<1x16xf32>,
      %broadcast_in_dim3A_147 = arith.constant 1.000000e+00 : f32
      %broadcast_in_dim3A_148 = vector.broadcast %broadcast_in_dim3A_147 : f32 to vector<16xf32>
      %swap3A_149 = arith.index_cast %scan3A_63 : i32 to index
      %swap3A_150 = arith.constant 96 : index
      %swap3A_151 = tpu.vector_load %arg6[%swap3A_149, %swap3A_150] {strides = array<i32>} : memref<88x128xf32, #tpu.memory_space<vmem>>, vector<1x16xf32>,
      %swap3A_152 = vector.shape_cast %swap3A_151 : vector<1x16xf32> to vector<16xf32>
      %swap3A_153 = vector.shape_cast %broadcast_in_dim3A_148 : vector<16xf32> to vector<1x16xf32>
      tpu.vector_store %arg6[%swap3A_149, %swap3A_150], %swap3A_153 {strides = array<i32>} : memref<88x128xf32, #tpu.memory_space<vmem>>, vector<1x16xf32>,
      %broadcast_in_dim3A_154 = arith.constant 0.000000e+00 : f32
      %broadcast_in_dim3A_155 = vector.broadcast %broadcast_in_dim3A_154 : f32 to vector<16xf32>
      %swap3A_156 = arith.index_cast %scan3A_63 : i32 to index
      %swap3A_157 = arith.constant 96 : index
      %swap3A_158 = tpu.vector_load %arg7[%swap3A_156, %swap3A_157] {strides = array<i32>} : memref<88x128xf32, #tpu.memory_space<vmem>>, vector<1x16xf32>,
      %swap3A_159 = vector.shape_cast %swap3A_158 : vector<1x16xf32> to vector<16xf32>
      %swap3A_160 = vector.shape_cast %broadcast_in_dim3A_155 : vector<16xf32> to vector<1x16xf32>
      tpu.vector_store %arg7[%swap3A_156, %swap3A_157], %swap3A_160 {strides = array<i32>} : memref<88x128xf32, #tpu.memory_space<vmem>>, vector<1x16xf32>,
      %broadcast_in_dim3A_161 = arith.constant 1.000000e+00 : f32
      %broadcast_in_dim3A_162 = vector.broadcast %broadcast_in_dim3A_161 : f32 to vector<16xf32>
      %swap3A_163 = arith.index_cast %scan3A_63 : i32 to index
      %swap3A_164 = arith.constant 112 : index
      %swap3A_165 = tpu.vector_load %arg6[%swap3A_163, %swap3A_164] {strides = array<i32>} : memref<88x128xf32, #tpu.memory_space<vmem>>, vector<1x16xf32>,
      %swap3A_166 = vector.shape_cast %swap3A_165 : vector<1x16xf32> to vector<16xf32>
      %swap3A_167 = vector.shape_cast %broadcast_in_dim3A_162 : vector<16xf32> to vector<1x16xf32>
      tpu.vector_store %arg6[%swap3A_163, %swap3A_164], %swap3A_167 {strides = array<i32>} : memref<88x128xf32, #tpu.memory_space<vmem>>, vector<1x16xf32>,
      %broadcast_in_dim3A_168 = arith.constant 0.000000e+00 : f32
      %broadcast_in_dim3A_169 = vector.broadcast %broadcast_in_dim3A_168 : f32 to vector<16xf32>
      %swap3A_170 = arith.index_cast %scan3A_63 : i32 to index
      %swap3A_171 = arith.constant 112 : index
      %swap3A_172 = tpu.vector_load %arg7[%swap3A_170, %swap3A_171] {strides = array<i32>} : memref<88x128xf32, #tpu.memory_space<vmem>>, vector<1x16xf32>,
      %swap3A_173 = vector.shape_cast %swap3A_172 : vector<1x16xf32> to vector<16xf32>
      %swap3A_174 = vector.shape_cast %broadcast_in_dim3A_169 : vector<16xf32> to vector<1x16xf32>
      tpu.vector_store %arg7[%swap3A_170, %swap3A_171], %swap3A_174 {strides = array<i32>} : memref<88x128xf32, #tpu.memory_space<vmem>>, vector<1x16xf32>,
      %scan3A_175 = arith.constant 0 : i32
      scf.yield %scan3A_175 : i32
    }
    %scan3A_5 = arith.constant 88 : i32
    %mul3A = arith.constant 640 : i32
    %mul3A_6 = arith.muli %arg1, %mul3A : i32
    %add3A = arith.constant 0 : i32
    %add3A_7 = arith.addi %mul3A_6, %add3A : i32
    "tpu.region"() ({
      %run_scoped3A = tpu.sem_alloc : memref<!tpu.dma_semaphore, #tpu.memory_space<semaphore_mem>>
      %dma_start3A_63 = arith.constant 0 : i32
      %dma_start3A_64 = arith.constant 0 : i32
      %dma_start3A_65 = tpu.memref_slice %arg7[%dma_start3A_63, %dma_start3A_64] : memref<88x128xf32, #tpu.memory_space<vmem>> -> memref<88x128xf32, #tpu.memory_space<vmem>>
      %dma_start3A_66 = arith.constant 0 : i32
      %dma_start3A_67 = tpu.memref_slice %arg8[%add3A_7, %dma_start3A_66] : memref<10240x128xf32, #tpu.memory_space<vmem_shared>> -> memref<88x128xf32, #tpu.memory_space<vmem_shared>>
      %dma_start3A_68 = arith.constant 0 : i32
      %dma_start3A_69 = tpu.memref_slice %arg8[%add3A_7, %dma_start3A_68] : memref<10240x128xf32, #tpu.memory_space<vmem_shared>> -> memref<88x128xf32, #tpu.memory_space<vmem_shared>>
      %dma_start3A_70 = arith.constant 0 : i32
      %dma_start3A_71 = arith.constant 0 : i32
      %dma_start3A_72 = tpu.memref_slice %arg7[%dma_start3A_70, %dma_start3A_71] : memref<88x128xf32, #tpu.memory_space<vmem>> -> memref<88x128xf32, #tpu.memory_space<vmem>>
      tpu.enqueue_dma source(%dma_start3A_72 : memref<88x128xf32, #tpu.memory_space<vmem>>) target(%dma_start3A_69 : memref<88x128xf32, #tpu.memory_space<vmem_shared>>) target_semaphore(%run_scoped3A : memref<!tpu.dma_semaphore, #tpu.memory_space<semaphore_mem>>)
      %dma_wait3A = arith.constant 0 : i32
      %dma_wait3A_73 = arith.constant 0 : i32
      %dma_wait3A_74 = tpu.memref_slice %arg7[%dma_wait3A, %dma_wait3A_73] : memref<88x128xf32, #tpu.memory_space<vmem>> -> memref<88x128xf32, #tpu.memory_space<vmem>>
      %dma_wait3A_75 = arith.constant 0 : i32
      %dma_wait3A_76 = tpu.memref_slice %arg8[%add3A_7, %dma_wait3A_75] : memref<10240x128xf32, #tpu.memory_space<vmem_shared>> -> memref<88x128xf32, #tpu.memory_space<vmem_shared>>
      %dma_wait3A_77 = arith.constant 0 : i32
      %dma_wait3A_78 = tpu.memref_slice %arg8[%add3A_7, %dma_wait3A_77] : memref<10240x128xf32, #tpu.memory_space<vmem_shared>> -> memref<88x128xf32, #tpu.memory_space<vmem_shared>>
      %dma_wait3A_79 = arith.constant 0 : i32
      %dma_wait3A_80 = arith.constant 0 : i32
      %dma_wait3A_81 = tpu.memref_slice %arg7[%dma_wait3A_79, %dma_wait3A_80] : memref<88x128xf32, #tpu.memory_space<vmem>> -> memref<88x128xf32, #tpu.memory_space<vmem>>
      tpu.wait_dma2 semaphore(%run_scoped3A : memref<!tpu.dma_semaphore, #tpu.memory_space<semaphore_mem>>) src(%dma_wait3A_81 : memref<88x128xf32, #tpu.memory_space<vmem>>) dst(%dma_wait3A_78 : memref<88x128xf32, #tpu.memory_space<vmem_shared>>)
      tpu.yield
    }) : () -> ()
    %mul3A_8 = arith.constant 640 : i32
    %mul3A_9 = arith.muli %arg1, %mul3A_8 : i32
    %add3A_10 = arith.constant 88 : i32
    %add3A_11 = arith.addi %mul3A_9, %add3A_10 : i32
    "tpu.region"() ({
      %run_scoped3A = tpu.sem_alloc : memref<!tpu.dma_semaphore, #tpu.memory_space<semaphore_mem>>
      %dma_start3A_63 = arith.constant 0 : i32
      %dma_start3A_64 = arith.constant 0 : i32
      %dma_start3A_65 = tpu.memref_slice %arg7[%dma_start3A_63, %dma_start3A_64] : memref<88x128xf32, #tpu.memory_space<vmem>> -> memref<88x128xf32, #tpu.memory_space<vmem>>
      %dma_start3A_66 = arith.constant 0 : i32
      %dma_start3A_67 = tpu.memref_slice %arg8[%add3A_11, %dma_start3A_66] : memref<10240x128xf32, #tpu.memory_space<vmem_shared>> -> memref<88x128xf32, #tpu.memory_space<vmem_shared>>
      %dma_start3A_68 = arith.constant 0 : i32
      %dma_start3A_69 = tpu.memref_slice %arg8[%add3A_11, %dma_start3A_68] : memref<10240x128xf32, #tpu.memory_space<vmem_shared>> -> memref<88x128xf32, #tpu.memory_space<vmem_shared>>
      %dma_start3A_70 = arith.constant 0 : i32
      %dma_start3A_71 = arith.constant 0 : i32
      %dma_start3A_72 = tpu.memref_slice %arg7[%dma_start3A_70, %dma_start3A_71] : memref<88x128xf32, #tpu.memory_space<vmem>> -> memref<88x128xf32, #tpu.memory_space<vmem>>
      tpu.enqueue_dma source(%dma_start3A_72 : memref<88x128xf32, #tpu.memory_space<vmem>>) target(%dma_start3A_69 : memref<88x128xf32, #tpu.memory_space<vmem_shared>>) target_semaphore(%run_scoped3A : memref<!tpu.dma_semaphore, #tpu.memory_space<semaphore_mem>>)
      %dma_wait3A = arith.constant 0 : i32
      %dma_wait3A_73 = arith.constant 0 : i32
      %dma_wait3A_74 = tpu.memref_slice %arg7[%dma_wait3A, %dma_wait3A_73] : memref<88x128xf32, #tpu.memory_space<vmem>> -> memref<88x128xf32, #tpu.memory_space<vmem>>
      %dma_wait3A_75 = arith.constant 0 : i32
      %dma_wait3A_76 = tpu.memref_slice %arg8[%add3A_11, %dma_wait3A_75] : memref<10240x128xf32, #tpu.memory_space<vmem_shared>> -> memref<88x128xf32, #tpu.memory_space<vmem_shared>>
      %dma_wait3A_77 = arith.constant 0 : i32
      %dma_wait3A_78 = tpu.memref_slice %arg8[%add3A_11, %dma_wait3A_77] : memref<10240x128xf32, #tpu.memory_space<vmem_shared>> -> memref<88x128xf32, #tpu.memory_space<vmem_shared>>
      %dma_wait3A_79 = arith.constant 0 : i32
      %dma_wait3A_80 = arith.constant 0 : i32
      %dma_wait3A_81 = tpu.memref_slice %arg7[%dma_wait3A_79, %dma_wait3A_80] : memref<88x128xf32, #tpu.memory_space<vmem>> -> memref<88x128xf32, #tpu.memory_space<vmem>>
      tpu.wait_dma2 semaphore(%run_scoped3A : memref<!tpu.dma_semaphore, #tpu.memory_space<semaphore_mem>>) src(%dma_wait3A_81 : memref<88x128xf32, #tpu.memory_space<vmem>>) dst(%dma_wait3A_78 : memref<88x128xf32, #tpu.memory_space<vmem_shared>>)
      tpu.yield
    }) : () -> ()
    %mul3A_12 = arith.constant 640 : i32
    %mul3A_13 = arith.muli %arg1, %mul3A_12 : i32
    %add3A_14 = arith.constant 176 : i32
    %add3A_15 = arith.addi %mul3A_13, %add3A_14 : i32
    "tpu.region"() ({
      %run_scoped3A = tpu.sem_alloc : memref<!tpu.dma_semaphore, #tpu.memory_space<semaphore_mem>>
      %dma_start3A_63 = arith.constant 0 : i32
      %dma_start3A_64 = arith.constant 0 : i32
      %dma_start3A_65 = tpu.memref_slice %arg7[%dma_start3A_63, %dma_start3A_64] : memref<88x128xf32, #tpu.memory_space<vmem>> -> memref<88x128xf32, #tpu.memory_space<vmem>>
      %dma_start3A_66 = arith.constant 0 : i32
      %dma_start3A_67 = tpu.memref_slice %arg8[%add3A_15, %dma_start3A_66] : memref<10240x128xf32, #tpu.memory_space<vmem_shared>> -> memref<88x128xf32, #tpu.memory_space<vmem_shared>>
      %dma_start3A_68 = arith.constant 0 : i32
      %dma_start3A_69 = tpu.memref_slice %arg8[%add3A_15, %dma_start3A_68] : memref<10240x128xf32, #tpu.memory_space<vmem_shared>> -> memref<88x128xf32, #tpu.memory_space<vmem_shared>>
      %dma_start3A_70 = arith.constant 0 : i32
      %dma_start3A_71 = arith.constant 0 : i32
      %dma_start3A_72 = tpu.memref_slice %arg7[%dma_start3A_70, %dma_start3A_71] : memref<88x128xf32, #tpu.memory_space<vmem>> -> memref<88x128xf32, #tpu.memory_space<vmem>>
      tpu.enqueue_dma source(%dma_start3A_72 : memref<88x128xf32, #tpu.memory_space<vmem>>) target(%dma_start3A_69 : memref<88x128xf32, #tpu.memory_space<vmem_shared>>) target_semaphore(%run_scoped3A : memref<!tpu.dma_semaphore, #tpu.memory_space<semaphore_mem>>)
      %dma_wait3A = arith.constant 0 : i32
      %dma_wait3A_73 = arith.constant 0 : i32
      %dma_wait3A_74 = tpu.memref_slice %arg7[%dma_wait3A, %dma_wait3A_73] : memref<88x128xf32, #tpu.memory_space<vmem>> -> memref<88x128xf32, #tpu.memory_space<vmem>>
      %dma_wait3A_75 = arith.constant 0 : i32
      %dma_wait3A_76 = tpu.memref_slice %arg8[%add3A_15, %dma_wait3A_75] : memref<10240x128xf32, #tpu.memory_space<vmem_shared>> -> memref<88x128xf32, #tpu.memory_space<vmem_shared>>
      %dma_wait3A_77 = arith.constant 0 : i32
      %dma_wait3A_78 = tpu.memref_slice %arg8[%add3A_15, %dma_wait3A_77] : memref<10240x128xf32, #tpu.memory_space<vmem_shared>> -> memref<88x128xf32, #tpu.memory_space<vmem_shared>>
      %dma_wait3A_79 = arith.constant 0 : i32
      %dma_wait3A_80 = arith.constant 0 : i32
      %dma_wait3A_81 = tpu.memref_slice %arg7[%dma_wait3A_79, %dma_wait3A_80] : memref<88x128xf32, #tpu.memory_space<vmem>> -> memref<88x128xf32, #tpu.memory_space<vmem>>
      tpu.wait_dma2 semaphore(%run_scoped3A : memref<!tpu.dma_semaphore, #tpu.memory_space<semaphore_mem>>) src(%dma_wait3A_81 : memref<88x128xf32, #tpu.memory_space<vmem>>) dst(%dma_wait3A_78 : memref<88x128xf32, #tpu.memory_space<vmem_shared>>)
      tpu.yield
    }) : () -> ()
    %mul3A_16 = arith.constant 640 : i32
    %mul3A_17 = arith.muli %arg1, %mul3A_16 : i32
    %add3A_18 = arith.constant 264 : i32
    %add3A_19 = arith.addi %mul3A_17, %add3A_18 : i32
    "tpu.region"() ({
      %run_scoped3A = tpu.sem_alloc : memref<!tpu.dma_semaphore, #tpu.memory_space<semaphore_mem>>
      %dma_start3A_63 = arith.constant 0 : i32
      %dma_start3A_64 = arith.constant 0 : i32
      %dma_start3A_65 = tpu.memref_slice %arg7[%dma_start3A_63, %dma_start3A_64] : memref<88x128xf32, #tpu.memory_space<vmem>> -> memref<88x128xf32, #tpu.memory_space<vmem>>
      %dma_start3A_66 = arith.constant 0 : i32
      %dma_start3A_67 = tpu.memref_slice %arg8[%add3A_19, %dma_start3A_66] : memref<10240x128xf32, #tpu.memory_space<vmem_shared>> -> memref<88x128xf32, #tpu.memory_space<vmem_shared>>
      %dma_start3A_68 = arith.constant 0 : i32
      %dma_start3A_69 = tpu.memref_slice %arg8[%add3A_19, %dma_start3A_68] : memref<10240x128xf32, #tpu.memory_space<vmem_shared>> -> memref<88x128xf32, #tpu.memory_space<vmem_shared>>
      %dma_start3A_70 = arith.constant 0 : i32
      %dma_start3A_71 = arith.constant 0 : i32
      %dma_start3A_72 = tpu.memref_slice %arg7[%dma_start3A_70, %dma_start3A_71] : memref<88x128xf32, #tpu.memory_space<vmem>> -> memref<88x128xf32, #tpu.memory_space<vmem>>
      tpu.enqueue_dma source(%dma_start3A_72 : memref<88x128xf32, #tpu.memory_space<vmem>>) target(%dma_start3A_69 : memref<88x128xf32, #tpu.memory_space<vmem_shared>>) target_semaphore(%run_scoped3A : memref<!tpu.dma_semaphore, #tpu.memory_space<semaphore_mem>>)
      %dma_wait3A = arith.constant 0 : i32
      %dma_wait3A_73 = arith.constant 0 : i32
      %dma_wait3A_74 = tpu.memref_slice %arg7[%dma_wait3A, %dma_wait3A_73] : memref<88x128xf32, #tpu.memory_space<vmem>> -> memref<88x128xf32, #tpu.memory_space<vmem>>
      %dma_wait3A_75 = arith.constant 0 : i32
      %dma_wait3A_76 = tpu.memref_slice %arg8[%add3A_19, %dma_wait3A_75] : memref<10240x128xf32, #tpu.memory_space<vmem_shared>> -> memref<88x128xf32, #tpu.memory_space<vmem_shared>>
      %dma_wait3A_77 = arith.constant 0 : i32
      %dma_wait3A_78 = tpu.memref_slice %arg8[%add3A_19, %dma_wait3A_77] : memref<10240x128xf32, #tpu.memory_space<vmem_shared>> -> memref<88x128xf32, #tpu.memory_space<vmem_shared>>
      %dma_wait3A_79 = arith.constant 0 : i32
      %dma_wait3A_80 = arith.constant 0 : i32
      %dma_wait3A_81 = tpu.memref_slice %arg7[%dma_wait3A_79, %dma_wait3A_80] : memref<88x128xf32, #tpu.memory_space<vmem>> -> memref<88x128xf32, #tpu.memory_space<vmem>>
      tpu.wait_dma2 semaphore(%run_scoped3A : memref<!tpu.dma_semaphore, #tpu.memory_space<semaphore_mem>>) src(%dma_wait3A_81 : memref<88x128xf32, #tpu.memory_space<vmem>>) dst(%dma_wait3A_78 : memref<88x128xf32, #tpu.memory_space<vmem_shared>>)
      tpu.yield
    }) : () -> ()
    %mul3A_20 = arith.constant 640 : i32
    %mul3A_21 = arith.muli %arg1, %mul3A_20 : i32
    %add3A_22 = arith.constant 352 : i32
    %add3A_23 = arith.addi %mul3A_21, %add3A_22 : i32
    "tpu.region"() ({
      %run_scoped3A = tpu.sem_alloc : memref<!tpu.dma_semaphore, #tpu.memory_space<semaphore_mem>>
      %dma_start3A_63 = arith.constant 0 : i32
      %dma_start3A_64 = arith.constant 0 : i32
      %dma_start3A_65 = tpu.memref_slice %arg7[%dma_start3A_63, %dma_start3A_64] : memref<88x128xf32, #tpu.memory_space<vmem>> -> memref<88x128xf32, #tpu.memory_space<vmem>>
      %dma_start3A_66 = arith.constant 0 : i32
      %dma_start3A_67 = tpu.memref_slice %arg8[%add3A_23, %dma_start3A_66] : memref<10240x128xf32, #tpu.memory_space<vmem_shared>> -> memref<88x128xf32, #tpu.memory_space<vmem_shared>>
      %dma_start3A_68 = arith.constant 0 : i32
      %dma_start3A_69 = tpu.memref_slice %arg8[%add3A_23, %dma_start3A_68] : memref<10240x128xf32, #tpu.memory_space<vmem_shared>> -> memref<88x128xf32, #tpu.memory_space<vmem_shared>>
      %dma_start3A_70 = arith.constant 0 : i32
      %dma_start3A_71 = arith.constant 0 : i32
      %dma_start3A_72 = tpu.memref_slice %arg7[%dma_start3A_70, %dma_start3A_71] : memref<88x128xf32, #tpu.memory_space<vmem>> -> memref<88x128xf32, #tpu.memory_space<vmem>>
      tpu.enqueue_dma source(%dma_start3A_72 : memref<88x128xf32, #tpu.memory_space<vmem>>) target(%dma_start3A_69 : memref<88x128xf32, #tpu.memory_space<vmem_shared>>) target_semaphore(%run_scoped3A : memref<!tpu.dma_semaphore, #tpu.memory_space<semaphore_mem>>)
      %dma_wait3A = arith.constant 0 : i32
      %dma_wait3A_73 = arith.constant 0 : i32
      %dma_wait3A_74 = tpu.memref_slice %arg7[%dma_wait3A, %dma_wait3A_73] : memref<88x128xf32, #tpu.memory_space<vmem>> -> memref<88x128xf32, #tpu.memory_space<vmem>>
      %dma_wait3A_75 = arith.constant 0 : i32
      %dma_wait3A_76 = tpu.memref_slice %arg8[%add3A_23, %dma_wait3A_75] : memref<10240x128xf32, #tpu.memory_space<vmem_shared>> -> memref<88x128xf32, #tpu.memory_space<vmem_shared>>
      %dma_wait3A_77 = arith.constant 0 : i32
      %dma_wait3A_78 = tpu.memref_slice %arg8[%add3A_23, %dma_wait3A_77] : memref<10240x128xf32, #tpu.memory_space<vmem_shared>> -> memref<88x128xf32, #tpu.memory_space<vmem_shared>>
      %dma_wait3A_79 = arith.constant 0 : i32
      %dma_wait3A_80 = arith.constant 0 : i32
      %dma_wait3A_81 = tpu.memref_slice %arg7[%dma_wait3A_79, %dma_wait3A_80] : memref<88x128xf32, #tpu.memory_space<vmem>> -> memref<88x128xf32, #tpu.memory_space<vmem>>
      tpu.wait_dma2 semaphore(%run_scoped3A : memref<!tpu.dma_semaphore, #tpu.memory_space<semaphore_mem>>) src(%dma_wait3A_81 : memref<88x128xf32, #tpu.memory_space<vmem>>) dst(%dma_wait3A_78 : memref<88x128xf32, #tpu.memory_space<vmem_shared>>)
      tpu.yield
    }) : () -> ()
    %mul3A_24 = arith.constant 640 : i32
    %mul3A_25 = arith.muli %arg1, %mul3A_24 : i32
    %add3A_26 = arith.constant 440 : i32
    %add3A_27 = arith.addi %mul3A_25, %add3A_26 : i32
    "tpu.region"() ({
      %run_scoped3A = tpu.sem_alloc : memref<!tpu.dma_semaphore, #tpu.memory_space<semaphore_mem>>
      %dma_start3A_63 = arith.constant 0 : i32
      %dma_start3A_64 = arith.constant 0 : i32
      %dma_start3A_65 = tpu.memref_slice %arg7[%dma_start3A_63, %dma_start3A_64] : memref<88x128xf32, #tpu.memory_space<vmem>> -> memref<88x128xf32, #tpu.memory_space<vmem>>
      %dma_start3A_66 = arith.constant 0 : i32
      %dma_start3A_67 = tpu.memref_slice %arg8[%add3A_27, %dma_start3A_66] : memref<10240x128xf32, #tpu.memory_space<vmem_shared>> -> memref<88x128xf32, #tpu.memory_space<vmem_shared>>
      %dma_start3A_68 = arith.constant 0 : i32
      %dma_start3A_69 = tpu.memref_slice %arg8[%add3A_27, %dma_start3A_68] : memref<10240x128xf32, #tpu.memory_space<vmem_shared>> -> memref<88x128xf32, #tpu.memory_space<vmem_shared>>
      %dma_start3A_70 = arith.constant 0 : i32
      %dma_start3A_71 = arith.constant 0 : i32
      %dma_start3A_72 = tpu.memref_slice %arg7[%dma_start3A_70, %dma_start3A_71] : memref<88x128xf32, #tpu.memory_space<vmem>> -> memref<88x128xf32, #tpu.memory_space<vmem>>
      tpu.enqueue_dma source(%dma_start3A_72 : memref<88x128xf32, #tpu.memory_space<vmem>>) target(%dma_start3A_69 : memref<88x128xf32, #tpu.memory_space<vmem_shared>>) target_semaphore(%run_scoped3A : memref<!tpu.dma_semaphore, #tpu.memory_space<semaphore_mem>>)
      %dma_wait3A = arith.constant 0 : i32
      %dma_wait3A_73 = arith.constant 0 : i32
      %dma_wait3A_74 = tpu.memref_slice %arg7[%dma_wait3A, %dma_wait3A_73] : memref<88x128xf32, #tpu.memory_space<vmem>> -> memref<88x128xf32, #tpu.memory_space<vmem>>
      %dma_wait3A_75 = arith.constant 0 : i32
      %dma_wait3A_76 = tpu.memref_slice %arg8[%add3A_27, %dma_wait3A_75] : memref<10240x128xf32, #tpu.memory_space<vmem_shared>> -> memref<88x128xf32, #tpu.memory_space<vmem_shared>>
      %dma_wait3A_77 = arith.constant 0 : i32
      %dma_wait3A_78 = tpu.memref_slice %arg8[%add3A_27, %dma_wait3A_77] : memref<10240x128xf32, #tpu.memory_space<vmem_shared>> -> memref<88x128xf32, #tpu.memory_space<vmem_shared>>
      %dma_wait3A_79 = arith.constant 0 : i32
      %dma_wait3A_80 = arith.constant 0 : i32
      %dma_wait3A_81 = tpu.memref_slice %arg7[%dma_wait3A_79, %dma_wait3A_80] : memref<88x128xf32, #tpu.memory_space<vmem>> -> memref<88x128xf32, #tpu.memory_space<vmem>>
      tpu.wait_dma2 semaphore(%run_scoped3A : memref<!tpu.dma_semaphore, #tpu.memory_space<semaphore_mem>>) src(%dma_wait3A_81 : memref<88x128xf32, #tpu.memory_space<vmem>>) dst(%dma_wait3A_78 : memref<88x128xf32, #tpu.memory_space<vmem_shared>>)
      tpu.yield
    }) : () -> ()
    %mul3A_28 = arith.constant 640 : i32
    %mul3A_29 = arith.muli %arg1, %mul3A_28 : i32
    %add3A_30 = arith.constant 528 : i32
    %add3A_31 = arith.addi %mul3A_29, %add3A_30 : i32
    "tpu.region"() ({
      %run_scoped3A = tpu.sem_alloc : memref<!tpu.dma_semaphore, #tpu.memory_space<semaphore_mem>>
      %dma_start3A_63 = arith.constant 0 : i32
      %dma_start3A_64 = arith.constant 0 : i32
      %dma_start3A_65 = tpu.memref_slice %arg7[%dma_start3A_63, %dma_start3A_64] : memref<88x128xf32, #tpu.memory_space<vmem>> -> memref<88x128xf32, #tpu.memory_space<vmem>>
      %dma_start3A_66 = arith.constant 0 : i32
      %dma_start3A_67 = tpu.memref_slice %arg8[%add3A_31, %dma_start3A_66] : memref<10240x128xf32, #tpu.memory_space<vmem_shared>> -> memref<88x128xf32, #tpu.memory_space<vmem_shared>>
      %dma_start3A_68 = arith.constant 0 : i32
      %dma_start3A_69 = tpu.memref_slice %arg8[%add3A_31, %dma_start3A_68] : memref<10240x128xf32, #tpu.memory_space<vmem_shared>> -> memref<88x128xf32, #tpu.memory_space<vmem_shared>>
      %dma_start3A_70 = arith.constant 0 : i32
      %dma_start3A_71 = arith.constant 0 : i32
      %dma_start3A_72 = tpu.memref_slice %arg7[%dma_start3A_70, %dma_start3A_71] : memref<88x128xf32, #tpu.memory_space<vmem>> -> memref<88x128xf32, #tpu.memory_space<vmem>>
      tpu.enqueue_dma source(%dma_start3A_72 : memref<88x128xf32, #tpu.memory_space<vmem>>) target(%dma_start3A_69 : memref<88x128xf32, #tpu.memory_space<vmem_shared>>) target_semaphore(%run_scoped3A : memref<!tpu.dma_semaphore, #tpu.memory_space<semaphore_mem>>)
      %dma_wait3A = arith.constant 0 : i32
      %dma_wait3A_73 = arith.constant 0 : i32
      %dma_wait3A_74 = tpu.memref_slice %arg7[%dma_wait3A, %dma_wait3A_73] : memref<88x128xf32, #tpu.memory_space<vmem>> -> memref<88x128xf32, #tpu.memory_space<vmem>>
      %dma_wait3A_75 = arith.constant 0 : i32
      %dma_wait3A_76 = tpu.memref_slice %arg8[%add3A_31, %dma_wait3A_75] : memref<10240x128xf32, #tpu.memory_space<vmem_shared>> -> memref<88x128xf32, #tpu.memory_space<vmem_shared>>
      %dma_wait3A_77 = arith.constant 0 : i32
      %dma_wait3A_78 = tpu.memref_slice %arg8[%add3A_31, %dma_wait3A_77] : memref<10240x128xf32, #tpu.memory_space<vmem_shared>> -> memref<88x128xf32, #tpu.memory_space<vmem_shared>>
      %dma_wait3A_79 = arith.constant 0 : i32
      %dma_wait3A_80 = arith.constant 0 : i32
      %dma_wait3A_81 = tpu.memref_slice %arg7[%dma_wait3A_79, %dma_wait3A_80] : memref<88x128xf32, #tpu.memory_space<vmem>> -> memref<88x128xf32, #tpu.memory_space<vmem>>
      tpu.wait_dma2 semaphore(%run_scoped3A : memref<!tpu.dma_semaphore, #tpu.memory_space<semaphore_mem>>) src(%dma_wait3A_81 : memref<88x128xf32, #tpu.memory_space<vmem>>) dst(%dma_wait3A_78 : memref<88x128xf32, #tpu.memory_space<vmem_shared>>)
      tpu.yield
    }) : () -> ()
    %mul3A_32 = arith.constant 640 : i32
    %mul3A_33 = arith.muli %arg1, %mul3A_32 : i32
    %add3A_34 = arith.constant 616 : i32
    %add3A_35 = arith.addi %mul3A_33, %add3A_34 : i32
    "tpu.region"() ({
      %run_scoped3A = tpu.sem_alloc : memref<!tpu.dma_semaphore, #tpu.memory_space<semaphore_mem>>
      %dma_start3A_63 = arith.constant 0 : i32
      %dma_start3A_64 = arith.constant 0 : i32
      %dma_start3A_65 = tpu.memref_slice %arg7[%dma_start3A_63, %dma_start3A_64] : memref<88x128xf32, #tpu.memory_space<vmem>> -> memref<24x128xf32, #tpu.memory_space<vmem>>
      %dma_start3A_66 = arith.constant 0 : i32
      %dma_start3A_67 = tpu.memref_slice %arg8[%add3A_35, %dma_start3A_66] : memref<10240x128xf32, #tpu.memory_space<vmem_shared>> -> memref<24x128xf32, #tpu.memory_space<vmem_shared>>
      %dma_start3A_68 = arith.constant 0 : i32
      %dma_start3A_69 = tpu.memref_slice %arg8[%add3A_35, %dma_start3A_68] : memref<10240x128xf32, #tpu.memory_space<vmem_shared>> -> memref<24x128xf32, #tpu.memory_space<vmem_shared>>
      %dma_start3A_70 = arith.constant 0 : i32
      %dma_start3A_71 = arith.constant 0 : i32
      %dma_start3A_72 = tpu.memref_slice %arg7[%dma_start3A_70, %dma_start3A_71] : memref<88x128xf32, #tpu.memory_space<vmem>> -> memref<24x128xf32, #tpu.memory_space<vmem>>
      tpu.enqueue_dma source(%dma_start3A_72 : memref<24x128xf32, #tpu.memory_space<vmem>>) target(%dma_start3A_69 : memref<24x128xf32, #tpu.memory_space<vmem_shared>>) target_semaphore(%run_scoped3A : memref<!tpu.dma_semaphore, #tpu.memory_space<semaphore_mem>>)
      %dma_wait3A = arith.constant 0 : i32
      %dma_wait3A_73 = arith.constant 0 : i32
      %dma_wait3A_74 = tpu.memref_slice %arg7[%dma_wait3A, %dma_wait3A_73] : memref<88x128xf32, #tpu.memory_space<vmem>> -> memref<24x128xf32, #tpu.memory_space<vmem>>
      %dma_wait3A_75 = arith.constant 0 : i32
      %dma_wait3A_76 = tpu.memref_slice %arg8[%add3A_35, %dma_wait3A_75] : memref<10240x128xf32, #tpu.memory_space<vmem_shared>> -> memref<24x128xf32, #tpu.memory_space<vmem_shared>>
      %dma_wait3A_77 = arith.constant 0 : i32
      %dma_wait3A_78 = tpu.memref_slice %arg8[%add3A_35, %dma_wait3A_77] : memref<10240x128xf32, #tpu.memory_space<vmem_shared>> -> memref<24x128xf32, #tpu.memory_space<vmem_shared>>
      %dma_wait3A_79 = arith.constant 0 : i32
      %dma_wait3A_80 = arith.constant 0 : i32
      %dma_wait3A_81 = tpu.memref_slice %arg7[%dma_wait3A_79, %dma_wait3A_80] : memref<88x128xf32, #tpu.memory_space<vmem>> -> memref<24x128xf32, #tpu.memory_space<vmem>>
      tpu.wait_dma2 semaphore(%run_scoped3A : memref<!tpu.dma_semaphore, #tpu.memory_space<semaphore_mem>>) src(%dma_wait3A_81 : memref<24x128xf32, #tpu.memory_space<vmem>>) dst(%dma_wait3A_78 : memref<24x128xf32, #tpu.memory_space<vmem_shared>>)
      tpu.yield
    }) : () -> ()
    %barrier3A = arith.constant 0 : index
    tpu.barrier barrier_id(%barrier3A)
    %mul3A_36 = arith.constant 321024 : i32
    %mul3A_37 = arith.muli %arg0, %mul3A_36 : i32
    %mul3A_38 = arith.constant 20064 : i32
    %mul3A_39 = arith.muli %arg1, %mul3A_38 : i32
    %add3A_40 = arith.addi %mul3A_37, %mul3A_39 : i32
    %add3A_41 = arith.constant 0 : i32
    %add3A_42 = arith.addi %add3A_40, %add3A_41 : i32
    %dma_start3A = tpu.memref_slice %arg2[%add3A_42] : memref<642048xi32, #tpu.memory_space<hbm>> -> memref<88xi32, #tpu.memory_space<hbm>>
    %dma_start3A_43 = tpu.memref_slice %arg2[%add3A_42] : memref<642048xi32, #tpu.memory_space<hbm>> -> memref<88xi32, #tpu.memory_space<hbm>>
    tpu.enqueue_dma source(%dma_start3A_43 : memref<88xi32, #tpu.memory_space<hbm>>) target(%arg4 : memref<88xi32, #tpu.memory_space<vmem>>) target_semaphore(%arg9 : memref<!tpu.dma_semaphore, #tpu.memory_space<semaphore_mem>>)
    %add3A_44 = arith.constant 88 : i32
    %add3A_45 = arith.addi %add3A_40, %add3A_44 : i32
    %dma_start3A_46 = tpu.memref_slice %arg2[%add3A_45] : memref<642048xi32, #tpu.memory_space<hbm>> -> memref<88xi32, #tpu.memory_space<hbm>>
    %dma_start3A_47 = tpu.memref_slice %arg2[%add3A_45] : memref<642048xi32, #tpu.memory_space<hbm>> -> memref<88xi32, #tpu.memory_space<hbm>>
    tpu.enqueue_dma source(%dma_start3A_47 : memref<88xi32, #tpu.memory_space<hbm>>) target(%arg5 : memref<88xi32, #tpu.memory_space<vmem>>) target_semaphore(%arg10 : memref<!tpu.dma_semaphore, #tpu.memory_space<semaphore_mem>>)
    %scan3A_48 = arith.constant 0 : i32
    %scan3A_49 = arith.constant 0 : i32
    %scan3A_50 = arith.constant 114 : i32
    %scan3A_51 = arith.addi %scan3A_49, %scan3A_50 : i32
    %scan3A_52 = arith.constant 1 : i32
    %scan3A_53 = scf.for %scan3A_63 = %scan3A_49 to %scan3A_51 step %scan3A_52 iter_args(%scan3A_64 = %scan3A_48) -> (i32)  : i32 {
      %mul3A_65 = arith.constant 2 : i32
      %mul3A_66 = arith.muli %scan3A_63, %mul3A_65 : i32
      %add3A_67 = arith.constant 0 : i32
      %add3A_68 = arith.addi %mul3A_66, %add3A_67 : i32
      %mul3A_69 = arith.constant 88 : i32
      %mul3A_70 = arith.muli %add3A_68, %mul3A_69 : i32
      %add3A_71 = arith.addi %add3A_40, %mul3A_70 : i32
      %dma_wait3A = tpu.memref_slice %arg2[%add3A_71] : memref<642048xi32, #tpu.memory_space<hbm>> -> memref<88xi32, #tpu.memory_space<hbm>>
      %dma_wait3A_72 = tpu.memref_slice %arg2[%add3A_71] : memref<642048xi32, #tpu.memory_space<hbm>> -> memref<88xi32, #tpu.memory_space<hbm>>
      tpu.wait_dma2 semaphore(%arg9 : memref<!tpu.dma_semaphore, #tpu.memory_space<semaphore_mem>>) src(%dma_wait3A_72 : memref<88xi32, #tpu.memory_space<hbm>>) dst(%arg4 : memref<88xi32, #tpu.memory_space<vmem>>)
      "tpu.region"() ({
        %run_scoped3A = tpu.sem_alloc : memref<!tpu.dma_semaphore, #tpu.memory_space<semaphore_mem>>
        %dma_start3A_94 = arith.constant 0 : i32
        %dma_start3A_95 = arith.constant 0 : i32
        %dma_start3A_96 = tpu.memref_slice %arg8[%dma_start3A_94, %dma_start3A_95] : memref<10240x128xf32, #tpu.memory_space<vmem_shared>> -> memref<10240x128xf32, #tpu.memory_space<vmem_shared>>
        tpu.enqueue_indirect_dma source(%arg6 : memref<88x128xf32, #tpu.memory_space<vmem>>) target(%dma_start3A_96 : memref<10240x128xf32, #tpu.memory_space<vmem_shared>>) offsets(%arg4 : memref<88xi32, #tpu.memory_space<vmem>>) semaphore(%run_scoped3A : memref<!tpu.dma_semaphore, #tpu.memory_space<semaphore_mem>>) {add = true}
        %dma_wait3A_97 = arith.constant 0 : i32
        %dma_wait3A_98 = arith.constant 0 : i32
        %dma_wait3A_99 = tpu.memref_slice %arg8[%dma_wait3A_97, %dma_wait3A_98] : memref<10240x128xf32, #tpu.memory_space<vmem_shared>> -> memref<10240x128xf32, #tpu.memory_space<vmem_shared>>
        tpu.wait_indirect_dma semaphore(%run_scoped3A : memref<!tpu.dma_semaphore, #tpu.memory_space<semaphore_mem>>) src(%arg6 : memref<88x128xf32, #tpu.memory_space<vmem>>) dst(%dma_wait3A_99 : memref<10240x128xf32, #tpu.memory_space<vmem_shared>>)
        tpu.yield
      }) : () -> ()
      %add3A_73 = arith.constant 2 : i32
      %add3A_74 = arith.addi %add3A_68, %add3A_73 : i32
      %lt3A = arith.constant 228 : i32
      %lt3A_75 = arith.cmpi slt, %add3A_74, %lt3A : i32
      %convert_element_type3A = arith.extui %lt3A_75 : i1 to i32
      %cond3A = arith.constant 0 : i32
      %cond3A_76 = arith.cmpi ne, %convert_element_type3A, %cond3A : i32
      scf.if %cond3A_76 {
        %add3A_94 = arith.constant 2 : i32
        %add3A_95 = arith.addi %add3A_68, %add3A_94 : i32
        %mul3A_96 = arith.constant 88 : i32
        %mul3A_97 = arith.muli %add3A_95, %mul3A_96 : i32
        %add3A_98 = arith.addi %add3A_40, %mul3A_97 : i32
        %dma_start3A_99 = tpu.memref_slice %arg2[%add3A_98] : memref<642048xi32, #tpu.memory_space<hbm>> -> memref<88xi32, #tpu.memory_space<hbm>>
        %dma_start3A_100 = tpu.memref_slice %arg2[%add3A_98] : memref<642048xi32, #tpu.memory_space<hbm>> -> memref<88xi32, #tpu.memory_space<hbm>>
        tpu.enqueue_dma source(%dma_start3A_100 : memref<88xi32, #tpu.memory_space<hbm>>) target(%arg4 : memref<88xi32, #tpu.memory_space<vmem>>) target_semaphore(%arg9 : memref<!tpu.dma_semaphore, #tpu.memory_space<semaphore_mem>>)
      } else {
      }
      %mul3A_77 = arith.constant 2 : i32
      %mul3A_78 = arith.muli %scan3A_63, %mul3A_77 : i32
      %add3A_79 = arith.constant 1 : i32
      %add3A_80 = arith.addi %mul3A_78, %add3A_79 : i32
      %mul3A_81 = arith.constant 88 : i32
      %mul3A_82 = arith.muli %add3A_80, %mul3A_81 : i32
      %add3A_83 = arith.addi %add3A_40, %mul3A_82 : i32
      %dma_wait3A_84 = tpu.memref_slice %arg2[%add3A_83] : memref<642048xi32, #tpu.memory_space<hbm>> -> memref<88xi32, #tpu.memory_space<hbm>>
      %dma_wait3A_85 = tpu.memref_slice %arg2[%add3A_83] : memref<642048xi32, #tpu.memory_space<hbm>> -> memref<88xi32, #tpu.memory_space<hbm>>
      tpu.wait_dma2 semaphore(%arg10 : memref<!tpu.dma_semaphore, #tpu.memory_space<semaphore_mem>>) src(%dma_wait3A_85 : memref<88xi32, #tpu.memory_space<hbm>>) dst(%arg5 : memref<88xi32, #tpu.memory_space<vmem>>)
      "tpu.region"() ({
        %run_scoped3A = tpu.sem_alloc : memref<!tpu.dma_semaphore, #tpu.memory_space<semaphore_mem>>
        %dma_start3A_94 = arith.constant 0 : i32
        %dma_start3A_95 = arith.constant 0 : i32
        %dma_start3A_96 = tpu.memref_slice %arg8[%dma_start3A_94, %dma_start3A_95] : memref<10240x128xf32, #tpu.memory_space<vmem_shared>> -> memref<10240x128xf32, #tpu.memory_space<vmem_shared>>
        tpu.enqueue_indirect_dma source(%arg6 : memref<88x128xf32, #tpu.memory_space<vmem>>) target(%dma_start3A_96 : memref<10240x128xf32, #tpu.memory_space<vmem_shared>>) offsets(%arg5 : memref<88xi32, #tpu.memory_space<vmem>>) semaphore(%run_scoped3A : memref<!tpu.dma_semaphore, #tpu.memory_space<semaphore_mem>>) {add = true}
        %dma_wait3A_97 = arith.constant 0 : i32
        %dma_wait3A_98 = arith.constant 0 : i32
        %dma_wait3A_99 = tpu.memref_slice %arg8[%dma_wait3A_97, %dma_wait3A_98] : memref<10240x128xf32, #tpu.memory_space<vmem_shared>> -> memref<10240x128xf32, #tpu.memory_space<vmem_shared>>
        tpu.wait_indirect_dma semaphore(%run_scoped3A : memref<!tpu.dma_semaphore, #tpu.memory_space<semaphore_mem>>) src(%arg6 : memref<88x128xf32, #tpu.memory_space<vmem>>) dst(%dma_wait3A_99 : memref<10240x128xf32, #tpu.memory_space<vmem_shared>>)
        tpu.yield
      }) : () -> ()
      %add3A_86 = arith.constant 2 : i32
      %add3A_87 = arith.addi %add3A_80, %add3A_86 : i32
      %lt3A_88 = arith.constant 228 : i32
      %lt3A_89 = arith.cmpi slt, %add3A_87, %lt3A_88 : i32
      %convert_element_type3A_90 = arith.extui %lt3A_89 : i1 to i32
      %cond3A_91 = arith.constant 0 : i32
      %cond3A_92 = arith.cmpi ne, %convert_element_type3A_90, %cond3A_91 : i32
      scf.if %cond3A_92 {
        %add3A_94 = arith.constant 2 : i32
        %add3A_95 = arith.addi %add3A_80, %add3A_94 : i32
        %mul3A_96 = arith.constant 88 : i32
        %mul3A_97 = arith.muli %add3A_95, %mul3A_96 : i32
        %add3A_98 = arith.addi %add3A_40, %mul3A_97 : i32
        %dma_start3A_99 = tpu.memref_slice %arg2[%add3A_98] : memref<642048xi32, #tpu.memory_space<hbm>> -> memref<88xi32, #tpu.memory_space<hbm>>
        %dma_start3A_100 = tpu.memref_slice %arg2[%add3A_98] : memref<642048xi32, #tpu.memory_space<hbm>> -> memref<88xi32, #tpu.memory_space<hbm>>
        tpu.enqueue_dma source(%dma_start3A_100 : memref<88xi32, #tpu.memory_space<hbm>>) target(%arg5 : memref<88xi32, #tpu.memory_space<vmem>>) target_semaphore(%arg10 : memref<!tpu.dma_semaphore, #tpu.memory_space<semaphore_mem>>)
      } else {
      }
      %scan3A_93 = arith.constant 0 : i32
      scf.yield %scan3A_93 : i32
    }
    %scan3A_54 = arith.constant 114 : i32
    %barrier3A_55 = arith.constant 0 : index
    tpu.barrier barrier_id(%barrier3A_55)
    %mul3A_56 = arith.constant 640 : i32
    %mul3A_57 = arith.muli %arg1, %mul3A_56 : i32
    %mul3A_58 = arith.constant 10240 : i32
    %mul3A_59 = arith.muli %arg0, %mul3A_58 : i32
    %mul3A_60 = arith.constant 640 : i32
    %mul3A_61 = arith.muli %arg1, %mul3A_60 : i32
    %add3A_62 = arith.addi %mul3A_59, %mul3A_61 : i32
    "tpu.region"() ({
      %run_scoped3A = tpu.sem_alloc : memref<!tpu.dma_semaphore, #tpu.memory_space<semaphore_mem>>
      %dma_start3A_63 = arith.constant 0 : i32
      %dma_start3A_64 = tpu.memref_slice %arg3[%add3A_62, %dma_start3A_63] : memref<20480x128xf32, #tpu.memory_space<hbm>> -> memref<640x128xf32, #tpu.memory_space<hbm>>
      %dma_start3A_65 = arith.constant 0 : i32
      %dma_start3A_66 = tpu.memref_slice %arg8[%mul3A_57, %dma_start3A_65] : memref<10240x128xf32, #tpu.memory_space<vmem_shared>> -> memref<640x128xf32, #tpu.memory_space<vmem_shared>>
      tpu.enqueue_dma source(%dma_start3A_66 : memref<640x128xf32, #tpu.memory_space<vmem_shared>>) target(%dma_start3A_64 : memref<640x128xf32, #tpu.memory_space<hbm>>) target_semaphore(%run_scoped3A : memref<!tpu.dma_semaphore, #tpu.memory_space<semaphore_mem>>)
      %dma_wait3A = arith.constant 0 : i32
      %dma_wait3A_67 = tpu.memref_slice %arg3[%add3A_62, %dma_wait3A] : memref<20480x128xf32, #tpu.memory_space<hbm>> -> memref<640x128xf32, #tpu.memory_space<hbm>>
      %dma_wait3A_68 = arith.constant 0 : i32
      %dma_wait3A_69 = tpu.memref_slice %arg8[%mul3A_57, %dma_wait3A_68] : memref<10240x128xf32, #tpu.memory_space<vmem_shared>> -> memref<640x128xf32, #tpu.memory_space<vmem_shared>>
      tpu.wait_dma2 semaphore(%run_scoped3A : memref<!tpu.dma_semaphore, #tpu.memory_space<semaphore_mem>>) src(%dma_wait3A_69 : memref<640x128xf32, #tpu.memory_space<vmem_shared>>) dst(%dma_wait3A_67 : memref<640x128xf32, #tpu.memory_space<hbm>>)
      tpu.yield
    }) : () -> ()
    return
  }
}

#map = affine_map<(d0, d1) -> (0, 0)>
#map1 = affine_map<(d0, d1) -> (0)>
module attributes {stable_mosaic.version = 14 : i64} {
  func.func @agg_kernel(%arg0: i32, %arg1: i32, %arg2: memref<20480x128xf32, #tpu.memory_space<hbm>>, %arg3: memref<642048xi32, #tpu.memory_space<hbm>>, %arg4: memref<321024xi32, #tpu.memory_space<hbm>>, %arg5: memref<20480x128xf32, #tpu.memory_space<hbm>>, %arg6: memref<88xi32, #tpu.memory_space<vmem>>, %arg7: memref<88xi32, #tpu.memory_space<vmem>>, %arg8: memref<88xi32, #tpu.memory_space<vmem>>, %arg9: memref<88xi32, #tpu.memory_space<vmem>>, %arg10: memref<88xi32, #tpu.memory_space<vmem>>, %arg11: memref<88xi32, #tpu.memory_space<vmem>>, %arg12: memref<88xi32, #tpu.memory_space<vmem>>, %arg13: memref<88xi32, #tpu.memory_space<vmem>>, %arg14: memref<88x128xf32, #tpu.memory_space<vmem>>, %arg15: memref<88x128xf32, #tpu.memory_space<vmem>>, %arg16: memref<88x128xf32, #tpu.memory_space<vmem>>, %arg17: memref<88x128xf32, #tpu.memory_space<vmem>>, %arg18: memref<10240x128xf32, #tpu.memory_space<vmem_shared>>, %arg19: memref<!tpu.dma_semaphore, #tpu.memory_space<semaphore_mem>>, %arg20: memref<!tpu.dma_semaphore, #tpu.memory_space<semaphore_mem>>, %arg21: memref<!tpu.dma_semaphore, #tpu.memory_space<semaphore_mem>>, %arg22: memref<!tpu.dma_semaphore, #tpu.memory_space<semaphore_mem>>, %arg23: memref<!tpu.dma_semaphore, #tpu.memory_space<semaphore_mem>>, %arg24: memref<!tpu.dma_semaphore, #tpu.memory_space<semaphore_mem>>, %arg25: memref<!tpu.dma_semaphore, #tpu.memory_space<semaphore_mem>>, %arg26: memref<!tpu.dma_semaphore, #tpu.memory_space<semaphore_mem>>, %arg27: memref<!tpu.dma_semaphore, #tpu.memory_space<semaphore_mem>>, %arg28: memref<!tpu.dma_semaphore, #tpu.memory_space<semaphore_mem>>, %arg29: memref<!tpu.dma_semaphore, #tpu.memory_space<semaphore_mem>>, %arg30: memref<!tpu.dma_semaphore, #tpu.memory_space<semaphore_mem>>) attributes {dimension_semantics = [#tpu.dimension_semantics<core_parallel>, #tpu.dimension_semantics<subcore_parallel>], iteration_bounds = array<i64: 2, 16>, scalar_prefetch = 0 : i64, scratch_operands = 25 : i64, tpu.core_type = #tpu.core_type<sc_vector_subcore>, window_params = [{transform_indices = #map}, {transform_indices = #map1}, {transform_indices = #map1}, {transform_indices = #map}]} {
    %mul3A = arith.constant 321024 : i32
    %mul3A_0 = arith.muli %arg0, %mul3A : i32
    %mul3A_1 = arith.constant 20064 : i32
    %mul3A_2 = arith.muli %arg1, %mul3A_1 : i32
    %add3A = arith.addi %mul3A_0, %mul3A_2 : i32
    %mul3A_3 = arith.constant 20064 : i32
    %mul3A_4 = arith.muli %arg1, %mul3A_3 : i32
    %scan3A = arith.constant 0 : i32
    %scan3A_5 = arith.constant 0 : i32
    %scan3A_6 = arith.constant 88 : i32
    %scan3A_7 = arith.addi %scan3A_5, %scan3A_6 : i32
    %scan3A_8 = arith.constant 1 : i32
    %scan3A_9 = scf.for %scan3A_116 = %scan3A_5 to %scan3A_7 step %scan3A_8 iter_args(%scan3A_117 = %scan3A) -> (i32)  : i32 {
      %broadcast_in_dim3A = arith.constant 0.000000e+00 : f32
      %broadcast_in_dim3A_118 = vector.broadcast %broadcast_in_dim3A : f32 to vector<16xf32>
      %swap3A = arith.index_cast %scan3A_116 : i32 to index
      %swap3A_119 = arith.constant 0 : index
      %swap3A_120 = tpu.vector_load %arg14[%swap3A, %swap3A_119] {strides = array<i32>} : memref<88x128xf32, #tpu.memory_space<vmem>>, vector<1x16xf32>,
      %swap3A_121 = vector.shape_cast %swap3A_120 : vector<1x16xf32> to vector<16xf32>
      %swap3A_122 = vector.shape_cast %broadcast_in_dim3A_118 : vector<16xf32> to vector<1x16xf32>
      tpu.vector_store %arg14[%swap3A, %swap3A_119], %swap3A_122 {strides = array<i32>} : memref<88x128xf32, #tpu.memory_space<vmem>>, vector<1x16xf32>,
      %broadcast_in_dim3A_123 = arith.constant 0.000000e+00 : f32
      %broadcast_in_dim3A_124 = vector.broadcast %broadcast_in_dim3A_123 : f32 to vector<16xf32>
      %swap3A_125 = arith.index_cast %scan3A_116 : i32 to index
      %swap3A_126 = arith.constant 16 : index
      %swap3A_127 = tpu.vector_load %arg14[%swap3A_125, %swap3A_126] {strides = array<i32>} : memref<88x128xf32, #tpu.memory_space<vmem>>, vector<1x16xf32>,
      %swap3A_128 = vector.shape_cast %swap3A_127 : vector<1x16xf32> to vector<16xf32>
      %swap3A_129 = vector.shape_cast %broadcast_in_dim3A_124 : vector<16xf32> to vector<1x16xf32>
      tpu.vector_store %arg14[%swap3A_125, %swap3A_126], %swap3A_129 {strides = array<i32>} : memref<88x128xf32, #tpu.memory_space<vmem>>, vector<1x16xf32>,
      %broadcast_in_dim3A_130 = arith.constant 0.000000e+00 : f32
      %broadcast_in_dim3A_131 = vector.broadcast %broadcast_in_dim3A_130 : f32 to vector<16xf32>
      %swap3A_132 = arith.index_cast %scan3A_116 : i32 to index
      %swap3A_133 = arith.constant 32 : index
      %swap3A_134 = tpu.vector_load %arg14[%swap3A_132, %swap3A_133] {strides = array<i32>} : memref<88x128xf32, #tpu.memory_space<vmem>>, vector<1x16xf32>,
      %swap3A_135 = vector.shape_cast %swap3A_134 : vector<1x16xf32> to vector<16xf32>
      %swap3A_136 = vector.shape_cast %broadcast_in_dim3A_131 : vector<16xf32> to vector<1x16xf32>
      tpu.vector_store %arg14[%swap3A_132, %swap3A_133], %swap3A_136 {strides = array<i32>} : memref<88x128xf32, #tpu.memory_space<vmem>>, vector<1x16xf32>,
      %broadcast_in_dim3A_137 = arith.constant 0.000000e+00 : f32
      %broadcast_in_dim3A_138 = vector.broadcast %broadcast_in_dim3A_137 : f32 to vector<16xf32>
      %swap3A_139 = arith.index_cast %scan3A_116 : i32 to index
      %swap3A_140 = arith.constant 48 : index
      %swap3A_141 = tpu.vector_load %arg14[%swap3A_139, %swap3A_140] {strides = array<i32>} : memref<88x128xf32, #tpu.memory_space<vmem>>, vector<1x16xf32>,
      %swap3A_142 = vector.shape_cast %swap3A_141 : vector<1x16xf32> to vector<16xf32>
      %swap3A_143 = vector.shape_cast %broadcast_in_dim3A_138 : vector<16xf32> to vector<1x16xf32>
      tpu.vector_store %arg14[%swap3A_139, %swap3A_140], %swap3A_143 {strides = array<i32>} : memref<88x128xf32, #tpu.memory_space<vmem>>, vector<1x16xf32>,
      %broadcast_in_dim3A_144 = arith.constant 0.000000e+00 : f32
      %broadcast_in_dim3A_145 = vector.broadcast %broadcast_in_dim3A_144 : f32 to vector<16xf32>
      %swap3A_146 = arith.index_cast %scan3A_116 : i32 to index
      %swap3A_147 = arith.constant 64 : index
      %swap3A_148 = tpu.vector_load %arg14[%swap3A_146, %swap3A_147] {strides = array<i32>} : memref<88x128xf32, #tpu.memory_space<vmem>>, vector<1x16xf32>,
      %swap3A_149 = vector.shape_cast %swap3A_148 : vector<1x16xf32> to vector<16xf32>
      %swap3A_150 = vector.shape_cast %broadcast_in_dim3A_145 : vector<16xf32> to vector<1x16xf32>
      tpu.vector_store %arg14[%swap3A_146, %swap3A_147], %swap3A_150 {strides = array<i32>} : memref<88x128xf32, #tpu.memory_space<vmem>>, vector<1x16xf32>,
      %broadcast_in_dim3A_151 = arith.constant 0.000000e+00 : f32
      %broadcast_in_dim3A_152 = vector.broadcast %broadcast_in_dim3A_151 : f32 to vector<16xf32>
      %swap3A_153 = arith.index_cast %scan3A_116 : i32 to index
      %swap3A_154 = arith.constant 80 : index
      %swap3A_155 = tpu.vector_load %arg14[%swap3A_153, %swap3A_154] {strides = array<i32>} : memref<88x128xf32, #tpu.memory_space<vmem>>, vector<1x16xf32>,
      %swap3A_156 = vector.shape_cast %swap3A_155 : vector<1x16xf32> to vector<16xf32>
      %swap3A_157 = vector.shape_cast %broadcast_in_dim3A_152 : vector<16xf32> to vector<1x16xf32>
      tpu.vector_store %arg14[%swap3A_153, %swap3A_154], %swap3A_157 {strides = array<i32>} : memref<88x128xf32, #tpu.memory_space<vmem>>, vector<1x16xf32>,
      %broadcast_in_dim3A_158 = arith.constant 0.000000e+00 : f32
      %broadcast_in_dim3A_159 = vector.broadcast %broadcast_in_dim3A_158 : f32 to vector<16xf32>
      %swap3A_160 = arith.index_cast %scan3A_116 : i32 to index
      %swap3A_161 = arith.constant 96 : index
      %swap3A_162 = tpu.vector_load %arg14[%swap3A_160, %swap3A_161] {strides = array<i32>} : memref<88x128xf32, #tpu.memory_space<vmem>>, vector<1x16xf32>,
      %swap3A_163 = vector.shape_cast %swap3A_162 : vector<1x16xf32> to vector<16xf32>
      %swap3A_164 = vector.shape_cast %broadcast_in_dim3A_159 : vector<16xf32> to vector<1x16xf32>
      tpu.vector_store %arg14[%swap3A_160, %swap3A_161], %swap3A_164 {strides = array<i32>} : memref<88x128xf32, #tpu.memory_space<vmem>>, vector<1x16xf32>,
      %broadcast_in_dim3A_165 = arith.constant 0.000000e+00 : f32
      %broadcast_in_dim3A_166 = vector.broadcast %broadcast_in_dim3A_165 : f32 to vector<16xf32>
      %swap3A_167 = arith.index_cast %scan3A_116 : i32 to index
      %swap3A_168 = arith.constant 112 : index
      %swap3A_169 = tpu.vector_load %arg14[%swap3A_167, %swap3A_168] {strides = array<i32>} : memref<88x128xf32, #tpu.memory_space<vmem>>, vector<1x16xf32>,
      %swap3A_170 = vector.shape_cast %swap3A_169 : vector<1x16xf32> to vector<16xf32>
      %swap3A_171 = vector.shape_cast %broadcast_in_dim3A_166 : vector<16xf32> to vector<1x16xf32>
      tpu.vector_store %arg14[%swap3A_167, %swap3A_168], %swap3A_171 {strides = array<i32>} : memref<88x128xf32, #tpu.memory_space<vmem>>, vector<1x16xf32>,
      %scan3A_172 = arith.constant 0 : i32
      scf.yield %scan3A_172 : i32
    }
    %scan3A_10 = arith.constant 88 : i32
    %mul3A_11 = arith.constant 640 : i32
    %mul3A_12 = arith.muli %arg1, %mul3A_11 : i32
    %add3A_13 = arith.constant 0 : i32
    %add3A_14 = arith.addi %mul3A_12, %add3A_13 : i32
    "tpu.region"() ({
      %run_scoped3A = tpu.sem_alloc : memref<!tpu.dma_semaphore, #tpu.memory_space<semaphore_mem>>
      %dma_start3A_116 = arith.constant 0 : i32
      %dma_start3A_117 = arith.constant 0 : i32
      %dma_start3A_118 = tpu.memref_slice %arg14[%dma_start3A_116, %dma_start3A_117] : memref<88x128xf32, #tpu.memory_space<vmem>> -> memref<88x128xf32, #tpu.memory_space<vmem>>
      %dma_start3A_119 = arith.constant 0 : i32
      %dma_start3A_120 = tpu.memref_slice %arg18[%add3A_14, %dma_start3A_119] : memref<10240x128xf32, #tpu.memory_space<vmem_shared>> -> memref<88x128xf32, #tpu.memory_space<vmem_shared>>
      %dma_start3A_121 = arith.constant 0 : i32
      %dma_start3A_122 = tpu.memref_slice %arg18[%add3A_14, %dma_start3A_121] : memref<10240x128xf32, #tpu.memory_space<vmem_shared>> -> memref<88x128xf32, #tpu.memory_space<vmem_shared>>
      %dma_start3A_123 = arith.constant 0 : i32
      %dma_start3A_124 = arith.constant 0 : i32
      %dma_start3A_125 = tpu.memref_slice %arg14[%dma_start3A_123, %dma_start3A_124] : memref<88x128xf32, #tpu.memory_space<vmem>> -> memref<88x128xf32, #tpu.memory_space<vmem>>
      tpu.enqueue_dma source(%dma_start3A_125 : memref<88x128xf32, #tpu.memory_space<vmem>>) target(%dma_start3A_122 : memref<88x128xf32, #tpu.memory_space<vmem_shared>>) target_semaphore(%run_scoped3A : memref<!tpu.dma_semaphore, #tpu.memory_space<semaphore_mem>>)
      %dma_wait3A_126 = arith.constant 0 : i32
      %dma_wait3A_127 = arith.constant 0 : i32
      %dma_wait3A_128 = tpu.memref_slice %arg14[%dma_wait3A_126, %dma_wait3A_127] : memref<88x128xf32, #tpu.memory_space<vmem>> -> memref<88x128xf32, #tpu.memory_space<vmem>>
      %dma_wait3A_129 = arith.constant 0 : i32
      %dma_wait3A_130 = tpu.memref_slice %arg18[%add3A_14, %dma_wait3A_129] : memref<10240x128xf32, #tpu.memory_space<vmem_shared>> -> memref<88x128xf32, #tpu.memory_space<vmem_shared>>
      %dma_wait3A_131 = arith.constant 0 : i32
      %dma_wait3A_132 = tpu.memref_slice %arg18[%add3A_14, %dma_wait3A_131] : memref<10240x128xf32, #tpu.memory_space<vmem_shared>> -> memref<88x128xf32, #tpu.memory_space<vmem_shared>>
      %dma_wait3A_133 = arith.constant 0 : i32
      %dma_wait3A_134 = arith.constant 0 : i32
      %dma_wait3A_135 = tpu.memref_slice %arg14[%dma_wait3A_133, %dma_wait3A_134] : memref<88x128xf32, #tpu.memory_space<vmem>> -> memref<88x128xf32, #tpu.memory_space<vmem>>
      tpu.wait_dma2 semaphore(%run_scoped3A : memref<!tpu.dma_semaphore, #tpu.memory_space<semaphore_mem>>) src(%dma_wait3A_135 : memref<88x128xf32, #tpu.memory_space<vmem>>) dst(%dma_wait3A_132 : memref<88x128xf32, #tpu.memory_space<vmem_shared>>)
      tpu.yield
    }) : () -> ()
    %mul3A_15 = arith.constant 640 : i32
    %mul3A_16 = arith.muli %arg1, %mul3A_15 : i32
    %add3A_17 = arith.constant 88 : i32
    %add3A_18 = arith.addi %mul3A_16, %add3A_17 : i32
    "tpu.region"() ({
      %run_scoped3A = tpu.sem_alloc : memref<!tpu.dma_semaphore, #tpu.memory_space<semaphore_mem>>
      %dma_start3A_116 = arith.constant 0 : i32
      %dma_start3A_117 = arith.constant 0 : i32
      %dma_start3A_118 = tpu.memref_slice %arg14[%dma_start3A_116, %dma_start3A_117] : memref<88x128xf32, #tpu.memory_space<vmem>> -> memref<88x128xf32, #tpu.memory_space<vmem>>
      %dma_start3A_119 = arith.constant 0 : i32
      %dma_start3A_120 = tpu.memref_slice %arg18[%add3A_18, %dma_start3A_119] : memref<10240x128xf32, #tpu.memory_space<vmem_shared>> -> memref<88x128xf32, #tpu.memory_space<vmem_shared>>
      %dma_start3A_121 = arith.constant 0 : i32
      %dma_start3A_122 = tpu.memref_slice %arg18[%add3A_18, %dma_start3A_121] : memref<10240x128xf32, #tpu.memory_space<vmem_shared>> -> memref<88x128xf32, #tpu.memory_space<vmem_shared>>
      %dma_start3A_123 = arith.constant 0 : i32
      %dma_start3A_124 = arith.constant 0 : i32
      %dma_start3A_125 = tpu.memref_slice %arg14[%dma_start3A_123, %dma_start3A_124] : memref<88x128xf32, #tpu.memory_space<vmem>> -> memref<88x128xf32, #tpu.memory_space<vmem>>
      tpu.enqueue_dma source(%dma_start3A_125 : memref<88x128xf32, #tpu.memory_space<vmem>>) target(%dma_start3A_122 : memref<88x128xf32, #tpu.memory_space<vmem_shared>>) target_semaphore(%run_scoped3A : memref<!tpu.dma_semaphore, #tpu.memory_space<semaphore_mem>>)
      %dma_wait3A_126 = arith.constant 0 : i32
      %dma_wait3A_127 = arith.constant 0 : i32
      %dma_wait3A_128 = tpu.memref_slice %arg14[%dma_wait3A_126, %dma_wait3A_127] : memref<88x128xf32, #tpu.memory_space<vmem>> -> memref<88x128xf32, #tpu.memory_space<vmem>>
      %dma_wait3A_129 = arith.constant 0 : i32
      %dma_wait3A_130 = tpu.memref_slice %arg18[%add3A_18, %dma_wait3A_129] : memref<10240x128xf32, #tpu.memory_space<vmem_shared>> -> memref<88x128xf32, #tpu.memory_space<vmem_shared>>
      %dma_wait3A_131 = arith.constant 0 : i32
      %dma_wait3A_132 = tpu.memref_slice %arg18[%add3A_18, %dma_wait3A_131] : memref<10240x128xf32, #tpu.memory_space<vmem_shared>> -> memref<88x128xf32, #tpu.memory_space<vmem_shared>>
      %dma_wait3A_133 = arith.constant 0 : i32
      %dma_wait3A_134 = arith.constant 0 : i32
      %dma_wait3A_135 = tpu.memref_slice %arg14[%dma_wait3A_133, %dma_wait3A_134] : memref<88x128xf32, #tpu.memory_space<vmem>> -> memref<88x128xf32, #tpu.memory_space<vmem>>
      tpu.wait_dma2 semaphore(%run_scoped3A : memref<!tpu.dma_semaphore, #tpu.memory_space<semaphore_mem>>) src(%dma_wait3A_135 : memref<88x128xf32, #tpu.memory_space<vmem>>) dst(%dma_wait3A_132 : memref<88x128xf32, #tpu.memory_space<vmem_shared>>)
      tpu.yield
    }) : () -> ()
    %mul3A_19 = arith.constant 640 : i32
    %mul3A_20 = arith.muli %arg1, %mul3A_19 : i32
    %add3A_21 = arith.constant 176 : i32
    %add3A_22 = arith.addi %mul3A_20, %add3A_21 : i32
    "tpu.region"() ({
      %run_scoped3A = tpu.sem_alloc : memref<!tpu.dma_semaphore, #tpu.memory_space<semaphore_mem>>
      %dma_start3A_116 = arith.constant 0 : i32
      %dma_start3A_117 = arith.constant 0 : i32
      %dma_start3A_118 = tpu.memref_slice %arg14[%dma_start3A_116, %dma_start3A_117] : memref<88x128xf32, #tpu.memory_space<vmem>> -> memref<88x128xf32, #tpu.memory_space<vmem>>
      %dma_start3A_119 = arith.constant 0 : i32
      %dma_start3A_120 = tpu.memref_slice %arg18[%add3A_22, %dma_start3A_119] : memref<10240x128xf32, #tpu.memory_space<vmem_shared>> -> memref<88x128xf32, #tpu.memory_space<vmem_shared>>
      %dma_start3A_121 = arith.constant 0 : i32
      %dma_start3A_122 = tpu.memref_slice %arg18[%add3A_22, %dma_start3A_121] : memref<10240x128xf32, #tpu.memory_space<vmem_shared>> -> memref<88x128xf32, #tpu.memory_space<vmem_shared>>
      %dma_start3A_123 = arith.constant 0 : i32
      %dma_start3A_124 = arith.constant 0 : i32
      %dma_start3A_125 = tpu.memref_slice %arg14[%dma_start3A_123, %dma_start3A_124] : memref<88x128xf32, #tpu.memory_space<vmem>> -> memref<88x128xf32, #tpu.memory_space<vmem>>
      tpu.enqueue_dma source(%dma_start3A_125 : memref<88x128xf32, #tpu.memory_space<vmem>>) target(%dma_start3A_122 : memref<88x128xf32, #tpu.memory_space<vmem_shared>>) target_semaphore(%run_scoped3A : memref<!tpu.dma_semaphore, #tpu.memory_space<semaphore_mem>>)
      %dma_wait3A_126 = arith.constant 0 : i32
      %dma_wait3A_127 = arith.constant 0 : i32
      %dma_wait3A_128 = tpu.memref_slice %arg14[%dma_wait3A_126, %dma_wait3A_127] : memref<88x128xf32, #tpu.memory_space<vmem>> -> memref<88x128xf32, #tpu.memory_space<vmem>>
      %dma_wait3A_129 = arith.constant 0 : i32
      %dma_wait3A_130 = tpu.memref_slice %arg18[%add3A_22, %dma_wait3A_129] : memref<10240x128xf32, #tpu.memory_space<vmem_shared>> -> memref<88x128xf32, #tpu.memory_space<vmem_shared>>
      %dma_wait3A_131 = arith.constant 0 : i32
      %dma_wait3A_132 = tpu.memref_slice %arg18[%add3A_22, %dma_wait3A_131] : memref<10240x128xf32, #tpu.memory_space<vmem_shared>> -> memref<88x128xf32, #tpu.memory_space<vmem_shared>>
      %dma_wait3A_133 = arith.constant 0 : i32
      %dma_wait3A_134 = arith.constant 0 : i32
      %dma_wait3A_135 = tpu.memref_slice %arg14[%dma_wait3A_133, %dma_wait3A_134] : memref<88x128xf32, #tpu.memory_space<vmem>> -> memref<88x128xf32, #tpu.memory_space<vmem>>
      tpu.wait_dma2 semaphore(%run_scoped3A : memref<!tpu.dma_semaphore, #tpu.memory_space<semaphore_mem>>) src(%dma_wait3A_135 : memref<88x128xf32, #tpu.memory_space<vmem>>) dst(%dma_wait3A_132 : memref<88x128xf32, #tpu.memory_space<vmem_shared>>)
      tpu.yield
    }) : () -> ()
    %mul3A_23 = arith.constant 640 : i32
    %mul3A_24 = arith.muli %arg1, %mul3A_23 : i32
    %add3A_25 = arith.constant 264 : i32
    %add3A_26 = arith.addi %mul3A_24, %add3A_25 : i32
    "tpu.region"() ({
      %run_scoped3A = tpu.sem_alloc : memref<!tpu.dma_semaphore, #tpu.memory_space<semaphore_mem>>
      %dma_start3A_116 = arith.constant 0 : i32
      %dma_start3A_117 = arith.constant 0 : i32
      %dma_start3A_118 = tpu.memref_slice %arg14[%dma_start3A_116, %dma_start3A_117] : memref<88x128xf32, #tpu.memory_space<vmem>> -> memref<88x128xf32, #tpu.memory_space<vmem>>
      %dma_start3A_119 = arith.constant 0 : i32
      %dma_start3A_120 = tpu.memref_slice %arg18[%add3A_26, %dma_start3A_119] : memref<10240x128xf32, #tpu.memory_space<vmem_shared>> -> memref<88x128xf32, #tpu.memory_space<vmem_shared>>
      %dma_start3A_121 = arith.constant 0 : i32
      %dma_start3A_122 = tpu.memref_slice %arg18[%add3A_26, %dma_start3A_121] : memref<10240x128xf32, #tpu.memory_space<vmem_shared>> -> memref<88x128xf32, #tpu.memory_space<vmem_shared>>
      %dma_start3A_123 = arith.constant 0 : i32
      %dma_start3A_124 = arith.constant 0 : i32
      %dma_start3A_125 = tpu.memref_slice %arg14[%dma_start3A_123, %dma_start3A_124] : memref<88x128xf32, #tpu.memory_space<vmem>> -> memref<88x128xf32, #tpu.memory_space<vmem>>
      tpu.enqueue_dma source(%dma_start3A_125 : memref<88x128xf32, #tpu.memory_space<vmem>>) target(%dma_start3A_122 : memref<88x128xf32, #tpu.memory_space<vmem_shared>>) target_semaphore(%run_scoped3A : memref<!tpu.dma_semaphore, #tpu.memory_space<semaphore_mem>>)
      %dma_wait3A_126 = arith.constant 0 : i32
      %dma_wait3A_127 = arith.constant 0 : i32
      %dma_wait3A_128 = tpu.memref_slice %arg14[%dma_wait3A_126, %dma_wait3A_127] : memref<88x128xf32, #tpu.memory_space<vmem>> -> memref<88x128xf32, #tpu.memory_space<vmem>>
      %dma_wait3A_129 = arith.constant 0 : i32
      %dma_wait3A_130 = tpu.memref_slice %arg18[%add3A_26, %dma_wait3A_129] : memref<10240x128xf32, #tpu.memory_space<vmem_shared>> -> memref<88x128xf32, #tpu.memory_space<vmem_shared>>
      %dma_wait3A_131 = arith.constant 0 : i32
      %dma_wait3A_132 = tpu.memref_slice %arg18[%add3A_26, %dma_wait3A_131] : memref<10240x128xf32, #tpu.memory_space<vmem_shared>> -> memref<88x128xf32, #tpu.memory_space<vmem_shared>>
      %dma_wait3A_133 = arith.constant 0 : i32
      %dma_wait3A_134 = arith.constant 0 : i32
      %dma_wait3A_135 = tpu.memref_slice %arg14[%dma_wait3A_133, %dma_wait3A_134] : memref<88x128xf32, #tpu.memory_space<vmem>> -> memref<88x128xf32, #tpu.memory_space<vmem>>
      tpu.wait_dma2 semaphore(%run_scoped3A : memref<!tpu.dma_semaphore, #tpu.memory_space<semaphore_mem>>) src(%dma_wait3A_135 : memref<88x128xf32, #tpu.memory_space<vmem>>) dst(%dma_wait3A_132 : memref<88x128xf32, #tpu.memory_space<vmem_shared>>)
      tpu.yield
    }) : () -> ()
    %mul3A_27 = arith.constant 640 : i32
    %mul3A_28 = arith.muli %arg1, %mul3A_27 : i32
    %add3A_29 = arith.constant 352 : i32
    %add3A_30 = arith.addi %mul3A_28, %add3A_29 : i32
    "tpu.region"() ({
      %run_scoped3A = tpu.sem_alloc : memref<!tpu.dma_semaphore, #tpu.memory_space<semaphore_mem>>
      %dma_start3A_116 = arith.constant 0 : i32
      %dma_start3A_117 = arith.constant 0 : i32
      %dma_start3A_118 = tpu.memref_slice %arg14[%dma_start3A_116, %dma_start3A_117] : memref<88x128xf32, #tpu.memory_space<vmem>> -> memref<88x128xf32, #tpu.memory_space<vmem>>
      %dma_start3A_119 = arith.constant 0 : i32
      %dma_start3A_120 = tpu.memref_slice %arg18[%add3A_30, %dma_start3A_119] : memref<10240x128xf32, #tpu.memory_space<vmem_shared>> -> memref<88x128xf32, #tpu.memory_space<vmem_shared>>
      %dma_start3A_121 = arith.constant 0 : i32
      %dma_start3A_122 = tpu.memref_slice %arg18[%add3A_30, %dma_start3A_121] : memref<10240x128xf32, #tpu.memory_space<vmem_shared>> -> memref<88x128xf32, #tpu.memory_space<vmem_shared>>
      %dma_start3A_123 = arith.constant 0 : i32
      %dma_start3A_124 = arith.constant 0 : i32
      %dma_start3A_125 = tpu.memref_slice %arg14[%dma_start3A_123, %dma_start3A_124] : memref<88x128xf32, #tpu.memory_space<vmem>> -> memref<88x128xf32, #tpu.memory_space<vmem>>
      tpu.enqueue_dma source(%dma_start3A_125 : memref<88x128xf32, #tpu.memory_space<vmem>>) target(%dma_start3A_122 : memref<88x128xf32, #tpu.memory_space<vmem_shared>>) target_semaphore(%run_scoped3A : memref<!tpu.dma_semaphore, #tpu.memory_space<semaphore_mem>>)
      %dma_wait3A_126 = arith.constant 0 : i32
      %dma_wait3A_127 = arith.constant 0 : i32
      %dma_wait3A_128 = tpu.memref_slice %arg14[%dma_wait3A_126, %dma_wait3A_127] : memref<88x128xf32, #tpu.memory_space<vmem>> -> memref<88x128xf32, #tpu.memory_space<vmem>>
      %dma_wait3A_129 = arith.constant 0 : i32
      %dma_wait3A_130 = tpu.memref_slice %arg18[%add3A_30, %dma_wait3A_129] : memref<10240x128xf32, #tpu.memory_space<vmem_shared>> -> memref<88x128xf32, #tpu.memory_space<vmem_shared>>
      %dma_wait3A_131 = arith.constant 0 : i32
      %dma_wait3A_132 = tpu.memref_slice %arg18[%add3A_30, %dma_wait3A_131] : memref<10240x128xf32, #tpu.memory_space<vmem_shared>> -> memref<88x128xf32, #tpu.memory_space<vmem_shared>>
      %dma_wait3A_133 = arith.constant 0 : i32
      %dma_wait3A_134 = arith.constant 0 : i32
      %dma_wait3A_135 = tpu.memref_slice %arg14[%dma_wait3A_133, %dma_wait3A_134] : memref<88x128xf32, #tpu.memory_space<vmem>> -> memref<88x128xf32, #tpu.memory_space<vmem>>
      tpu.wait_dma2 semaphore(%run_scoped3A : memref<!tpu.dma_semaphore, #tpu.memory_space<semaphore_mem>>) src(%dma_wait3A_135 : memref<88x128xf32, #tpu.memory_space<vmem>>) dst(%dma_wait3A_132 : memref<88x128xf32, #tpu.memory_space<vmem_shared>>)
      tpu.yield
    }) : () -> ()
    %mul3A_31 = arith.constant 640 : i32
    %mul3A_32 = arith.muli %arg1, %mul3A_31 : i32
    %add3A_33 = arith.constant 440 : i32
    %add3A_34 = arith.addi %mul3A_32, %add3A_33 : i32
    "tpu.region"() ({
      %run_scoped3A = tpu.sem_alloc : memref<!tpu.dma_semaphore, #tpu.memory_space<semaphore_mem>>
      %dma_start3A_116 = arith.constant 0 : i32
      %dma_start3A_117 = arith.constant 0 : i32
      %dma_start3A_118 = tpu.memref_slice %arg14[%dma_start3A_116, %dma_start3A_117] : memref<88x128xf32, #tpu.memory_space<vmem>> -> memref<88x128xf32, #tpu.memory_space<vmem>>
      %dma_start3A_119 = arith.constant 0 : i32
      %dma_start3A_120 = tpu.memref_slice %arg18[%add3A_34, %dma_start3A_119] : memref<10240x128xf32, #tpu.memory_space<vmem_shared>> -> memref<88x128xf32, #tpu.memory_space<vmem_shared>>
      %dma_start3A_121 = arith.constant 0 : i32
      %dma_start3A_122 = tpu.memref_slice %arg18[%add3A_34, %dma_start3A_121] : memref<10240x128xf32, #tpu.memory_space<vmem_shared>> -> memref<88x128xf32, #tpu.memory_space<vmem_shared>>
      %dma_start3A_123 = arith.constant 0 : i32
      %dma_start3A_124 = arith.constant 0 : i32
      %dma_start3A_125 = tpu.memref_slice %arg14[%dma_start3A_123, %dma_start3A_124] : memref<88x128xf32, #tpu.memory_space<vmem>> -> memref<88x128xf32, #tpu.memory_space<vmem>>
      tpu.enqueue_dma source(%dma_start3A_125 : memref<88x128xf32, #tpu.memory_space<vmem>>) target(%dma_start3A_122 : memref<88x128xf32, #tpu.memory_space<vmem_shared>>) target_semaphore(%run_scoped3A : memref<!tpu.dma_semaphore, #tpu.memory_space<semaphore_mem>>)
      %dma_wait3A_126 = arith.constant 0 : i32
      %dma_wait3A_127 = arith.constant 0 : i32
      %dma_wait3A_128 = tpu.memref_slice %arg14[%dma_wait3A_126, %dma_wait3A_127] : memref<88x128xf32, #tpu.memory_space<vmem>> -> memref<88x128xf32, #tpu.memory_space<vmem>>
      %dma_wait3A_129 = arith.constant 0 : i32
      %dma_wait3A_130 = tpu.memref_slice %arg18[%add3A_34, %dma_wait3A_129] : memref<10240x128xf32, #tpu.memory_space<vmem_shared>> -> memref<88x128xf32, #tpu.memory_space<vmem_shared>>
      %dma_wait3A_131 = arith.constant 0 : i32
      %dma_wait3A_132 = tpu.memref_slice %arg18[%add3A_34, %dma_wait3A_131] : memref<10240x128xf32, #tpu.memory_space<vmem_shared>> -> memref<88x128xf32, #tpu.memory_space<vmem_shared>>
      %dma_wait3A_133 = arith.constant 0 : i32
      %dma_wait3A_134 = arith.constant 0 : i32
      %dma_wait3A_135 = tpu.memref_slice %arg14[%dma_wait3A_133, %dma_wait3A_134] : memref<88x128xf32, #tpu.memory_space<vmem>> -> memref<88x128xf32, #tpu.memory_space<vmem>>
      tpu.wait_dma2 semaphore(%run_scoped3A : memref<!tpu.dma_semaphore, #tpu.memory_space<semaphore_mem>>) src(%dma_wait3A_135 : memref<88x128xf32, #tpu.memory_space<vmem>>) dst(%dma_wait3A_132 : memref<88x128xf32, #tpu.memory_space<vmem_shared>>)
      tpu.yield
    }) : () -> ()
    %mul3A_35 = arith.constant 640 : i32
    %mul3A_36 = arith.muli %arg1, %mul3A_35 : i32
    %add3A_37 = arith.constant 528 : i32
    %add3A_38 = arith.addi %mul3A_36, %add3A_37 : i32
    "tpu.region"() ({
      %run_scoped3A = tpu.sem_alloc : memref<!tpu.dma_semaphore, #tpu.memory_space<semaphore_mem>>
      %dma_start3A_116 = arith.constant 0 : i32
      %dma_start3A_117 = arith.constant 0 : i32
      %dma_start3A_118 = tpu.memref_slice %arg14[%dma_start3A_116, %dma_start3A_117] : memref<88x128xf32, #tpu.memory_space<vmem>> -> memref<88x128xf32, #tpu.memory_space<vmem>>
      %dma_start3A_119 = arith.constant 0 : i32
      %dma_start3A_120 = tpu.memref_slice %arg18[%add3A_38, %dma_start3A_119] : memref<10240x128xf32, #tpu.memory_space<vmem_shared>> -> memref<88x128xf32, #tpu.memory_space<vmem_shared>>
      %dma_start3A_121 = arith.constant 0 : i32
      %dma_start3A_122 = tpu.memref_slice %arg18[%add3A_38, %dma_start3A_121] : memref<10240x128xf32, #tpu.memory_space<vmem_shared>> -> memref<88x128xf32, #tpu.memory_space<vmem_shared>>
      %dma_start3A_123 = arith.constant 0 : i32
      %dma_start3A_124 = arith.constant 0 : i32
      %dma_start3A_125 = tpu.memref_slice %arg14[%dma_start3A_123, %dma_start3A_124] : memref<88x128xf32, #tpu.memory_space<vmem>> -> memref<88x128xf32, #tpu.memory_space<vmem>>
      tpu.enqueue_dma source(%dma_start3A_125 : memref<88x128xf32, #tpu.memory_space<vmem>>) target(%dma_start3A_122 : memref<88x128xf32, #tpu.memory_space<vmem_shared>>) target_semaphore(%run_scoped3A : memref<!tpu.dma_semaphore, #tpu.memory_space<semaphore_mem>>)
      %dma_wait3A_126 = arith.constant 0 : i32
      %dma_wait3A_127 = arith.constant 0 : i32
      %dma_wait3A_128 = tpu.memref_slice %arg14[%dma_wait3A_126, %dma_wait3A_127] : memref<88x128xf32, #tpu.memory_space<vmem>> -> memref<88x128xf32, #tpu.memory_space<vmem>>
      %dma_wait3A_129 = arith.constant 0 : i32
      %dma_wait3A_130 = tpu.memref_slice %arg18[%add3A_38, %dma_wait3A_129] : memref<10240x128xf32, #tpu.memory_space<vmem_shared>> -> memref<88x128xf32, #tpu.memory_space<vmem_shared>>
      %dma_wait3A_131 = arith.constant 0 : i32
      %dma_wait3A_132 = tpu.memref_slice %arg18[%add3A_38, %dma_wait3A_131] : memref<10240x128xf32, #tpu.memory_space<vmem_shared>> -> memref<88x128xf32, #tpu.memory_space<vmem_shared>>
      %dma_wait3A_133 = arith.constant 0 : i32
      %dma_wait3A_134 = arith.constant 0 : i32
      %dma_wait3A_135 = tpu.memref_slice %arg14[%dma_wait3A_133, %dma_wait3A_134] : memref<88x128xf32, #tpu.memory_space<vmem>> -> memref<88x128xf32, #tpu.memory_space<vmem>>
      tpu.wait_dma2 semaphore(%run_scoped3A : memref<!tpu.dma_semaphore, #tpu.memory_space<semaphore_mem>>) src(%dma_wait3A_135 : memref<88x128xf32, #tpu.memory_space<vmem>>) dst(%dma_wait3A_132 : memref<88x128xf32, #tpu.memory_space<vmem_shared>>)
      tpu.yield
    }) : () -> ()
    %mul3A_39 = arith.constant 640 : i32
    %mul3A_40 = arith.muli %arg1, %mul3A_39 : i32
    %add3A_41 = arith.constant 616 : i32
    %add3A_42 = arith.addi %mul3A_40, %add3A_41 : i32
    "tpu.region"() ({
      %run_scoped3A = tpu.sem_alloc : memref<!tpu.dma_semaphore, #tpu.memory_space<semaphore_mem>>
      %dma_start3A_116 = arith.constant 0 : i32
      %dma_start3A_117 = arith.constant 0 : i32
      %dma_start3A_118 = tpu.memref_slice %arg14[%dma_start3A_116, %dma_start3A_117] : memref<88x128xf32, #tpu.memory_space<vmem>> -> memref<24x128xf32, #tpu.memory_space<vmem>>
      %dma_start3A_119 = arith.constant 0 : i32
      %dma_start3A_120 = tpu.memref_slice %arg18[%add3A_42, %dma_start3A_119] : memref<10240x128xf32, #tpu.memory_space<vmem_shared>> -> memref<24x128xf32, #tpu.memory_space<vmem_shared>>
      %dma_start3A_121 = arith.constant 0 : i32
      %dma_start3A_122 = tpu.memref_slice %arg18[%add3A_42, %dma_start3A_121] : memref<10240x128xf32, #tpu.memory_space<vmem_shared>> -> memref<24x128xf32, #tpu.memory_space<vmem_shared>>
      %dma_start3A_123 = arith.constant 0 : i32
      %dma_start3A_124 = arith.constant 0 : i32
      %dma_start3A_125 = tpu.memref_slice %arg14[%dma_start3A_123, %dma_start3A_124] : memref<88x128xf32, #tpu.memory_space<vmem>> -> memref<24x128xf32, #tpu.memory_space<vmem>>
      tpu.enqueue_dma source(%dma_start3A_125 : memref<24x128xf32, #tpu.memory_space<vmem>>) target(%dma_start3A_122 : memref<24x128xf32, #tpu.memory_space<vmem_shared>>) target_semaphore(%run_scoped3A : memref<!tpu.dma_semaphore, #tpu.memory_space<semaphore_mem>>)
      %dma_wait3A_126 = arith.constant 0 : i32
      %dma_wait3A_127 = arith.constant 0 : i32
      %dma_wait3A_128 = tpu.memref_slice %arg14[%dma_wait3A_126, %dma_wait3A_127] : memref<88x128xf32, #tpu.memory_space<vmem>> -> memref<24x128xf32, #tpu.memory_space<vmem>>
      %dma_wait3A_129 = arith.constant 0 : i32
      %dma_wait3A_130 = tpu.memref_slice %arg18[%add3A_42, %dma_wait3A_129] : memref<10240x128xf32, #tpu.memory_space<vmem_shared>> -> memref<24x128xf32, #tpu.memory_space<vmem_shared>>
      %dma_wait3A_131 = arith.constant 0 : i32
      %dma_wait3A_132 = tpu.memref_slice %arg18[%add3A_42, %dma_wait3A_131] : memref<10240x128xf32, #tpu.memory_space<vmem_shared>> -> memref<24x128xf32, #tpu.memory_space<vmem_shared>>
      %dma_wait3A_133 = arith.constant 0 : i32
      %dma_wait3A_134 = arith.constant 0 : i32
      %dma_wait3A_135 = tpu.memref_slice %arg14[%dma_wait3A_133, %dma_wait3A_134] : memref<88x128xf32, #tpu.memory_space<vmem>> -> memref<24x128xf32, #tpu.memory_space<vmem>>
      tpu.wait_dma2 semaphore(%run_scoped3A : memref<!tpu.dma_semaphore, #tpu.memory_space<semaphore_mem>>) src(%dma_wait3A_135 : memref<24x128xf32, #tpu.memory_space<vmem>>) dst(%dma_wait3A_132 : memref<24x128xf32, #tpu.memory_space<vmem_shared>>)
      tpu.yield
    }) : () -> ()
    %barrier3A = arith.constant 0 : index
    tpu.barrier barrier_id(%barrier3A)
    %add3A_43 = arith.constant 0 : i32
    %add3A_44 = arith.addi %add3A, %add3A_43 : i32
    %dma_start3A = tpu.memref_slice %arg3[%add3A_44] : memref<642048xi32, #tpu.memory_space<hbm>> -> memref<88xi32, #tpu.memory_space<hbm>>
    %dma_start3A_45 = tpu.memref_slice %arg3[%add3A_44] : memref<642048xi32, #tpu.memory_space<hbm>> -> memref<88xi32, #tpu.memory_space<hbm>>
    tpu.enqueue_dma source(%dma_start3A_45 : memref<88xi32, #tpu.memory_space<hbm>>) target(%arg6 : memref<88xi32, #tpu.memory_space<vmem>>) target_semaphore(%arg23 : memref<!tpu.dma_semaphore, #tpu.memory_space<semaphore_mem>>)
    %add3A_46 = arith.constant 0 : i32
    %add3A_47 = arith.addi %mul3A_4, %add3A_46 : i32
    %dma_start3A_48 = tpu.memref_slice %arg4[%add3A_47] : memref<321024xi32, #tpu.memory_space<hbm>> -> memref<88xi32, #tpu.memory_space<hbm>>
    %dma_start3A_49 = tpu.memref_slice %arg4[%add3A_47] : memref<321024xi32, #tpu.memory_space<hbm>> -> memref<88xi32, #tpu.memory_space<hbm>>
    tpu.enqueue_dma source(%dma_start3A_49 : memref<88xi32, #tpu.memory_space<hbm>>) target(%arg10 : memref<88xi32, #tpu.memory_space<vmem>>) target_semaphore(%arg27 : memref<!tpu.dma_semaphore, #tpu.memory_space<semaphore_mem>>)
    %add3A_50 = arith.constant 88 : i32
    %add3A_51 = arith.addi %add3A, %add3A_50 : i32
    %dma_start3A_52 = tpu.memref_slice %arg3[%add3A_51] : memref<642048xi32, #tpu.memory_space<hbm>> -> memref<88xi32, #tpu.memory_space<hbm>>
    %dma_start3A_53 = tpu.memref_slice %arg3[%add3A_51] : memref<642048xi32, #tpu.memory_space<hbm>> -> memref<88xi32, #tpu.memory_space<hbm>>
    tpu.enqueue_dma source(%dma_start3A_53 : memref<88xi32, #tpu.memory_space<hbm>>) target(%arg7 : memref<88xi32, #tpu.memory_space<vmem>>) target_semaphore(%arg24 : memref<!tpu.dma_semaphore, #tpu.memory_space<semaphore_mem>>)
    %add3A_54 = arith.constant 88 : i32
    %add3A_55 = arith.addi %mul3A_4, %add3A_54 : i32
    %dma_start3A_56 = tpu.memref_slice %arg4[%add3A_55] : memref<321024xi32, #tpu.memory_space<hbm>> -> memref<88xi32, #tpu.memory_space<hbm>>
    %dma_start3A_57 = tpu.memref_slice %arg4[%add3A_55] : memref<321024xi32, #tpu.memory_space<hbm>> -> memref<88xi32, #tpu.memory_space<hbm>>
    tpu.enqueue_dma source(%dma_start3A_57 : memref<88xi32, #tpu.memory_space<hbm>>) target(%arg11 : memref<88xi32, #tpu.memory_space<vmem>>) target_semaphore(%arg28 : memref<!tpu.dma_semaphore, #tpu.memory_space<semaphore_mem>>)
    %add3A_58 = arith.constant 176 : i32
    %add3A_59 = arith.addi %add3A, %add3A_58 : i32
    %dma_start3A_60 = tpu.memref_slice %arg3[%add3A_59] : memref<642048xi32, #tpu.memory_space<hbm>> -> memref<88xi32, #tpu.memory_space<hbm>>
    %dma_start3A_61 = tpu.memref_slice %arg3[%add3A_59] : memref<642048xi32, #tpu.memory_space<hbm>> -> memref<88xi32, #tpu.memory_space<hbm>>
    tpu.enqueue_dma source(%dma_start3A_61 : memref<88xi32, #tpu.memory_space<hbm>>) target(%arg8 : memref<88xi32, #tpu.memory_space<vmem>>) target_semaphore(%arg25 : memref<!tpu.dma_semaphore, #tpu.memory_space<semaphore_mem>>)
    %add3A_62 = arith.constant 176 : i32
    %add3A_63 = arith.addi %mul3A_4, %add3A_62 : i32
    %dma_start3A_64 = tpu.memref_slice %arg4[%add3A_63] : memref<321024xi32, #tpu.memory_space<hbm>> -> memref<88xi32, #tpu.memory_space<hbm>>
    %dma_start3A_65 = tpu.memref_slice %arg4[%add3A_63] : memref<321024xi32, #tpu.memory_space<hbm>> -> memref<88xi32, #tpu.memory_space<hbm>>
    tpu.enqueue_dma source(%dma_start3A_65 : memref<88xi32, #tpu.memory_space<hbm>>) target(%arg12 : memref<88xi32, #tpu.memory_space<vmem>>) target_semaphore(%arg29 : memref<!tpu.dma_semaphore, #tpu.memory_space<semaphore_mem>>)
    %add3A_66 = arith.constant 264 : i32
    %add3A_67 = arith.addi %add3A, %add3A_66 : i32
    %dma_start3A_68 = tpu.memref_slice %arg3[%add3A_67] : memref<642048xi32, #tpu.memory_space<hbm>> -> memref<88xi32, #tpu.memory_space<hbm>>
    %dma_start3A_69 = tpu.memref_slice %arg3[%add3A_67] : memref<642048xi32, #tpu.memory_space<hbm>> -> memref<88xi32, #tpu.memory_space<hbm>>
    tpu.enqueue_dma source(%dma_start3A_69 : memref<88xi32, #tpu.memory_space<hbm>>) target(%arg9 : memref<88xi32, #tpu.memory_space<vmem>>) target_semaphore(%arg26 : memref<!tpu.dma_semaphore, #tpu.memory_space<semaphore_mem>>)
    %add3A_70 = arith.constant 264 : i32
    %add3A_71 = arith.addi %mul3A_4, %add3A_70 : i32
    %dma_start3A_72 = tpu.memref_slice %arg4[%add3A_71] : memref<321024xi32, #tpu.memory_space<hbm>> -> memref<88xi32, #tpu.memory_space<hbm>>
    %dma_start3A_73 = tpu.memref_slice %arg4[%add3A_71] : memref<321024xi32, #tpu.memory_space<hbm>> -> memref<88xi32, #tpu.memory_space<hbm>>
    tpu.enqueue_dma source(%dma_start3A_73 : memref<88xi32, #tpu.memory_space<hbm>>) target(%arg13 : memref<88xi32, #tpu.memory_space<vmem>>) target_semaphore(%arg30 : memref<!tpu.dma_semaphore, #tpu.memory_space<semaphore_mem>>)
    %add3A_74 = arith.constant 0 : i32
    %add3A_75 = arith.addi %add3A, %add3A_74 : i32
    %dma_wait3A = tpu.memref_slice %arg3[%add3A_75] : memref<642048xi32, #tpu.memory_space<hbm>> -> memref<88xi32, #tpu.memory_space<hbm>>
    %dma_wait3A_76 = tpu.memref_slice %arg3[%add3A_75] : memref<642048xi32, #tpu.memory_space<hbm>> -> memref<88xi32, #tpu.memory_space<hbm>>
    tpu.wait_dma2 semaphore(%arg23 : memref<!tpu.dma_semaphore, #tpu.memory_space<semaphore_mem>>) src(%dma_wait3A_76 : memref<88xi32, #tpu.memory_space<hbm>>) dst(%arg6 : memref<88xi32, #tpu.memory_space<vmem>>)
    %dma_start3A_77 = arith.constant 0 : i32
    %dma_start3A_78 = arith.constant 0 : i32
    %dma_start3A_79 = tpu.memref_slice %arg2[%dma_start3A_77, %dma_start3A_78] : memref<20480x128xf32, #tpu.memory_space<hbm>> -> memref<20480x128xf32, #tpu.memory_space<hbm>>
    tpu.enqueue_indirect_dma source(%dma_start3A_79 : memref<20480x128xf32, #tpu.memory_space<hbm>>) target(%arg14 : memref<88x128xf32, #tpu.memory_space<vmem>>) offsets(%arg6 : memref<88xi32, #tpu.memory_space<vmem>>) semaphore(%arg19 : memref<!tpu.dma_semaphore, #tpu.memory_space<semaphore_mem>>)
    %add3A_80 = arith.constant 88 : i32
    %add3A_81 = arith.addi %add3A, %add3A_80 : i32
    %dma_wait3A_82 = tpu.memref_slice %arg3[%add3A_81] : memref<642048xi32, #tpu.memory_space<hbm>> -> memref<88xi32, #tpu.memory_space<hbm>>
    %dma_wait3A_83 = tpu.memref_slice %arg3[%add3A_81] : memref<642048xi32, #tpu.memory_space<hbm>> -> memref<88xi32, #tpu.memory_space<hbm>>
    tpu.wait_dma2 semaphore(%arg24 : memref<!tpu.dma_semaphore, #tpu.memory_space<semaphore_mem>>) src(%dma_wait3A_83 : memref<88xi32, #tpu.memory_space<hbm>>) dst(%arg7 : memref<88xi32, #tpu.memory_space<vmem>>)
    %dma_start3A_84 = arith.constant 0 : i32
    %dma_start3A_85 = arith.constant 0 : i32
    %dma_start3A_86 = tpu.memref_slice %arg2[%dma_start3A_84, %dma_start3A_85] : memref<20480x128xf32, #tpu.memory_space<hbm>> -> memref<20480x128xf32, #tpu.memory_space<hbm>>
    tpu.enqueue_indirect_dma source(%dma_start3A_86 : memref<20480x128xf32, #tpu.memory_space<hbm>>) target(%arg15 : memref<88x128xf32, #tpu.memory_space<vmem>>) offsets(%arg7 : memref<88xi32, #tpu.memory_space<vmem>>) semaphore(%arg20 : memref<!tpu.dma_semaphore, #tpu.memory_space<semaphore_mem>>)
    %add3A_87 = arith.constant 176 : i32
    %add3A_88 = arith.addi %add3A, %add3A_87 : i32
    %dma_wait3A_89 = tpu.memref_slice %arg3[%add3A_88] : memref<642048xi32, #tpu.memory_space<hbm>> -> memref<88xi32, #tpu.memory_space<hbm>>
    %dma_wait3A_90 = tpu.memref_slice %arg3[%add3A_88] : memref<642048xi32, #tpu.memory_space<hbm>> -> memref<88xi32, #tpu.memory_space<hbm>>
    tpu.wait_dma2 semaphore(%arg25 : memref<!tpu.dma_semaphore, #tpu.memory_space<semaphore_mem>>) src(%dma_wait3A_90 : memref<88xi32, #tpu.memory_space<hbm>>) dst(%arg8 : memref<88xi32, #tpu.memory_space<vmem>>)
    %dma_start3A_91 = arith.constant 0 : i32
    %dma_start3A_92 = arith.constant 0 : i32
    %dma_start3A_93 = tpu.memref_slice %arg2[%dma_start3A_91, %dma_start3A_92] : memref<20480x128xf32, #tpu.memory_space<hbm>> -> memref<20480x128xf32, #tpu.memory_space<hbm>>
    tpu.enqueue_indirect_dma source(%dma_start3A_93 : memref<20480x128xf32, #tpu.memory_space<hbm>>) target(%arg16 : memref<88x128xf32, #tpu.memory_space<vmem>>) offsets(%arg8 : memref<88xi32, #tpu.memory_space<vmem>>) semaphore(%arg21 : memref<!tpu.dma_semaphore, #tpu.memory_space<semaphore_mem>>)
    %add3A_94 = arith.constant 264 : i32
    %add3A_95 = arith.addi %add3A, %add3A_94 : i32
    %dma_wait3A_96 = tpu.memref_slice %arg3[%add3A_95] : memref<642048xi32, #tpu.memory_space<hbm>> -> memref<88xi32, #tpu.memory_space<hbm>>
    %dma_wait3A_97 = tpu.memref_slice %arg3[%add3A_95] : memref<642048xi32, #tpu.memory_space<hbm>> -> memref<88xi32, #tpu.memory_space<hbm>>
    tpu.wait_dma2 semaphore(%arg26 : memref<!tpu.dma_semaphore, #tpu.memory_space<semaphore_mem>>) src(%dma_wait3A_97 : memref<88xi32, #tpu.memory_space<hbm>>) dst(%arg9 : memref<88xi32, #tpu.memory_space<vmem>>)
    %dma_start3A_98 = arith.constant 0 : i32
    %dma_start3A_99 = arith.constant 0 : i32
    %dma_start3A_100 = tpu.memref_slice %arg2[%dma_start3A_98, %dma_start3A_99] : memref<20480x128xf32, #tpu.memory_space<hbm>> -> memref<20480x128xf32, #tpu.memory_space<hbm>>
    tpu.enqueue_indirect_dma source(%dma_start3A_100 : memref<20480x128xf32, #tpu.memory_space<hbm>>) target(%arg17 : memref<88x128xf32, #tpu.memory_space<vmem>>) offsets(%arg9 : memref<88xi32, #tpu.memory_space<vmem>>) semaphore(%arg22 : memref<!tpu.dma_semaphore, #tpu.memory_space<semaphore_mem>>)
    %scan3A_101 = arith.constant 0 : i32
    %scan3A_102 = arith.constant 0 : i32
    %scan3A_103 = arith.constant 57 : i32
    %scan3A_104 = arith.addi %scan3A_102, %scan3A_103 : i32
    %scan3A_105 = arith.constant 1 : i32
    %scan3A_106 = scf.for %scan3A_116 = %scan3A_102 to %scan3A_104 step %scan3A_105 iter_args(%scan3A_117 = %scan3A_101) -> (i32)  : i32 {
      %mul3A_118 = arith.constant 4 : i32
      %mul3A_119 = arith.muli %scan3A_116, %mul3A_118 : i32
      %add3A_120 = arith.constant 0 : i32
      %add3A_121 = arith.addi %mul3A_119, %add3A_120 : i32
      %dma_wait3A_122 = arith.constant 0 : i32
      %dma_wait3A_123 = arith.constant 0 : i32
      %dma_wait3A_124 = tpu.memref_slice %arg2[%dma_wait3A_122, %dma_wait3A_123] : memref<20480x128xf32, #tpu.memory_space<hbm>> -> memref<20480x128xf32, #tpu.memory_space<hbm>>
      tpu.wait_indirect_dma semaphore(%arg19 : memref<!tpu.dma_semaphore, #tpu.memory_space<semaphore_mem>>) src(%dma_wait3A_124 : memref<20480x128xf32, #tpu.memory_space<hbm>>) dst(%arg14 : memref<88x128xf32, #tpu.memory_space<vmem>>)
      %add3A_125 = arith.constant 4 : i32
      %add3A_126 = arith.addi %add3A_121, %add3A_125 : i32
      %lt3A = arith.constant 228 : i32
      %lt3A_127 = arith.cmpi slt, %add3A_126, %lt3A : i32
      %convert_element_type3A = arith.extui %lt3A_127 : i1 to i32
      %cond3A = arith.constant 0 : i32
      %cond3A_128 = arith.cmpi ne, %convert_element_type3A, %cond3A : i32
      scf.if %cond3A_128 {
        %mul3A_212 = arith.constant 88 : i32
        %mul3A_213 = arith.muli %add3A_126, %mul3A_212 : i32
        %add3A_214 = arith.addi %add3A, %mul3A_213 : i32
        %dma_start3A_215 = tpu.memref_slice %arg3[%add3A_214] : memref<642048xi32, #tpu.memory_space<hbm>> -> memref<88xi32, #tpu.memory_space<hbm>>
        %dma_start3A_216 = tpu.memref_slice %arg3[%add3A_214] : memref<642048xi32, #tpu.memory_space<hbm>> -> memref<88xi32, #tpu.memory_space<hbm>>
        tpu.enqueue_dma source(%dma_start3A_216 : memref<88xi32, #tpu.memory_space<hbm>>) target(%arg6 : memref<88xi32, #tpu.memory_space<vmem>>) target_semaphore(%arg23 : memref<!tpu.dma_semaphore, #tpu.memory_space<semaphore_mem>>)
      } else {
      }
      %mul3A_129 = arith.constant 88 : i32
      %mul3A_130 = arith.muli %add3A_121, %mul3A_129 : i32
      %add3A_131 = arith.addi %mul3A_4, %mul3A_130 : i32
      %dma_wait3A_132 = tpu.memref_slice %arg4[%add3A_131] : memref<321024xi32, #tpu.memory_space<hbm>> -> memref<88xi32, #tpu.memory_space<hbm>>
      %dma_wait3A_133 = tpu.memref_slice %arg4[%add3A_131] : memref<321024xi32, #tpu.memory_space<hbm>> -> memref<88xi32, #tpu.memory_space<hbm>>
      tpu.wait_dma2 semaphore(%arg27 : memref<!tpu.dma_semaphore, #tpu.memory_space<semaphore_mem>>) src(%dma_wait3A_133 : memref<88xi32, #tpu.memory_space<hbm>>) dst(%arg10 : memref<88xi32, #tpu.memory_space<vmem>>)
      "tpu.region"() ({
        %run_scoped3A = tpu.sem_alloc : memref<!tpu.dma_semaphore, #tpu.memory_space<semaphore_mem>>
        %dma_start3A_212 = arith.constant 0 : i32
        %dma_start3A_213 = arith.constant 0 : i32
        %dma_start3A_214 = tpu.memref_slice %arg18[%dma_start3A_212, %dma_start3A_213] : memref<10240x128xf32, #tpu.memory_space<vmem_shared>> -> memref<10240x128xf32, #tpu.memory_space<vmem_shared>>
        tpu.enqueue_indirect_dma source(%arg14 : memref<88x128xf32, #tpu.memory_space<vmem>>) target(%dma_start3A_214 : memref<10240x128xf32, #tpu.memory_space<vmem_shared>>) offsets(%arg10 : memref<88xi32, #tpu.memory_space<vmem>>) semaphore(%run_scoped3A : memref<!tpu.dma_semaphore, #tpu.memory_space<semaphore_mem>>) {add = true}
        %dma_wait3A_215 = arith.constant 0 : i32
        %dma_wait3A_216 = arith.constant 0 : i32
        %dma_wait3A_217 = tpu.memref_slice %arg18[%dma_wait3A_215, %dma_wait3A_216] : memref<10240x128xf32, #tpu.memory_space<vmem_shared>> -> memref<10240x128xf32, #tpu.memory_space<vmem_shared>>
        tpu.wait_indirect_dma semaphore(%run_scoped3A : memref<!tpu.dma_semaphore, #tpu.memory_space<semaphore_mem>>) src(%arg14 : memref<88x128xf32, #tpu.memory_space<vmem>>) dst(%dma_wait3A_217 : memref<10240x128xf32, #tpu.memory_space<vmem_shared>>)
        tpu.yield
      }) : () -> ()
      %lt3A_134 = arith.constant 228 : i32
      %lt3A_135 = arith.cmpi slt, %add3A_126, %lt3A_134 : i32
      %convert_element_type3A_136 = arith.extui %lt3A_135 : i1 to i32
      %cond3A_137 = arith.constant 0 : i32
      %cond3A_138 = arith.cmpi ne, %convert_element_type3A_136, %cond3A_137 : i32
      scf.if %cond3A_138 {
        %mul3A_212 = arith.constant 88 : i32
        %mul3A_213 = arith.muli %add3A_126, %mul3A_212 : i32
        %add3A_214 = arith.addi %mul3A_4, %mul3A_213 : i32
        %dma_start3A_215 = tpu.memref_slice %arg4[%add3A_214] : memref<321024xi32, #tpu.memory_space<hbm>> -> memref<88xi32, #tpu.memory_space<hbm>>
        %dma_start3A_216 = tpu.memref_slice %arg4[%add3A_214] : memref<321024xi32, #tpu.memory_space<hbm>> -> memref<88xi32, #tpu.memory_space<hbm>>
        tpu.enqueue_dma source(%dma_start3A_216 : memref<88xi32, #tpu.memory_space<hbm>>) target(%arg10 : memref<88xi32, #tpu.memory_space<vmem>>) target_semaphore(%arg27 : memref<!tpu.dma_semaphore, #tpu.memory_space<semaphore_mem>>)
        %mul3A_217 = arith.constant 88 : i32
        %mul3A_218 = arith.muli %add3A_126, %mul3A_217 : i32
        %add3A_219 = arith.addi %add3A, %mul3A_218 : i32
        %dma_wait3A_220 = tpu.memref_slice %arg3[%add3A_219] : memref<642048xi32, #tpu.memory_space<hbm>> -> memref<88xi32, #tpu.memory_space<hbm>>
        %dma_wait3A_221 = tpu.memref_slice %arg3[%add3A_219] : memref<642048xi32, #tpu.memory_space<hbm>> -> memref<88xi32, #tpu.memory_space<hbm>>
        tpu.wait_dma2 semaphore(%arg23 : memref<!tpu.dma_semaphore, #tpu.memory_space<semaphore_mem>>) src(%dma_wait3A_221 : memref<88xi32, #tpu.memory_space<hbm>>) dst(%arg6 : memref<88xi32, #tpu.memory_space<vmem>>)
        %dma_start3A_222 = arith.constant 0 : i32
        %dma_start3A_223 = arith.constant 0 : i32
        %dma_start3A_224 = tpu.memref_slice %arg2[%dma_start3A_222, %dma_start3A_223] : memref<20480x128xf32, #tpu.memory_space<hbm>> -> memref<20480x128xf32, #tpu.memory_space<hbm>>
        tpu.enqueue_indirect_dma source(%dma_start3A_224 : memref<20480x128xf32, #tpu.memory_space<hbm>>) target(%arg14 : memref<88x128xf32, #tpu.memory_space<vmem>>) offsets(%arg6 : memref<88xi32, #tpu.memory_space<vmem>>) semaphore(%arg19 : memref<!tpu.dma_semaphore, #tpu.memory_space<semaphore_mem>>)
      } else {
      }
      %mul3A_139 = arith.constant 4 : i32
      %mul3A_140 = arith.muli %scan3A_116, %mul3A_139 : i32
      %add3A_141 = arith.constant 1 : i32
      %add3A_142 = arith.addi %mul3A_140, %add3A_141 : i32
      %dma_wait3A_143 = arith.constant 0 : i32
      %dma_wait3A_144 = arith.constant 0 : i32
      %dma_wait3A_145 = tpu.memref_slice %arg2[%dma_wait3A_143, %dma_wait3A_144] : memref<20480x128xf32, #tpu.memory_space<hbm>> -> memref<20480x128xf32, #tpu.memory_space<hbm>>
      tpu.wait_indirect_dma semaphore(%arg20 : memref<!tpu.dma_semaphore, #tpu.memory_space<semaphore_mem>>) src(%dma_wait3A_145 : memref<20480x128xf32, #tpu.memory_space<hbm>>) dst(%arg15 : memref<88x128xf32, #tpu.memory_space<vmem>>)
      %add3A_146 = arith.constant 4 : i32
      %add3A_147 = arith.addi %add3A_142, %add3A_146 : i32
      %lt3A_148 = arith.constant 228 : i32
      %lt3A_149 = arith.cmpi slt, %add3A_147, %lt3A_148 : i32
      %convert_element_type3A_150 = arith.extui %lt3A_149 : i1 to i32
      %cond3A_151 = arith.constant 0 : i32
      %cond3A_152 = arith.cmpi ne, %convert_element_type3A_150, %cond3A_151 : i32
      scf.if %cond3A_152 {
        %mul3A_212 = arith.constant 88 : i32
        %mul3A_213 = arith.muli %add3A_147, %mul3A_212 : i32
        %add3A_214 = arith.addi %add3A, %mul3A_213 : i32
        %dma_start3A_215 = tpu.memref_slice %arg3[%add3A_214] : memref<642048xi32, #tpu.memory_space<hbm>> -> memref<88xi32, #tpu.memory_space<hbm>>
        %dma_start3A_216 = tpu.memref_slice %arg3[%add3A_214] : memref<642048xi32, #tpu.memory_space<hbm>> -> memref<88xi32, #tpu.memory_space<hbm>>
        tpu.enqueue_dma source(%dma_start3A_216 : memref<88xi32, #tpu.memory_space<hbm>>) target(%arg7 : memref<88xi32, #tpu.memory_space<vmem>>) target_semaphore(%arg24 : memref<!tpu.dma_semaphore, #tpu.memory_space<semaphore_mem>>)
      } else {
      }
      %mul3A_153 = arith.constant 88 : i32
      %mul3A_154 = arith.muli %add3A_142, %mul3A_153 : i32
      %add3A_155 = arith.addi %mul3A_4, %mul3A_154 : i32
      %dma_wait3A_156 = tpu.memref_slice %arg4[%add3A_155] : memref<321024xi32, #tpu.memory_space<hbm>> -> memref<88xi32, #tpu.memory_space<hbm>>
      %dma_wait3A_157 = tpu.memref_slice %arg4[%add3A_155] : memref<321024xi32, #tpu.memory_space<hbm>> -> memref<88xi32, #tpu.memory_space<hbm>>
      tpu.wait_dma2 semaphore(%arg28 : memref<!tpu.dma_semaphore, #tpu.memory_space<semaphore_mem>>) src(%dma_wait3A_157 : memref<88xi32, #tpu.memory_space<hbm>>) dst(%arg11 : memref<88xi32, #tpu.memory_space<vmem>>)
      "tpu.region"() ({
        %run_scoped3A = tpu.sem_alloc : memref<!tpu.dma_semaphore, #tpu.memory_space<semaphore_mem>>
        %dma_start3A_212 = arith.constant 0 : i32
        %dma_start3A_213 = arith.constant 0 : i32
        %dma_start3A_214 = tpu.memref_slice %arg18[%dma_start3A_212, %dma_start3A_213] : memref<10240x128xf32, #tpu.memory_space<vmem_shared>> -> memref<10240x128xf32, #tpu.memory_space<vmem_shared>>
        tpu.enqueue_indirect_dma source(%arg15 : memref<88x128xf32, #tpu.memory_space<vmem>>) target(%dma_start3A_214 : memref<10240x128xf32, #tpu.memory_space<vmem_shared>>) offsets(%arg11 : memref<88xi32, #tpu.memory_space<vmem>>) semaphore(%run_scoped3A : memref<!tpu.dma_semaphore, #tpu.memory_space<semaphore_mem>>) {add = true}
        %dma_wait3A_215 = arith.constant 0 : i32
        %dma_wait3A_216 = arith.constant 0 : i32
        %dma_wait3A_217 = tpu.memref_slice %arg18[%dma_wait3A_215, %dma_wait3A_216] : memref<10240x128xf32, #tpu.memory_space<vmem_shared>> -> memref<10240x128xf32, #tpu.memory_space<vmem_shared>>
        tpu.wait_indirect_dma semaphore(%run_scoped3A : memref<!tpu.dma_semaphore, #tpu.memory_space<semaphore_mem>>) src(%arg15 : memref<88x128xf32, #tpu.memory_space<vmem>>) dst(%dma_wait3A_217 : memref<10240x128xf32, #tpu.memory_space<vmem_shared>>)
        tpu.yield
      }) : () -> ()
      %lt3A_158 = arith.constant 228 : i32
      %lt3A_159 = arith.cmpi slt, %add3A_147, %lt3A_158 : i32
      %convert_element_type3A_160 = arith.extui %lt3A_159 : i1 to i32
      %cond3A_161 = arith.constant 0 : i32
      %cond3A_162 = arith.cmpi ne, %convert_element_type3A_160, %cond3A_161 : i32
      scf.if %cond3A_162 {
        %mul3A_212 = arith.constant 88 : i32
        %mul3A_213 = arith.muli %add3A_147, %mul3A_212 : i32
        %add3A_214 = arith.addi %mul3A_4, %mul3A_213 : i32
        %dma_start3A_215 = tpu.memref_slice %arg4[%add3A_214] : memref<321024xi32, #tpu.memory_space<hbm>> -> memref<88xi32, #tpu.memory_space<hbm>>
        %dma_start3A_216 = tpu.memref_slice %arg4[%add3A_214] : memref<321024xi32, #tpu.memory_space<hbm>> -> memref<88xi32, #tpu.memory_space<hbm>>
        tpu.enqueue_dma source(%dma_start3A_216 : memref<88xi32, #tpu.memory_space<hbm>>) target(%arg11 : memref<88xi32, #tpu.memory_space<vmem>>) target_semaphore(%arg28 : memref<!tpu.dma_semaphore, #tpu.memory_space<semaphore_mem>>)
        %mul3A_217 = arith.constant 88 : i32
        %mul3A_218 = arith.muli %add3A_147, %mul3A_217 : i32
        %add3A_219 = arith.addi %add3A, %mul3A_218 : i32
        %dma_wait3A_220 = tpu.memref_slice %arg3[%add3A_219] : memref<642048xi32, #tpu.memory_space<hbm>> -> memref<88xi32, #tpu.memory_space<hbm>>
        %dma_wait3A_221 = tpu.memref_slice %arg3[%add3A_219] : memref<642048xi32, #tpu.memory_space<hbm>> -> memref<88xi32, #tpu.memory_space<hbm>>
        tpu.wait_dma2 semaphore(%arg24 : memref<!tpu.dma_semaphore, #tpu.memory_space<semaphore_mem>>) src(%dma_wait3A_221 : memref<88xi32, #tpu.memory_space<hbm>>) dst(%arg7 : memref<88xi32, #tpu.memory_space<vmem>>)
        %dma_start3A_222 = arith.constant 0 : i32
        %dma_start3A_223 = arith.constant 0 : i32
        %dma_start3A_224 = tpu.memref_slice %arg2[%dma_start3A_222, %dma_start3A_223] : memref<20480x128xf32, #tpu.memory_space<hbm>> -> memref<20480x128xf32, #tpu.memory_space<hbm>>
        tpu.enqueue_indirect_dma source(%dma_start3A_224 : memref<20480x128xf32, #tpu.memory_space<hbm>>) target(%arg15 : memref<88x128xf32, #tpu.memory_space<vmem>>) offsets(%arg7 : memref<88xi32, #tpu.memory_space<vmem>>) semaphore(%arg20 : memref<!tpu.dma_semaphore, #tpu.memory_space<semaphore_mem>>)
      } else {
      }
      %mul3A_163 = arith.constant 4 : i32
      %mul3A_164 = arith.muli %scan3A_116, %mul3A_163 : i32
      %add3A_165 = arith.constant 2 : i32
      %add3A_166 = arith.addi %mul3A_164, %add3A_165 : i32
      %dma_wait3A_167 = arith.constant 0 : i32
      %dma_wait3A_168 = arith.constant 0 : i32
      %dma_wait3A_169 = tpu.memref_slice %arg2[%dma_wait3A_167, %dma_wait3A_168] : memref<20480x128xf32, #tpu.memory_space<hbm>> -> memref<20480x128xf32, #tpu.memory_space<hbm>>
      tpu.wait_indirect_dma semaphore(%arg21 : memref<!tpu.dma_semaphore, #tpu.memory_space<semaphore_mem>>) src(%dma_wait3A_169 : memref<20480x128xf32, #tpu.memory_space<hbm>>) dst(%arg16 : memref<88x128xf32, #tpu.memory_space<vmem>>)
      %add3A_170 = arith.constant 4 : i32
      %add3A_171 = arith.addi %add3A_166, %add3A_170 : i32
      %lt3A_172 = arith.constant 228 : i32
      %lt3A_173 = arith.cmpi slt, %add3A_171, %lt3A_172 : i32
      %convert_element_type3A_174 = arith.extui %lt3A_173 : i1 to i32
      %cond3A_175 = arith.constant 0 : i32
      %cond3A_176 = arith.cmpi ne, %convert_element_type3A_174, %cond3A_175 : i32
      scf.if %cond3A_176 {
        %mul3A_212 = arith.constant 88 : i32
        %mul3A_213 = arith.muli %add3A_171, %mul3A_212 : i32
        %add3A_214 = arith.addi %add3A, %mul3A_213 : i32
        %dma_start3A_215 = tpu.memref_slice %arg3[%add3A_214] : memref<642048xi32, #tpu.memory_space<hbm>> -> memref<88xi32, #tpu.memory_space<hbm>>
        %dma_start3A_216 = tpu.memref_slice %arg3[%add3A_214] : memref<642048xi32, #tpu.memory_space<hbm>> -> memref<88xi32, #tpu.memory_space<hbm>>
        tpu.enqueue_dma source(%dma_start3A_216 : memref<88xi32, #tpu.memory_space<hbm>>) target(%arg8 : memref<88xi32, #tpu.memory_space<vmem>>) target_semaphore(%arg25 : memref<!tpu.dma_semaphore, #tpu.memory_space<semaphore_mem>>)
      } else {
      }
      %mul3A_177 = arith.constant 88 : i32
      %mul3A_178 = arith.muli %add3A_166, %mul3A_177 : i32
      %add3A_179 = arith.addi %mul3A_4, %mul3A_178 : i32
      %dma_wait3A_180 = tpu.memref_slice %arg4[%add3A_179] : memref<321024xi32, #tpu.memory_space<hbm>> -> memref<88xi32, #tpu.memory_space<hbm>>
      %dma_wait3A_181 = tpu.memref_slice %arg4[%add3A_179] : memref<321024xi32, #tpu.memory_space<hbm>> -> memref<88xi32, #tpu.memory_space<hbm>>
      tpu.wait_dma2 semaphore(%arg29 : memref<!tpu.dma_semaphore, #tpu.memory_space<semaphore_mem>>) src(%dma_wait3A_181 : memref<88xi32, #tpu.memory_space<hbm>>) dst(%arg12 : memref<88xi32, #tpu.memory_space<vmem>>)
      "tpu.region"() ({
        %run_scoped3A = tpu.sem_alloc : memref<!tpu.dma_semaphore, #tpu.memory_space<semaphore_mem>>
        %dma_start3A_212 = arith.constant 0 : i32
        %dma_start3A_213 = arith.constant 0 : i32
        %dma_start3A_214 = tpu.memref_slice %arg18[%dma_start3A_212, %dma_start3A_213] : memref<10240x128xf32, #tpu.memory_space<vmem_shared>> -> memref<10240x128xf32, #tpu.memory_space<vmem_shared>>
        tpu.enqueue_indirect_dma source(%arg16 : memref<88x128xf32, #tpu.memory_space<vmem>>) target(%dma_start3A_214 : memref<10240x128xf32, #tpu.memory_space<vmem_shared>>) offsets(%arg12 : memref<88xi32, #tpu.memory_space<vmem>>) semaphore(%run_scoped3A : memref<!tpu.dma_semaphore, #tpu.memory_space<semaphore_mem>>) {add = true}
        %dma_wait3A_215 = arith.constant 0 : i32
        %dma_wait3A_216 = arith.constant 0 : i32
        %dma_wait3A_217 = tpu.memref_slice %arg18[%dma_wait3A_215, %dma_wait3A_216] : memref<10240x128xf32, #tpu.memory_space<vmem_shared>> -> memref<10240x128xf32, #tpu.memory_space<vmem_shared>>
        tpu.wait_indirect_dma semaphore(%run_scoped3A : memref<!tpu.dma_semaphore, #tpu.memory_space<semaphore_mem>>) src(%arg16 : memref<88x128xf32, #tpu.memory_space<vmem>>) dst(%dma_wait3A_217 : memref<10240x128xf32, #tpu.memory_space<vmem_shared>>)
        tpu.yield
      }) : () -> ()
      %lt3A_182 = arith.constant 228 : i32
      %lt3A_183 = arith.cmpi slt, %add3A_171, %lt3A_182 : i32
      %convert_element_type3A_184 = arith.extui %lt3A_183 : i1 to i32
      %cond3A_185 = arith.constant 0 : i32
      %cond3A_186 = arith.cmpi ne, %convert_element_type3A_184, %cond3A_185 : i32
      scf.if %cond3A_186 {
        %mul3A_212 = arith.constant 88 : i32
        %mul3A_213 = arith.muli %add3A_171, %mul3A_212 : i32
        %add3A_214 = arith.addi %mul3A_4, %mul3A_213 : i32
        %dma_start3A_215 = tpu.memref_slice %arg4[%add3A_214] : memref<321024xi32, #tpu.memory_space<hbm>> -> memref<88xi32, #tpu.memory_space<hbm>>
        %dma_start3A_216 = tpu.memref_slice %arg4[%add3A_214] : memref<321024xi32, #tpu.memory_space<hbm>> -> memref<88xi32, #tpu.memory_space<hbm>>
        tpu.enqueue_dma source(%dma_start3A_216 : memref<88xi32, #tpu.memory_space<hbm>>) target(%arg12 : memref<88xi32, #tpu.memory_space<vmem>>) target_semaphore(%arg29 : memref<!tpu.dma_semaphore, #tpu.memory_space<semaphore_mem>>)
        %mul3A_217 = arith.constant 88 : i32
        %mul3A_218 = arith.muli %add3A_171, %mul3A_217 : i32
        %add3A_219 = arith.addi %add3A, %mul3A_218 : i32
        %dma_wait3A_220 = tpu.memref_slice %arg3[%add3A_219] : memref<642048xi32, #tpu.memory_space<hbm>> -> memref<88xi32, #tpu.memory_space<hbm>>
        %dma_wait3A_221 = tpu.memref_slice %arg3[%add3A_219] : memref<642048xi32, #tpu.memory_space<hbm>> -> memref<88xi32, #tpu.memory_space<hbm>>
        tpu.wait_dma2 semaphore(%arg25 : memref<!tpu.dma_semaphore, #tpu.memory_space<semaphore_mem>>) src(%dma_wait3A_221 : memref<88xi32, #tpu.memory_space<hbm>>) dst(%arg8 : memref<88xi32, #tpu.memory_space<vmem>>)
        %dma_start3A_222 = arith.constant 0 : i32
        %dma_start3A_223 = arith.constant 0 : i32
        %dma_start3A_224 = tpu.memref_slice %arg2[%dma_start3A_222, %dma_start3A_223] : memref<20480x128xf32, #tpu.memory_space<hbm>> -> memref<20480x128xf32, #tpu.memory_space<hbm>>
        tpu.enqueue_indirect_dma source(%dma_start3A_224 : memref<20480x128xf32, #tpu.memory_space<hbm>>) target(%arg16 : memref<88x128xf32, #tpu.memory_space<vmem>>) offsets(%arg8 : memref<88xi32, #tpu.memory_space<vmem>>) semaphore(%arg21 : memref<!tpu.dma_semaphore, #tpu.memory_space<semaphore_mem>>)
      } else {
      }
      %mul3A_187 = arith.constant 4 : i32
      %mul3A_188 = arith.muli %scan3A_116, %mul3A_187 : i32
      %add3A_189 = arith.constant 3 : i32
      %add3A_190 = arith.addi %mul3A_188, %add3A_189 : i32
      %dma_wait3A_191 = arith.constant 0 : i32
      %dma_wait3A_192 = arith.constant 0 : i32
      %dma_wait3A_193 = tpu.memref_slice %arg2[%dma_wait3A_191, %dma_wait3A_192] : memref<20480x128xf32, #tpu.memory_space<hbm>> -> memref<20480x128xf32, #tpu.memory_space<hbm>>
      tpu.wait_indirect_dma semaphore(%arg22 : memref<!tpu.dma_semaphore, #tpu.memory_space<semaphore_mem>>) src(%dma_wait3A_193 : memref<20480x128xf32, #tpu.memory_space<hbm>>) dst(%arg17 : memref<88x128xf32, #tpu.memory_space<vmem>>)
      %add3A_194 = arith.constant 4 : i32
      %add3A_195 = arith.addi %add3A_190, %add3A_194 : i32
      %lt3A_196 = arith.constant 228 : i32
      %lt3A_197 = arith.cmpi slt, %add3A_195, %lt3A_196 : i32
      %convert_element_type3A_198 = arith.extui %lt3A_197 : i1 to i32
      %cond3A_199 = arith.constant 0 : i32
      %cond3A_200 = arith.cmpi ne, %convert_element_type3A_198, %cond3A_199 : i32
      scf.if %cond3A_200 {
        %mul3A_212 = arith.constant 88 : i32
        %mul3A_213 = arith.muli %add3A_195, %mul3A_212 : i32
        %add3A_214 = arith.addi %add3A, %mul3A_213 : i32
        %dma_start3A_215 = tpu.memref_slice %arg3[%add3A_214] : memref<642048xi32, #tpu.memory_space<hbm>> -> memref<88xi32, #tpu.memory_space<hbm>>
        %dma_start3A_216 = tpu.memref_slice %arg3[%add3A_214] : memref<642048xi32, #tpu.memory_space<hbm>> -> memref<88xi32, #tpu.memory_space<hbm>>
        tpu.enqueue_dma source(%dma_start3A_216 : memref<88xi32, #tpu.memory_space<hbm>>) target(%arg9 : memref<88xi32, #tpu.memory_space<vmem>>) target_semaphore(%arg26 : memref<!tpu.dma_semaphore, #tpu.memory_space<semaphore_mem>>)
      } else {
      }
      %mul3A_201 = arith.constant 88 : i32
      %mul3A_202 = arith.muli %add3A_190, %mul3A_201 : i32
      %add3A_203 = arith.addi %mul3A_4, %mul3A_202 : i32
      %dma_wait3A_204 = tpu.memref_slice %arg4[%add3A_203] : memref<321024xi32, #tpu.memory_space<hbm>> -> memref<88xi32, #tpu.memory_space<hbm>>
      %dma_wait3A_205 = tpu.memref_slice %arg4[%add3A_203] : memref<321024xi32, #tpu.memory_space<hbm>> -> memref<88xi32, #tpu.memory_space<hbm>>
      tpu.wait_dma2 semaphore(%arg30 : memref<!tpu.dma_semaphore, #tpu.memory_space<semaphore_mem>>) src(%dma_wait3A_205 : memref<88xi32, #tpu.memory_space<hbm>>) dst(%arg13 : memref<88xi32, #tpu.memory_space<vmem>>)
      "tpu.region"() ({
        %run_scoped3A = tpu.sem_alloc : memref<!tpu.dma_semaphore, #tpu.memory_space<semaphore_mem>>
        %dma_start3A_212 = arith.constant 0 : i32
        %dma_start3A_213 = arith.constant 0 : i32
        %dma_start3A_214 = tpu.memref_slice %arg18[%dma_start3A_212, %dma_start3A_213] : memref<10240x128xf32, #tpu.memory_space<vmem_shared>> -> memref<10240x128xf32, #tpu.memory_space<vmem_shared>>
        tpu.enqueue_indirect_dma source(%arg17 : memref<88x128xf32, #tpu.memory_space<vmem>>) target(%dma_start3A_214 : memref<10240x128xf32, #tpu.memory_space<vmem_shared>>) offsets(%arg13 : memref<88xi32, #tpu.memory_space<vmem>>) semaphore(%run_scoped3A : memref<!tpu.dma_semaphore, #tpu.memory_space<semaphore_mem>>) {add = true}
        %dma_wait3A_215 = arith.constant 0 : i32
        %dma_wait3A_216 = arith.constant 0 : i32
        %dma_wait3A_217 = tpu.memref_slice %arg18[%dma_wait3A_215, %dma_wait3A_216] : memref<10240x128xf32, #tpu.memory_space<vmem_shared>> -> memref<10240x128xf32, #tpu.memory_space<vmem_shared>>
        tpu.wait_indirect_dma semaphore(%run_scoped3A : memref<!tpu.dma_semaphore, #tpu.memory_space<semaphore_mem>>) src(%arg17 : memref<88x128xf32, #tpu.memory_space<vmem>>) dst(%dma_wait3A_217 : memref<10240x128xf32, #tpu.memory_space<vmem_shared>>)
        tpu.yield
      }) : () -> ()
      %lt3A_206 = arith.constant 228 : i32
      %lt3A_207 = arith.cmpi slt, %add3A_195, %lt3A_206 : i32
      %convert_element_type3A_208 = arith.extui %lt3A_207 : i1 to i32
      %cond3A_209 = arith.constant 0 : i32
      %cond3A_210 = arith.cmpi ne, %convert_element_type3A_208, %cond3A_209 : i32
      scf.if %cond3A_210 {
        %mul3A_212 = arith.constant 88 : i32
        %mul3A_213 = arith.muli %add3A_195, %mul3A_212 : i32
        %add3A_214 = arith.addi %mul3A_4, %mul3A_213 : i32
        %dma_start3A_215 = tpu.memref_slice %arg4[%add3A_214] : memref<321024xi32, #tpu.memory_space<hbm>> -> memref<88xi32, #tpu.memory_space<hbm>>
        %dma_start3A_216 = tpu.memref_slice %arg4[%add3A_214] : memref<321024xi32, #tpu.memory_space<hbm>> -> memref<88xi32, #tpu.memory_space<hbm>>
        tpu.enqueue_dma source(%dma_start3A_216 : memref<88xi32, #tpu.memory_space<hbm>>) target(%arg13 : memref<88xi32, #tpu.memory_space<vmem>>) target_semaphore(%arg30 : memref<!tpu.dma_semaphore, #tpu.memory_space<semaphore_mem>>)
        %mul3A_217 = arith.constant 88 : i32
        %mul3A_218 = arith.muli %add3A_195, %mul3A_217 : i32
        %add3A_219 = arith.addi %add3A, %mul3A_218 : i32
        %dma_wait3A_220 = tpu.memref_slice %arg3[%add3A_219] : memref<642048xi32, #tpu.memory_space<hbm>> -> memref<88xi32, #tpu.memory_space<hbm>>
        %dma_wait3A_221 = tpu.memref_slice %arg3[%add3A_219] : memref<642048xi32, #tpu.memory_space<hbm>> -> memref<88xi32, #tpu.memory_space<hbm>>
        tpu.wait_dma2 semaphore(%arg26 : memref<!tpu.dma_semaphore, #tpu.memory_space<semaphore_mem>>) src(%dma_wait3A_221 : memref<88xi32, #tpu.memory_space<hbm>>) dst(%arg9 : memref<88xi32, #tpu.memory_space<vmem>>)
        %dma_start3A_222 = arith.constant 0 : i32
        %dma_start3A_223 = arith.constant 0 : i32
        %dma_start3A_224 = tpu.memref_slice %arg2[%dma_start3A_222, %dma_start3A_223] : memref<20480x128xf32, #tpu.memory_space<hbm>> -> memref<20480x128xf32, #tpu.memory_space<hbm>>
        tpu.enqueue_indirect_dma source(%dma_start3A_224 : memref<20480x128xf32, #tpu.memory_space<hbm>>) target(%arg17 : memref<88x128xf32, #tpu.memory_space<vmem>>) offsets(%arg9 : memref<88xi32, #tpu.memory_space<vmem>>) semaphore(%arg22 : memref<!tpu.dma_semaphore, #tpu.memory_space<semaphore_mem>>)
      } else {
      }
      %scan3A_211 = arith.constant 0 : i32
      scf.yield %scan3A_211 : i32
    }
    %scan3A_107 = arith.constant 57 : i32
    %barrier3A_108 = arith.constant 0 : index
    tpu.barrier barrier_id(%barrier3A_108)
    %mul3A_109 = arith.constant 640 : i32
    %mul3A_110 = arith.muli %arg1, %mul3A_109 : i32
    %mul3A_111 = arith.constant 10240 : i32
    %mul3A_112 = arith.muli %arg0, %mul3A_111 : i32
    %mul3A_113 = arith.constant 640 : i32
    %mul3A_114 = arith.muli %arg1, %mul3A_113 : i32
    %add3A_115 = arith.addi %mul3A_112, %mul3A_114 : i32
    "tpu.region"() ({
      %run_scoped3A = tpu.sem_alloc : memref<!tpu.dma_semaphore, #tpu.memory_space<semaphore_mem>>
      %dma_start3A_116 = arith.constant 0 : i32
      %dma_start3A_117 = tpu.memref_slice %arg5[%add3A_115, %dma_start3A_116] : memref<20480x128xf32, #tpu.memory_space<hbm>> -> memref<640x128xf32, #tpu.memory_space<hbm>>
      %dma_start3A_118 = arith.constant 0 : i32
      %dma_start3A_119 = tpu.memref_slice %arg18[%mul3A_110, %dma_start3A_118] : memref<10240x128xf32, #tpu.memory_space<vmem_shared>> -> memref<640x128xf32, #tpu.memory_space<vmem_shared>>
      tpu.enqueue_dma source(%dma_start3A_119 : memref<640x128xf32, #tpu.memory_space<vmem_shared>>) target(%dma_start3A_117 : memref<640x128xf32, #tpu.memory_space<hbm>>) target_semaphore(%run_scoped3A : memref<!tpu.dma_semaphore, #tpu.memory_space<semaphore_mem>>)
      %dma_wait3A_120 = arith.constant 0 : i32
      %dma_wait3A_121 = tpu.memref_slice %arg5[%add3A_115, %dma_wait3A_120] : memref<20480x128xf32, #tpu.memory_space<hbm>> -> memref<640x128xf32, #tpu.memory_space<hbm>>
      %dma_wait3A_122 = arith.constant 0 : i32
      %dma_wait3A_123 = tpu.memref_slice %arg18[%mul3A_110, %dma_wait3A_122] : memref<10240x128xf32, #tpu.memory_space<vmem_shared>> -> memref<640x128xf32, #tpu.memory_space<vmem_shared>>
      tpu.wait_dma2 semaphore(%run_scoped3A : memref<!tpu.dma_semaphore, #tpu.memory_space<semaphore_mem>>) src(%dma_wait3A_123 : memref<640x128xf32, #tpu.memory_space<vmem_shared>>) dst(%dma_wait3A_121 : memref<640x128xf32, #tpu.memory_space<hbm>>)
      tpu.yield
    }) : () -> ()
    return
  }
}

module attributes {stable_mosaic.version = 14 : i64} {
  func.func @_layer0_body(%arg0: i32, %arg1: memref<1024x128xf32, #tpu.memory_space<vmem>>, %arg2: memref<2x1024x128xf32, #tpu.memory_space<vmem>>, %arg3: memref<128x256xf32, #tpu.memory_space<vmem>>, %arg4: memref<2x1024x128xf32, #tpu.memory_space<vmem>>) attributes {dimension_semantics = [#tpu.dimension_semantics<arbitrary>], iteration_bounds = array<i64: 10>, scalar_prefetch = 0 : i64, scratch_operands = 0 : i64, tpu.core_type = #tpu.core_type<tc>, window_params = [{transform_indices = @transform_0, window_bounds = array<i64: 1024, 128>}, {transform_indices = @transform_1, window_bounds = array<i64: 2, 1024, 128>}, {pipeline_mode = #tpu.pipeline_mode<synchronous>, transform_indices = @transform_2, window_bounds = array<i64: 128, 256>}, {transform_indices = @transform_3, window_bounds = array<i64: 2, 1024, 128>}]} {
    %get3A = arith.constant 0 : index
    %get3A_0 = arith.constant 0 : index
    %get3A_1 = arith.constant 0 : index
    %get3A_2 = vector.load %arg2[%get3A, %get3A_0, %get3A_1] : memref<2x1024x128xf32, #tpu.memory_space<vmem>>, vector<2x1024x128xf32>
    %slice3A = vector.extract_strided_slice %get3A_2 {offsets = [0, 0, 0], sizes = [1, 1024, 1], strides = [1, 1, 1]} : vector<2x1024x128xf32> to vector<1x1024x1xf32>
    %squeeze3A = vector.shape_cast %slice3A : vector<1x1024x1xf32> to vector<1024x1xf32>
    %add3A = arith.constant 1.000000e+00 : f32
    %add3A_3 = vector.broadcast %add3A : f32 to vector<1024x1xf32>
    %add3A_4 = arith.addf %add3A_3, %squeeze3A : vector<1024x1xf32>
    %rsqrt3A = math.rsqrt %add3A_4 : vector<1024x1xf32>
    %get3A_5 = arith.constant 0 : index
    %get3A_6 = arith.constant 0 : index
    %get3A_7 = vector.load %arg1[%get3A_5, %get3A_6] : memref<1024x128xf32, #tpu.memory_space<vmem>>, vector<1024x128xf32>
    %mul3A = vector.broadcast %rsqrt3A : vector<1024x1xf32> to vector<1024x128xf32>
    %mul3A_8 = arith.mulf %get3A_7, %mul3A : vector<1024x128xf32>
    %get3A_9 = arith.constant 0 : index
    %get3A_10 = arith.constant 0 : index
    %get3A_11 = vector.load %arg3[%get3A_9, %get3A_10] : memref<128x256xf32, #tpu.memory_space<vmem>>, vector<128x256xf32>
    %dot_general3A = arith.constant dense<0.000000e+00> : vector<1024x256xf32>
    %dot_general3A_12 = tpu.matmul %mul3A_8, %get3A_11, %dot_general3A {dimension_numbers = #tpu.dot_dimension_numbers<[1], [0], [0], [1], [0, 0, 1, 1], [], []>, transpose_lhs_hint = false} : vector<1024x128xf32>, vector<128x256xf32>, vector<1024x256xf32> -> vector<1024x256xf32>
    %slice3A_13 = vector.extract_strided_slice %dot_general3A_12 {offsets = [0, 0], sizes = [1024, 128], strides = [1, 1]} : vector<1024x256xf32> to vector<1024x128xf32>
    %swap3A = arith.constant 0 : index
    %swap3A_14 = arith.constant 0 : index
    %swap3A_15 = arith.constant 0 : index
    %swap3A_16 = vector.load %arg4[%swap3A, %swap3A_14, %swap3A_15] : memref<2x1024x128xf32, #tpu.memory_space<vmem>>, vector<1x1024x128xf32>
    %swap3A_17 = vector.shape_cast %swap3A_16 : vector<1x1024x128xf32> to vector<1024x128xf32>
    %swap3A_18 = vector.shape_cast %slice3A_13 : vector<1024x128xf32> to vector<1x1024x128xf32>
    tpu.vector_store %arg4[%swap3A, %swap3A_14, %swap3A_15], %swap3A_18 {strides = array<i32>} : memref<2x1024x128xf32, #tpu.memory_space<vmem>>, vector<1x1024x128xf32>,
    %slice3A_19 = vector.extract_strided_slice %dot_general3A_12 {offsets = [0, 128], sizes = [1024, 128], strides = [1, 1]} : vector<1024x256xf32> to vector<1024x128xf32>
    %swap3A_20 = arith.constant 1 : index
    %swap3A_21 = arith.constant 0 : index
    %swap3A_22 = arith.constant 0 : index
    %swap3A_23 = vector.load %arg4[%swap3A_20, %swap3A_21, %swap3A_22] : memref<2x1024x128xf32, #tpu.memory_space<vmem>>, vector<1x1024x128xf32>
    %swap3A_24 = vector.shape_cast %swap3A_23 : vector<1x1024x128xf32> to vector<1024x128xf32>
    %swap3A_25 = vector.shape_cast %slice3A_19 : vector<1024x128xf32> to vector<1x1024x128xf32>
    tpu.vector_store %arg4[%swap3A_20, %swap3A_21, %swap3A_22], %swap3A_25 {strides = array<i32>} : memref<2x1024x128xf32, #tpu.memory_space<vmem>>, vector<1x1024x128xf32>,
    return
  }
  func.func @transform_0(%arg0: i32) -> (i32, i32) {
    %c0_i32 = arith.constant 0 : i32
    %c0_i32_0 = arith.constant 0 : i32
    return %arg0, %c0_i32 : i32, i32
  }
  func.func @transform_1(%arg0: i32) -> (i32, i32, i32) {
    %c0_i32 = arith.constant 0 : i32
    %c0_i32_0 = arith.constant 0 : i32
    %c0_i32_1 = arith.constant 0 : i32
    return %c0_i32, %arg0, %c0_i32_0 : i32, i32, i32
  }
  func.func @transform_2(%arg0: i32) -> (i32, i32) {
    %c0_i32 = arith.constant 0 : i32
    %c0_i32_0 = arith.constant 0 : i32
    %c0_i32_1 = arith.constant 0 : i32
    return %c0_i32, %c0_i32_0 : i32, i32
  }
  func.func @transform_3(%arg0: i32) -> (i32, i32, i32) {
    %c0_i32 = arith.constant 0 : i32
    %c0_i32_0 = arith.constant 0 : i32
    %c0_i32_1 = arith.constant 0 : i32
    return %c0_i32, %arg0, %c0_i32_0 : i32, i32, i32
  }
}

module attributes {stable_mosaic.version = 14 : i64} {
  func.func @_layer1_body(%arg0: i32, %arg1: memref<2x1024x128xf32, #tpu.memory_space<vmem>>, %arg2: memref<2x1024x128xf32, #tpu.memory_space<vmem>>, %arg3: memref<2x1024x128xf32, #tpu.memory_space<vmem>>, %arg4: memref<256x256xf32, #tpu.memory_space<vmem>>, %arg5: memref<1x256xf32, #tpu.memory_space<vmem>>, %arg6: memref<2x1024x128xf32, #tpu.memory_space<vmem>>) attributes {dimension_semantics = [#tpu.dimension_semantics<arbitrary>], iteration_bounds = array<i64: 10>, scalar_prefetch = 0 : i64, scratch_operands = 0 : i64, tpu.core_type = #tpu.core_type<tc>, window_params = [{transform_indices = @transform_0, window_bounds = array<i64: 2, 1024, 128>}, {transform_indices = @transform_1, window_bounds = array<i64: 2, 1024, 128>}, {transform_indices = @transform_2, window_bounds = array<i64: 2, 1024, 128>}, {pipeline_mode = #tpu.pipeline_mode<synchronous>, transform_indices = @transform_3, window_bounds = array<i64: 256, 256>}, {pipeline_mode = #tpu.pipeline_mode<synchronous>, transform_indices = @transform_4, window_bounds = array<i64: 1, 256>}, {transform_indices = @transform_5, window_bounds = array<i64: 2, 1024, 128>}]} {
    %get3A = arith.constant 0 : index
    %get3A_0 = arith.constant 0 : index
    %get3A_1 = arith.constant 0 : index
    %get3A_2 = vector.load %arg3[%get3A, %get3A_0, %get3A_1] : memref<2x1024x128xf32, #tpu.memory_space<vmem>>, vector<2x1024x128xf32>
    %slice3A = vector.extract_strided_slice %get3A_2 {offsets = [0, 0, 0], sizes = [1, 1024, 1], strides = [1, 1, 1]} : vector<2x1024x128xf32> to vector<1x1024x1xf32>
    %squeeze3A = vector.shape_cast %slice3A : vector<1x1024x1xf32> to vector<1024x1xf32>
    %add3A = arith.constant 1.000000e+00 : f32
    %add3A_3 = vector.broadcast %add3A : f32 to vector<1024x1xf32>
    %add3A_4 = arith.addf %add3A_3, %squeeze3A : vector<1024x1xf32>
    %rsqrt3A = math.rsqrt %add3A_4 : vector<1024x1xf32>
    %slice3A_5 = vector.extract_strided_slice %get3A_2 {offsets = [1, 0, 0], sizes = [1, 1024, 1], strides = [1, 1, 1]} : vector<2x1024x128xf32> to vector<1x1024x1xf32>
    %squeeze3A_6 = vector.shape_cast %slice3A_5 : vector<1x1024x1xf32> to vector<1024x1xf32>
    %add3A_7 = arith.constant 1.000000e+00 : f32
    %add3A_8 = vector.broadcast %add3A_7 : f32 to vector<1024x1xf32>
    %add3A_9 = arith.addf %add3A_8, %squeeze3A_6 : vector<1024x1xf32>
    %rsqrt3A_10 = math.rsqrt %add3A_9 : vector<1024x1xf32>
    %get3A_11 = arith.constant 0 : index
    %get3A_12 = arith.constant 0 : index
    %get3A_13 = arith.constant 0 : index
    %get3A_14 = vector.load %arg1[%get3A_11, %get3A_12, %get3A_13] : memref<2x1024x128xf32, #tpu.memory_space<vmem>>, vector<2x1024x128xf32>
    %get3A_15 = arith.constant 0 : index
    %get3A_16 = arith.constant 0 : index
    %get3A_17 = arith.constant 0 : index
    %get3A_18 = vector.load %arg2[%get3A_15, %get3A_16, %get3A_17] : memref<2x1024x128xf32, #tpu.memory_space<vmem>>, vector<2x1024x128xf32>
    %add3A_19 = arith.addf %get3A_14, %get3A_18 : vector<2x1024x128xf32>
    %slice3A_20 = vector.extract_strided_slice %add3A_19 {offsets = [0, 0, 0], sizes = [1, 1024, 128], strides = [1, 1, 1]} : vector<2x1024x128xf32> to vector<1x1024x128xf32>
    %squeeze3A_21 = vector.shape_cast %slice3A_20 : vector<1x1024x128xf32> to vector<1024x128xf32>
    %slice3A_22 = vector.extract_strided_slice %add3A_19 {offsets = [1, 0, 0], sizes = [1, 1024, 128], strides = [1, 1, 1]} : vector<2x1024x128xf32> to vector<1x1024x128xf32>
    %squeeze3A_23 = vector.shape_cast %slice3A_22 : vector<1x1024x128xf32> to vector<1024x128xf32>
    %concatenate3A = tpu.concatenate %squeeze3A_21, %squeeze3A_23 in 1 : vector<1024x128xf32>, vector<1024x128xf32> -> vector<1024x256xf32>
    %mul3A = vector.broadcast %rsqrt3A_10 : vector<1024x1xf32> to vector<1024x256xf32>
    %mul3A_24 = arith.mulf %concatenate3A, %mul3A : vector<1024x256xf32>
    %get3A_25 = arith.constant 0 : index
    %get3A_26 = arith.constant 0 : index
    %get3A_27 = vector.load %arg5[%get3A_25, %get3A_26] : memref<1x256xf32, #tpu.memory_space<vmem>>, vector<1x256xf32>
    %add3A_28 = vector.broadcast %get3A_27 : vector<1x256xf32> to vector<1024x256xf32>
    %add3A_29 = arith.addf %mul3A_24, %add3A_28 : vector<1024x256xf32>
    %gt3A = arith.constant 0.000000e+00 : f32
    %gt3A_30 = vector.broadcast %gt3A : f32 to vector<1024x256xf32>
    %gt3A_31 = arith.cmpf ogt, %add3A_29, %gt3A_30 : vector<1024x256xf32>
    %mul3A_32 = arith.constant 0.00999999977 : f32
    %mul3A_33 = vector.broadcast %mul3A_32 : f32 to vector<1024x256xf32>
    %mul3A_34 = arith.mulf %add3A_29, %mul3A_33 : vector<1024x256xf32>
    %select_n3A = arith.select %gt3A_31, %add3A_29, %mul3A_34 : vector<1024x256xi1>, vector<1024x256xf32>
    %mul3A_35 = vector.broadcast %rsqrt3A : vector<1024x1xf32> to vector<1024x256xf32>
    %mul3A_36 = arith.mulf %select_n3A, %mul3A_35 : vector<1024x256xf32>
    %get3A_37 = arith.constant 0 : index
    %get3A_38 = arith.constant 0 : index
    %get3A_39 = vector.load %arg4[%get3A_37, %get3A_38] : memref<256x256xf32, #tpu.memory_space<vmem>>, vector<256x256xf32>
    %dot_general3A = arith.constant dense<0.000000e+00> : vector<1024x256xf32>
    %dot_general3A_40 = tpu.matmul %mul3A_36, %get3A_39, %dot_general3A {dimension_numbers = #tpu.dot_dimension_numbers<[1], [0], [0], [1], [0, 0, 1, 1], [], []>, transpose_lhs_hint = false} : vector<1024x256xf32>, vector<256x256xf32>, vector<1024x256xf32> -> vector<1024x256xf32>
    %slice3A_41 = vector.extract_strided_slice %dot_general3A_40 {offsets = [0, 0], sizes = [1024, 128], strides = [1, 1]} : vector<1024x256xf32> to vector<1024x128xf32>
    %swap3A = arith.constant 0 : index
    %swap3A_42 = arith.constant 0 : index
    %swap3A_43 = arith.constant 0 : index
    %swap3A_44 = vector.load %arg6[%swap3A, %swap3A_42, %swap3A_43] : memref<2x1024x128xf32, #tpu.memory_space<vmem>>, vector<1x1024x128xf32>
    %swap3A_45 = vector.shape_cast %swap3A_44 : vector<1x1024x128xf32> to vector<1024x128xf32>
    %swap3A_46 = vector.shape_cast %slice3A_41 : vector<1024x128xf32> to vector<1x1024x128xf32>
    tpu.vector_store %arg6[%swap3A, %swap3A_42, %swap3A_43], %swap3A_46 {strides = array<i32>} : memref<2x1024x128xf32, #tpu.memory_space<vmem>>, vector<1x1024x128xf32>,
    %slice3A_47 = vector.extract_strided_slice %dot_general3A_40 {offsets = [0, 128], sizes = [1024, 128], strides = [1, 1]} : vector<1024x256xf32> to vector<1024x128xf32>
    %swap3A_48 = arith.constant 1 : index
    %swap3A_49 = arith.constant 0 : index
    %swap3A_50 = arith.constant 0 : index
    %swap3A_51 = vector.load %arg6[%swap3A_48, %swap3A_49, %swap3A_50] : memref<2x1024x128xf32, #tpu.memory_space<vmem>>, vector<1x1024x128xf32>
    %swap3A_52 = vector.shape_cast %swap3A_51 : vector<1x1024x128xf32> to vector<1024x128xf32>
    %swap3A_53 = vector.shape_cast %slice3A_47 : vector<1024x128xf32> to vector<1x1024x128xf32>
    tpu.vector_store %arg6[%swap3A_48, %swap3A_49, %swap3A_50], %swap3A_53 {strides = array<i32>} : memref<2x1024x128xf32, #tpu.memory_space<vmem>>, vector<1x1024x128xf32>,
    return
  }
  func.func @transform_0(%arg0: i32) -> (i32, i32, i32) {
    %c0_i32 = arith.constant 0 : i32
    %c0_i32_0 = arith.constant 0 : i32
    %c0_i32_1 = arith.constant 0 : i32
    return %c0_i32, %arg0, %c0_i32_0 : i32, i32, i32
  }
  func.func @transform_1(%arg0: i32) -> (i32, i32, i32) {
    %c0_i32 = arith.constant 0 : i32
    %c0_i32_0 = arith.constant 0 : i32
    %c0_i32_1 = arith.constant 0 : i32
    return %c0_i32, %arg0, %c0_i32_0 : i32, i32, i32
  }
  func.func @transform_2(%arg0: i32) -> (i32, i32, i32) {
    %c0_i32 = arith.constant 0 : i32
    %c0_i32_0 = arith.constant 0 : i32
    %c0_i32_1 = arith.constant 0 : i32
    return %c0_i32, %arg0, %c0_i32_0 : i32, i32, i32
  }
  func.func @transform_3(%arg0: i32) -> (i32, i32) {
    %c0_i32 = arith.constant 0 : i32
    %c0_i32_0 = arith.constant 0 : i32
    %c0_i32_1 = arith.constant 0 : i32
    return %c0_i32, %c0_i32_0 : i32, i32
  }
  func.func @transform_4(%arg0: i32) -> (i32, i32) {
    %c0_i32 = arith.constant 0 : i32
    %c0_i32_0 = arith.constant 0 : i32
    %c0_i32_1 = arith.constant 0 : i32
    return %c0_i32, %c0_i32_0 : i32, i32
  }
  func.func @transform_5(%arg0: i32) -> (i32, i32, i32) {
    %c0_i32 = arith.constant 0 : i32
    %c0_i32_0 = arith.constant 0 : i32
    %c0_i32_1 = arith.constant 0 : i32
    return %c0_i32, %arg0, %c0_i32_0 : i32, i32, i32
  }
}

module attributes {stable_mosaic.version = 14 : i64} {
  func.func @_head_body(%arg0: i32, %arg1: memref<2x1024x128xf32, #tpu.memory_space<vmem>>, %arg2: memref<2x1024x128xf32, #tpu.memory_space<vmem>>, %arg3: memref<2x1024x128xf32, #tpu.memory_space<vmem>>, %arg4: memref<256x1xf32, #tpu.memory_space<vmem>>, %arg5: memref<1x256xf32, #tpu.memory_space<vmem>>, %arg6: memref<1x1xf32, #tpu.memory_space<vmem>>, %arg7: memref<1024x1xf32, #tpu.memory_space<vmem>>) attributes {dimension_semantics = [#tpu.dimension_semantics<arbitrary>], iteration_bounds = array<i64: 10>, scalar_prefetch = 0 : i64, scratch_operands = 0 : i64, tpu.core_type = #tpu.core_type<tc>, window_params = [{transform_indices = @transform_0, window_bounds = array<i64: 2, 1024, 128>}, {transform_indices = @transform_1, window_bounds = array<i64: 2, 1024, 128>}, {transform_indices = @transform_2, window_bounds = array<i64: 2, 1024, 128>}, {pipeline_mode = #tpu.pipeline_mode<synchronous>, transform_indices = @transform_3, window_bounds = array<i64: 256, 1>}, {pipeline_mode = #tpu.pipeline_mode<synchronous>, transform_indices = @transform_4, window_bounds = array<i64: 1, 256>}, {pipeline_mode = #tpu.pipeline_mode<synchronous>, transform_indices = @transform_5, window_bounds = array<i64: 1, 1>}, {transform_indices = @transform_6, window_bounds = array<i64: 1024, 1>}]} {
    %get3A = arith.constant 0 : index
    %get3A_0 = arith.constant 0 : index
    %get3A_1 = arith.constant 0 : index
    %get3A_2 = vector.load %arg3[%get3A, %get3A_0, %get3A_1] : memref<2x1024x128xf32, #tpu.memory_space<vmem>>, vector<2x1024x128xf32>
    %slice3A = vector.extract_strided_slice %get3A_2 {offsets = [1, 0, 0], sizes = [1, 1024, 1], strides = [1, 1, 1]} : vector<2x1024x128xf32> to vector<1x1024x1xf32>
    %squeeze3A = vector.shape_cast %slice3A : vector<1x1024x1xf32> to vector<1024x1xf32>
    %add3A = arith.constant 1.000000e+00 : f32
    %add3A_3 = vector.broadcast %add3A : f32 to vector<1024x1xf32>
    %add3A_4 = arith.addf %add3A_3, %squeeze3A : vector<1024x1xf32>
    %rsqrt3A = math.rsqrt %add3A_4 : vector<1024x1xf32>
    %get3A_5 = arith.constant 0 : index
    %get3A_6 = arith.constant 0 : index
    %get3A_7 = arith.constant 0 : index
    %get3A_8 = vector.load %arg1[%get3A_5, %get3A_6, %get3A_7] : memref<2x1024x128xf32, #tpu.memory_space<vmem>>, vector<2x1024x128xf32>
    %get3A_9 = arith.constant 0 : index
    %get3A_10 = arith.constant 0 : index
    %get3A_11 = arith.constant 0 : index
    %get3A_12 = vector.load %arg2[%get3A_9, %get3A_10, %get3A_11] : memref<2x1024x128xf32, #tpu.memory_space<vmem>>, vector<2x1024x128xf32>
    %add3A_13 = arith.addf %get3A_8, %get3A_12 : vector<2x1024x128xf32>
    %slice3A_14 = vector.extract_strided_slice %add3A_13 {offsets = [0, 0, 0], sizes = [1, 1024, 128], strides = [1, 1, 1]} : vector<2x1024x128xf32> to vector<1x1024x128xf32>
    %squeeze3A_15 = vector.shape_cast %slice3A_14 : vector<1x1024x128xf32> to vector<1024x128xf32>
    %slice3A_16 = vector.extract_strided_slice %add3A_13 {offsets = [1, 0, 0], sizes = [1, 1024, 128], strides = [1, 1, 1]} : vector<2x1024x128xf32> to vector<1x1024x128xf32>
    %squeeze3A_17 = vector.shape_cast %slice3A_16 : vector<1x1024x128xf32> to vector<1024x128xf32>
    %concatenate3A = tpu.concatenate %squeeze3A_15, %squeeze3A_17 in 1 : vector<1024x128xf32>, vector<1024x128xf32> -> vector<1024x256xf32>
    %mul3A = vector.broadcast %rsqrt3A : vector<1024x1xf32> to vector<1024x256xf32>
    %mul3A_18 = arith.mulf %concatenate3A, %mul3A : vector<1024x256xf32>
    %get3A_19 = arith.constant 0 : index
    %get3A_20 = arith.constant 0 : index
    %get3A_21 = vector.load %arg5[%get3A_19, %get3A_20] : memref<1x256xf32, #tpu.memory_space<vmem>>, vector<1x256xf32>
    %add3A_22 = vector.broadcast %get3A_21 : vector<1x256xf32> to vector<1024x256xf32>
    %add3A_23 = arith.addf %mul3A_18, %add3A_22 : vector<1024x256xf32>
    %get3A_24 = arith.constant 0 : index
    %get3A_25 = arith.constant 0 : index
    %get3A_26 = vector.load %arg4[%get3A_24, %get3A_25] : memref<256x1xf32, #tpu.memory_space<vmem>>, vector<256x1xf32>
    %dot_general3A = arith.constant dense<0.000000e+00> : vector<1024x1xf32>
    %dot_general3A_27 = tpu.matmul %add3A_23, %get3A_26, %dot_general3A {dimension_numbers = #tpu.dot_dimension_numbers<[1], [0], [0], [1], [0, 0, 1, 1], [], []>, transpose_lhs_hint = false} : vector<1024x256xf32>, vector<256x1xf32>, vector<1024x1xf32> -> vector<1024x1xf32>
    %get3A_28 = arith.constant 0 : index
    %get3A_29 = arith.constant 0 : index
    %get3A_30 = vector.load %arg6[%get3A_28, %get3A_29] : memref<1x1xf32, #tpu.memory_space<vmem>>, vector<1x1xf32>
    %add3A_31 = vector.broadcast %get3A_30 : vector<1x1xf32> to vector<1024x1xf32>
    %add3A_32 = arith.addf %dot_general3A_27, %add3A_31 : vector<1024x1xf32>
    %swap3A = arith.constant 0 : index
    %swap3A_33 = arith.constant 0 : index
    %swap3A_34 = vector.load %arg7[%swap3A, %swap3A_33] : memref<1024x1xf32, #tpu.memory_space<vmem>>, vector<1024x1xf32>
    tpu.vector_store %arg7[%swap3A, %swap3A_33], %add3A_32 {strides = array<i32>} : memref<1024x1xf32, #tpu.memory_space<vmem>>, vector<1024x1xf32>,
    return
  }
  func.func @transform_0(%arg0: i32) -> (i32, i32, i32) {
    %c0_i32 = arith.constant 0 : i32
    %c0_i32_0 = arith.constant 0 : i32
    %c0_i32_1 = arith.constant 0 : i32
    return %c0_i32, %arg0, %c0_i32_0 : i32, i32, i32
  }
  func.func @transform_1(%arg0: i32) -> (i32, i32, i32) {
    %c0_i32 = arith.constant 0 : i32
    %c0_i32_0 = arith.constant 0 : i32
    %c0_i32_1 = arith.constant 0 : i32
    return %c0_i32, %arg0, %c0_i32_0 : i32, i32, i32
  }
  func.func @transform_2(%arg0: i32) -> (i32, i32, i32) {
    %c0_i32 = arith.constant 0 : i32
    %c0_i32_0 = arith.constant 0 : i32
    %c0_i32_1 = arith.constant 0 : i32
    return %c0_i32, %arg0, %c0_i32_0 : i32, i32, i32
  }
  func.func @transform_3(%arg0: i32) -> (i32, i32) {
    %c0_i32 = arith.constant 0 : i32
    %c0_i32_0 = arith.constant 0 : i32
    %c0_i32_1 = arith.constant 0 : i32
    return %c0_i32, %c0_i32_0 : i32, i32
  }
  func.func @transform_4(%arg0: i32) -> (i32, i32) {
    %c0_i32 = arith.constant 0 : i32
    %c0_i32_0 = arith.constant 0 : i32
    %c0_i32_1 = arith.constant 0 : i32
    return %c0_i32, %c0_i32_0 : i32, i32
  }
  func.func @transform_5(%arg0: i32) -> (i32, i32) {
    %c0_i32 = arith.constant 0 : i32
    %c0_i32_0 = arith.constant 0 : i32
    %c0_i32_1 = arith.constant 0 : i32
    return %c0_i32, %c0_i32_0 : i32, i32
  }
  func.func @transform_6(%arg0: i32) -> (i32, i32) {
    %c0_i32 = arith.constant 0 : i32
    %c0_i32_0 = arith.constant 0 : i32
    return %arg0, %c0_i32 : i32, i32
  }
}

</mosaic_0001>

<sc_bundles>
// kernel: kernel.11.cloned.1.call-start
scs
__scs_entry_jumppad:
0x0: {  	(pc) =	sbr.rel $0x88, $3  }
0x1: {  	(tag) =	ssettag $0x0;
	lr =	simm.s32 $0x1  }
0x2: {  	[smem:$0x3F99] =	sst lr;
	_ =	strace $0xD0000000  }
0x3: {  	_ = 	snop  }
0x4: {  	_ = 	snop  }
0x5: {  	_ = 	snop  }
0x6: {  	_ = 	snop  }
0x7: {  	_ = 	snop  }
__scs_overlays_trampoline_lowered:
0x8: {  	[smem:$0x3FA8] =	sst s0  }
0x9: {  	[smem:$0x3FA9] =	sst s1  }
0xa: {  	[smem:$0x3FAA] =	sst s2  }
0xb: {  	[smem:$0x3FAB] =	sst s3  }
0xc: {  	[smem:$0x3FAC] =	sst s4  }
0xd: {  	[smem:$0x3FAD] =	sst s5  }
0xe: {  	[smem:$0x3FAE] =	sst s6  }
0xf: {  	[smem:$0x3FAF] =	sst s7  }
0x10: {  	[smem:$0x3FB0] =	sst s8  }
0x11: {  	[smem:$0x3FB1] =	sst s9;
	s0 =	simm.s32 @!p0 $0x0  }
0x12: {  	s1 =	sld [smem:$0x3F97];
	s0 =	simm.s32 @p0 $0x1  }
0x13: {  	[smem:$0x3FB2] =	sst s0;
	s0 =	simm.s32 @!p1 $0x0  }
0x14: {  	s2 =	sld [smem:$0x3F96];
	s0 =	simm.s32 @p1 $0x1  }
0x15: {  	[smem:$0x3FB3] =	sst s0;
	s0 =	simm.s32 @!p2 $0x0  }
0x16: {  	s3 =	sld [smem:$0x3FDB];
	s0 =	simm.s32 @p2 $0x1  }
0x17: {  	s4 =	simm.s32 $0x1BF5;
	[smem:$0x3FB5] =	sst s0  }
0x18: {  	s0 =	sld [smem:$0x3F98];
	_ =	swait.ge [sflag:s4], $0x0  }
0x19: {  	s7 =	sld [smem:$0x3F99]  }
0x1a: {  	s8 =	sadd.s32 $0xFFFFE003, lr  }
0x1b: {  	s9 =	sadd.s32 $0xFFFFFEF7, lr;
	s5 =	simm.s32 $0xFFFFFFFF;
	p2 =	slt.u32 s8, $0xFFFFF086  }
0x1c: {  	p1 =	slt.u32 s9, $0xF7A;
	s5 =	simm.s32 @!p2 $0x0  }
0x1d: {  	s5 =	simm.s32 @p1 $0x1;
	p0 =	seq.s32 s7, s2  }
0x1e: {  	s7 =	smul.u32 @!p0 $0xF7A, s2;
	p2 =	seq.s32 @!p0 s5, $0x0  }
0x1f: {  	s9 =	smul.u32 $0xF7A, s1;
	s8 =	simm.s32 @!p0 $0x1BF5;
	p2 =	por !p2, p0  }
0x20: {  	[sflag:s8] =	ssyncset.s32 @!p0 $0xFFFFF086;
	s6 =	sadd.s32 @!p0 s3, s7;
	s7 =	simm.s32 @!p0 $0x108  }
0x21: {  	s3 =	sadd.s32 s3, s9;
	s6 =	sadd.s32 @!p0 $0x88, s6;
	s7 =	simm.s32 @p2 $0x1082  }
0x22: {  	[simem:s7], [sflag:s8] =	dma.local @!p0 [hbm:s6], $0xF7A  }
0x23: {  	s9 =	sor.u32 $0xD0000000, s2;
	s6 =	simm.s32 $0x108;
	_ =	swait.ge @!p0 [sflag:s8], $0x0  }
0x24: {  	s3 =	sadd.s32 $0x88, s3;
	s6 =	simm.s32 @!p1 $0x1082;
	[sflag:s4] =	ssyncset.s32 $0xFFFFF086  }
0x25: {  	[simem:s6], [sflag:s4] =	dma.local [hbm:s3], $0xF7A  }
0x26: {  	[smem:$0x3F99] =	sst s1;
	(tag) =	ssettag s2;
	_ =	strace s9  }
0x27: {  	s1 =	sld [smem:$0x3FA9]  }
0x28: {  	s2 =	sld [smem:$0x3FAA]  }
0x29: {  	s4 =	sld [smem:$0x3FAC]  }
0x2a: {  	p0 =	seq.s32 s5, $0x0;
	s5 =	sld [smem:$0x3FAD]  }
0x2b: {  	s6 =	sld [smem:$0x3FAE]  }
0x2c: {  	s7 =	sld [smem:$0x3FAF]  }
0x2d: {  	s3 =	simm.s32 $0x108;
	s8 =	sld [smem:$0x3FB0]  }
0x2e: {  	s3 =	simm.s32 @!p0 $0x1082;
	s9 =	sld [smem:$0x3FB1]  }
0x2f: {  	lr =	sadd.s32 s0, s3;
	s0 =	sld [smem:$0x3FA8]  }
0x30: {  	s3 =	sld [smem:$0x3FAB]  }
0x31: {  	[smem:$0x3FB4] =	sst s10  }
0x32: {  	s10 =	sld [smem:$0x3FB2];
	_ =	sdelay $0x3  }
0x33: {  	p0 =	seq.s32 s10, $0x1;
	s10 =	sld [smem:$0x3FB4];
	_ =	sdelay $0x3  }
0x34: {  	[smem:$0x3FB4] =	sst s10  }
0x35: {  	s10 =	sld [smem:$0x3FB3];
	_ =	sdelay $0x3  }
0x36: {  	p1 =	seq.s32 s10, $0x1;
	s10 =	sld [smem:$0x3FB4];
	_ =	sdelay $0x3  }
0x37: {  	[smem:$0x3FB4] =	sst s10  }
0x38: {  	s10 =	sld [smem:$0x3FB5]  }
0x39: {  	_ = 	snop;
	(pc) =	sbr.ind lr, $3  }
0x3a: {  	_ = 	snop  }
0x3b: {  	_ = 	snop  }
0x3c: {  	p2 =	seq.s32 s10, $0x1;
	s10 =	sld [smem:$0x3FB4]  }
0x3d: {  	_ =	shalt  }
0x3e: {  	_ =	shalt  }
0x3f: {  	_ =	shalt  }
0x40: {  	_ =	shalt  }
0x41: {  	_ =	shalt  }
0x42: {  	_ =	shalt  }
0x43: {  	_ =	shalt  }
0x44: {  	_ =	shalt  }
0x45: {  	_ =	shalt  }
0x46: {  	_ =	shalt  }
0x47: {  	_ =	shalt  }
0x48: {  	_ =	shalt  }
0x49: {  	_ =	shalt  }
0x4a: {  	_ =	shalt  }
0x4b: {  	_ =	shalt  }
0x4c: {  	_ =	shalt  }
0x4d: {  	_ =	shalt  }
0x4e: {  	_ =	shalt  }
0x4f: {  	_ =	shalt  }
0x50: {  	_ =	shalt  }
0x51: {  	_ =	shalt  }
0x52: {  	_ =	shalt  }
0x53: {  	_ =	shalt  }
0x54: {  	_ =	shalt  }
0x55: {  	_ =	shalt  }
0x56: {  	_ =	shalt  }
0x57: {  	_ =	shalt  }
0x58: {  	_ =	shalt  }
0x59: {  	_ =	shalt  }
0x5a: {  	_ =	shalt  }
0x5b: {  	_ =	shalt  }
0x5c: {  	_ =	shalt  }
0x5d: {  	_ =	shalt  }
0x5e: {  	_ =	shalt  }
0x5f: {  	_ =	shalt  }
0x60: {  	_ =	shalt  }
0x61: {  	_ =	shalt  }
0x62: {  	_ =	shalt  }
0x63: {  	_ =	shalt  }
0x64: {  	_ =	shalt  }
0x65: {  	_ =	shalt  }
0x66: {  	_ =	shalt  }
0x67: {  	_ =	shalt  }
0x68: {  	_ =	shalt  }
0x69: {  	_ =	shalt  }
0x6a: {  	_ =	shalt  }
0x6b: {  	_ =	shalt  }
0x6c: {  	_ =	shalt  }
0x6d: {  	_ =	shalt  }
0x6e: {  	_ =	shalt  }
0x6f: {  	_ =	shalt  }
0x70: {  	_ =	shalt  }
0x71: {  	_ =	shalt  }
0x72: {  	_ =	shalt  }
0x73: {  	_ =	shalt  }
0x74: {  	_ =	shalt  }
0x75: {  	_ =	shalt  }
0x76: {  	_ =	shalt  }
0x77: {  	_ =	shalt  }
0x78: {  	_ =	shalt  }
0x79: {  	_ =	shalt  }
0x7a: {  	_ =	shalt  }
0x7b: {  	_ =	shalt  }
0x7c: {  	_ =	shalt  }
0x7d: {  	_ =	shalt  }
0x7e: {  	_ =	shalt  }
0x7f: {  	_ =	shalt  }
0x80: {  	_ =	shalt  }
0x81: {  	_ =	shalt  }
0x82: {  	_ =	shalt  }
0x83: {  	_ =	shalt  }
0x84: {  	_ =	shalt  }
0x85: {  	_ =	shalt  }
0x86: {  	_ =	shalt  }
0x87: {  	_ =	shalt  }
.Lfunc_end0:
.L_simem_size_0:
called_computation.1_lowered:
.L_overlay_start_0:
0x88: {  	s2 =	sld [smem:$0x3FD9]  }
0x89: {  	s3 =	sld [smem:$0x3FFE];
	_ =	sdelay $0x1  }
0x8a: {  	s1 =	srdreg.scid  }
0x8b: {  	s0 =	sand.u32 $0x1, s1  }
0x8c: {  	s16 =	sshll.u32 s0, $0xA;
	s2 =	sadd.s32 s3, s2  }
0x8d: {  	s2 =	sadd.s32 s2, s16  }
0x8e: {  	[smem:$0x3FC0] =	sst s2  }
0x8f: {  	_ = 	snop  }
0x90: {  	(tm) =	ssettm $0x1  }
0x91: {  	s17 =	sld [smem:$0x3FFB];
	_ =	sdelay $0x3  }
0x92: {  	_ =	strace s17  }
0x93: {  	s2 =	sld [smem:$0x3FFC];
	_ =	sdelay $0x3  }
0x94: {  	_ =	strace s2  }
0x95: {  	s2 =	sld [smem:$0x3FFD];
	_ =	sdelay $0x3  }
0x96: {  	_ =	strace s2  }
0x97: {  	_ =	strace $0x8FFFFFFF  }
0x98: {  	s18 =	sld [smem:$0x3FDB];
	_ =	sdelay $0x1  }
0x99: {  	s19 =	simm.s32 $_scs_section_size  }
0x9a: {  	s4 =	simm.s32 $_size__tile_overlayer_lowered;
	s5 =	simm.s32 $_tile_overlayer_lowered  }
0x9b: {  	s22 =	simm.s32 $0x1BFF;
	s21 =	sshll.u32 s5, $0x1;
	s2 =	sadd.s32 s19, s18  }
0x9c: {  	s6 =	simm.s32 $0x0;
	s20 =	sshll.u32 s4, $0x1;
	s4 =	sadd.s32 s21, s2  }
0x9d: {  	[timem:s6], [sflag:s22] =	dma.local [hbm:s4], s20  }
0x9e: {  	_ =	swait.ge [sflag:s22], s20  }
0x9f: {  	s3 =	ssub.s32 $0x0, s20;
	[sflag:s22] =	ssyncset.done $0x0  }
0xa0: {  	[sflag:s22] =	ssyncadd.s32 s3;
	_ =	sdelay $0x1  }
0xa1: {  	s23 =	simm.s32 $0x1B8B  }
0xa2: {  	_ =	swait.ge [sflag:s23], $0x1  }
0xa3: {  	[sflag:s23] =	ssyncset.done $0x0  }
0xa4: {  	s25 =	simm.s32 $0x1B8E;
	s24 =	sld [smem:$0x3FFE];
	[sflag:s23] =	ssyncadd.s32 $0xFFFFFFFF  }
0xa5: {  	s26 =	simm.s32 $execute0_lowered;
	[smem:$0x3FD2] =	sst s25  }
0xa6: {  	s4 =	sshll.u32 s26, $0x1;
	_ =	strace $0x80000049;
	[dreg:$0x1] =	wrdreg $0xFFFFFFFF  }
0xa7: {  	s28 =	simm.s32 $_size_execute0_lowered;
	s2 =	sadd.s32 s2, s4;
	[dreg:$0x0] =	wrdreg $0x0  }
0xa8: {  	s4 =	sshll.u32 s28, $0x1;
	[dreg:$0x2] =	wrdreg s2  }
0xa9: {  	[dreg:$0x3] =	wrdreg s4  }
0xaa: {  	[dreg:$0x4] =	wrdreg $0xC0  }
0xab: {  	_ =	task [dreg:s6], $0x5FFFF  }
0xac: {  	[dreg:$0x1] =	wrdreg $0xFFFFFFFF  }
0xad: {  	[dreg:$0x0] =	wrdreg $0x60  }
0xae: {  	[dreg:$0x2] =	wrdreg s24  }
0xaf: {  	[dreg:$0x3] =	wrdreg $0xB4000  }
0xb0: {  	[dreg:$0x4] =	wrdreg $0x9  }
0xb1: {  	_ =	task.clear_ibuf [dreg:s6], $0x5FFFF;
	_ =	strace $0x90000049  }
0xb2: {  	s29 =	simm.s32 $0x9;
	_ =	strace $0x8000004B  }
0xb3: {  	_ =	swait.ge [sflag:s29], $0x1  }
0xb4: {  	[sflag:s29] =	ssyncadd.s32 $0xFFFFFFFF  }
0xb5: {  	_ =	strace $0x9000004B  }
0xb6: {  	_ =	sfence  }
0xb7: {  	s30 =	sld [smem:$0x0];
	_ =	sdelay $0x2  }
0xb8: {  	s31 =	sshll.u32 s1, $0xD;
	s1 =	sshrl.u32 s1, $0x2  }
0xb9: {  	s3 =	sand.u32 $0x4000, s31;
	s1 =	sadd.s32 s1, s30  }
0xba: {  	s0 =	sor.u32 s3, s0;
	s1 =	sshll.u32 s1, $0x11  }
0xbb: {  	s0 =	sor.u32 s1, s0  }
0xbc: {  	s0 =	sadd.s32 $0x8F2B, s0  }
0xbd: {  	[sflag:s0] =	ssyncadd.remote.s32 $0x1  }
0xbe: {  	_ =	sfence.sel $0xFFFF  }
0xbf: {  	[dreg:$0x0] =	wrdreg $0xFFFFFFFF;
	(pc) =	sbr.abs _section_cstart, $3  }
0xc0: {  	[dreg:$0x1] =	wrdreg $0xFFFFFFFF  }
0xc1: {  	_ =	task.clear_ibuf [dreg:s6], $0x2FFFF;
	_ =	strace $0x9FFFFFFF  }
0xc2: {  	(tm) =	ssettm $0x7FFFFFFF  }
0xc3: {  	_ =	shalt  }
tec
execute0_lowered:
.L_overlay_start_1:
0x0: {  	(tag) =	ssettag $0x1  }
0x1: {  	s0 =	rddreg [dreg:$0x0]  }
0x2: {  	s2 =	rddreg [dreg:$0x1]  }
0x3: {  	s1 =	srdreg.scid;
	s11 =	stileid.u32;
	s3 =	simm.s32 $0x0  }
0x4: {  	s29 =	simm.s32 $0x400;
	s30 =	simm.s32 $0x200;
	s5 =	smul.u32 $0x2800, s11  }
0x5: {  	s31 =	simm.s32 $0x280;
	s1 =	sand.u32 $0x1, s1;
	s9 =	smul.u32 $0x50000, s11  }
0x6: {  	[smem:$0x7FF] =	sst s3;
	s4 =	sadd.s32 $0x83200, s0;
	s28 =	sadd.s32 $0x15A00, s0  }
0x7: {  	s8 =	sadd.s32 $0x79400, s0;
	s6 =	smul.u32 $0x28000, s1;
	s9 =	sshrl.u32 s9, $0x2  }
0x8: {  	_ =	strace $0x8000004A;
	s7 =	smul.u32 $0x4E600, s1;
	s24 =	sadd.s32 s9, s2  }
0x9: {  	s1 =	ssub.s32 $0x2, s1;
	s15 =	sadd.s32 $0x2C00, s24;
	[dreg:$0x7] =	wrdreg s24  }
0xa: {  	s14 =	sshrl.u32 s1, $0x1;
	s16 =	sadd.s32 $0x5800, s24;
	[dreg:$0x8] =	wrdreg s15  }
0xb: {  	s5 =	sadd.s32 s5, s6;
	s17 =	sadd.s32 $0x8400, s24;
	[dreg:$0x9] =	wrdreg s16  }
0xc: {  	s6 =	smul.u32 $0x4E60, s11;
	s18 =	sadd.s32 $0xB000, s24;
	[dreg:$0xa] =	wrdreg s17  }
0xd: {  	s1 =	ssub.s32 s1, s14;
	s19 =	sadd.s32 $0xDC00, s24;
	[dreg:$0xb] =	wrdreg s18  }
0xe: {  	s0 =	sadd.s32 s5, s0;
	s9 =	sadd.s32 $0x10800, s24;
	[dreg:$0xc] =	wrdreg s19  }
0xf: {  	s21 =	sadd.s32 $0x13400, s24;
	s5 =	sadd.s32 s6, s7;
	[dreg:$0xd] =	wrdreg s9  }
0x10: {  	[dreg:$0xe] =	wrdreg s21;
	s22 =	sshrl.u32 s6, $0x3;
	s10 =	sadd.s32 $0x58, s6  }
0x11: {  	s6 =	sadd.s32 $0x108, s6;
	s16 =	smul.u32 $0x9CC, s11;
	s0 =	sadd.s32 $0xD3200, s0  }
0x12: {  	s9 =	simm.s32 $0x58;
	s11 =	simm.s32 $0x180;
	s20 =	sshrl.u32 s5, $0x3  }
0x13: {  	s23 =	sadd.s32 $0x58, s5;
	s13 =	sadd.s32 s8, s22;
	s26 =	sshrl.u32 s10, $0x3  }
0x14: {  	s14 =	sadd.s32 $0x268, s5;
	s6 =	sshrl.u32 s6, $0x3;
	s17 =	sadd.s32 $0x210, s5  }
0x15: {  	s19 =	sadd.s32 $0x108, s5;
	[dreg:$0x17] =	wrdreg s0;
	s0 =	simm.s32 $0x80  }
0x16: {  	s12 =	sadd.s32 s28, s20;
	s25 =	sshrl.u32 s23, $0x3;
	s10 =	sadd.s32 s8, s26  }
0x17: {  	s6 =	sadd.s32 s8, s6;
	s18 =	sadd.s32 s16, s8;
	[dreg:$0x10] =	wrdreg s13  }
0x18: {  	s20 =	sadd.s32 $0x1B8, s5;
	s8 =	sshrl.u32 s19, $0x3;
	[dreg:$0x12] =	wrdreg s10  }
0x19: {  	s22 =	sadd.s32 $0x16, s13;
	s26 =	sadd.s32 $0x160, s5;
	[dreg:$0xf] =	wrdreg s12  }
0x1a: {  	s16 =	simm.s32 $0x8;
	s19 =	simm.s32 $0x9;
	[dreg:$0x14] =	wrdreg s6  }
0x1b: {  	s7 =	sadd.s32 s28, s25;
	s15 =	sadd.s32 $0x16, s12;
	[dreg:$0x4] =	wrdreg s18  }
0x1c: {  	s6 =	sshrl.u32 s17, $0x3;
	s21 =	sshrl.u32 s20, $0x3;
	[dreg:$0x15] =	wrdreg s22  }
0x1d: {  	s23 =	sadd.s32 s28, s8;
	s25 =	smax.u32 s1, $0x1;
	[dreg:$0x19] =	wrdreg s26  }
0x1e: {  	s26 =	simm.s32 $0xD;
	s8 =	simm.s32 $0x5;
	s10 =	simm.s32 $0x6  }
0x1f: {  	s12 =	simm.s32 $0x7;
	s18 =	simm.s32 $0x1;
	[dreg:$0x11] =	wrdreg s7  }
0x20: {  	s20 =	simm.s32 $0x3;
	s22 =	simm.s32 $0x4;
	[dreg:$0x13] =	wrdreg s15  }
0x21: {  	s1 =	simm.s32 $0x0;
	s17 =	simm.s32 $0x3000;
	[dreg:$0x16] =	wrdreg s23  }
0x22: {  	s7 =	sshrl.u32 s14, $0x3;
	s6 =	sadd.s32 s6, s28;
	[dreg:$0x18] =	wrdreg s25  }
0x23: {  	s14 =	simm.s32 $0x2;
	s7 =	sadd.s32 s7, s28;
	[dreg:$0x5] =	wrdreg s6  }
0x24: {  	s15 =	simm.s32 $0xA;
	s6 =	sadd.s32 s21, s28;
	[dreg:$0x3] =	wrdreg s7  }
0x25: {  	v0 =	vimm.f32 $0.0e+00;
	s23 =	simm.s32 $0xC;
	s21 =	simm.s32 $0xB;
	[dreg:$0x6] =	wrdreg s6  }
.LBB2_1:
0x26: {  	[dreg:$0x1a] =	wrdreg s1;
	s5 =	simm.s32 $0x0;
	s6 =	simm.s32 $0x200  }
.LBB2_2:
0x27: {  	p0 =	sne.s32 s6, $0xAE00;
	[tilespmem:s5+$0x470] =	vst v0  }
0x28: {  	[tilespmem:s5+$0x400] =	vst v0  }
0x29: {  	[tilespmem:s5+$0x410] =	vst v0  }
.Ltmp0:
0x2a: {  	[tilespmem:s5+$0x420] =	vst v0;
	(pc) =	sbr.rel @p0 .LBB2_2-.Ltmp0, $4  }
0x2b: {  	[tilespmem:s5+$0x430] =	vst v0  }
0x2c: {  	[tilespmem:s5+$0x440] =	vst v0  }
0x2d: {  	[tilespmem:s5+$0x450] =	vst v0  }
0x2e: {  	[tilespmem:s5+$0x460] =	vst v0;
	s5 =	sshra.s32 s6, $0x2;
	s6 =	sadd.s32 $0x200, s6  }
0x2f: {  	[tilespmem:s5+$0x470] =	vst v0  }
0x30: {  	[tilespmem:s5+$0x400] =	vst v0  }
0x31: {  	[tilespmem:s5+$0x410] =	vst v0  }
0x32: {  	[tilespmem:s5+$0x420] =	vst v0  }
0x33: {  	[tilespmem:s5+$0x430] =	vst v0  }
0x34: {  	[tilespmem:s5+$0x440] =	vst v0  }
0x35: {  	[tilespmem:s5+$0x450] =	vst v0  }
0x36: {  	[tilespmem:s5+$0x460] =	vst v0  }
0x37: {  	[spmem:s24] =	stream.linear.scatter [tilespmem:s29], [sflag:$0xD], $0x2C00, $0x38;
	[tilespmem:$0x1F400] =	vst v63  }
0x38: {  	_ =	swait.ge [sflag:s26], $0x2C00  }
0x39: {  	[sflag:s26] =	ssyncset.done $0x0  }
0x3a: {  	s13 =	rddreg [dreg:$0x8];
	[sflag:s26] =	ssyncadd.s32 $0xFFFFD400  }
0x3b: {  	[spmem:s13] =	stream.linear.scatter [tilespmem:s29], [sflag:$0xD], $0x2C00, $0x38;
	[tilespmem:$0x1F400] =	vst v63  }
0x3c: {  	_ =	swait.ge [sflag:s26], $0x2C00  }
0x3d: {  	[sflag:s26] =	ssyncset.done $0x0  }
0x3e: {  	s24 =	rddreg [dreg:$0x9];
	[sflag:s26] =	ssyncadd.s32 $0xFFFFD400  }
0x3f: {  	[spmem:s24] =	stream.linear.scatter [tilespmem:s29], [sflag:$0xD], $0x2C00, $0x38;
	[tilespmem:$0x1F400] =	vst v63  }
0x40: {  	_ =	swait.ge [sflag:s26], $0x2C00  }
0x41: {  	[sflag:s26] =	ssyncset.done $0x0  }
0x42: {  	s25 =	rddreg [dreg:$0xa];
	[sflag:s26] =	ssyncadd.s32 $0xFFFFD400  }
0x43: {  	[spmem:s25] =	stream.linear.scatter [tilespmem:s29], [sflag:$0xD], $0x2C00, $0x38;
	[tilespmem:$0x1F400] =	vst v63  }
0x44: {  	_ =	swait.ge [sflag:s26], $0x2C00  }
0x45: {  	[sflag:s26] =	ssyncset.done $0x0  }
0x46: {  	s1 =	rddreg [dreg:$0xb];
	[sflag:s26] =	ssyncadd.s32 $0xFFFFD400  }
0x47: {  	[spmem:s1] =	stream.linear.scatter [tilespmem:s29], [sflag:$0xD], $0x2C00, $0x38;
	[tilespmem:$0x1F400] =	vst v63  }
0x48: {  	_ =	swait.ge [sflag:s26], $0x2C00  }
0x49: {  	[sflag:s26] =	ssyncset.done $0x0  }
0x4a: {  	s6 =	rddreg [dreg:$0xc];
	[sflag:s26] =	ssyncadd.s32 $0xFFFFD400  }
0x4b: {  	[spmem:s6] =	stream.linear.scatter [tilespmem:s29], [sflag:$0xD], $0x2C00, $0x38;
	[tilespmem:$0x1F400] =	vst v63  }
0x4c: {  	_ =	swait.ge [sflag:s26], $0x2C00  }
0x4d: {  	[sflag:s26] =	ssyncset.done $0x0  }
0x4e: {  	s7 =	rddreg [dreg:$0xd];
	[sflag:s26] =	ssyncadd.s32 $0xFFFFD400  }
0x4f: {  	[spmem:s7] =	stream.linear.scatter [tilespmem:s29], [sflag:$0xD], $0x2C00, $0x38;
	[tilespmem:$0x1F400] =	vst v63  }
0x50: {  	_ =	swait.ge [sflag:s26], $0x2C00  }
0x51: {  	[sflag:s26] =	ssyncset.done $0x0  }
0x52: {  	s13 =	rddreg [dreg:$0xe];
	[sflag:s26] =	ssyncadd.s32 $0xFFFFD400  }
0x53: {  	[spmem:s13] =	stream.linear.scatter [tilespmem:s29], [sflag:$0xD], $0xC00, $0x38;
	[tilespmem:$0x1F400] =	vst v63  }
0x54: {  	_ =	swait.ge [sflag:s26], $0xC00  }
0x55: {  	[sflag:s26] =	ssyncset.done $0x0  }
0x56: {  	[sflag:s26] =	ssyncadd.s32 $0xFFFFF400  }
0x57: {  	[bflag:$0x0] =	sbarrier.arrive $0xFFFF  }
0x58: {  	s5 =	simm.s32 $0x0;
	s6 =	rddreg [dreg:$0xf]  }
0x59: {  	[tilespmem:s5], [sflag:$0x5] =	stream.linear.gather [hbm4b:s6+s5], $0x58, $0x38;
	[tilespmem:$0x1F400] =	vst v63  }
0x5a: {  	s24 =	rddreg [dreg:$0x10]  }
0x5b: {  	[tilespmem:s30], [sflag:$0x9] =	stream.linear.gather [hbm4b:s24+s5], $0x58, $0x38;
	[tilespmem:$0x1F400] =	vst v63  }
0x5c: {  	s25 =	rddreg [dreg:$0x11]  }
0x5d: {  	[tilespmem:s0], [sflag:$0x6] =	stream.linear.gather [hbm4b:s25+s5], $0x58, $0x38;
	[tilespmem:$0x1F400] =	vst v63  }
0x5e: {  	s1 =	rddreg [dreg:$0x12]  }
0x5f: {  	[tilespmem:s31], [sflag:$0xA] =	stream.linear.gather [hbm4b:s1+s5], $0x58, $0x38;
	[tilespmem:$0x1F400] =	vst v63  }
0x60: {  	s7 =	rddreg [dreg:$0x13];
	s1 =	simm.s32 $0x100  }
0x61: {  	[tilespmem:s1], [sflag:$0x7] =	stream.linear.gather [hbm4b:s7+s5], $0x58, $0x38;
	[tilespmem:$0x1F400] =	vst v63  }
0x62: {  	s13 =	rddreg [dreg:$0x15];
	s7 =	simm.s32 $0x300  }
0x63: {  	[tilespmem:s7], [sflag:$0xB] =	stream.linear.gather [hbm4b:s13+s5], $0x58, $0x38;
	[tilespmem:$0x1F400] =	vst v63  }
0x64: {  	s24 =	rddreg [dreg:$0x16]  }
0x65: {  	[tilespmem:s11], [sflag:$0x8] =	stream.linear.gather [hbm4b:s24+s5], $0x58, $0x38;
	[tilespmem:$0x1F400] =	vst v63  }
0x66: {  	s25 =	rddreg [dreg:$0x14];
	s13 =	simm.s32 $0x380  }
0x67: {  	[tilespmem:s13], [sflag:$0xC] =	stream.linear.gather [hbm4b:s25+s5], $0x58, $0x38;
	[tilespmem:$0x1F400] =	vst v63  }
0x68: {  	_ =	swait.ge [sflag:s8], $0x58  }
0x69: {  	[sflag:s8] =	ssyncset.done $0x0  }
0x6a: {  	[sflag:s8] =	ssyncadd.s32 $0xFFFFFFA8  }
0x6b: {  	[tilespmem:s29], [sflag:$0x1] =	stream.indirect.gather [hbm4b:s4+s9], $0x80, s5, s9, $0xb8;
	[tilespmem:$0x1F400] =	vst v63  }
0x6c: {  	_ =	swait.ge [sflag:s10], $0x58  }
0x6d: {  	[sflag:s10] =	ssyncset.done $0x0  }
0x6e: {  	[sflag:s10] =	ssyncadd.s32 $0xFFFFFFA8  }
0x6f: {  	[tilespmem:s17], [sflag:$0x2] =	stream.indirect.gather [hbm4b:s4+s9], $0x80, s0, s9, $0xb8;
	[tilespmem:$0x1F400] =	vst v63  }
0x70: {  	_ =	swait.ge [sflag:s12], $0x58  }
0x71: {  	[sflag:s12] =	ssyncset.done $0x0  }
0x72: {  	s13 =	simm.s32 $0x5C00;
	[sflag:s12] =	ssyncadd.s32 $0xFFFFFFA8  }
0x73: {  	[tilespmem:s13], [sflag:$0x3] =	stream.indirect.gather [hbm4b:s4+s9], $0x80, s1, s9, $0xb8;
	[tilespmem:$0x1F400] =	vst v63  }
0x74: {  	_ =	swait.ge [sflag:s16], $0x58  }
0x75: {  	[sflag:s16] =	ssyncset.done $0x0  }
0x76: {  	s25 =	simm.s32 $0x8800;
	[sflag:s16] =	ssyncadd.s32 $0xFFFFFFA8  }
0x77: {  	[tilespmem:s25], [sflag:$0x4] =	stream.indirect.gather [hbm4b:s4+s9], $0x80, s11, s9, $0xb8;
	[tilespmem:$0x1F400] =	vst v63  }
0x78: {  	_ =	swait.ge [sflag:s18], $0x2C00  }
0x79: {  	s24 =	rddreg [dreg:$0x19]  }
0x7a: {  	[sflag:s18] =	ssyncset.done $0x0;
	s6 =	sshrl.u32 s24, $0x3  }
0x7b: {  	[sflag:s18] =	ssyncadd.s32 $0xFFFFD400;
	s5 =	sadd.s32 s28, s6  }
0x7c: {  	[tilespmem:s3], [sflag:$0x5] =	stream.linear.gather [hbm4b:s5+s3], $0x58, $0x38;
	[tilespmem:$0x1F400] =	vst v63  }
0x7d: {  	_ =	swait.ge [sflag:s19], $0x58  }
0x7e: {  	[sflag:s19] =	ssyncset.done $0x0  }
0x7f: {  	[sflag:s19] =	ssyncadd.s32 $0xFFFFFFA8  }
0x80: {  	[spmem:s2] =	stream.indirect.scatter.add.f32 [tilespmem:s29], [sflag:$0xD], $0x80, s30, s9, $0xb8;
	[tilespmem:$0x1F400] =	vst v63  }
0x81: {  	_ =	swait.ge [sflag:s26], $0x2C00  }
0x82: {  	s6 =	rddreg [dreg:$0x4]  }
0x83: {  	[sflag:s26] =	ssyncset.done $0x0;
	s5 =	sadd.s32 $0x0, s6  }
0x84: {  	[sflag:s26] =	ssyncadd.s32 $0xFFFFD400;
	s6 =	sadd.s32 $0x2C, s5  }
0x85: {  	[tilespmem:s30], [sflag:$0x9] =	stream.linear.gather [hbm4b:s6+s3], $0x58, $0x38;
	[tilespmem:$0x1F400] =	vst v63  }
0x86: {  	_ =	swait.ge [sflag:s8], $0x58  }
0x87: {  	[sflag:s8] =	ssyncset.done $0x0  }
0x88: {  	[sflag:s8] =	ssyncadd.s32 $0xFFFFFFA8  }
0x89: {  	[tilespmem:s29], [sflag:$0x1] =	stream.indirect.gather [hbm4b:s4+s9], $0x80, s3, s9, $0xb8;
	[tilespmem:$0x1F400] =	vst v63  }
0x8a: {  	_ =	swait.ge [sflag:s14], $0x2C00  }
0x8b: {  	s6 =	rddreg [dreg:$0x6];
	[sflag:s14] =	ssyncset.done $0x0  }
0x8c: {  	[sflag:s14] =	ssyncadd.s32 $0xFFFFD400;
	s6 =	sadd.s32 $0x0, s6  }
0x8d: {  	[tilespmem:s0], [sflag:$0x6] =	stream.linear.gather [hbm4b:s6+s3], $0x58, $0x38;
	[tilespmem:$0x1F400] =	vst v63  }
0x8e: {  	_ =	swait.ge [sflag:s15], $0x58  }
0x8f: {  	[sflag:s15] =	ssyncset.done $0x0  }
0x90: {  	[sflag:s15] =	ssyncadd.s32 $0xFFFFFFA8  }
0x91: {  	[spmem:s2] =	stream.indirect.scatter.add.f32 [tilespmem:s17], [sflag:$0xD], $0x80, s31, s9, $0xb8;
	[tilespmem:$0x1F400] =	vst v63  }
0x92: {  	_ =	swait.ge [sflag:s26], $0x2C00  }
0x93: {  	[sflag:s26] =	ssyncset.done $0x0  }
0x94: {  	s6 =	sadd.s32 $0x37, s5;
	[sflag:s26] =	ssyncadd.s32 $0xFFFFD400  }
0x95: {  	[tilespmem:s31], [sflag:$0xA] =	stream.linear.gather [hbm4b:s6+s3], $0x58, $0x38;
	[tilespmem:$0x1F400] =	vst v63  }
0x96: {  	_ =	swait.ge [sflag:s10], $0x58  }
0x97: {  	[sflag:s10] =	ssyncset.done $0x0  }
0x98: {  	[sflag:s10] =	ssyncadd.s32 $0xFFFFFFA8  }
0x99: {  	[tilespmem:s17], [sflag:$0x2] =	stream.indirect.gather [hbm4b:s4+s9], $0x80, s0, s9, $0xb8;
	[tilespmem:$0x1F400] =	vst v63  }
0x9a: {  	_ =	swait.ge [sflag:s20], $0x2C00  }
0x9b: {  	s31 =	rddreg [dreg:$0x5];
	[sflag:s20] =	ssyncset.done $0x0  }
0x9c: {  	[sflag:s20] =	ssyncadd.s32 $0xFFFFD400;
	s6 =	sadd.s32 $0x0, s31  }
0x9d: {  	[tilespmem:s1], [sflag:$0x7] =	stream.linear.gather [hbm4b:s6+s3], $0x58, $0x38;
	[tilespmem:$0x1F400] =	vst v63  }
0x9e: {  	_ =	swait.ge [sflag:s21], $0x58  }
0x9f: {  	[sflag:s21] =	ssyncset.done $0x0  }
0xa0: {  	[sflag:s21] =	ssyncadd.s32 $0xFFFFFFA8  }
0xa1: {  	[spmem:s2] =	stream.indirect.scatter.add.f32 [tilespmem:s13], [sflag:$0xD], $0x80, s7, s9, $0xb8;
	[tilespmem:$0x1F400] =	vst v63  }
0xa2: {  	_ =	swait.ge [sflag:s26], $0x2C00  }
0xa3: {  	[sflag:s26] =	ssyncset.done $0x0  }
0xa4: {  	s0 =	sadd.s32 $0x42, s5;
	[sflag:s26] =	ssyncadd.s32 $0xFFFFD400  }
0xa5: {  	[tilespmem:s7], [sflag:$0xB] =	stream.linear.gather [hbm4b:s0+s3], $0x58, $0x38;
	[tilespmem:$0x1F400] =	vst v63  }
0xa6: {  	_ =	swait.ge [sflag:s12], $0x58  }
0xa7: {  	[sflag:s12] =	ssyncset.done $0x0  }
0xa8: {  	[sflag:s12] =	ssyncadd.s32 $0xFFFFFFA8  }
0xa9: {  	[tilespmem:s13], [sflag:$0x3] =	stream.indirect.gather [hbm4b:s4+s9], $0x80, s1, s9, $0xb8;
	[tilespmem:$0x1F400] =	vst v63  }
0xaa: {  	_ =	swait.ge [sflag:s22], $0x2C00  }
0xab: {  	s13 =	rddreg [dreg:$0x3];
	[sflag:s22] =	ssyncset.done $0x0  }
0xac: {  	[sflag:s22] =	ssyncadd.s32 $0xFFFFD400;
	s6 =	sadd.s32 $0x0, s13  }
0xad: {  	[tilespmem:s11], [sflag:$0x8] =	stream.linear.gather [hbm4b:s6+s3], $0x58, $0x38;
	[tilespmem:$0x1F400] =	vst v63  }
0xae: {  	_ =	swait.ge [sflag:s23], $0x58  }
0xaf: {  	[sflag:s23] =	ssyncset.done $0x0  }
0xb0: {  	s31 =	simm.s32 $0x380;
	[sflag:s23] =	ssyncadd.s32 $0xFFFFFFA8  }
0xb1: {  	[spmem:s2] =	stream.indirect.scatter.add.f32 [tilespmem:s25], [sflag:$0xD], $0x80, s31, s9, $0xb8;
	[tilespmem:$0x1F400] =	vst v63  }
0xb2: {  	_ =	swait.ge [sflag:s26], $0x2C00  }
0xb3: {  	[sflag:s26] =	ssyncset.done $0x0  }
0xb4: {  	s5 =	sadd.s32 $0x4D, s5;
	[sflag:s26] =	ssyncadd.s32 $0xFFFFD400  }
0xb5: {  	[tilespmem:s31], [sflag:$0xC] =	stream.linear.gather [hbm4b:s5+s3], $0x58, $0x38;
	[tilespmem:$0x1F400] =	vst v63  }
0xb6: {  	_ =	swait.ge [sflag:s16], $0x58  }
0xb7: {  	[sflag:s16] =	ssyncset.done $0x0  }
0xb8: {  	[sflag:s16] =	ssyncadd.s32 $0xFFFFFFA8  }
0xb9: {  	[tilespmem:s25], [sflag:$0x4] =	stream.indirect.gather [hbm4b:s4+s9], $0x80, s11, s9, $0xb8;
	[tilespmem:$0x1F400] =	vst v63  }
0xba: {  	s24 =	sadd.s32 $0x160, s24;
	s6 =	simm.s32 $0x2C;
	_ =	swait.ge [sflag:s18], $0x2C00  }
0xbb: {  	s5 =	simm.s32 $0x58;
	s25 =	sshrl.u32 s24, $0x3;
	[sflag:s18] =	ssyncset.done $0x0  }
.LBB2_4:
0xbc: {  	s25 =	sadd.s32 s28, s25;
	[sflag:s18] =	ssyncadd.s32 $0xFFFFD400  }
0xbd: {  	[tilespmem:s3], [sflag:$0x5] =	stream.linear.gather [hbm4b:s25+s3], $0x58, $0x38;
	[tilespmem:$0x1F400] =	vst v63  }
0xbe: {  	_ =	swait.ge [sflag:s19], $0x58  }
0xbf: {  	[sflag:s19] =	ssyncset.done $0x0  }
0xc0: {  	[sflag:s19] =	ssyncadd.s32 $0xFFFFFFA8  }
0xc1: {  	[spmem:s2] =	stream.indirect.scatter.add.f32 [tilespmem:s29], [sflag:$0xD], $0x80, s30, s9, $0xb8;
	[tilespmem:$0x1F400] =	vst v63  }
0xc2: {  	_ =	swait.ge [sflag:s26], $0x2C00  }
0xc3: {  	s30 =	smov.u32 s28;
	s28 =	rddreg [dreg:$0x4]  }
0xc4: {  	[sflag:s26] =	ssyncset.done $0x0;
	s28 =	sadd.s32 s6, s28  }
0xc5: {  	s0 =	simm.s32 $0x200;
	[sflag:s26] =	ssyncadd.s32 $0xFFFFD400;
	s29 =	sadd.s32 $0x2C, s28  }
0xc6: {  	[tilespmem:s0], [sflag:$0x9] =	stream.linear.gather [hbm4b:s29+s3], $0x58, $0x38;
	[tilespmem:$0x1F400] =	vst v63  }
0xc7: {  	_ =	swait.ge [sflag:s8], $0x58  }
0xc8: {  	[sflag:s8] =	ssyncset.done $0x0  }
0xc9: {  	s31 =	simm.s32 $0x400;
	[sflag:s8] =	ssyncadd.s32 $0xFFFFFFA8  }
0xca: {  	[tilespmem:s31], [sflag:$0x1] =	stream.indirect.gather [hbm4b:s4+s9], $0x80, s3, s9, $0xb8;
	[tilespmem:$0x1F400] =	vst v63  }
0xcb: {  	_ =	swait.ge [sflag:s14], $0x2C00  }
0xcc: {  	s29 =	rddreg [dreg:$0x6];
	[sflag:s14] =	ssyncset.done $0x0  }
0xcd: {  	s0 =	simm.s32 $0x80;
	[sflag:s14] =	ssyncadd.s32 $0xFFFFD400;
	s29 =	sadd.s32 s6, s29  }
0xce: {  	[tilespmem:s0], [sflag:$0x6] =	stream.linear.gather [hbm4b:s29+s3], $0x58, $0x38;
	[tilespmem:$0x1F400] =	vst v63  }
0xcf: {  	_ =	swait.ge [sflag:s15], $0x58  }
0xd0: {  	[sflag:s15] =	ssyncset.done $0x0  }
0xd1: {  	s31 =	simm.s32 $0x280;
	[sflag:s15] =	ssyncadd.s32 $0xFFFFFFA8  }
0xd2: {  	[spmem:s2] =	stream.indirect.scatter.add.f32 [tilespmem:s17], [sflag:$0xD], $0x80, s31, s9, $0xb8;
	[tilespmem:$0x1F400] =	vst v63  }
0xd3: {  	_ =	swait.ge [sflag:s26], $0x2C00  }
0xd4: {  	[sflag:s26] =	ssyncset.done $0x0  }
0xd5: {  	s29 =	sadd.s32 $0x37, s28;
	[sflag:s26] =	ssyncadd.s32 $0xFFFFD400  }
0xd6: {  	[tilespmem:s31], [sflag:$0xA] =	stream.linear.gather [hbm4b:s29+s3], $0x58, $0x38;
	[tilespmem:$0x1F400] =	vst v63  }
0xd7: {  	_ =	swait.ge [sflag:s10], $0x58  }
0xd8: {  	[sflag:s10] =	ssyncset.done $0x0  }
0xd9: {  	[sflag:s10] =	ssyncadd.s32 $0xFFFFFFA8  }
0xda: {  	[tilespmem:s17], [sflag:$0x2] =	stream.indirect.gather [hbm4b:s4+s9], $0x80, s0, s9, $0xb8;
	[tilespmem:$0x1F400] =	vst v63  }
0xdb: {  	_ =	swait.ge [sflag:s20], $0x2C00  }
0xdc: {  	s29 =	rddreg [dreg:$0x5];
	[sflag:s20] =	ssyncset.done $0x0  }
0xdd: {  	[sflag:s20] =	ssyncadd.s32 $0xFFFFD400;
	s29 =	sadd.s32 s6, s29  }
0xde: {  	[tilespmem:s1], [sflag:$0x7] =	stream.linear.gather [hbm4b:s29+s3], $0x58, $0x38;
	[tilespmem:$0x1F400] =	vst v63  }
0xdf: {  	_ =	swait.ge [sflag:s21], $0x58  }
0xe0: {  	[sflag:s21] =	ssyncset.done $0x0  }
0xe1: {  	s7 =	simm.s32 $0x300;
	s13 =	simm.s32 $0x5C00;
	[sflag:s21] =	ssyncadd.s32 $0xFFFFFFA8  }
0xe2: {  	[spmem:s2] =	stream.indirect.scatter.add.f32 [tilespmem:s13], [sflag:$0xD], $0x80, s7, s9, $0xb8;
	[tilespmem:$0x1F400] =	vst v63  }
0xe3: {  	_ =	swait.ge [sflag:s26], $0x2C00  }
0xe4: {  	[sflag:s26] =	ssyncset.done $0x0  }
0xe5: {  	s29 =	sadd.s32 $0x42, s28;
	[sflag:s26] =	ssyncadd.s32 $0xFFFFD400  }
0xe6: {  	[tilespmem:s7], [sflag:$0xB] =	stream.linear.gather [hbm4b:s29+s3], $0x58, $0x38;
	[tilespmem:$0x1F400] =	vst v63  }
0xe7: {  	_ =	swait.ge [sflag:s12], $0x58  }
0xe8: {  	[sflag:s12] =	ssyncset.done $0x0  }
0xe9: {  	[sflag:s12] =	ssyncadd.s32 $0xFFFFFFA8  }
0xea: {  	[tilespmem:s13], [sflag:$0x3] =	stream.indirect.gather [hbm4b:s4+s9], $0x80, s1, s9, $0xb8;
	[tilespmem:$0x1F400] =	vst v63  }
0xeb: {  	_ =	swait.ge [sflag:s22], $0x2C00  }
0xec: {  	s29 =	rddreg [dreg:$0x3];
	[sflag:s22] =	ssyncset.done $0x0  }
0xed: {  	[sflag:s22] =	ssyncadd.s32 $0xFFFFD400;
	s29 =	sadd.s32 s6, s29  }
0xee: {  	[tilespmem:s11], [sflag:$0x8] =	stream.linear.gather [hbm4b:s29+s3], $0x58, $0x38;
	[tilespmem:$0x1F400] =	vst v63  }
0xef: {  	_ =	swait.ge [sflag:s23], $0x58  }
0xf0: {  	[sflag:s23] =	ssyncset.done $0x0  }
0xf1: {  	s7 =	simm.s32 $0x380;
	s13 =	simm.s32 $0x8800;
	[sflag:s23] =	ssyncadd.s32 $0xFFFFFFA8  }
0xf2: {  	[spmem:s2] =	stream.indirect.scatter.add.f32 [tilespmem:s13], [sflag:$0xD], $0x80, s7, s9, $0xb8;
	[tilespmem:$0x1F400] =	vst v63  }
0xf3: {  	_ =	swait.ge [sflag:s26], $0x2C00  }
0xf4: {  	s25 =	smov.u32 s5;
	[sflag:s26] =	ssyncset.done $0x0  }
0xf5: {  	s6 =	smov.u32 s25;
	s25 =	sadd.s32 $0x4D, s28;
	[sflag:s26] =	ssyncadd.s32 $0xFFFFD400  }
0xf6: {  	[tilespmem:s7], [sflag:$0xC] =	stream.linear.gather [hbm4b:s25+s3], $0x58, $0x38;
	[tilespmem:$0x1F400] =	vst v63  }
0xf7: {  	p0 =	sne.s32 s5, $0x974;
	_ =	swait.ge [sflag:s16], $0x58  }
.Ltmp1:
0xf8: {  	[sflag:s16] =	ssyncset.done $0x0;
	(pc) =	sbr.rel @p0 .LBB2_4-.Ltmp1, $4  }
0xf9: {  	s24 =	sadd.s32 $0x160, s24;
	s5 =	sadd.s32 $0x2C, s5;
	[sflag:s16] =	ssyncadd.s32 $0xFFFFFFA8  }
0xfa: {  	[tilespmem:s13], [sflag:$0x4] =	stream.indirect.gather [hbm4b:s4+s9], $0x80, s11, s9, $0xb8;
	[tilespmem:$0x1F400] =	vst v63  }
0xfb: {  	s28 =	smov.u32 s30;
	s30 =	simm.s32 $0x200;
	_ =	swait.ge [sflag:s18], $0x2C00  }
0xfc: {  	s29 =	simm.s32 $0x400;
	s25 =	sshrl.u32 s24, $0x3;
	[sflag:s18] =	ssyncset.done $0x0  }
0xfd: {  	s5 =	sadd.s32 s28, s25;
	[sflag:s18] =	ssyncadd.s32 $0xFFFFD400  }
0xfe: {  	[tilespmem:s3], [sflag:$0x5] =	stream.linear.gather [hbm4b:s5+s3], $0x58, $0x38;
	[tilespmem:$0x1F400] =	vst v63  }
0xff: {  	_ =	swait.ge [sflag:s19], $0x58  }
0x100: {  	[sflag:s19] =	ssyncset.done $0x0  }
0x101: {  	[sflag:s19] =	ssyncadd.s32 $0xFFFFFFA8  }
0x102: {  	[spmem:s2] =	stream.indirect.scatter.add.f32 [tilespmem:s29], [sflag:$0xD], $0x80, s30, s9, $0xb8;
	[tilespmem:$0x1F400] =	vst v63  }
0x103: {  	_ =	swait.ge [sflag:s26], $0x2C00  }
0x104: {  	s24 =	rddreg [dreg:$0x4]  }
0x105: {  	[sflag:s26] =	ssyncset.done $0x0;
	s5 =	sadd.s32 s6, s24  }
0x106: {  	[sflag:s26] =	ssyncadd.s32 $0xFFFFD400;
	s24 =	sadd.s32 $0x2C, s5  }
0x107: {  	[tilespmem:s30], [sflag:$0x9] =	stream.linear.gather [hbm4b:s24+s3], $0x58, $0x38;
	[tilespmem:$0x1F400] =	vst v63  }
0x108: {  	_ =	swait.ge [sflag:s8], $0x58  }
0x109: {  	[sflag:s8] =	ssyncset.done $0x0  }
0x10a: {  	[sflag:s8] =	ssyncadd.s32 $0xFFFFFFA8  }
0x10b: {  	[tilespmem:s29], [sflag:$0x1] =	stream.indirect.gather [hbm4b:s4+s9], $0x80, s3, s9, $0xb8;
	[tilespmem:$0x1F400] =	vst v63  }
0x10c: {  	_ =	swait.ge [sflag:s14], $0x2C00  }
0x10d: {  	s25 =	rddreg [dreg:$0x6];
	[sflag:s14] =	ssyncset.done $0x0  }
0x10e: {  	[sflag:s14] =	ssyncadd.s32 $0xFFFFD400;
	s24 =	sadd.s32 s6, s25  }
0x10f: {  	[tilespmem:s0], [sflag:$0x6] =	stream.linear.gather [hbm4b:s24+s3], $0x58, $0x38;
	[tilespmem:$0x1F400] =	vst v63  }
0x110: {  	_ =	swait.ge [sflag:s15], $0x58  }
0x111: {  	[sflag:s15] =	ssyncset.done $0x0  }
0x112: {  	[sflag:s15] =	ssyncadd.s32 $0xFFFFFFA8  }
0x113: {  	[spmem:s2] =	stream.indirect.scatter.add.f32 [tilespmem:s17], [sflag:$0xD], $0x80, s31, s9, $0xb8;
	[tilespmem:$0x1F400] =	vst v63  }
0x114: {  	_ =	swait.ge [sflag:s26], $0x2C00  }
0x115: {  	[sflag:s26] =	ssyncset.done $0x0  }
0x116: {  	s7 =	sadd.s32 $0x37, s5;
	[sflag:s26] =	ssyncadd.s32 $0xFFFFD400  }
0x117: {  	[tilespmem:s31], [sflag:$0xA] =	stream.linear.gather [hbm4b:s7+s3], $0x58, $0x38;
	[tilespmem:$0x1F400] =	vst v63  }
0x118: {  	_ =	swait.ge [sflag:s10], $0x58  }
0x119: {  	[sflag:s10] =	ssyncset.done $0x0  }
0x11a: {  	[sflag:s10] =	ssyncadd.s32 $0xFFFFFFA8  }
0x11b: {  	[tilespmem:s17], [sflag:$0x2] =	stream.indirect.gather [hbm4b:s4+s9], $0x80, s0, s9, $0xb8;
	[tilespmem:$0x1F400] =	vst v63  }
0x11c: {  	_ =	swait.ge [sflag:s20], $0x2C00  }
0x11d: {  	s13 =	rddreg [dreg:$0x5];
	[sflag:s20] =	ssyncset.done $0x0  }
0x11e: {  	[sflag:s20] =	ssyncadd.s32 $0xFFFFD400;
	s24 =	sadd.s32 s6, s13  }
0x11f: {  	[tilespmem:s1], [sflag:$0x7] =	stream.linear.gather [hbm4b:s24+s3], $0x58, $0x38;
	[tilespmem:$0x1F400] =	vst v63  }
0x120: {  	_ =	swait.ge [sflag:s21], $0x58  }
0x121: {  	[sflag:s21] =	ssyncset.done $0x0  }
0x122: {  	s7 =	simm.s32 $0x300;
	s13 =	simm.s32 $0x5C00;
	[sflag:s21] =	ssyncadd.s32 $0xFFFFFFA8  }
0x123: {  	[spmem:s2] =	stream.indirect.scatter.add.f32 [tilespmem:s13], [sflag:$0xD], $0x80, s7, s9, $0xb8;
	[tilespmem:$0x1F400] =	vst v63  }
0x124: {  	_ =	swait.ge [sflag:s26], $0x2C00  }
0x125: {  	[sflag:s26] =	ssyncset.done $0x0  }
0x126: {  	s25 =	sadd.s32 $0x42, s5;
	[sflag:s26] =	ssyncadd.s32 $0xFFFFD400  }
0x127: {  	[tilespmem:s7], [sflag:$0xB] =	stream.linear.gather [hbm4b:s25+s3], $0x58, $0x38;
	[tilespmem:$0x1F400] =	vst v63  }
0x128: {  	_ =	swait.ge [sflag:s12], $0x58  }
0x129: {  	[sflag:s12] =	ssyncset.done $0x0  }
0x12a: {  	[sflag:s12] =	ssyncadd.s32 $0xFFFFFFA8  }
0x12b: {  	[tilespmem:s13], [sflag:$0x3] =	stream.indirect.gather [hbm4b:s4+s9], $0x80, s1, s9, $0xb8;
	[tilespmem:$0x1F400] =	vst v63  }
0x12c: {  	_ =	swait.ge [sflag:s22], $0x2C00  }
0x12d: {  	s25 =	rddreg [dreg:$0x3];
	[sflag:s22] =	ssyncset.done $0x0  }
0x12e: {  	s1 =	sadd.s32 s6, s25;
	[sflag:s22] =	ssyncadd.s32 $0xFFFFD400  }
0x12f: {  	[tilespmem:s11], [sflag:$0x8] =	stream.linear.gather [hbm4b:s1+s3], $0x58, $0x38;
	[tilespmem:$0x1F400] =	vst v63  }
0x130: {  	_ =	swait.ge [sflag:s23], $0x58  }
0x131: {  	[sflag:s23] =	ssyncset.done $0x0  }
0x132: {  	s24 =	simm.s32 $0x8800;
	s6 =	simm.s32 $0x380;
	[sflag:s23] =	ssyncadd.s32 $0xFFFFFFA8  }
0x133: {  	[spmem:s2] =	stream.indirect.scatter.add.f32 [tilespmem:s24], [sflag:$0xD], $0x80, s6, s9, $0xb8;
	[tilespmem:$0x1F400] =	vst v63  }
0x134: {  	_ =	swait.ge [sflag:s26], $0x2C00  }
0x135: {  	[sflag:s26] =	ssyncset.done $0x0  }
0x136: {  	s5 =	sadd.s32 $0x4D, s5;
	[sflag:s26] =	ssyncadd.s32 $0xFFFFD400  }
0x137: {  	[tilespmem:s6], [sflag:$0xC] =	stream.linear.gather [hbm4b:s5+s3], $0x58, $0x38;
	[tilespmem:$0x1F400] =	vst v63  }
0x138: {  	_ =	swait.ge [sflag:s16], $0x58  }
0x139: {  	[sflag:s16] =	ssyncset.done $0x0  }
0x13a: {  	[sflag:s16] =	ssyncadd.s32 $0xFFFFFFA8  }
0x13b: {  	[tilespmem:s24], [sflag:$0x4] =	stream.indirect.gather [hbm4b:s4+s9], $0x80, s11, s9, $0xb8;
	[tilespmem:$0x1F400] =	vst v63  }
0x13c: {  	_ =	swait.ge [sflag:s18], $0x2C00  }
0x13d: {  	[sflag:s18] =	ssyncset.done $0x0  }
0x13e: {  	[sflag:s18] =	ssyncadd.s32 $0xFFFFD400  }
0x13f: {  	_ =	swait.ge [sflag:s19], $0x58  }
0x140: {  	[sflag:s19] =	ssyncset.done $0x0  }
0x141: {  	[sflag:s19] =	ssyncadd.s32 $0xFFFFFFA8  }
0x142: {  	[spmem:s2] =	stream.indirect.scatter.add.f32 [tilespmem:s29], [sflag:$0xD], $0x80, s30, s9, $0xb8;
	[tilespmem:$0x1F400] =	vst v63  }
0x143: {  	_ =	swait.ge [sflag:s26], $0x2C00  }
0x144: {  	[sflag:s26] =	ssyncset.done $0x0  }
0x145: {  	[sflag:s26] =	ssyncadd.s32 $0xFFFFD400  }
0x146: {  	_ =	swait.ge [sflag:s14], $0x2C00  }
0x147: {  	[sflag:s14] =	ssyncset.done $0x0  }
0x148: {  	[sflag:s14] =	ssyncadd.s32 $0xFFFFD400  }
0x149: {  	_ =	swait.ge [sflag:s15], $0x58  }
0x14a: {  	[sflag:s15] =	ssyncset.done $0x0  }
0x14b: {  	[sflag:s15] =	ssyncadd.s32 $0xFFFFFFA8  }
0x14c: {  	[spmem:s2] =	stream.indirect.scatter.add.f32 [tilespmem:s17], [sflag:$0xD], $0x80, s31, s9, $0xb8;
	[tilespmem:$0x1F400] =	vst v63  }
0x14d: {  	_ =	swait.ge [sflag:s26], $0x2C00  }
0x14e: {  	[sflag:s26] =	ssyncset.done $0x0  }
0x14f: {  	[sflag:s26] =	ssyncadd.s32 $0xFFFFD400  }
0x150: {  	_ =	swait.ge [sflag:s20], $0x2C00  }
0x151: {  	[sflag:s20] =	ssyncset.done $0x0  }
0x152: {  	[sflag:s20] =	ssyncadd.s32 $0xFFFFD400  }
0x153: {  	_ =	swait.ge [sflag:s21], $0x58  }
0x154: {  	[sflag:s21] =	ssyncset.done $0x0  }
0x155: {  	[sflag:s21] =	ssyncadd.s32 $0xFFFFFFA8  }
0x156: {  	[spmem:s2] =	stream.indirect.scatter.add.f32 [tilespmem:s13], [sflag:$0xD], $0x80, s7, s9, $0xb8;
	[tilespmem:$0x1F400] =	vst v63  }
0x157: {  	_ =	swait.ge [sflag:s26], $0x2C00  }
0x158: {  	[sflag:s26] =	ssyncset.done $0x0  }
0x159: {  	[sflag:s26] =	ssyncadd.s32 $0xFFFFD400  }
0x15a: {  	_ =	swait.ge [sflag:s22], $0x2C00  }
0x15b: {  	[sflag:s22] =	ssyncset.done $0x0  }
0x15c: {  	[sflag:s22] =	ssyncadd.s32 $0xFFFFD400  }
0x15d: {  	_ =	swait.ge [sflag:s23], $0x58  }
0x15e: {  	[sflag:s23] =	ssyncset.done $0x0  }
0x15f: {  	[sflag:s23] =	ssyncadd.s32 $0xFFFFFFA8  }
0x160: {  	[spmem:s2] =	stream.indirect.scatter.add.f32 [tilespmem:s24], [sflag:$0xD], $0x80, s6, s9, $0xb8;
	[tilespmem:$0x1F400] =	vst v63  }
0x161: {  	_ =	swait.ge [sflag:s26], $0x2C00  }
0x162: {  	[sflag:s26] =	ssyncset.done $0x0  }
0x163: {  	[sflag:s26] =	ssyncadd.s32 $0xFFFFD400  }
0x164: {  	s25 =	stileid.u32;
	[bflag:$0x0] =	sbarrier.arrive $0xFFFF  }
0x165: {  	s5 =	sshll.u32 s25, $0x6;
	s24 =	rddreg [dreg:$0x7]  }
0x166: {  	s5 =	sor.u32 $0x1C0D, s5;
	s7 =	rddreg [dreg:$0x17];
	s1 =	sshrl.u32 s24, $0x3  }
0x167: {  	[hbm:s7], [sflag:s5] =	dma.local [spmem:s1], $0x2800  }
0x168: {  	_ =	swait.ge [sflag:s26], $0x2800  }
0x169: {  	s13 =	rddreg [dreg:$0x1a]  }
0x16a: {  	s25 =	rddreg [dreg:$0x18];
	s1 =	sadd.s32 $0x1, s13  }
0x16b: {  	p0 =	sne.s32 s1, s25  }
.Ltmp2:
0x16c: {  	_ = 	snop;
	(pc) =	sbr.rel @p0 .LBB2_1-.Ltmp2, $3  }
0x16d: {  	_ =	sdelay $0x1  }
0x16e: {  	[sflag:s26] =	ssyncset.done $0x0  }
0x16f: {  	[sflag:s26] =	ssyncadd.s32 $0xFFFFD800  }
0x170: {  	_ =	sfence.sel $0x180000  }
0x171: {  	[bflag:$0x0] =	sbarrier.arrive $0xFFFF  }
0x172: {  	_ =	strace $0x9000004A  }
0x173: {  	s0 =	stileid.u32;
	[bflag:$0x2] =	sbarrier.arrive $0xFFFF  }
0x174: {  	p0 =	sne.s32 s0, $0x0;
	s0 =	rddreg [dreg:$0x2]  }
0x175: {  	s0 =	sadd.s32 @!p0 $0x100000, s0  }
0x176: {  	[sflag:s0] =	ssyncadd.tile.s32 @!p0 $0x1;
	_ =	shalt  }
.Lfunc_end2:
_tile_overlayer_lowered:
.L_overlay_start_2:
0x177: {  	(tag) =	ssettag $0x2  }
0x178: {  	s0 =	rddreg [dreg:$0x0];
	s2 =	stileid.u32  }
0x179: {  	s1 =	rddreg [dreg:$0x1];
	p0 =	sne.s32 s2, $0x0  }
0x17a: {  	s3 =	rddreg [dreg:$0x2];
	[bflag:$0x3] =	sbarrier.arrive $0xFFFF;
	s2 =	simm.s32 @!p0 $0x1C0D  }
0x17b: {  	[timem:s3], [sflag:s2] =	dma.local @!p0 [hbm:s0], s1  }
0x17c: {  	s0 =	simm.s32 @!p0 $0xD  }
0x17d: {  	_ =	swait.ge @!p0 [sflag:s0], s1  }
0x17e: {  	s1 =	ssub.s32 @!p0 $0x0, s1;
	[sflag:s0] =	ssyncset.done @!p0 $0x0  }
0x17f: {  	[sflag:s0] =	ssyncadd.s32 @!p0 s1  }
0x180: {  	[bflag:$0x3] =	sbarrier.arrive $0xFFFF  }
0x181: {  	_ =	shalt  }

// kernel: kernel.14.cloned.1.call-start
scs
__scs_entry_jumppad:
0x0: {  	(pc) =	sbr.rel $0x88, $3  }
0x1: {  	(tag) =	ssettag $0x0;
	lr =	simm.s32 $0x1  }
0x2: {  	[smem:$0x3F99] =	sst lr;
	_ =	strace $0xD0000000  }
0x3: {  	_ = 	snop  }
0x4: {  	_ = 	snop  }
0x5: {  	_ = 	snop  }
0x6: {  	_ = 	snop  }
0x7: {  	_ = 	snop  }
__scs_overlays_trampoline_lowered:
0x8: {  	[smem:$0x3FA8] =	sst s0  }
0x9: {  	[smem:$0x3FA9] =	sst s1  }
0xa: {  	[smem:$0x3FAA] =	sst s2  }
0xb: {  	[smem:$0x3FAB] =	sst s3  }
0xc: {  	[smem:$0x3FAC] =	sst s4  }
0xd: {  	[smem:$0x3FAD] =	sst s5  }
0xe: {  	[smem:$0x3FAE] =	sst s6  }
0xf: {  	[smem:$0x3FAF] =	sst s7  }
0x10: {  	[smem:$0x3FB0] =	sst s8  }
0x11: {  	[smem:$0x3FB1] =	sst s9;
	s0 =	simm.s32 @!p0 $0x0  }
0x12: {  	s1 =	sld [smem:$0x3F97];
	s0 =	simm.s32 @p0 $0x1  }
0x13: {  	[smem:$0x3FB2] =	sst s0;
	s0 =	simm.s32 @!p1 $0x0  }
0x14: {  	s2 =	sld [smem:$0x3F96];
	s0 =	simm.s32 @p1 $0x1  }
0x15: {  	[smem:$0x3FB3] =	sst s0;
	s0 =	simm.s32 @!p2 $0x0  }
0x16: {  	s3 =	sld [smem:$0x3FDB];
	s0 =	simm.s32 @p2 $0x1  }
0x17: {  	s4 =	simm.s32 $0x1BF5;
	[smem:$0x3FB5] =	sst s0  }
0x18: {  	s0 =	sld [smem:$0x3F98];
	_ =	swait.ge [sflag:s4], $0x0  }
0x19: {  	s7 =	sld [smem:$0x3F99]  }
0x1a: {  	s8 =	sadd.s32 $0xFFFFE003, lr  }
0x1b: {  	s9 =	sadd.s32 $0xFFFFFEF7, lr;
	s5 =	simm.s32 $0xFFFFFFFF;
	p2 =	slt.u32 s8, $0xFFFFF086  }
0x1c: {  	p1 =	slt.u32 s9, $0xF7A;
	s5 =	simm.s32 @!p2 $0x0  }
0x1d: {  	s5 =	simm.s32 @p1 $0x1;
	p0 =	seq.s32 s7, s2  }
0x1e: {  	s7 =	smul.u32 @!p0 $0xF7A, s2;
	p2 =	seq.s32 @!p0 s5, $0x0  }
0x1f: {  	s9 =	smul.u32 $0xF7A, s1;
	s8 =	simm.s32 @!p0 $0x1BF5;
	p2 =	por !p2, p0  }
0x20: {  	[sflag:s8] =	ssyncset.s32 @!p0 $0xFFFFF086;
	s6 =	sadd.s32 @!p0 s3, s7;
	s7 =	simm.s32 @!p0 $0x108  }
0x21: {  	s3 =	sadd.s32 s3, s9;
	s6 =	sadd.s32 @!p0 $0x88, s6;
	s7 =	simm.s32 @p2 $0x1082  }
0x22: {  	[simem:s7], [sflag:s8] =	dma.local @!p0 [hbm:s6], $0xF7A  }
0x23: {  	s9 =	sor.u32 $0xD0000000, s2;
	s6 =	simm.s32 $0x108;
	_ =	swait.ge @!p0 [sflag:s8], $0x0  }
0x24: {  	s3 =	sadd.s32 $0x88, s3;
	s6 =	simm.s32 @!p1 $0x1082;
	[sflag:s4] =	ssyncset.s32 $0xFFFFF086  }
0x25: {  	[simem:s6], [sflag:s4] =	dma.local [hbm:s3], $0xF7A  }
0x26: {  	[smem:$0x3F99] =	sst s1;
	(tag) =	ssettag s2;
	_ =	strace s9  }
0x27: {  	s1 =	sld [smem:$0x3FA9]  }
0x28: {  	s2 =	sld [smem:$0x3FAA]  }
0x29: {  	s4 =	sld [smem:$0x3FAC]  }
0x2a: {  	p0 =	seq.s32 s5, $0x0;
	s5 =	sld [smem:$0x3FAD]  }
0x2b: {  	s6 =	sld [smem:$0x3FAE]  }
0x2c: {  	s7 =	sld [smem:$0x3FAF]  }
0x2d: {  	s3 =	simm.s32 $0x108;
	s8 =	sld [smem:$0x3FB0]  }
0x2e: {  	s3 =	simm.s32 @!p0 $0x1082;
	s9 =	sld [smem:$0x3FB1]  }
0x2f: {  	lr =	sadd.s32 s0, s3;
	s0 =	sld [smem:$0x3FA8]  }
0x30: {  	s3 =	sld [smem:$0x3FAB]  }
0x31: {  	[smem:$0x3FB4] =	sst s10  }
0x32: {  	s10 =	sld [smem:$0x3FB2];
	_ =	sdelay $0x3  }
0x33: {  	p0 =	seq.s32 s10, $0x1;
	s10 =	sld [smem:$0x3FB4];
	_ =	sdelay $0x3  }
0x34: {  	[smem:$0x3FB4] =	sst s10  }
0x35: {  	s10 =	sld [smem:$0x3FB3];
	_ =	sdelay $0x3  }
0x36: {  	p1 =	seq.s32 s10, $0x1;
	s10 =	sld [smem:$0x3FB4];
	_ =	sdelay $0x3  }
0x37: {  	[smem:$0x3FB4] =	sst s10  }
0x38: {  	s10 =	sld [smem:$0x3FB5]  }
0x39: {  	_ = 	snop;
	(pc) =	sbr.ind lr, $3  }
0x3a: {  	_ = 	snop  }
0x3b: {  	_ = 	snop  }
0x3c: {  	p2 =	seq.s32 s10, $0x1;
	s10 =	sld [smem:$0x3FB4]  }
0x3d: {  	_ =	shalt  }
0x3e: {  	_ =	shalt  }
0x3f: {  	_ =	shalt  }
0x40: {  	_ =	shalt  }
0x41: {  	_ =	shalt  }
0x42: {  	_ =	shalt  }
0x43: {  	_ =	shalt  }
0x44: {  	_ =	shalt  }
0x45: {  	_ =	shalt  }
0x46: {  	_ =	shalt  }
0x47: {  	_ =	shalt  }
0x48: {  	_ =	shalt  }
0x49: {  	_ =	shalt  }
0x4a: {  	_ =	shalt  }
0x4b: {  	_ =	shalt  }
0x4c: {  	_ =	shalt  }
0x4d: {  	_ =	shalt  }
0x4e: {  	_ =	shalt  }
0x4f: {  	_ =	shalt  }
0x50: {  	_ =	shalt  }
0x51: {  	_ =	shalt  }
0x52: {  	_ =	shalt  }
0x53: {  	_ =	shalt  }
0x54: {  	_ =	shalt  }
0x55: {  	_ =	shalt  }
0x56: {  	_ =	shalt  }
0x57: {  	_ =	shalt  }
0x58: {  	_ =	shalt  }
0x59: {  	_ =	shalt  }
0x5a: {  	_ =	shalt  }
0x5b: {  	_ =	shalt  }
0x5c: {  	_ =	shalt  }
0x5d: {  	_ =	shalt  }
0x5e: {  	_ =	shalt  }
0x5f: {  	_ =	shalt  }
0x60: {  	_ =	shalt  }
0x61: {  	_ =	shalt  }
0x62: {  	_ =	shalt  }
0x63: {  	_ =	shalt  }
0x64: {  	_ =	shalt  }
0x65: {  	_ =	shalt  }
0x66: {  	_ =	shalt  }
0x67: {  	_ =	shalt  }
0x68: {  	_ =	shalt  }
0x69: {  	_ =	shalt  }
0x6a: {  	_ =	shalt  }
0x6b: {  	_ =	shalt  }
0x6c: {  	_ =	shalt  }
0x6d: {  	_ =	shalt  }
0x6e: {  	_ =	shalt  }
0x6f: {  	_ =	shalt  }
0x70: {  	_ =	shalt  }
0x71: {  	_ =	shalt  }
0x72: {  	_ =	shalt  }
0x73: {  	_ =	shalt  }
0x74: {  	_ =	shalt  }
0x75: {  	_ =	shalt  }
0x76: {  	_ =	shalt  }
0x77: {  	_ =	shalt  }
0x78: {  	_ =	shalt  }
0x79: {  	_ =	shalt  }
0x7a: {  	_ =	shalt  }
0x7b: {  	_ =	shalt  }
0x7c: {  	_ =	shalt  }
0x7d: {  	_ =	shalt  }
0x7e: {  	_ =	shalt  }
0x7f: {  	_ =	shalt  }
0x80: {  	_ =	shalt  }
0x81: {  	_ =	shalt  }
0x82: {  	_ =	shalt  }
0x83: {  	_ =	shalt  }
0x84: {  	_ =	shalt  }
0x85: {  	_ =	shalt  }
0x86: {  	_ =	shalt  }
0x87: {  	_ =	shalt  }
.Lfunc_end0:
.L_simem_size_0:
called_computation.2_lowered:
.L_overlay_start_0:
0x88: {  	s2 =	sld [smem:$0x3FD9]  }
0x89: {  	s3 =	sld [smem:$0x3FFE];
	_ =	sdelay $0x1  }
0x8a: {  	s1 =	srdreg.scid  }
0x8b: {  	s0 =	sand.u32 $0x1, s1  }
0x8c: {  	s16 =	sshll.u32 s0, $0xA;
	s2 =	sadd.s32 s3, s2  }
0x8d: {  	s2 =	sadd.s32 s2, s16  }
0x8e: {  	[smem:$0x3FC0] =	sst s2  }
0x8f: {  	_ = 	snop  }
0x90: {  	(tm) =	ssettm $0x1  }
0x91: {  	s17 =	sld [smem:$0x3FFB];
	_ =	sdelay $0x3  }
0x92: {  	_ =	strace s17  }
0x93: {  	s2 =	sld [smem:$0x3FFC];
	_ =	sdelay $0x3  }
0x94: {  	_ =	strace s2  }
0x95: {  	s2 =	sld [smem:$0x3FFD];
	_ =	sdelay $0x3  }
0x96: {  	_ =	strace s2  }
0x97: {  	_ =	strace $0x8FFFFFFF  }
0x98: {  	s18 =	sld [smem:$0x3FDB];
	_ =	sdelay $0x1  }
0x99: {  	s19 =	simm.s32 $_scs_section_size  }
0x9a: {  	s4 =	simm.s32 $_size__tile_overlayer_lowered;
	s5 =	simm.s32 $_tile_overlayer_lowered  }
0x9b: {  	s22 =	simm.s32 $0x1BFF;
	s21 =	sshll.u32 s5, $0x1;
	s2 =	sadd.s32 s19, s18  }
0x9c: {  	s6 =	simm.s32 $0x0;
	s20 =	sshll.u32 s4, $0x1;
	s4 =	sadd.s32 s21, s2  }
0x9d: {  	[timem:s6], [sflag:s22] =	dma.local [hbm:s4], s20  }
0x9e: {  	_ =	swait.ge [sflag:s22], s20  }
0x9f: {  	s3 =	ssub.s32 $0x0, s20;
	[sflag:s22] =	ssyncset.done $0x0  }
0xa0: {  	[sflag:s22] =	ssyncadd.s32 s3;
	_ =	sdelay $0x1  }
0xa1: {  	s23 =	simm.s32 $0x1B8B  }
0xa2: {  	_ =	swait.ge [sflag:s23], $0x1  }
0xa3: {  	[sflag:s23] =	ssyncset.done $0x0  }
0xa4: {  	s25 =	simm.s32 $0x1B8E;
	s24 =	sld [smem:$0x3FFE];
	[sflag:s23] =	ssyncadd.s32 $0xFFFFFFFF  }
0xa5: {  	s26 =	simm.s32 $execute0_lowered;
	[smem:$0x3FD2] =	sst s25  }
0xa6: {  	s4 =	sshll.u32 s26, $0x1;
	_ =	strace $0x8000004C;
	[dreg:$0x1] =	wrdreg $0xFFFFFFFF  }
0xa7: {  	s28 =	simm.s32 $_size_execute0_lowered;
	s2 =	sadd.s32 s2, s4;
	[dreg:$0x0] =	wrdreg $0x0  }
0xa8: {  	s4 =	sshll.u32 s28, $0x1;
	[dreg:$0x2] =	wrdreg s2  }
0xa9: {  	[dreg:$0x3] =	wrdreg s4  }
0xaa: {  	[dreg:$0x4] =	wrdreg $0xC0  }
0xab: {  	_ =	task [dreg:s6], $0x5FFFF  }
0xac: {  	[dreg:$0x1] =	wrdreg $0xFFFFFFFF  }
0xad: {  	[dreg:$0x0] =	wrdreg $0x60  }
0xae: {  	[dreg:$0x2] =	wrdreg s24  }
0xaf: {  	[dreg:$0x3] =	wrdreg $0xB4000  }
0xb0: {  	[dreg:$0x4] =	wrdreg $0x9  }
0xb1: {  	_ =	task.clear_ibuf [dreg:s6], $0x5FFFF;
	_ =	strace $0x9000004C  }
0xb2: {  	s29 =	simm.s32 $0x9;
	_ =	strace $0x8000004E  }
0xb3: {  	_ =	swait.ge [sflag:s29], $0x1  }
0xb4: {  	[sflag:s29] =	ssyncadd.s32 $0xFFFFFFFF  }
0xb5: {  	_ =	strace $0x9000004E  }
0xb6: {  	_ =	sfence  }
0xb7: {  	s30 =	sld [smem:$0x0];
	_ =	sdelay $0x2  }
0xb8: {  	s31 =	sshll.u32 s1, $0xD;
	s1 =	sshrl.u32 s1, $0x2  }
0xb9: {  	s3 =	sand.u32 $0x4000, s31;
	s1 =	sadd.s32 s1, s30  }
0xba: {  	s0 =	sor.u32 s3, s0;
	s1 =	sshll.u32 s1, $0x11  }
0xbb: {  	s0 =	sor.u32 s1, s0  }
0xbc: {  	s0 =	sadd.s32 $0x8F2B, s0  }
0xbd: {  	[sflag:s0] =	ssyncadd.remote.s32 $0x1  }
0xbe: {  	_ =	sfence.sel $0xFFFF  }
0xbf: {  	[dreg:$0x0] =	wrdreg $0xFFFFFFFF;
	(pc) =	sbr.abs _section_cstart, $3  }
0xc0: {  	[dreg:$0x1] =	wrdreg $0xFFFFFFFF  }
0xc1: {  	_ =	task.clear_ibuf [dreg:s6], $0x2FFFF;
	_ =	strace $0x9FFFFFFF  }
0xc2: {  	(tm) =	ssettm $0x7FFFFFFF  }
0xc3: {  	_ =	shalt  }
tec
execute0_lowered:
.L_overlay_start_1:
0x0: {  	(tag) =	ssettag $0x1  }
0x1: {  	s0 =	rddreg [dreg:$0x0]  }
0x2: {  	s2 =	rddreg [dreg:$0x1]  }
0x3: {  	s1 =	srdreg.scid;
	s11 =	stileid.u32;
	s3 =	simm.s32 $0x0  }
0x4: {  	s29 =	simm.s32 $0x400;
	s30 =	simm.s32 $0x200;
	s5 =	smul.u32 $0x2800, s11  }
0x5: {  	s31 =	simm.s32 $0x280;
	s1 =	sand.u32 $0x1, s1;
	s9 =	smul.u32 $0x50000, s11  }
0x6: {  	[smem:$0x7FF] =	sst s3;
	s4 =	sadd.s32 $0x83200, s0;
	s28 =	sadd.s32 $0x15A00, s0  }
0x7: {  	s8 =	sadd.s32 $0x79400, s0;
	s6 =	smul.u32 $0x28000, s1;
	s9 =	sshrl.u32 s9, $0x2  }
0x8: {  	_ =	strace $0x8000004D;
	s7 =	smul.u32 $0x4E600, s1;
	s24 =	sadd.s32 s9, s2  }
0x9: {  	s1 =	ssub.s32 $0x2, s1;
	s15 =	sadd.s32 $0x2C00, s24;
	[dreg:$0x7] =	wrdreg s24  }
0xa: {  	s14 =	sshrl.u32 s1, $0x1;
	s16 =	sadd.s32 $0x5800, s24;
	[dreg:$0x8] =	wrdreg s15  }
0xb: {  	s5 =	sadd.s32 s5, s6;
	s17 =	sadd.s32 $0x8400, s24;
	[dreg:$0x9] =	wrdreg s16  }
0xc: {  	s6 =	smul.u32 $0x4E60, s11;
	s18 =	sadd.s32 $0xB000, s24;
	[dreg:$0xa] =	wrdreg s17  }
0xd: {  	s1 =	ssub.s32 s1, s14;
	s19 =	sadd.s32 $0xDC00, s24;
	[dreg:$0xb] =	wrdreg s18  }
0xe: {  	s0 =	sadd.s32 s5, s0;
	s9 =	sadd.s32 $0x10800, s24;
	[dreg:$0xc] =	wrdreg s19  }
0xf: {  	s21 =	sadd.s32 $0x13400, s24;
	s5 =	sadd.s32 s6, s7;
	[dreg:$0xd] =	wrdreg s9  }
0x10: {  	[dreg:$0xe] =	wrdreg s21;
	s22 =	sshrl.u32 s6, $0x3;
	s10 =	sadd.s32 $0x58, s6  }
0x11: {  	s6 =	sadd.s32 $0x108, s6;
	s16 =	smul.u32 $0x9CC, s11;
	s0 =	sadd.s32 $0xD3200, s0  }
0x12: {  	s9 =	simm.s32 $0x58;
	s11 =	simm.s32 $0x180;
	s20 =	sshrl.u32 s5, $0x3  }
0x13: {  	s23 =	sadd.s32 $0x58, s5;
	s13 =	sadd.s32 s8, s22;
	s26 =	sshrl.u32 s10, $0x3  }
0x14: {  	s14 =	sadd.s32 $0x268, s5;
	s6 =	sshrl.u32 s6, $0x3;
	s17 =	sadd.s32 $0x210, s5  }
0x15: {  	s19 =	sadd.s32 $0x108, s5;
	[dreg:$0x17] =	wrdreg s0;
	s0 =	simm.s32 $0x80  }
0x16: {  	s12 =	sadd.s32 s28, s20;
	s25 =	sshrl.u32 s23, $0x3;
	s10 =	sadd.s32 s8, s26  }
0x17: {  	s6 =	sadd.s32 s8, s6;
	s18 =	sadd.s32 s16, s8;
	[dreg:$0x10] =	wrdreg s13  }
0x18: {  	s20 =	sadd.s32 $0x1B8, s5;
	s8 =	sshrl.u32 s19, $0x3;
	[dreg:$0x12] =	wrdreg s10  }
0x19: {  	s22 =	sadd.s32 $0x16, s13;
	s26 =	sadd.s32 $0x160, s5;
	[dreg:$0xf] =	wrdreg s12  }
0x1a: {  	s16 =	simm.s32 $0x8;
	s19 =	simm.s32 $0x9;
	[dreg:$0x14] =	wrdreg s6  }
0x1b: {  	s7 =	sadd.s32 s28, s25;
	s15 =	sadd.s32 $0x16, s12;
	[dreg:$0x4] =	wrdreg s18  }
0x1c: {  	s6 =	sshrl.u32 s17, $0x3;
	s21 =	sshrl.u32 s20, $0x3;
	[dreg:$0x15] =	wrdreg s22  }
0x1d: {  	s23 =	sadd.s32 s28, s8;
	s25 =	smax.u32 s1, $0x1;
	[dreg:$0x19] =	wrdreg s26  }
0x1e: {  	s26 =	simm.s32 $0xD;
	s8 =	simm.s32 $0x5;
	s10 =	simm.s32 $0x6  }
0x1f: {  	s12 =	simm.s32 $0x7;
	s18 =	simm.s32 $0x1;
	[dreg:$0x11] =	wrdreg s7  }
0x20: {  	s20 =	simm.s32 $0x3;
	s22 =	simm.s32 $0x4;
	[dreg:$0x13] =	wrdreg s15  }
0x21: {  	s1 =	simm.s32 $0x0;
	s17 =	simm.s32 $0x3000;
	[dreg:$0x16] =	wrdreg s23  }
0x22: {  	s7 =	sshrl.u32 s14, $0x3;
	s6 =	sadd.s32 s6, s28;
	[dreg:$0x18] =	wrdreg s25  }
0x23: {  	s14 =	simm.s32 $0x2;
	s7 =	sadd.s32 s7, s28;
	[dreg:$0x5] =	wrdreg s6  }
0x24: {  	s15 =	simm.s32 $0xA;
	s6 =	sadd.s32 s21, s28;
	[dreg:$0x3] =	wrdreg s7  }
0x25: {  	v0 =	vimm.f32 $0.0e+00;
	s23 =	simm.s32 $0xC;
	s21 =	simm.s32 $0xB;
	[dreg:$0x6] =	wrdreg s6  }
.LBB2_1:
0x26: {  	[dreg:$0x1a] =	wrdreg s1;
	s5 =	simm.s32 $0x0;
	s6 =	simm.s32 $0x200  }
.LBB2_2:
0x27: {  	p0 =	sne.s32 s6, $0xAE00;
	[tilespmem:s5+$0x470] =	vst v0  }
0x28: {  	[tilespmem:s5+$0x400] =	vst v0  }
0x29: {  	[tilespmem:s5+$0x410] =	vst v0  }
.Ltmp0:
0x2a: {  	[tilespmem:s5+$0x420] =	vst v0;
	(pc) =	sbr.rel @p0 .LBB2_2-.Ltmp0, $4  }
0x2b: {  	[tilespmem:s5+$0x430] =	vst v0  }
0x2c: {  	[tilespmem:s5+$0x440] =	vst v0  }
0x2d: {  	[tilespmem:s5+$0x450] =	vst v0  }
0x2e: {  	[tilespmem:s5+$0x460] =	vst v0;
	s5 =	sshra.s32 s6, $0x2;
	s6 =	sadd.s32 $0x200, s6  }
0x2f: {  	[tilespmem:s5+$0x470] =	vst v0  }
0x30: {  	[tilespmem:s5+$0x400] =	vst v0  }
0x31: {  	[tilespmem:s5+$0x410] =	vst v0  }
0x32: {  	[tilespmem:s5+$0x420] =	vst v0  }
0x33: {  	[tilespmem:s5+$0x430] =	vst v0  }
0x34: {  	[tilespmem:s5+$0x440] =	vst v0  }
0x35: {  	[tilespmem:s5+$0x450] =	vst v0  }
0x36: {  	[tilespmem:s5+$0x460] =	vst v0  }
0x37: {  	[spmem:s24] =	stream.linear.scatter [tilespmem:s29], [sflag:$0xD], $0x2C00, $0x38;
	[tilespmem:$0x1F400] =	vst v63  }
0x38: {  	_ =	swait.ge [sflag:s26], $0x2C00  }
0x39: {  	[sflag:s26] =	ssyncset.done $0x0  }
0x3a: {  	s13 =	rddreg [dreg:$0x8];
	[sflag:s26] =	ssyncadd.s32 $0xFFFFD400  }
0x3b: {  	[spmem:s13] =	stream.linear.scatter [tilespmem:s29], [sflag:$0xD], $0x2C00, $0x38;
	[tilespmem:$0x1F400] =	vst v63  }
0x3c: {  	_ =	swait.ge [sflag:s26], $0x2C00  }
0x3d: {  	[sflag:s26] =	ssyncset.done $0x0  }
0x3e: {  	s24 =	rddreg [dreg:$0x9];
	[sflag:s26] =	ssyncadd.s32 $0xFFFFD400  }
0x3f: {  	[spmem:s24] =	stream.linear.scatter [tilespmem:s29], [sflag:$0xD], $0x2C00, $0x38;
	[tilespmem:$0x1F400] =	vst v63  }
0x40: {  	_ =	swait.ge [sflag:s26], $0x2C00  }
0x41: {  	[sflag:s26] =	ssyncset.done $0x0  }
0x42: {  	s25 =	rddreg [dreg:$0xa];
	[sflag:s26] =	ssyncadd.s32 $0xFFFFD400  }
0x43: {  	[spmem:s25] =	stream.linear.scatter [tilespmem:s29], [sflag:$0xD], $0x2C00, $0x38;
	[tilespmem:$0x1F400] =	vst v63  }
0x44: {  	_ =	swait.ge [sflag:s26], $0x2C00  }
0x45: {  	[sflag:s26] =	ssyncset.done $0x0  }
0x46: {  	s1 =	rddreg [dreg:$0xb];
	[sflag:s26] =	ssyncadd.s32 $0xFFFFD400  }
0x47: {  	[spmem:s1] =	stream.linear.scatter [tilespmem:s29], [sflag:$0xD], $0x2C00, $0x38;
	[tilespmem:$0x1F400] =	vst v63  }
0x48: {  	_ =	swait.ge [sflag:s26], $0x2C00  }
0x49: {  	[sflag:s26] =	ssyncset.done $0x0  }
0x4a: {  	s6 =	rddreg [dreg:$0xc];
	[sflag:s26] =	ssyncadd.s32 $0xFFFFD400  }
0x4b: {  	[spmem:s6] =	stream.linear.scatter [tilespmem:s29], [sflag:$0xD], $0x2C00, $0x38;
	[tilespmem:$0x1F400] =	vst v63  }
0x4c: {  	_ =	swait.ge [sflag:s26], $0x2C00  }
0x4d: {  	[sflag:s26] =	ssyncset.done $0x0  }
0x4e: {  	s7 =	rddreg [dreg:$0xd];
	[sflag:s26] =	ssyncadd.s32 $0xFFFFD400  }
0x4f: {  	[spmem:s7] =	stream.linear.scatter [tilespmem:s29], [sflag:$0xD], $0x2C00, $0x38;
	[tilespmem:$0x1F400] =	vst v63  }
0x50: {  	_ =	swait.ge [sflag:s26], $0x2C00  }
0x51: {  	[sflag:s26] =	ssyncset.done $0x0  }
0x52: {  	s13 =	rddreg [dreg:$0xe];
	[sflag:s26] =	ssyncadd.s32 $0xFFFFD400  }
0x53: {  	[spmem:s13] =	stream.linear.scatter [tilespmem:s29], [sflag:$0xD], $0xC00, $0x38;
	[tilespmem:$0x1F400] =	vst v63  }
0x54: {  	_ =	swait.ge [sflag:s26], $0xC00  }
0x55: {  	[sflag:s26] =	ssyncset.done $0x0  }
0x56: {  	[sflag:s26] =	ssyncadd.s32 $0xFFFFF400  }
0x57: {  	[bflag:$0x0] =	sbarrier.arrive $0xFFFF  }
0x58: {  	s5 =	simm.s32 $0x0;
	s6 =	rddreg [dreg:$0xf]  }
0x59: {  	[tilespmem:s5], [sflag:$0x5] =	stream.linear.gather [hbm4b:s6+s5], $0x58, $0x38;
	[tilespmem:$0x1F400] =	vst v63  }
0x5a: {  	s24 =	rddreg [dreg:$0x10]  }
0x5b: {  	[tilespmem:s30], [sflag:$0x9] =	stream.linear.gather [hbm4b:s24+s5], $0x58, $0x38;
	[tilespmem:$0x1F400] =	vst v63  }
0x5c: {  	s25 =	rddreg [dreg:$0x11]  }
0x5d: {  	[tilespmem:s0], [sflag:$0x6] =	stream.linear.gather [hbm4b:s25+s5], $0x58, $0x38;
	[tilespmem:$0x1F400] =	vst v63  }
0x5e: {  	s1 =	rddreg [dreg:$0x12]  }
0x5f: {  	[tilespmem:s31], [sflag:$0xA] =	stream.linear.gather [hbm4b:s1+s5], $0x58, $0x38;
	[tilespmem:$0x1F400] =	vst v63  }
0x60: {  	s7 =	rddreg [dreg:$0x13];
	s1 =	simm.s32 $0x100  }
0x61: {  	[tilespmem:s1], [sflag:$0x7] =	stream.linear.gather [hbm4b:s7+s5], $0x58, $0x38;
	[tilespmem:$0x1F400] =	vst v63  }
0x62: {  	s13 =	rddreg [dreg:$0x15];
	s7 =	simm.s32 $0x300  }
0x63: {  	[tilespmem:s7], [sflag:$0xB] =	stream.linear.gather [hbm4b:s13+s5], $0x58, $0x38;
	[tilespmem:$0x1F400] =	vst v63  }
0x64: {  	s24 =	rddreg [dreg:$0x16]  }
0x65: {  	[tilespmem:s11], [sflag:$0x8] =	stream.linear.gather [hbm4b:s24+s5], $0x58, $0x38;
	[tilespmem:$0x1F400] =	vst v63  }
0x66: {  	s25 =	rddreg [dreg:$0x14];
	s13 =	simm.s32 $0x380  }
0x67: {  	[tilespmem:s13], [sflag:$0xC] =	stream.linear.gather [hbm4b:s25+s5], $0x58, $0x38;
	[tilespmem:$0x1F400] =	vst v63  }
0x68: {  	_ =	swait.ge [sflag:s8], $0x58  }
0x69: {  	[sflag:s8] =	ssyncset.done $0x0  }
0x6a: {  	[sflag:s8] =	ssyncadd.s32 $0xFFFFFFA8  }
0x6b: {  	[tilespmem:s29], [sflag:$0x1] =	stream.indirect.gather [hbm4b:s4+s9], $0x80, s5, s9, $0xb8;
	[tilespmem:$0x1F400] =	vst v63  }
0x6c: {  	_ =	swait.ge [sflag:s10], $0x58  }
0x6d: {  	[sflag:s10] =	ssyncset.done $0x0  }
0x6e: {  	[sflag:s10] =	ssyncadd.s32 $0xFFFFFFA8  }
0x6f: {  	[tilespmem:s17], [sflag:$0x2] =	stream.indirect.gather [hbm4b:s4+s9], $0x80, s0, s9, $0xb8;
	[tilespmem:$0x1F400] =	vst v63  }
0x70: {  	_ =	swait.ge [sflag:s12], $0x58  }
0x71: {  	[sflag:s12] =	ssyncset.done $0x0  }
0x72: {  	s13 =	simm.s32 $0x5C00;
	[sflag:s12] =	ssyncadd.s32 $0xFFFFFFA8  }
0x73: {  	[tilespmem:s13], [sflag:$0x3] =	stream.indirect.gather [hbm4b:s4+s9], $0x80, s1, s9, $0xb8;
	[tilespmem:$0x1F400] =	vst v63  }
0x74: {  	_ =	swait.ge [sflag:s16], $0x58  }
0x75: {  	[sflag:s16] =	ssyncset.done $0x0  }
0x76: {  	s25 =	simm.s32 $0x8800;
	[sflag:s16] =	ssyncadd.s32 $0xFFFFFFA8  }
0x77: {  	[tilespmem:s25], [sflag:$0x4] =	stream.indirect.gather [hbm4b:s4+s9], $0x80, s11, s9, $0xb8;
	[tilespmem:$0x1F400] =	vst v63  }
0x78: {  	_ =	swait.ge [sflag:s18], $0x2C00  }
0x79: {  	s24 =	rddreg [dreg:$0x19]  }
0x7a: {  	[sflag:s18] =	ssyncset.done $0x0;
	s6 =	sshrl.u32 s24, $0x3  }
0x7b: {  	[sflag:s18] =	ssyncadd.s32 $0xFFFFD400;
	s5 =	sadd.s32 s28, s6  }
0x7c: {  	[tilespmem:s3], [sflag:$0x5] =	stream.linear.gather [hbm4b:s5+s3], $0x58, $0x38;
	[tilespmem:$0x1F400] =	vst v63  }
0x7d: {  	_ =	swait.ge [sflag:s19], $0x58  }
0x7e: {  	[sflag:s19] =	ssyncset.done $0x0  }
0x7f: {  	[sflag:s19] =	ssyncadd.s32 $0xFFFFFFA8  }
0x80: {  	[spmem:s2] =	stream.indirect.scatter.add.f32 [tilespmem:s29], [sflag:$0xD], $0x80, s30, s9, $0xb8;
	[tilespmem:$0x1F400] =	vst v63  }
0x81: {  	_ =	swait.ge [sflag:s26], $0x2C00  }
0x82: {  	s6 =	rddreg [dreg:$0x4]  }
0x83: {  	[sflag:s26] =	ssyncset.done $0x0;
	s5 =	sadd.s32 $0x0, s6  }
0x84: {  	[sflag:s26] =	ssyncadd.s32 $0xFFFFD400;
	s6 =	sadd.s32 $0x2C, s5  }
0x85: {  	[tilespmem:s30], [sflag:$0x9] =	stream.linear.gather [hbm4b:s6+s3], $0x58, $0x38;
	[tilespmem:$0x1F400] =	vst v63  }
0x86: {  	_ =	swait.ge [sflag:s8], $0x58  }
0x87: {  	[sflag:s8] =	ssyncset.done $0x0  }
0x88: {  	[sflag:s8] =	ssyncadd.s32 $0xFFFFFFA8  }
0x89: {  	[tilespmem:s29], [sflag:$0x1] =	stream.indirect.gather [hbm4b:s4+s9], $0x80, s3, s9, $0xb8;
	[tilespmem:$0x1F400] =	vst v63  }
0x8a: {  	_ =	swait.ge [sflag:s14], $0x2C00  }
0x8b: {  	s6 =	rddreg [dreg:$0x6];
	[sflag:s14] =	ssyncset.done $0x0  }
0x8c: {  	[sflag:s14] =	ssyncadd.s32 $0xFFFFD400;
	s6 =	sadd.s32 $0x0, s6  }
0x8d: {  	[tilespmem:s0], [sflag:$0x6] =	stream.linear.gather [hbm4b:s6+s3], $0x58, $0x38;
	[tilespmem:$0x1F400] =	vst v63  }
0x8e: {  	_ =	swait.ge [sflag:s15], $0x58  }
0x8f: {  	[sflag:s15] =	ssyncset.done $0x0  }
0x90: {  	[sflag:s15] =	ssyncadd.s32 $0xFFFFFFA8  }
0x91: {  	[spmem:s2] =	stream.indirect.scatter.add.f32 [tilespmem:s17], [sflag:$0xD], $0x80, s31, s9, $0xb8;
	[tilespmem:$0x1F400] =	vst v63  }
0x92: {  	_ =	swait.ge [sflag:s26], $0x2C00  }
0x93: {  	[sflag:s26] =	ssyncset.done $0x0  }
0x94: {  	s6 =	sadd.s32 $0x37, s5;
	[sflag:s26] =	ssyncadd.s32 $0xFFFFD400  }
0x95: {  	[tilespmem:s31], [sflag:$0xA] =	stream.linear.gather [hbm4b:s6+s3], $0x58, $0x38;
	[tilespmem:$0x1F400] =	vst v63  }
0x96: {  	_ =	swait.ge [sflag:s10], $0x58  }
0x97: {  	[sflag:s10] =	ssyncset.done $0x0  }
0x98: {  	[sflag:s10] =	ssyncadd.s32 $0xFFFFFFA8  }
0x99: {  	[tilespmem:s17], [sflag:$0x2] =	stream.indirect.gather [hbm4b:s4+s9], $0x80, s0, s9, $0xb8;
	[tilespmem:$0x1F400] =	vst v63  }
0x9a: {  	_ =	swait.ge [sflag:s20], $0x2C00  }
0x9b: {  	s31 =	rddreg [dreg:$0x5];
	[sflag:s20] =	ssyncset.done $0x0  }
0x9c: {  	[sflag:s20] =	ssyncadd.s32 $0xFFFFD400;
	s6 =	sadd.s32 $0x0, s31  }
0x9d: {  	[tilespmem:s1], [sflag:$0x7] =	stream.linear.gather [hbm4b:s6+s3], $0x58, $0x38;
	[tilespmem:$0x1F400] =	vst v63  }
0x9e: {  	_ =	swait.ge [sflag:s21], $0x58  }
0x9f: {  	[sflag:s21] =	ssyncset.done $0x0  }
0xa0: {  	[sflag:s21] =	ssyncadd.s32 $0xFFFFFFA8  }
0xa1: {  	[spmem:s2] =	stream.indirect.scatter.add.f32 [tilespmem:s13], [sflag:$0xD], $0x80, s7, s9, $0xb8;
	[tilespmem:$0x1F400] =	vst v63  }
0xa2: {  	_ =	swait.ge [sflag:s26], $0x2C00  }
0xa3: {  	[sflag:s26] =	ssyncset.done $0x0  }
0xa4: {  	s0 =	sadd.s32 $0x42, s5;
	[sflag:s26] =	ssyncadd.s32 $0xFFFFD400  }
0xa5: {  	[tilespmem:s7], [sflag:$0xB] =	stream.linear.gather [hbm4b:s0+s3], $0x58, $0x38;
	[tilespmem:$0x1F400] =	vst v63  }
0xa6: {  	_ =	swait.ge [sflag:s12], $0x58  }
0xa7: {  	[sflag:s12] =	ssyncset.done $0x0  }
0xa8: {  	[sflag:s12] =	ssyncadd.s32 $0xFFFFFFA8  }
0xa9: {  	[tilespmem:s13], [sflag:$0x3] =	stream.indirect.gather [hbm4b:s4+s9], $0x80, s1, s9, $0xb8;
	[tilespmem:$0x1F400] =	vst v63  }
0xaa: {  	_ =	swait.ge [sflag:s22], $0x2C00  }
0xab: {  	s13 =	rddreg [dreg:$0x3];
	[sflag:s22] =	ssyncset.done $0x0  }
0xac: {  	[sflag:s22] =	ssyncadd.s32 $0xFFFFD400;
	s6 =	sadd.s32 $0x0, s13  }
0xad: {  	[tilespmem:s11], [sflag:$0x8] =	stream.linear.gather [hbm4b:s6+s3], $0x58, $0x38;
	[tilespmem:$0x1F400] =	vst v63  }
0xae: {  	_ =	swait.ge [sflag:s23], $0x58  }
0xaf: {  	[sflag:s23] =	ssyncset.done $0x0  }
0xb0: {  	s31 =	simm.s32 $0x380;
	[sflag:s23] =	ssyncadd.s32 $0xFFFFFFA8  }
0xb1: {  	[spmem:s2] =	stream.indirect.scatter.add.f32 [tilespmem:s25], [sflag:$0xD], $0x80, s31, s9, $0xb8;
	[tilespmem:$0x1F400] =	vst v63  }
0xb2: {  	_ =	swait.ge [sflag:s26], $0x2C00  }
0xb3: {  	[sflag:s26] =	ssyncset.done $0x0  }
0xb4: {  	s5 =	sadd.s32 $0x4D, s5;
	[sflag:s26] =	ssyncadd.s32 $0xFFFFD400  }
0xb5: {  	[tilespmem:s31], [sflag:$0xC] =	stream.linear.gather [hbm4b:s5+s3], $0x58, $0x38;
	[tilespmem:$0x1F400] =	vst v63  }
0xb6: {  	_ =	swait.ge [sflag:s16], $0x58  }
0xb7: {  	[sflag:s16] =	ssyncset.done $0x0  }
0xb8: {  	[sflag:s16] =	ssyncadd.s32 $0xFFFFFFA8  }
0xb9: {  	[tilespmem:s25], [sflag:$0x4] =	stream.indirect.gather [hbm4b:s4+s9], $0x80, s11, s9, $0xb8;
	[tilespmem:$0x1F400] =	vst v63  }
0xba: {  	s24 =	sadd.s32 $0x160, s24;
	s6 =	simm.s32 $0x2C;
	_ =	swait.ge [sflag:s18], $0x2C00  }
0xbb: {  	s5 =	simm.s32 $0x58;
	s25 =	sshrl.u32 s24, $0x3;
	[sflag:s18] =	ssyncset.done $0x0  }
.LBB2_4:
0xbc: {  	s25 =	sadd.s32 s28, s25;
	[sflag:s18] =	ssyncadd.s32 $0xFFFFD400  }
0xbd: {  	[tilespmem:s3], [sflag:$0x5] =	stream.linear.gather [hbm4b:s25+s3], $0x58, $0x38;
	[tilespmem:$0x1F400] =	vst v63  }
0xbe: {  	_ =	swait.ge [sflag:s19], $0x58  }
0xbf: {  	[sflag:s19] =	ssyncset.done $0x0  }
0xc0: {  	[sflag:s19] =	ssyncadd.s32 $0xFFFFFFA8  }
0xc1: {  	[spmem:s2] =	stream.indirect.scatter.add.f32 [tilespmem:s29], [sflag:$0xD], $0x80, s30, s9, $0xb8;
	[tilespmem:$0x1F400] =	vst v63  }
0xc2: {  	_ =	swait.ge [sflag:s26], $0x2C00  }
0xc3: {  	s30 =	smov.u32 s28;
	s28 =	rddreg [dreg:$0x4]  }
0xc4: {  	[sflag:s26] =	ssyncset.done $0x0;
	s28 =	sadd.s32 s6, s28  }
0xc5: {  	s0 =	simm.s32 $0x200;
	[sflag:s26] =	ssyncadd.s32 $0xFFFFD400;
	s29 =	sadd.s32 $0x2C, s28  }
0xc6: {  	[tilespmem:s0], [sflag:$0x9] =	stream.linear.gather [hbm4b:s29+s3], $0x58, $0x38;
	[tilespmem:$0x1F400] =	vst v63  }
0xc7: {  	_ =	swait.ge [sflag:s8], $0x58  }
0xc8: {  	[sflag:s8] =	ssyncset.done $0x0  }
0xc9: {  	s31 =	simm.s32 $0x400;
	[sflag:s8] =	ssyncadd.s32 $0xFFFFFFA8  }
0xca: {  	[tilespmem:s31], [sflag:$0x1] =	stream.indirect.gather [hbm4b:s4+s9], $0x80, s3, s9, $0xb8;
	[tilespmem:$0x1F400] =	vst v63  }
0xcb: {  	_ =	swait.ge [sflag:s14], $0x2C00  }
0xcc: {  	s29 =	rddreg [dreg:$0x6];
	[sflag:s14] =	ssyncset.done $0x0  }
0xcd: {  	s0 =	simm.s32 $0x80;
	[sflag:s14] =	ssyncadd.s32 $0xFFFFD400;
	s29 =	sadd.s32 s6, s29  }
0xce: {  	[tilespmem:s0], [sflag:$0x6] =	stream.linear.gather [hbm4b:s29+s3], $0x58, $0x38;
	[tilespmem:$0x1F400] =	vst v63  }
0xcf: {  	_ =	swait.ge [sflag:s15], $0x58  }
0xd0: {  	[sflag:s15] =	ssyncset.done $0x0  }
0xd1: {  	s31 =	simm.s32 $0x280;
	[sflag:s15] =	ssyncadd.s32 $0xFFFFFFA8  }
0xd2: {  	[spmem:s2] =	stream.indirect.scatter.add.f32 [tilespmem:s17], [sflag:$0xD], $0x80, s31, s9, $0xb8;
	[tilespmem:$0x1F400] =	vst v63  }
0xd3: {  	_ =	swait.ge [sflag:s26], $0x2C00  }
0xd4: {  	[sflag:s26] =	ssyncset.done $0x0  }
0xd5: {  	s29 =	sadd.s32 $0x37, s28;
	[sflag:s26] =	ssyncadd.s32 $0xFFFFD400  }
0xd6: {  	[tilespmem:s31], [sflag:$0xA] =	stream.linear.gather [hbm4b:s29+s3], $0x58, $0x38;
	[tilespmem:$0x1F400] =	vst v63  }
0xd7: {  	_ =	swait.ge [sflag:s10], $0x58  }
0xd8: {  	[sflag:s10] =	ssyncset.done $0x0  }
0xd9: {  	[sflag:s10] =	ssyncadd.s32 $0xFFFFFFA8  }
0xda: {  	[tilespmem:s17], [sflag:$0x2] =	stream.indirect.gather [hbm4b:s4+s9], $0x80, s0, s9, $0xb8;
	[tilespmem:$0x1F400] =	vst v63  }
0xdb: {  	_ =	swait.ge [sflag:s20], $0x2C00  }
0xdc: {  	s29 =	rddreg [dreg:$0x5];
	[sflag:s20] =	ssyncset.done $0x0  }
0xdd: {  	[sflag:s20] =	ssyncadd.s32 $0xFFFFD400;
	s29 =	sadd.s32 s6, s29  }
0xde: {  	[tilespmem:s1], [sflag:$0x7] =	stream.linear.gather [hbm4b:s29+s3], $0x58, $0x38;
	[tilespmem:$0x1F400] =	vst v63  }
0xdf: {  	_ =	swait.ge [sflag:s21], $0x58  }
0xe0: {  	[sflag:s21] =	ssyncset.done $0x0  }
0xe1: {  	s7 =	simm.s32 $0x300;
	s13 =	simm.s32 $0x5C00;
	[sflag:s21] =	ssyncadd.s32 $0xFFFFFFA8  }
0xe2: {  	[spmem:s2] =	stream.indirect.scatter.add.f32 [tilespmem:s13], [sflag:$0xD], $0x80, s7, s9, $0xb8;
	[tilespmem:$0x1F400] =	vst v63  }
0xe3: {  	_ =	swait.ge [sflag:s26], $0x2C00  }
0xe4: {  	[sflag:s26] =	ssyncset.done $0x0  }
0xe5: {  	s29 =	sadd.s32 $0x42, s28;
	[sflag:s26] =	ssyncadd.s32 $0xFFFFD400  }
0xe6: {  	[tilespmem:s7], [sflag:$0xB] =	stream.linear.gather [hbm4b:s29+s3], $0x58, $0x38;
	[tilespmem:$0x1F400] =	vst v63  }
0xe7: {  	_ =	swait.ge [sflag:s12], $0x58  }
0xe8: {  	[sflag:s12] =	ssyncset.done $0x0  }
0xe9: {  	[sflag:s12] =	ssyncadd.s32 $0xFFFFFFA8  }
0xea: {  	[tilespmem:s13], [sflag:$0x3] =	stream.indirect.gather [hbm4b:s4+s9], $0x80, s1, s9, $0xb8;
	[tilespmem:$0x1F400] =	vst v63  }
0xeb: {  	_ =	swait.ge [sflag:s22], $0x2C00  }
0xec: {  	s29 =	rddreg [dreg:$0x3];
	[sflag:s22] =	ssyncset.done $0x0  }
0xed: {  	[sflag:s22] =	ssyncadd.s32 $0xFFFFD400;
	s29 =	sadd.s32 s6, s29  }
0xee: {  	[tilespmem:s11], [sflag:$0x8] =	stream.linear.gather [hbm4b:s29+s3], $0x58, $0x38;
	[tilespmem:$0x1F400] =	vst v63  }
0xef: {  	_ =	swait.ge [sflag:s23], $0x58  }
0xf0: {  	[sflag:s23] =	ssyncset.done $0x0  }
0xf1: {  	s7 =	simm.s32 $0x380;
	s13 =	simm.s32 $0x8800;
	[sflag:s23] =	ssyncadd.s32 $0xFFFFFFA8  }
0xf2: {  	[spmem:s2] =	stream.indirect.scatter.add.f32 [tilespmem:s13], [sflag:$0xD], $0x80, s7, s9, $0xb8;
	[tilespmem:$0x1F400] =	vst v63  }
0xf3: {  	_ =	swait.ge [sflag:s26], $0x2C00  }
0xf4: {  	s25 =	smov.u32 s5;
	[sflag:s26] =	ssyncset.done $0x0  }
0xf5: {  	s6 =	smov.u32 s25;
	s25 =	sadd.s32 $0x4D, s28;
	[sflag:s26] =	ssyncadd.s32 $0xFFFFD400  }
0xf6: {  	[tilespmem:s7], [sflag:$0xC] =	stream.linear.gather [hbm4b:s25+s3], $0x58, $0x38;
	[tilespmem:$0x1F400] =	vst v63  }
0xf7: {  	p0 =	sne.s32 s5, $0x974;
	_ =	swait.ge [sflag:s16], $0x58  }
.Ltmp1:
0xf8: {  	[sflag:s16] =	ssyncset.done $0x0;
	(pc) =	sbr.rel @p0 .LBB2_4-.Ltmp1, $4  }
0xf9: {  	s24 =	sadd.s32 $0x160, s24;
	s5 =	sadd.s32 $0x2C, s5;
	[sflag:s16] =	ssyncadd.s32 $0xFFFFFFA8  }
0xfa: {  	[tilespmem:s13], [sflag:$0x4] =	stream.indirect.gather [hbm4b:s4+s9], $0x80, s11, s9, $0xb8;
	[tilespmem:$0x1F400] =	vst v63  }
0xfb: {  	s28 =	smov.u32 s30;
	s30 =	simm.s32 $0x200;
	_ =	swait.ge [sflag:s18], $0x2C00  }
0xfc: {  	s29 =	simm.s32 $0x400;
	s25 =	sshrl.u32 s24, $0x3;
	[sflag:s18] =	ssyncset.done $0x0  }
0xfd: {  	s5 =	sadd.s32 s28, s25;
	[sflag:s18] =	ssyncadd.s32 $0xFFFFD400  }
0xfe: {  	[tilespmem:s3], [sflag:$0x5] =	stream.linear.gather [hbm4b:s5+s3], $0x58, $0x38;
	[tilespmem:$0x1F400] =	vst v63  }
0xff: {  	_ =	swait.ge [sflag:s19], $0x58  }
0x100: {  	[sflag:s19] =	ssyncset.done $0x0  }
0x101: {  	[sflag:s19] =	ssyncadd.s32 $0xFFFFFFA8  }
0x102: {  	[spmem:s2] =	stream.indirect.scatter.add.f32 [tilespmem:s29], [sflag:$0xD], $0x80, s30, s9, $0xb8;
	[tilespmem:$0x1F400] =	vst v63  }
0x103: {  	_ =	swait.ge [sflag:s26], $0x2C00  }
0x104: {  	s24 =	rddreg [dreg:$0x4]  }
0x105: {  	[sflag:s26] =	ssyncset.done $0x0;
	s5 =	sadd.s32 s6, s24  }
0x106: {  	[sflag:s26] =	ssyncadd.s32 $0xFFFFD400;
	s24 =	sadd.s32 $0x2C, s5  }
0x107: {  	[tilespmem:s30], [sflag:$0x9] =	stream.linear.gather [hbm4b:s24+s3], $0x58, $0x38;
	[tilespmem:$0x1F400] =	vst v63  }
0x108: {  	_ =	swait.ge [sflag:s8], $0x58  }
0x109: {  	[sflag:s8] =	ssyncset.done $0x0  }
0x10a: {  	[sflag:s8] =	ssyncadd.s32 $0xFFFFFFA8  }
0x10b: {  	[tilespmem:s29], [sflag:$0x1] =	stream.indirect.gather [hbm4b:s4+s9], $0x80, s3, s9, $0xb8;
	[tilespmem:$0x1F400] =	vst v63  }
0x10c: {  	_ =	swait.ge [sflag:s14], $0x2C00  }
0x10d: {  	s25 =	rddreg [dreg:$0x6];
	[sflag:s14] =	ssyncset.done $0x0  }
0x10e: {  	[sflag:s14] =	ssyncadd.s32 $0xFFFFD400;
	s24 =	sadd.s32 s6, s25  }
0x10f: {  	[tilespmem:s0], [sflag:$0x6] =	stream.linear.gather [hbm4b:s24+s3], $0x58, $0x38;
	[tilespmem:$0x1F400] =	vst v63  }
0x110: {  	_ =	swait.ge [sflag:s15], $0x58  }
0x111: {  	[sflag:s15] =	ssyncset.done $0x0  }
0x112: {  	[sflag:s15] =	ssyncadd.s32 $0xFFFFFFA8  }
0x113: {  	[spmem:s2] =	stream.indirect.scatter.add.f32 [tilespmem:s17], [sflag:$0xD], $0x80, s31, s9, $0xb8;
	[tilespmem:$0x1F400] =	vst v63  }
0x114: {  	_ =	swait.ge [sflag:s26], $0x2C00  }
0x115: {  	[sflag:s26] =	ssyncset.done $0x0  }
0x116: {  	s7 =	sadd.s32 $0x37, s5;
	[sflag:s26] =	ssyncadd.s32 $0xFFFFD400  }
0x117: {  	[tilespmem:s31], [sflag:$0xA] =	stream.linear.gather [hbm4b:s7+s3], $0x58, $0x38;
	[tilespmem:$0x1F400] =	vst v63  }
0x118: {  	_ =	swait.ge [sflag:s10], $0x58  }
0x119: {  	[sflag:s10] =	ssyncset.done $0x0  }
0x11a: {  	[sflag:s10] =	ssyncadd.s32 $0xFFFFFFA8  }
0x11b: {  	[tilespmem:s17], [sflag:$0x2] =	stream.indirect.gather [hbm4b:s4+s9], $0x80, s0, s9, $0xb8;
	[tilespmem:$0x1F400] =	vst v63  }
0x11c: {  	_ =	swait.ge [sflag:s20], $0x2C00  }
0x11d: {  	s13 =	rddreg [dreg:$0x5];
	[sflag:s20] =	ssyncset.done $0x0  }
0x11e: {  	[sflag:s20] =	ssyncadd.s32 $0xFFFFD400;
	s24 =	sadd.s32 s6, s13  }
0x11f: {  	[tilespmem:s1], [sflag:$0x7] =	stream.linear.gather [hbm4b:s24+s3], $0x58, $0x38;
	[tilespmem:$0x1F400] =	vst v63  }
0x120: {  	_ =	swait.ge [sflag:s21], $0x58  }
0x121: {  	[sflag:s21] =	ssyncset.done $0x0  }
0x122: {  	s7 =	simm.s32 $0x300;
	s13 =	simm.s32 $0x5C00;
	[sflag:s21] =	ssyncadd.s32 $0xFFFFFFA8  }
0x123: {  	[spmem:s2] =	stream.indirect.scatter.add.f32 [tilespmem:s13], [sflag:$0xD], $0x80, s7, s9, $0xb8;
	[tilespmem:$0x1F400] =	vst v63  }
0x124: {  	_ =	swait.ge [sflag:s26], $0x2C00  }
0x125: {  	[sflag:s26] =	ssyncset.done $0x0  }
0x126: {  	s25 =	sadd.s32 $0x42, s5;
	[sflag:s26] =	ssyncadd.s32 $0xFFFFD400  }
0x127: {  	[tilespmem:s7], [sflag:$0xB] =	stream.linear.gather [hbm4b:s25+s3], $0x58, $0x38;
	[tilespmem:$0x1F400] =	vst v63  }
0x128: {  	_ =	swait.ge [sflag:s12], $0x58  }
0x129: {  	[sflag:s12] =	ssyncset.done $0x0  }
0x12a: {  	[sflag:s12] =	ssyncadd.s32 $0xFFFFFFA8  }
0x12b: {  	[tilespmem:s13], [sflag:$0x3] =	stream.indirect.gather [hbm4b:s4+s9], $0x80, s1, s9, $0xb8;
	[tilespmem:$0x1F400] =	vst v63  }
0x12c: {  	_ =	swait.ge [sflag:s22], $0x2C00  }
0x12d: {  	s25 =	rddreg [dreg:$0x3];
	[sflag:s22] =	ssyncset.done $0x0  }
0x12e: {  	s1 =	sadd.s32 s6, s25;
	[sflag:s22] =	ssyncadd.s32 $0xFFFFD400  }
0x12f: {  	[tilespmem:s11], [sflag:$0x8] =	stream.linear.gather [hbm4b:s1+s3], $0x58, $0x38;
	[tilespmem:$0x1F400] =	vst v63  }
0x130: {  	_ =	swait.ge [sflag:s23], $0x58  }
0x131: {  	[sflag:s23] =	ssyncset.done $0x0  }
0x132: {  	s24 =	simm.s32 $0x8800;
	s6 =	simm.s32 $0x380;
	[sflag:s23] =	ssyncadd.s32 $0xFFFFFFA8  }
0x133: {  	[spmem:s2] =	stream.indirect.scatter.add.f32 [tilespmem:s24], [sflag:$0xD], $0x80, s6, s9, $0xb8;
	[tilespmem:$0x1F400] =	vst v63  }
0x134: {  	_ =	swait.ge [sflag:s26], $0x2C00  }
0x135: {  	[sflag:s26] =	ssyncset.done $0x0  }
0x136: {  	s5 =	sadd.s32 $0x4D, s5;
	[sflag:s26] =	ssyncadd.s32 $0xFFFFD400  }
0x137: {  	[tilespmem:s6], [sflag:$0xC] =	stream.linear.gather [hbm4b:s5+s3], $0x58, $0x38;
	[tilespmem:$0x1F400] =	vst v63  }
0x138: {  	_ =	swait.ge [sflag:s16], $0x58  }
0x139: {  	[sflag:s16] =	ssyncset.done $0x0  }
0x13a: {  	[sflag:s16] =	ssyncadd.s32 $0xFFFFFFA8  }
0x13b: {  	[tilespmem:s24], [sflag:$0x4] =	stream.indirect.gather [hbm4b:s4+s9], $0x80, s11, s9, $0xb8;
	[tilespmem:$0x1F400] =	vst v63  }
0x13c: {  	_ =	swait.ge [sflag:s18], $0x2C00  }
0x13d: {  	[sflag:s18] =	ssyncset.done $0x0  }
0x13e: {  	[sflag:s18] =	ssyncadd.s32 $0xFFFFD400  }
0x13f: {  	_ =	swait.ge [sflag:s19], $0x58  }
0x140: {  	[sflag:s19] =	ssyncset.done $0x0  }
0x141: {  	[sflag:s19] =	ssyncadd.s32 $0xFFFFFFA8  }
0x142: {  	[spmem:s2] =	stream.indirect.scatter.add.f32 [tilespmem:s29], [sflag:$0xD], $0x80, s30, s9, $0xb8;
	[tilespmem:$0x1F400] =	vst v63  }
0x143: {  	_ =	swait.ge [sflag:s26], $0x2C00  }
0x144: {  	[sflag:s26] =	ssyncset.done $0x0  }
0x145: {  	[sflag:s26] =	ssyncadd.s32 $0xFFFFD400  }
0x146: {  	_ =	swait.ge [sflag:s14], $0x2C00  }
0x147: {  	[sflag:s14] =	ssyncset.done $0x0  }
0x148: {  	[sflag:s14] =	ssyncadd.s32 $0xFFFFD400  }
0x149: {  	_ =	swait.ge [sflag:s15], $0x58  }
0x14a: {  	[sflag:s15] =	ssyncset.done $0x0  }
0x14b: {  	[sflag:s15] =	ssyncadd.s32 $0xFFFFFFA8  }
0x14c: {  	[spmem:s2] =	stream.indirect.scatter.add.f32 [tilespmem:s17], [sflag:$0xD], $0x80, s31, s9, $0xb8;
	[tilespmem:$0x1F400] =	vst v63  }
0x14d: {  	_ =	swait.ge [sflag:s26], $0x2C00  }
0x14e: {  	[sflag:s26] =	ssyncset.done $0x0  }
0x14f: {  	[sflag:s26] =	ssyncadd.s32 $0xFFFFD400  }
0x150: {  	_ =	swait.ge [sflag:s20], $0x2C00  }
0x151: {  	[sflag:s20] =	ssyncset.done $0x0  }
0x152: {  	[sflag:s20] =	ssyncadd.s32 $0xFFFFD400  }
0x153: {  	_ =	swait.ge [sflag:s21], $0x58  }
0x154: {  	[sflag:s21] =	ssyncset.done $0x0  }
0x155: {  	[sflag:s21] =	ssyncadd.s32 $0xFFFFFFA8  }
0x156: {  	[spmem:s2] =	stream.indirect.scatter.add.f32 [tilespmem:s13], [sflag:$0xD], $0x80, s7, s9, $0xb8;
	[tilespmem:$0x1F400] =	vst v63  }
0x157: {  	_ =	swait.ge [sflag:s26], $0x2C00  }
0x158: {  	[sflag:s26] =	ssyncset.done $0x0  }
0x159: {  	[sflag:s26] =	ssyncadd.s32 $0xFFFFD400  }
0x15a: {  	_ =	swait.ge [sflag:s22], $0x2C00  }
0x15b: {  	[sflag:s22] =	ssyncset.done $0x0  }
0x15c: {  	[sflag:s22] =	ssyncadd.s32 $0xFFFFD400  }
0x15d: {  	_ =	swait.ge [sflag:s23], $0x58  }
0x15e: {  	[sflag:s23] =	ssyncset.done $0x0  }
0x15f: {  	[sflag:s23] =	ssyncadd.s32 $0xFFFFFFA8  }
0x160: {  	[spmem:s2] =	stream.indirect.scatter.add.f32 [tilespmem:s24], [sflag:$0xD], $0x80, s6, s9, $0xb8;
	[tilespmem:$0x1F400] =	vst v63  }
0x161: {  	_ =	swait.ge [sflag:s26], $0x2C00  }
0x162: {  	[sflag:s26] =	ssyncset.done $0x0  }
0x163: {  	[sflag:s26] =	ssyncadd.s32 $0xFFFFD400  }
0x164: {  	s25 =	stileid.u32;
	[bflag:$0x0] =	sbarrier.arrive $0xFFFF  }
0x165: {  	s5 =	sshll.u32 s25, $0x6;
	s24 =	rddreg [dreg:$0x7]  }
0x166: {  	s5 =	sor.u32 $0x1C0D, s5;
	s7 =	rddreg [dreg:$0x17];
	s1 =	sshrl.u32 s24, $0x3  }
0x167: {  	[hbm:s7], [sflag:s5] =	dma.local [spmem:s1], $0x2800  }
0x168: {  	_ =	swait.ge [sflag:s26], $0x2800  }
0x169: {  	s13 =	rddreg [dreg:$0x1a]  }
0x16a: {  	s25 =	rddreg [dreg:$0x18];
	s1 =	sadd.s32 $0x1, s13  }
0x16b: {  	p0 =	sne.s32 s1, s25  }
.Ltmp2:
0x16c: {  	_ = 	snop;
	(pc) =	sbr.rel @p0 .LBB2_1-.Ltmp2, $3  }
0x16d: {  	_ =	sdelay $0x1  }
0x16e: {  	[sflag:s26] =	ssyncset.done $0x0  }
0x16f: {  	[sflag:s26] =	ssyncadd.s32 $0xFFFFD800  }
0x170: {  	_ =	sfence.sel $0x180000  }
0x171: {  	[bflag:$0x0] =	sbarrier.arrive $0xFFFF  }
0x172: {  	_ =	strace $0x9000004D  }
0x173: {  	s0 =	stileid.u32;
	[bflag:$0x2] =	sbarrier.arrive $0xFFFF  }
0x174: {  	p0 =	sne.s32 s0, $0x0;
	s0 =	rddreg [dreg:$0x2]  }
0x175: {  	s0 =	sadd.s32 @!p0 $0x100000, s0  }
0x176: {  	[sflag:s0] =	ssyncadd.tile.s32 @!p0 $0x1;
	_ =	shalt  }
.Lfunc_end2:
_tile_overlayer_lowered:
.L_overlay_start_2:
0x177: {  	(tag) =	ssettag $0x2  }
0x178: {  	s0 =	rddreg [dreg:$0x0];
	s2 =	stileid.u32  }
0x179: {  	s1 =	rddreg [dreg:$0x1];
	p0 =	sne.s32 s2, $0x0  }
0x17a: {  	s3 =	rddreg [dreg:$0x2];
	[bflag:$0x3] =	sbarrier.arrive $0xFFFF;
	s2 =	simm.s32 @!p0 $0x1C0D  }
0x17b: {  	[timem:s3], [sflag:s2] =	dma.local @!p0 [hbm:s0], s1  }
0x17c: {  	s0 =	simm.s32 @!p0 $0xD  }
0x17d: {  	_ =	swait.ge @!p0 [sflag:s0], s1  }
0x17e: {  	s1 =	ssub.s32 @!p0 $0x0, s1;
	[sflag:s0] =	ssyncset.done @!p0 $0x0  }
0x17f: {  	[sflag:s0] =	ssyncadd.s32 @!p0 s1  }
0x180: {  	[bflag:$0x3] =	sbarrier.arrive $0xFFFF  }
0x181: {  	_ =	shalt  }

// kernel: kernel.8.cloned.1.call-start
scs
__scs_entry_jumppad:
0x0: {  	(pc) =	sbr.rel $0x88, $3  }
0x1: {  	(tag) =	ssettag $0x0;
	lr =	simm.s32 $0x1  }
0x2: {  	[smem:$0x3F99] =	sst lr;
	_ =	strace $0xD0000000  }
0x3: {  	_ = 	snop  }
0x4: {  	_ = 	snop  }
0x5: {  	_ = 	snop  }
0x6: {  	_ = 	snop  }
0x7: {  	_ = 	snop  }
__scs_overlays_trampoline_lowered:
0x8: {  	[smem:$0x3FA8] =	sst s0  }
0x9: {  	[smem:$0x3FA9] =	sst s1  }
0xa: {  	[smem:$0x3FAA] =	sst s2  }
0xb: {  	[smem:$0x3FAB] =	sst s3  }
0xc: {  	[smem:$0x3FAC] =	sst s4  }
0xd: {  	[smem:$0x3FAD] =	sst s5  }
0xe: {  	[smem:$0x3FAE] =	sst s6  }
0xf: {  	[smem:$0x3FAF] =	sst s7  }
0x10: {  	[smem:$0x3FB0] =	sst s8  }
0x11: {  	[smem:$0x3FB1] =	sst s9;
	s0 =	simm.s32 @!p0 $0x0  }
0x12: {  	s1 =	sld [smem:$0x3F97];
	s0 =	simm.s32 @p0 $0x1  }
0x13: {  	[smem:$0x3FB2] =	sst s0;
	s0 =	simm.s32 @!p1 $0x0  }
0x14: {  	s2 =	sld [smem:$0x3F96];
	s0 =	simm.s32 @p1 $0x1  }
0x15: {  	[smem:$0x3FB3] =	sst s0;
	s0 =	simm.s32 @!p2 $0x0  }
0x16: {  	s3 =	sld [smem:$0x3FDB];
	s0 =	simm.s32 @p2 $0x1  }
0x17: {  	s4 =	simm.s32 $0x1BF5;
	[smem:$0x3FB5] =	sst s0  }
0x18: {  	s0 =	sld [smem:$0x3F98];
	_ =	swait.ge [sflag:s4], $0x0  }
0x19: {  	s7 =	sld [smem:$0x3F99]  }
0x1a: {  	s8 =	sadd.s32 $0xFFFFE003, lr  }
0x1b: {  	s9 =	sadd.s32 $0xFFFFFEF7, lr;
	s5 =	simm.s32 $0xFFFFFFFF;
	p2 =	slt.u32 s8, $0xFFFFF086  }
0x1c: {  	p1 =	slt.u32 s9, $0xF7A;
	s5 =	simm.s32 @!p2 $0x0  }
0x1d: {  	s5 =	simm.s32 @p1 $0x1;
	p0 =	seq.s32 s7, s2  }
0x1e: {  	s7 =	smul.u32 @!p0 $0xF7A, s2;
	p2 =	seq.s32 @!p0 s5, $0x0  }
0x1f: {  	s9 =	smul.u32 $0xF7A, s1;
	s8 =	simm.s32 @!p0 $0x1BF5;
	p2 =	por !p2, p0  }
0x20: {  	[sflag:s8] =	ssyncset.s32 @!p0 $0xFFFFF086;
	s6 =	sadd.s32 @!p0 s3, s7;
	s7 =	simm.s32 @!p0 $0x108  }
0x21: {  	s3 =	sadd.s32 s3, s9;
	s6 =	sadd.s32 @!p0 $0x88, s6;
	s7 =	simm.s32 @p2 $0x1082  }
0x22: {  	[simem:s7], [sflag:s8] =	dma.local @!p0 [hbm:s6], $0xF7A  }
0x23: {  	s9 =	sor.u32 $0xD0000000, s2;
	s6 =	simm.s32 $0x108;
	_ =	swait.ge @!p0 [sflag:s8], $0x0  }
0x24: {  	s3 =	sadd.s32 $0x88, s3;
	s6 =	simm.s32 @!p1 $0x1082;
	[sflag:s4] =	ssyncset.s32 $0xFFFFF086  }
0x25: {  	[simem:s6], [sflag:s4] =	dma.local [hbm:s3], $0xF7A  }
0x26: {  	[smem:$0x3F99] =	sst s1;
	(tag) =	ssettag s2;
	_ =	strace s9  }
0x27: {  	s1 =	sld [smem:$0x3FA9]  }
0x28: {  	s2 =	sld [smem:$0x3FAA]  }
0x29: {  	s4 =	sld [smem:$0x3FAC]  }
0x2a: {  	p0 =	seq.s32 s5, $0x0;
	s5 =	sld [smem:$0x3FAD]  }
0x2b: {  	s6 =	sld [smem:$0x3FAE]  }
0x2c: {  	s7 =	sld [smem:$0x3FAF]  }
0x2d: {  	s3 =	simm.s32 $0x108;
	s8 =	sld [smem:$0x3FB0]  }
0x2e: {  	s3 =	simm.s32 @!p0 $0x1082;
	s9 =	sld [smem:$0x3FB1]  }
0x2f: {  	lr =	sadd.s32 s0, s3;
	s0 =	sld [smem:$0x3FA8]  }
0x30: {  	s3 =	sld [smem:$0x3FAB]  }
0x31: {  	[smem:$0x3FB4] =	sst s10  }
0x32: {  	s10 =	sld [smem:$0x3FB2];
	_ =	sdelay $0x3  }
0x33: {  	p0 =	seq.s32 s10, $0x1;
	s10 =	sld [smem:$0x3FB4];
	_ =	sdelay $0x3  }
0x34: {  	[smem:$0x3FB4] =	sst s10  }
0x35: {  	s10 =	sld [smem:$0x3FB3];
	_ =	sdelay $0x3  }
0x36: {  	p1 =	seq.s32 s10, $0x1;
	s10 =	sld [smem:$0x3FB4];
	_ =	sdelay $0x3  }
0x37: {  	[smem:$0x3FB4] =	sst s10  }
0x38: {  	s10 =	sld [smem:$0x3FB5]  }
0x39: {  	_ = 	snop;
	(pc) =	sbr.ind lr, $3  }
0x3a: {  	_ = 	snop  }
0x3b: {  	_ = 	snop  }
0x3c: {  	p2 =	seq.s32 s10, $0x1;
	s10 =	sld [smem:$0x3FB4]  }
0x3d: {  	_ =	shalt  }
0x3e: {  	_ =	shalt  }
0x3f: {  	_ =	shalt  }
0x40: {  	_ =	shalt  }
0x41: {  	_ =	shalt  }
0x42: {  	_ =	shalt  }
0x43: {  	_ =	shalt  }
0x44: {  	_ =	shalt  }
0x45: {  	_ =	shalt  }
0x46: {  	_ =	shalt  }
0x47: {  	_ =	shalt  }
0x48: {  	_ =	shalt  }
0x49: {  	_ =	shalt  }
0x4a: {  	_ =	shalt  }
0x4b: {  	_ =	shalt  }
0x4c: {  	_ =	shalt  }
0x4d: {  	_ =	shalt  }
0x4e: {  	_ =	shalt  }
0x4f: {  	_ =	shalt  }
0x50: {  	_ =	shalt  }
0x51: {  	_ =	shalt  }
0x52: {  	_ =	shalt  }
0x53: {  	_ =	shalt  }
0x54: {  	_ =	shalt  }
0x55: {  	_ =	shalt  }
0x56: {  	_ =	shalt  }
0x57: {  	_ =	shalt  }
0x58: {  	_ =	shalt  }
0x59: {  	_ =	shalt  }
0x5a: {  	_ =	shalt  }
0x5b: {  	_ =	shalt  }
0x5c: {  	_ =	shalt  }
0x5d: {  	_ =	shalt  }
0x5e: {  	_ =	shalt  }
0x5f: {  	_ =	shalt  }
0x60: {  	_ =	shalt  }
0x61: {  	_ =	shalt  }
0x62: {  	_ =	shalt  }
0x63: {  	_ =	shalt  }
0x64: {  	_ =	shalt  }
0x65: {  	_ =	shalt  }
0x66: {  	_ =	shalt  }
0x67: {  	_ =	shalt  }
0x68: {  	_ =	shalt  }
0x69: {  	_ =	shalt  }
0x6a: {  	_ =	shalt  }
0x6b: {  	_ =	shalt  }
0x6c: {  	_ =	shalt  }
0x6d: {  	_ =	shalt  }
0x6e: {  	_ =	shalt  }
0x6f: {  	_ =	shalt  }
0x70: {  	_ =	shalt  }
0x71: {  	_ =	shalt  }
0x72: {  	_ =	shalt  }
0x73: {  	_ =	shalt  }
0x74: {  	_ =	shalt  }
0x75: {  	_ =	shalt  }
0x76: {  	_ =	shalt  }
0x77: {  	_ =	shalt  }
0x78: {  	_ =	shalt  }
0x79: {  	_ =	shalt  }
0x7a: {  	_ =	shalt  }
0x7b: {  	_ =	shalt  }
0x7c: {  	_ =	shalt  }
0x7d: {  	_ =	shalt  }
0x7e: {  	_ =	shalt  }
0x7f: {  	_ =	shalt  }
0x80: {  	_ =	shalt  }
0x81: {  	_ =	shalt  }
0x82: {  	_ =	shalt  }
0x83: {  	_ =	shalt  }
0x84: {  	_ =	shalt  }
0x85: {  	_ =	shalt  }
0x86: {  	_ =	shalt  }
0x87: {  	_ =	shalt  }
.Lfunc_end0:
.L_simem_size_0:
called_computation_lowered:
.L_overlay_start_0:
0x88: {  	s2 =	sld [smem:$0x3FD9]  }
0x89: {  	s3 =	sld [smem:$0x3FFE];
	_ =	sdelay $0x1  }
0x8a: {  	s1 =	srdreg.scid  }
0x8b: {  	s0 =	sand.u32 $0x1, s1  }
0x8c: {  	s16 =	sshll.u32 s0, $0xA;
	s2 =	sadd.s32 s3, s2  }
0x8d: {  	s2 =	sadd.s32 s2, s16  }
0x8e: {  	[smem:$0x3FC0] =	sst s2  }
0x8f: {  	_ = 	snop  }
0x90: {  	(tm) =	ssettm $0x1  }
0x91: {  	s17 =	sld [smem:$0x3FFB];
	_ =	sdelay $0x3  }
0x92: {  	_ =	strace s17  }
0x93: {  	s2 =	sld [smem:$0x3FFC];
	_ =	sdelay $0x3  }
0x94: {  	_ =	strace s2  }
0x95: {  	s2 =	sld [smem:$0x3FFD];
	_ =	sdelay $0x3  }
0x96: {  	_ =	strace s2  }
0x97: {  	_ =	strace $0x8FFFFFFF  }
0x98: {  	s18 =	sld [smem:$0x3FDB];
	_ =	sdelay $0x1  }
0x99: {  	s19 =	simm.s32 $_scs_section_size  }
0x9a: {  	s4 =	simm.s32 $_size__tile_overlayer_lowered;
	s5 =	simm.s32 $_tile_overlayer_lowered  }
0x9b: {  	s22 =	simm.s32 $0x1BFF;
	s21 =	sshll.u32 s5, $0x1;
	s2 =	sadd.s32 s19, s18  }
0x9c: {  	s6 =	simm.s32 $0x0;
	s20 =	sshll.u32 s4, $0x1;
	s4 =	sadd.s32 s21, s2  }
0x9d: {  	[timem:s6], [sflag:s22] =	dma.local [hbm:s4], s20  }
0x9e: {  	_ =	swait.ge [sflag:s22], s20  }
0x9f: {  	s3 =	ssub.s32 $0x0, s20;
	[sflag:s22] =	ssyncset.done $0x0  }
0xa0: {  	[sflag:s22] =	ssyncadd.s32 s3;
	_ =	sdelay $0x1  }
0xa1: {  	s23 =	simm.s32 $0x1B8B  }
0xa2: {  	_ =	swait.ge [sflag:s23], $0x1  }
0xa3: {  	[sflag:s23] =	ssyncset.done $0x0  }
0xa4: {  	s25 =	simm.s32 $0x1B8E;
	s24 =	sld [smem:$0x3FFE];
	[sflag:s23] =	ssyncadd.s32 $0xFFFFFFFF  }
0xa5: {  	s26 =	simm.s32 $execute0_lowered;
	[smem:$0x3FD2] =	sst s25  }
0xa6: {  	s4 =	sshll.u32 s26, $0x1;
	_ =	strace $0x80000046;
	[dreg:$0x1] =	wrdreg $0xFFFFFFFF  }
0xa7: {  	s28 =	simm.s32 $_size_execute0_lowered;
	s2 =	sadd.s32 s2, s4;
	[dreg:$0x0] =	wrdreg $0x0  }
0xa8: {  	s4 =	sshll.u32 s28, $0x1;
	[dreg:$0x2] =	wrdreg s2  }
0xa9: {  	[dreg:$0x3] =	wrdreg s4  }
0xaa: {  	[dreg:$0x4] =	wrdreg $0xC0  }
0xab: {  	_ =	task [dreg:s6], $0x5FFFF  }
0xac: {  	[dreg:$0x1] =	wrdreg $0xFFFFFFFF  }
0xad: {  	[dreg:$0x0] =	wrdreg $0x60  }
0xae: {  	[dreg:$0x2] =	wrdreg s24  }
0xaf: {  	[dreg:$0x3] =	wrdreg $0x59000  }
0xb0: {  	[dreg:$0x4] =	wrdreg $0x9  }
0xb1: {  	_ =	task.clear_ibuf [dreg:s6], $0x5FFFF;
	_ =	strace $0x90000046  }
0xb2: {  	s29 =	simm.s32 $0x9;
	_ =	strace $0x80000048  }
0xb3: {  	_ =	swait.ge [sflag:s29], $0x1  }
0xb4: {  	[sflag:s29] =	ssyncadd.s32 $0xFFFFFFFF  }
0xb5: {  	_ =	strace $0x90000048  }
0xb6: {  	_ =	sfence  }
0xb7: {  	s30 =	sld [smem:$0x0];
	_ =	sdelay $0x2  }
0xb8: {  	s31 =	sshll.u32 s1, $0xD;
	s1 =	sshrl.u32 s1, $0x2  }
0xb9: {  	s3 =	sand.u32 $0x4000, s31;
	s1 =	sadd.s32 s1, s30  }
0xba: {  	s0 =	sor.u32 s3, s0;
	s1 =	sshll.u32 s1, $0x11  }
0xbb: {  	s0 =	sor.u32 s1, s0  }
0xbc: {  	s0 =	sadd.s32 $0x8F2B, s0  }
0xbd: {  	[sflag:s0] =	ssyncadd.remote.s32 $0x1  }
0xbe: {  	_ =	sfence.sel $0xFFFF  }
0xbf: {  	[dreg:$0x0] =	wrdreg $0xFFFFFFFF;
	(pc) =	sbr.abs _section_cstart, $3  }
0xc0: {  	[dreg:$0x1] =	wrdreg $0xFFFFFFFF  }
0xc1: {  	_ =	task.clear_ibuf [dreg:s6], $0x2FFFF;
	_ =	strace $0x9FFFFFFF  }
0xc2: {  	(tm) =	ssettm $0x7FFFFFFF  }
0xc3: {  	_ =	shalt  }
tec
execute0_lowered:
.L_overlay_start_1:
0x0: {  	(tag) =	ssettag $0x1  }
0x1: {  	s5 =	rddreg [dreg:$0x0];
	s1 =	srdreg.scid  }
0x2: {  	s0 =	stileid.u32;
	s2 =	rddreg [dreg:$0x1]  }
0x3: {  	s3 =	simm.s32 $0x0;
	s20 =	simm.s32 $0x3;
	s21 =	simm.s32 $0x80  }
0x4: {  	s22 =	simm.s32 $0x1;
	s23 =	simm.s32 $0x58;
	s4 =	smul.u32 $0x2800, s0  }
0x5: {  	s24 =	simm.s32 $0x100;
	s25 =	simm.s32 $0x2;
	s8 =	smul.u32 $0x50000, s0  }
0x6: {  	s6 =	sand.u32 $0x1, s1;
	s1 =	rddreg [dreg:$0x2];
	s12 =	smul.u32 $0x4E60, s0  }
0x7: {  	s26 =	simm.s32 $0x0;
	[smem:$0x7FF] =	sst s3;
	s7 =	smul.u32 $0x28000, s6  }
0x8: {  	_ =	strace $0x80000047;
	s29 =	ssub.s32 $0x2, s6;
	s11 =	smul.u32 $0x4E600, s6  }
0x9: {  	s30 =	sshrl.u32 s29, $0x1;
	s8 =	sshrl.u32 s8, $0x2;
	s7 =	sadd.s32 s4, s7  }
0xa: {  	s4 =	sadd.s32 $0x2000, s5;
	s16 =	ssub.s32 s29, s30;
	s18 =	sadd.s32 s12, s11  }
0xb: {  	s15 =	sadd.s32 s7, s5;
	s5 =	sadd.s32 s8, s2;
	s13 =	sadd.s32 $0x58, s18  }
0xc: {  	s14 =	sshrl.u32 s18, $0x3;
	s19 =	sadd.s32 $0x108, s18;
	s16 =	smax.u32 s16, $0x1  }
0xd: {  	s18 =	sadd.s32 $0xB0, s18;
	s6 =	sadd.s32 $0x2C00, s5;
	s7 =	sadd.s32 $0x5800, s5  }
0xe: {  	s8 =	sadd.s32 $0x8400, s5;
	s9 =	sadd.s32 $0xB000, s5;
	s10 =	sadd.s32 $0xDC00, s5  }
0xf: {  	s11 =	sadd.s32 $0x10800, s5;
	s12 =	sadd.s32 $0x13400, s5;
	s17 =	sshrl.u32 s13, $0x3  }
0x10: {  	s13 =	sadd.s32 s4, s14;
	s31 =	sshrl.u32 s19, $0x3;
	s15 =	sadd.s32 $0x29400, s15  }
0x11: {  	v0 =	vimm.f32 $1.000000000e+00;
	v1 =	vimm.f32 $0.0e+00;
	s19 =	simm.s32 $0x2D00;
	s14 =	sadd.s32 s4, s17;
	s17 =	sadd.s32 s31, s4  }
.LBB2_1:
0x12: {  	s28 =	simm.s32 $0x0;
	s29 =	simm.s32 $0x200  }
.LBB2_2:
0x13: {  	p0 =	sne.s32 s29, $0xAE00;
	[tilespmem:s28+$0x2D70] =	vst v1  }
0x14: {  	[tilespmem:s28+$0x100] =	vst v0  }
0x15: {  	[tilespmem:s28+$0x2D00] =	vst v1  }
0x16: {  	[tilespmem:s28+$0x110] =	vst v0  }
0x17: {  	[tilespmem:s28+$0x2D10] =	vst v1  }
0x18: {  	[tilespmem:s28+$0x120] =	vst v0  }
0x19: {  	[tilespmem:s28+$0x2D20] =	vst v1  }
0x1a: {  	[tilespmem:s28+$0x130] =	vst v0  }
0x1b: {  	[tilespmem:s28+$0x2D30] =	vst v1  }
0x1c: {  	[tilespmem:s28+$0x140] =	vst v0  }
0x1d: {  	[tilespmem:s28+$0x2D40] =	vst v1  }
.Ltmp0:
0x1e: {  	[tilespmem:s28+$0x150] =	vst v0;
	(pc) =	sbr.rel @p0 .LBB2_2-.Ltmp0, $4  }
0x1f: {  	[tilespmem:s28+$0x2D50] =	vst v1  }
0x20: {  	[tilespmem:s28+$0x160] =	vst v0  }
0x21: {  	[tilespmem:s28+$0x2D60] =	vst v1  }
0x22: {  	[tilespmem:s28+$0x170] =	vst v0;
	s28 =	sshra.s32 s29, $0x2;
	s29 =	sadd.s32 $0x200, s29  }
0x23: {  	[tilespmem:s28+$0x2D70] =	vst v1  }
0x24: {  	[tilespmem:s28+$0x100] =	vst v0  }
0x25: {  	[tilespmem:s28+$0x2D00] =	vst v1  }
0x26: {  	[tilespmem:s28+$0x110] =	vst v0  }
0x27: {  	[tilespmem:s28+$0x2D10] =	vst v1  }
0x28: {  	[tilespmem:s28+$0x120] =	vst v0  }
0x29: {  	[tilespmem:s28+$0x2D20] =	vst v1  }
0x2a: {  	[tilespmem:s28+$0x130] =	vst v0  }
0x2b: {  	[tilespmem:s28+$0x2D30] =	vst v1  }
0x2c: {  	[tilespmem:s28+$0x140] =	vst v0  }
0x2d: {  	[tilespmem:s28+$0x2D40] =	vst v1  }
0x2e: {  	[tilespmem:s28+$0x150] =	vst v0  }
0x2f: {  	[tilespmem:s28+$0x2D50] =	vst v1  }
0x30: {  	[tilespmem:s28+$0x160] =	vst v0  }
0x31: {  	[tilespmem:s28+$0x2D60] =	vst v1  }
0x32: {  	[tilespmem:s28+$0x170] =	vst v0  }
0x33: {  	[spmem:s5] =	stream.linear.scatter [tilespmem:s19], [sflag:$0x3], $0x2C00, $0x38;
	[tilespmem:$0x19900] =	vst v63  }
0x34: {  	_ =	swait.ge [sflag:s20], $0x2C00  }
0x35: {  	[sflag:s20] =	ssyncset.done $0x0  }
0x36: {  	[sflag:s20] =	ssyncadd.s32 $0xFFFFD400  }
0x37: {  	[spmem:s6] =	stream.linear.scatter [tilespmem:s19], [sflag:$0x3], $0x2C00, $0x38;
	[tilespmem:$0x19900] =	vst v63  }
0x38: {  	_ =	swait.ge [sflag:s20], $0x2C00  }
0x39: {  	[sflag:s20] =	ssyncset.done $0x0  }
0x3a: {  	[sflag:s20] =	ssyncadd.s32 $0xFFFFD400  }
0x3b: {  	[spmem:s7] =	stream.linear.scatter [tilespmem:s19], [sflag:$0x3], $0x2C00, $0x38;
	[tilespmem:$0x19900] =	vst v63  }
0x3c: {  	_ =	swait.ge [sflag:s20], $0x2C00  }
0x3d: {  	[sflag:s20] =	ssyncset.done $0x0  }
0x3e: {  	[sflag:s20] =	ssyncadd.s32 $0xFFFFD400  }
0x3f: {  	[spmem:s8] =	stream.linear.scatter [tilespmem:s19], [sflag:$0x3], $0x2C00, $0x38;
	[tilespmem:$0x19900] =	vst v63  }
0x40: {  	_ =	swait.ge [sflag:s20], $0x2C00  }
0x41: {  	[sflag:s20] =	ssyncset.done $0x0  }
0x42: {  	[sflag:s20] =	ssyncadd.s32 $0xFFFFD400  }
0x43: {  	[spmem:s9] =	stream.linear.scatter [tilespmem:s19], [sflag:$0x3], $0x2C00, $0x38;
	[tilespmem:$0x19900] =	vst v63  }
0x44: {  	_ =	swait.ge [sflag:s20], $0x2C00  }
0x45: {  	[sflag:s20] =	ssyncset.done $0x0  }
0x46: {  	[sflag:s20] =	ssyncadd.s32 $0xFFFFD400  }
0x47: {  	[spmem:s10] =	stream.linear.scatter [tilespmem:s19], [sflag:$0x3], $0x2C00, $0x38;
	[tilespmem:$0x19900] =	vst v63  }
0x48: {  	_ =	swait.ge [sflag:s20], $0x2C00  }
0x49: {  	[sflag:s20] =	ssyncset.done $0x0  }
0x4a: {  	[sflag:s20] =	ssyncadd.s32 $0xFFFFD400  }
0x4b: {  	[spmem:s11] =	stream.linear.scatter [tilespmem:s19], [sflag:$0x3], $0x2C00, $0x38;
	[tilespmem:$0x19900] =	vst v63  }
0x4c: {  	_ =	swait.ge [sflag:s20], $0x2C00  }
0x4d: {  	[sflag:s20] =	ssyncset.done $0x0  }
0x4e: {  	[sflag:s20] =	ssyncadd.s32 $0xFFFFD400  }
0x4f: {  	[spmem:s12] =	stream.linear.scatter [tilespmem:s19], [sflag:$0x3], $0xC00, $0x38;
	[tilespmem:$0x19900] =	vst v63  }
0x50: {  	_ =	swait.ge [sflag:s20], $0xC00  }
0x51: {  	[sflag:s20] =	ssyncset.done $0x0  }
0x52: {  	[sflag:s20] =	ssyncadd.s32 $0xFFFFF400  }
0x53: {  	s28 =	simm.s32 $0x0;
	[bflag:$0x0] =	sbarrier.arrive $0xFFFF  }
0x54: {  	[tilespmem:s28], [sflag:$0x1] =	stream.linear.gather [hbm4b:s13+s28], $0x58, $0x38;
	[tilespmem:$0x19900] =	vst v63  }
0x55: {  	_ = 	snop  }
0x56: {  	[tilespmem:s21], [sflag:$0x2] =	stream.linear.gather [hbm4b:s14+s28], $0x58, $0x38;
	[tilespmem:$0x19900] =	vst v63  }
0x57: {  	_ =	swait.ge [sflag:s22], $0x58  }
0x58: {  	[sflag:s22] =	ssyncset.done $0x0  }
0x59: {  	[sflag:s22] =	ssyncadd.s32 $0xFFFFFFA8  }
0x5a: {  	[spmem:s2] =	stream.indirect.scatter.add.f32 [tilespmem:s24], [sflag:$0x3], $0x80, s3, s23, $0xb8;
	[tilespmem:$0x19900] =	vst v63  }
0x5b: {  	_ =	swait.ge [sflag:s20], $0x2C00  }
0x5c: {  	s28 =	sshrl.u32 s18, $0x3;
	[sflag:s20] =	ssyncset.done $0x0  }
0x5d: {  	s28 =	sadd.s32 s4, s28;
	[sflag:s20] =	ssyncadd.s32 $0xFFFFD400  }
0x5e: {  	[tilespmem:s3], [sflag:$0x1] =	stream.linear.gather [hbm4b:s28+s3], $0x58, $0x38;
	[tilespmem:$0x19900] =	vst v63  }
0x5f: {  	_ =	swait.ge [sflag:s25], $0x58  }
0x60: {  	[sflag:s25] =	ssyncset.done $0x0  }
0x61: {  	[sflag:s25] =	ssyncadd.s32 $0xFFFFFFA8  }
0x62: {  	[spmem:s2] =	stream.indirect.scatter.add.f32 [tilespmem:s24], [sflag:$0x3], $0x80, s21, s23, $0xb8;
	[tilespmem:$0x19900] =	vst v63  }
0x63: {  	_ =	swait.ge [sflag:s20], $0x2C00  }
0x64: {  	s30 =	sadd.s32 $0x0, s17;
	[sflag:s20] =	ssyncset.done $0x0  }
0x65: {  	s29 =	sadd.s32 $0xB0, s18;
	s28 =	simm.s32 $0x16;
	[sflag:s20] =	ssyncadd.s32 $0xFFFFD400  }
.LBB2_4:
0x66: {  	[tilespmem:s21], [sflag:$0x2] =	stream.linear.gather [hbm4b:s30+s3], $0x58, $0x38;
	[tilespmem:$0x19900] =	vst v63  }
0x67: {  	s30 =	smov.u32 s28  }
0x68: {  	p0 =	sne.s32 s28, $0x9A0;
	s28 =	sadd.s32 $0x16, s28;
	_ =	swait.ge [sflag:s22], $0x58  }
0x69: {  	[sflag:s22] =	ssyncset.done $0x0  }
0x6a: {  	[sflag:s22] =	ssyncadd.s32 $0xFFFFFFA8  }
0x6b: {  	[spmem:s2] =	stream.indirect.scatter.add.f32 [tilespmem:s24], [sflag:$0x3], $0x80, s3, s23, $0xb8;
	[tilespmem:$0x19900] =	vst v63  }
0x6c: {  	_ =	swait.ge [sflag:s20], $0x2C00  }
0x6d: {  	s31 =	sshrl.u32 s29, $0x3;
	[sflag:s20] =	ssyncset.done $0x0  }
0x6e: {  	s31 =	sadd.s32 s4, s31;
	[sflag:s20] =	ssyncadd.s32 $0xFFFFD400  }
0x6f: {  	[tilespmem:s3], [sflag:$0x1] =	stream.linear.gather [hbm4b:s31+s3], $0x58, $0x38;
	[tilespmem:$0x19900] =	vst v63  }
0x70: {  	_ =	swait.ge [sflag:s25], $0x58  }
0x71: {  	[sflag:s25] =	ssyncset.done $0x0  }
.Ltmp1:
0x72: {  	[sflag:s25] =	ssyncadd.s32 $0xFFFFFFA8;
	(pc) =	sbr.rel @p0 .LBB2_4-.Ltmp1, $4  }
0x73: {  	[spmem:s2] =	stream.indirect.scatter.add.f32 [tilespmem:s24], [sflag:$0x3], $0x80, s21, s23, $0xb8;
	[tilespmem:$0x19900] =	vst v63  }
0x74: {  	_ =	swait.ge [sflag:s20], $0x2C00  }
0x75: {  	[sflag:s20] =	ssyncset.done $0x0  }
0x76: {  	s29 =	sadd.s32 $0xB0, s29;
	s30 =	sadd.s32 s30, s17;
	[sflag:s20] =	ssyncadd.s32 $0xFFFFD400  }
0x77: {  	[tilespmem:s21], [sflag:$0x2] =	stream.linear.gather [hbm4b:s30+s3], $0x58, $0x38;
	[tilespmem:$0x19900] =	vst v63  }
0x78: {  	_ =	swait.ge [sflag:s22], $0x58  }
0x79: {  	[sflag:s22] =	ssyncset.done $0x0  }
0x7a: {  	[sflag:s22] =	ssyncadd.s32 $0xFFFFFFA8  }
0x7b: {  	[spmem:s2] =	stream.indirect.scatter.add.f32 [tilespmem:s24], [sflag:$0x3], $0x80, s3, s23, $0xb8;
	[tilespmem:$0x19900] =	vst v63  }
0x7c: {  	_ =	swait.ge [sflag:s20], $0x2C00  }
0x7d: {  	[sflag:s20] =	ssyncset.done $0x0  }
0x7e: {  	[sflag:s20] =	ssyncadd.s32 $0xFFFFD400  }
0x7f: {  	_ =	swait.ge [sflag:s25], $0x58  }
0x80: {  	[sflag:s25] =	ssyncset.done $0x0  }
0x81: {  	[sflag:s25] =	ssyncadd.s32 $0xFFFFFFA8  }
0x82: {  	[spmem:s2] =	stream.indirect.scatter.add.f32 [tilespmem:s24], [sflag:$0x3], $0x80, s21, s23, $0xb8;
	[tilespmem:$0x19900] =	vst v63  }
0x83: {  	_ =	swait.ge [sflag:s20], $0x2C00  }
0x84: {  	s28 =	sshll.u32 s0, $0x6;
	s26 =	sadd.s32 $0x1, s26;
	[sflag:s20] =	ssyncset.done $0x0  }
0x85: {  	s29 =	sshrl.u32 s5, $0x3;
	p0 =	sne.s32 s26, s16;
	[sflag:s20] =	ssyncadd.s32 $0xFFFFD400  }
.Ltmp2:
0x86: {  	s28 =	sor.u32 $0x1C03, s28;
	[bflag:$0x0] =	sbarrier.arrive $0xFFFF;
	(pc) =	sbr.rel @p0 .LBB2_1-.Ltmp2, $4  }
0x87: {  	[hbm:s15], [sflag:s28] =	dma.local [spmem:s29], $0x2800  }
0x88: {  	_ =	swait.ge [sflag:s20], $0x2800  }
0x89: {  	[sflag:s20] =	ssyncset.done $0x0  }
0x8a: {  	[sflag:s20] =	ssyncadd.s32 $0xFFFFD800  }
0x8b: {  	_ =	sfence.sel $0x180000  }
0x8c: {  	[bflag:$0x0] =	sbarrier.arrive $0xFFFF  }
0x8d: {  	p0 =	sne.s32 s0, $0x0;
	_ =	strace $0x90000047  }
0x8e: {  	s0 =	sadd.s32 @!p0 $0x100000, s1;
	[bflag:$0x2] =	sbarrier.arrive $0xFFFF  }
0x8f: {  	[sflag:s0] =	ssyncadd.tile.s32 @!p0 $0x1;
	_ =	shalt  }
.Lfunc_end2:
_tile_overlayer_lowered:
.L_overlay_start_2:
0x90: {  	(tag) =	ssettag $0x2  }
0x91: {  	s0 =	rddreg [dreg:$0x0];
	s2 =	stileid.u32  }
0x92: {  	s1 =	rddreg [dreg:$0x1];
	p0 =	sne.s32 s2, $0x0  }
0x93: {  	s3 =	rddreg [dreg:$0x2];
	[bflag:$0x3] =	sbarrier.arrive $0xFFFF;
	s2 =	simm.s32 @!p0 $0x1C03  }
0x94: {  	[timem:s3], [sflag:s2] =	dma.local @!p0 [hbm:s0], s1  }
0x95: {  	s0 =	simm.s32 @!p0 $0x3  }
0x96: {  	_ =	swait.ge @!p0 [sflag:s0], s1  }
0x97: {  	s1 =	ssub.s32 @!p0 $0x0, s1;
	[sflag:s0] =	ssyncset.done @!p0 $0x0  }
0x98: {  	[sflag:s0] =	ssyncadd.s32 @!p0 s1  }
0x99: {  	[bflag:$0x3] =	sbarrier.arrive $0xFFFF  }
0x9a: {  	_ =	shalt  }

</sc_bundles>
